<compile_context>
chip_gen: v7x
topology: tpu7x:2x2x1
jax: 0.10.2.dev20260603
libtpu: 0.0.44.dev20260713+nightly
codegen_flags: <defaults>
</compile_context>

<pallas_src>
import functools

import jax
import jax.numpy as jnp
from jax import lax
from jax.experimental import pallas as pl
from jax.experimental.pallas import tpu as pltpu
from jax.experimental.pallas import tpu_sc as plsc

NC = 2
NS = 16
LANES = 16
HALF = 64


def _tables_body(x_ref, wd_ref, bd_ref, ws_ref, d_ref, s_ref):
    xb = x_ref[...]
    d_ref[...] = (
        jnp.dot(xb, wd_ref[0], preferred_element_type=jnp.float32) + bd_ref[0]
    )[None]
    s_ref[...] = jnp.dot(xb, ws_ref[0], preferred_element_type=jnp.float32)[None]


def _make_tables(x, w_d, b_d, w_s):
    n, c = x.shape
    co = w_d.shape[2]
    br = 1000
    grid = (n // br, NC)
    return pl.pallas_call(
        _tables_body,
        grid=grid,
        in_specs=[
            pl.BlockSpec((br, c), lambda i, j: (i, 0)),
            pl.BlockSpec((1, c, co), lambda i, j: (j, 0, 0)),
            pl.BlockSpec((1, 1, co), lambda i, j: (j, 0, 0)),
            pl.BlockSpec((1, c, co), lambda i, j: (j, 0, 0)),
        ],
        out_specs=[
            pl.BlockSpec((1, br, co), lambda i, j: (j, i, 0)),
            pl.BlockSpec((1, br, co), lambda i, j: (j, i, 0)),
        ],
        out_shape=[
            jax.ShapeDtypeStruct((NC, n, co), jnp.float32),
            jax.ShapeDtypeStruct((NC, n, co), jnp.float32),
        ],
    )(x, w_d, b_d, w_s)


def _softplus16(b):
    s = jnp.exp(-jnp.abs(b))
    w = s / (s + 2.0)
    w2 = w * w
    ln1p = 2.0 * w * (1.0 + w2 * (1.0 / 3.0 + w2 * 0.2))
    return jnp.maximum(b, 0.0) + ln1p


def _edge_body(ept, k, nhalf, rows_per_tile,
               d_hbm, s_hbm, dst_hbm, src_hbm, zero_hbm, out_hbm,
               dst_v, src_v, adjlo_v, adjhi_v, d_rows, s_rows,
               m_lo, m_hi, agg_sh,
               sem_gd0, sem_gd1, sem_gs0, sem_gs1,
               sem_lo0, sem_lo1, sem_hi0, sem_hi1, sem_ix0, sem_ix1):
    cid = lax.axis_index("c")
    sid = lax.axis_index("s")

    @pl.when(sid < nhalf // rows_per_tile)
    def _():
        pltpu.sync_copy(
            zero_hbm.at[pl.ds(sid * rows_per_tile, rows_per_tile)],
            agg_sh.at[pl.ds(sid * rows_per_tile, rows_per_tile)],
        )

    @pl.when(sid == nhalf // rows_per_tile)
    def _():
        pltpu.sync_copy(zero_hbm.at[pl.ds(0, 8)], agg_sh.at[pl.ds(nhalf, 8)])

    zero16 = jnp.zeros((LANES,), jnp.float32)

    def zrow(e, c2):
        for b in range(2):
            for g in range(HALF // LANES):
                lo = g * LANES
                m_lo[b, e, pl.ds(HALF + lo, LANES)] = zero16
                m_hi[b, e, pl.ds(lo, LANES)] = zero16
        return c2

    lax.fori_loop(0, k, zrow, 0)
    plsc.subcore_barrier()

    nchunks = ept // k
    sem_gd = [sem_gd0, sem_gd1]
    sem_gs = [sem_gs0, sem_gs1]
    sem_lo = [sem_lo0, sem_lo1]
    sem_hi = [sem_hi0, sem_hi1]
    sem_ix = [sem_ix0, sem_ix1]
    drain_src = zero_hbm.at[pl.ds(0, k)]
    drain_isrc = dst_hbm.at[pl.ds(0, k)]

    def idx_load(j, slot):
        base = sid * ept + j * k
        pltpu.async_copy(dst_hbm.at[pl.ds(base, k)], dst_v.at[slot],
                         sem_ix[slot])
        pltpu.async_copy(src_hbm.at[pl.ds(base, k)], src_v.at[slot],
                         sem_ix[slot])

    def gather_issue(slot):
        pltpu.make_async_copy(drain_isrc, dst_v.at[slot], sem_ix[slot]).wait()
        pltpu.make_async_copy(drain_isrc, src_v.at[slot], sem_ix[slot]).wait()
        pltpu.async_copy(d_hbm.at[cid].at[dst_v.at[slot]], d_rows.at[slot],
                         sem_gd[slot])
        pltpu.async_copy(s_hbm.at[cid].at[src_v.at[slot]], s_rows.at[slot],
                         sem_gs[slot])

    idx_load(0, 0)
    gather_issue(0)
    idx_load(1, 1)

    @pl.loop(0, nchunks, step=2)
    def _(i):
        for b in range(2):
            cur = i + b
            nb = (b + 1) % 2

            @pl.when(cur + 1 < nchunks)
            def _():
                gather_issue(nb)

            @pl.when(cur >= 2)
            def _():
                pltpu.make_async_copy(drain_src, m_lo.at[b], sem_lo[b]).wait()
                pltpu.make_async_copy(drain_src, m_hi.at[b], sem_hi[b]).wait()

            def adj(j, c2):
                sl = pl.ds(j * LANES, LANES)
                dv = dst_v[b, sl]
                hi = dv >= nhalf
                adjlo_v[b, sl] = jnp.where(hi, nhalf, dv)
                adjhi_v[b, sl] = jnp.where(hi, dv - nhalf, nhalf)
                return c2

            lax.fori_loop(0, k // LANES, adj, 0)
            pltpu.make_async_copy(drain_src, d_rows.at[b], sem_gd[b]).wait()
            pltpu.make_async_copy(drain_src, s_rows.at[b], sem_gs[b]).wait()

            @pl.when(cur + 2 < nchunks)
            def _():
                idx_load(cur + 2, b)

            @plsc.parallel_loop(0, k, unroll=2)
            def _(e):
                for g in range(HALF // LANES):
                    lo = g * LANES
                    a = (d_rows[b, e, pl.ds(lo, LANES)]
                         + s_rows[b, e, pl.ds(lo, LANES)])
                    bb = (d_rows[b, e, pl.ds(HALF + lo, LANES)]
                          + s_rows[b, e, pl.ds(HALF + lo, LANES)])
                    sig = 1.0 / (1.0 + jnp.exp(-a))
                    v = sig * _softplus16(bb)
                    m_lo[b, e, pl.ds(lo, LANES)] = v
                    m_hi[b, e, pl.ds(HALF + lo, LANES)] = v

            pltpu.async_copy(m_lo.at[b], agg_sh.at[adjlo_v.at[b]],
                             sem_lo[b], add=True)
            pltpu.async_copy(m_hi.at[b], agg_sh.at[adjhi_v.at[b]],
                             sem_hi[b], add=True)

    for b in range(2):
        pltpu.make_async_copy(drain_src, m_lo.at[b], sem_lo[b]).wait()
        pltpu.make_async_copy(drain_src, m_hi.at[b], sem_hi[b]).wait()

    plsc.subcore_barrier()

    @pl.when(sid < nhalf // rows_per_tile)
    def _():
        pltpu.sync_copy(
            agg_sh.at[pl.ds(sid * rows_per_tile, rows_per_tile)],
            out_hbm.at[cid, pl.ds(sid * rows_per_tile, rows_per_tile)],
        )


def _edge_stage(d_tab, s_tab, dst, src, zero):
    n = d_tab.shape[1]
    nhalf = n // 2
    e = dst.shape[0]
    ept = e // NS
    k = 80
    rows_per_tile = 1000
    mesh = plsc.VectorSubcoreMesh(
        core_axis_name="c", subcore_axis_name="s",
        num_cores=NC, num_subcores=NS,
    )
    f = pl.kernel(
        functools.partial(_edge_body, ept, k, nhalf, rows_per_tile),
        out_type=jax.ShapeDtypeStruct((NC, nhalf, 2 * HALF), jnp.float32),
        mesh=mesh,
        scratch_types=[
            pltpu.VMEM((2, k), jnp.int32),
            pltpu.VMEM((2, k), jnp.int32),
            pltpu.VMEM((2, k), jnp.int32),
            pltpu.VMEM((2, k), jnp.int32),
            pltpu.VMEM((2, k, 2 * HALF), jnp.float32),
            pltpu.VMEM((2, k, 2 * HALF), jnp.float32),
            pltpu.VMEM((2, k, 2 * HALF), jnp.float32),
            pltpu.VMEM((2, k, 2 * HALF), jnp.float32),
            pltpu.VMEM_SHARED((nhalf + 8, 2 * HALF), jnp.float32),
        ] + [pltpu.SemaphoreType.DMA] * 10,
    )
    return f(d_tab, s_tab, dst, src, zero)


def _final_body(n, x_ref, agg_ref, sf_ref, wsl_ref, bsl_ref, wlin_ref,
                blin_ref, out_ref):
    agg = jnp.concatenate(
        [jnp.concatenate([agg_ref[c, :, :HALF], agg_ref[c, :, HALF:]], axis=0)
         for c in range(NC)], axis=-1)
    xs = x_ref[:, :8] + agg[:, :8]
    xa = x_ref[:, 8:] + agg[:, 8:]
    t = jnp.dot(xs, wsl_ref[...], preferred_element_type=jnp.float32) + bsl_ref[...]
    h = t * xa * sf_ref[...]
    h2 = jnp.dot(h, wlin_ref[...], preferred_element_type=jnp.float32)
    num = jnp.sum(h2) + n * blin_ref[0, 0]
    out_ref[...] = jnp.broadcast_to(num / jnp.sum(sf_ref[...]), (1, 1))


def _final_stage(x, agg, sf, w_sl, b_sl, w_lin, b_lin):
    n = x.shape[0]
    out = pl.pallas_call(
        functools.partial(_final_body, float(n)),
        out_shape=jax.ShapeDtypeStruct((1, 1), jnp.float32),
    )(x, agg, sf.reshape(n, 1), w_sl, b_sl.reshape(1, -1),
      w_lin, b_lin.reshape(1, 1))
    return out[0, 0]


def kernel(x, edge_index, surf_filter,
           Wf_sl, bf_sl, Ws_sl, bs_sl,
           Wf_ad, bf_ad, Ws_ad, bs_ad,
           W_lin_sl, b_lin_sl, W_lin, b_lin):
    n, c = x.shape
    c_sl = Wf_sl.shape[1]

    def blockdiag(w_sl, w_ad):
        w = jnp.zeros((c, c), jnp.float32)
        w = w.at[:c_sl, :c_sl].set(w_sl)
        w = w.at[c_sl:, c_sl:].set(w_ad)
        return w

    w_f_dst = blockdiag(Wf_sl[:c_sl], Wf_ad[: c - c_sl])
    w_f_src = blockdiag(Wf_sl[c_sl:], Wf_ad[c - c_sl:])
    w_s_dst = blockdiag(Ws_sl[:c_sl], Ws_ad[: c - c_sl])
    w_s_src = blockdiag(Ws_sl[c_sl:], Ws_ad[c - c_sl:])
    b_f = jnp.concatenate([bf_sl, bf_ad])
    b_s = jnp.concatenate([bs_sl, bs_ad])

    def lane_pack(wa, wb, lo):
        return jnp.concatenate([wa[:, lo:lo + HALF], wb[:, lo:lo + HALF]], axis=1)

    w_d = jnp.stack([lane_pack(w_f_dst, w_s_dst, 0),
                     lane_pack(w_f_dst, w_s_dst, HALF)])
    w_s = jnp.stack([lane_pack(w_f_src, w_s_src, 0),
                     lane_pack(w_f_src, w_s_src, HALF)])
    b_d = jnp.stack([jnp.concatenate([b_f[:HALF], b_s[:HALF]]),
                     jnp.concatenate([b_f[HALF:], b_s[HALF:]])]).reshape(NC, 1, c)

    d_tab, s_tab = _make_tables(x, w_d, b_d, w_s)

    src = edge_index[0]
    dst = edge_index[1]
    zero = jnp.zeros((n // 2, c), jnp.float32)
    agg = _edge_stage(d_tab, s_tab, dst, src, zero)

    return _final_stage(x, agg, surf_filter, W_lin_sl, b_lin_sl, W_lin, b_lin)

# --- scband reference (transcript-rebuilt; emitter-appended) ---
"""Pipeline reference for scband-comp2-net-23862838297452 (READ-ONLY COPY).

The authoritative reference and input builder live on the scoring server;
editing this copy changes nothing except your own understanding.
"""

import jax, jax.numpy as jnp
import numpy as np


def cgconv(x, src, dst, Wf, bf, Ws, bs):
    # PyG CGConv: z = [x_i, x_j]; out = x + sum_j sigmoid(z@Wf+bf) * softplus(z@Ws+bs)
    z = jnp.concatenate([x[dst], x[src]], axis=1)
    m = jax.nn.sigmoid(z @ Wf + bf) * jax.nn.softplus(z @ Ws + bs)
    agg = jnp.zeros_like(x).at[dst].add(m)
    return x + agg


def setup_inputs(seed: int = 0):
    key = jax.random.key(seed)
    ks = jax.random.split(key, 16)
    N, E = 10000, 320000
    c_sl, c_ad = 8, 120
    x = jax.random.normal(ks[0], (N, c_sl + c_ad), dtype=jnp.float32)
    edge_index = jax.random.randint(ks[1], (2, E), 0, N)
    surf_filter = jax.random.uniform(ks[2], (N,), dtype=jnp.float32)

    def lin_init(k, fan_in, fan_out):
        lim = 1.0 / np.sqrt(fan_in)
        k1, k2 = jax.random.split(k)
        W = jax.random.uniform(k1, (fan_in, fan_out), minval=-lim, maxval=lim, dtype=jnp.float32)
        b = jax.random.uniform(k2, (fan_out,), minval=-lim, maxval=lim, dtype=jnp.float32)
        return W, b

    Wf_sl, bf_sl = lin_init(ks[3], 2 * c_sl, c_sl)
    Ws_sl, bs_sl = lin_init(ks[4], 2 * c_sl, c_sl)
    Wf_ad, bf_ad = lin_init(ks[5], 2 * c_ad, c_ad)
    Ws_ad, bs_ad = lin_init(ks[6], 2 * c_ad, c_ad)
    W_lin_sl, b_lin_sl = lin_init(ks[7], c_sl, c_ad)
    W_lin, b_lin = lin_init(ks[8], c_ad, 1)

    return {
        "x": x, "edge_index": edge_index, "surf_filter": surf_filter,
        "Wf_sl": Wf_sl, "bf_sl": bf_sl, "Ws_sl": Ws_sl, "bs_sl": bs_sl,
        "Wf_ad": Wf_ad, "bf_ad": bf_ad, "Ws_ad": Ws_ad, "bs_ad": bs_ad,
        "W_lin_sl": W_lin_sl, "b_lin_sl": b_lin_sl, "W_lin": W_lin, "b_lin": b_lin,
    }


def reference(x, edge_index, surf_filter,
              Wf_sl, bf_sl, Ws_sl, bs_sl,
              Wf_ad, bf_ad, Ws_ad, bs_ad,
              W_lin_sl, b_lin_sl, W_lin, b_lin):
    src = edge_index[0]
    dst = edge_index[1]
    x_sl = x[:, :8]
    x_ad = x[:, 8:]
    # nconv == 2 -> conv2_sl / conv2_ad
    x_sl = cgconv(x_sl, src, dst, Wf_sl, bf_sl, Ws_sl, bs_sl)
    x_ad = cgconv(x_ad, src, dst, Wf_ad, bf_ad, Ws_ad, bs_ad)
    x_sl = x_sl @ W_lin_sl + b_lin_sl
    h = x_sl * x_ad
    h = h * surf_filter.reshape(-1, 1)
    h = h @ W_lin + b_lin
    y = jnp.sum(h) / jnp.sum(surf_filter)
    return y

if __name__ == "__main__":
    import jax
    _d = setup_inputs()
    print(jax.jit(kernel)(*tuple(_d.values())))

</pallas_src>

<mosaic_0001>
#map = affine_map<(d0, d1) -> (0, 0, 0)>
#map1 = affine_map<(d0, d1) -> (0)>
#map2 = affine_map<(d0, d1) -> (0, 0)>
module attributes {stable_mosaic.version = 14 : i64} {
  func.func @_edge_body(%arg0: i32, %arg1: i32, %arg2: memref<2x10000x128xf32, #tpu.memory_space<hbm>>, %arg3: memref<2x10000x128xf32, #tpu.memory_space<hbm>>, %arg4: memref<320000xi32, #tpu.memory_space<hbm>>, %arg5: memref<320000xi32, #tpu.memory_space<hbm>>, %arg6: memref<5000x128xf32, #tpu.memory_space<hbm>>, %arg7: memref<2x5000x128xf32, #tpu.memory_space<hbm>>, %arg8: memref<2x80xi32, #tpu.memory_space<vmem>>, %arg9: memref<2x80xi32, #tpu.memory_space<vmem>>, %arg10: memref<2x80xi32, #tpu.memory_space<vmem>>, %arg11: memref<2x80xi32, #tpu.memory_space<vmem>>, %arg12: memref<2x80x128xf32, #tpu.memory_space<vmem>>, %arg13: memref<2x80x128xf32, #tpu.memory_space<vmem>>, %arg14: memref<2x80x128xf32, #tpu.memory_space<vmem>>, %arg15: memref<2x80x128xf32, #tpu.memory_space<vmem>>, %arg16: memref<5008x128xf32, #tpu.memory_space<vmem_shared>>, %arg17: memref<!tpu.dma_semaphore, #tpu.memory_space<semaphore_mem>>, %arg18: memref<!tpu.dma_semaphore, #tpu.memory_space<semaphore_mem>>, %arg19: memref<!tpu.dma_semaphore, #tpu.memory_space<semaphore_mem>>, %arg20: memref<!tpu.dma_semaphore, #tpu.memory_space<semaphore_mem>>, %arg21: memref<!tpu.dma_semaphore, #tpu.memory_space<semaphore_mem>>, %arg22: memref<!tpu.dma_semaphore, #tpu.memory_space<semaphore_mem>>, %arg23: memref<!tpu.dma_semaphore, #tpu.memory_space<semaphore_mem>>, %arg24: memref<!tpu.dma_semaphore, #tpu.memory_space<semaphore_mem>>, %arg25: memref<!tpu.dma_semaphore, #tpu.memory_space<semaphore_mem>>, %arg26: memref<!tpu.dma_semaphore, #tpu.memory_space<semaphore_mem>>) attributes {dimension_semantics = [#tpu.dimension_semantics<core_parallel>, #tpu.dimension_semantics<subcore_parallel>], iteration_bounds = array<i64: 2, 16>, scalar_prefetch = 0 : i64, scratch_operands = 19 : i64, tpu.core_type = #tpu.core_type<sc_vector_subcore>, window_params = [{transform_indices = #map}, {transform_indices = #map}, {transform_indices = #map1}, {transform_indices = #map1}, {transform_indices = #map2}, {transform_indices = #map}]} {
    %lt3A = arith.constant 5 : i32
    %lt3A_0 = arith.cmpi slt, %arg1, %lt3A : i32
    %convert_element_type3A = arith.extui %lt3A_0 : i1 to i32
    %cond3A = arith.constant 0 : i32
    %cond3A_1 = arith.cmpi ne, %convert_element_type3A, %cond3A : i32
    scf.if %cond3A_1 {
      %mul3A_177 = arith.constant 1000 : i32
      %mul3A_178 = arith.muli %arg1, %mul3A_177 : i32
      %mul3A_179 = arith.constant 1000 : i32
      %mul3A_180 = arith.muli %arg1, %mul3A_179 : i32
      "tpu.region"() ({
        %run_scoped3A = tpu.sem_alloc : memref<!tpu.dma_semaphore, #tpu.memory_space<semaphore_mem>>
        %dma_start3A_181 = arith.constant 0 : i32
        %dma_start3A_182 = tpu.memref_slice %arg16[%mul3A_180, %dma_start3A_181] : memref<5008x128xf32, #tpu.memory_space<vmem_shared>> -> memref<1000x128xf32, #tpu.memory_space<vmem_shared>>
        %dma_start3A_183 = arith.constant 0 : i32
        %dma_start3A_184 = tpu.memref_slice %arg6[%mul3A_178, %dma_start3A_183] : memref<5000x128xf32, #tpu.memory_space<hbm>> -> memref<1000x128xf32, #tpu.memory_space<hbm>>
        tpu.enqueue_dma source(%dma_start3A_184 : memref<1000x128xf32, #tpu.memory_space<hbm>>) target(%dma_start3A_182 : memref<1000x128xf32, #tpu.memory_space<vmem_shared>>) target_semaphore(%run_scoped3A : memref<!tpu.dma_semaphore, #tpu.memory_space<semaphore_mem>>)
        %dma_wait3A_185 = arith.constant 0 : i32
        %dma_wait3A_186 = tpu.memref_slice %arg16[%mul3A_180, %dma_wait3A_185] : memref<5008x128xf32, #tpu.memory_space<vmem_shared>> -> memref<1000x128xf32, #tpu.memory_space<vmem_shared>>
        %dma_wait3A_187 = arith.constant 0 : i32
        %dma_wait3A_188 = tpu.memref_slice %arg6[%mul3A_178, %dma_wait3A_187] : memref<5000x128xf32, #tpu.memory_space<hbm>> -> memref<1000x128xf32, #tpu.memory_space<hbm>>
        tpu.wait_dma2 semaphore(%run_scoped3A : memref<!tpu.dma_semaphore, #tpu.memory_space<semaphore_mem>>) src(%dma_wait3A_188 : memref<1000x128xf32, #tpu.memory_space<hbm>>) dst(%dma_wait3A_186 : memref<1000x128xf32, #tpu.memory_space<vmem_shared>>)
        tpu.yield
      }) : () -> ()
    } else {
    }
    %eq3A = arith.constant 5 : i32
    %eq3A_2 = arith.cmpi eq, %arg1, %eq3A : i32
    %convert_element_type3A_3 = arith.extui %eq3A_2 : i1 to i32
    %cond3A_4 = arith.constant 0 : i32
    %cond3A_5 = arith.cmpi ne, %convert_element_type3A_3, %cond3A_4 : i32
    scf.if %cond3A_5 {
      "tpu.region"() ({
        %run_scoped3A = tpu.sem_alloc : memref<!tpu.dma_semaphore, #tpu.memory_space<semaphore_mem>>
        %dma_start3A_177 = arith.constant 5000 : i32
        %dma_start3A_178 = arith.constant 0 : i32
        %dma_start3A_179 = tpu.memref_slice %arg16[%dma_start3A_177, %dma_start3A_178] : memref<5008x128xf32, #tpu.memory_space<vmem_shared>> -> memref<8x128xf32, #tpu.memory_space<vmem_shared>>
        %dma_start3A_180 = arith.constant 0 : i32
        %dma_start3A_181 = arith.constant 0 : i32
        %dma_start3A_182 = tpu.memref_slice %arg6[%dma_start3A_180, %dma_start3A_181] : memref<5000x128xf32, #tpu.memory_space<hbm>> -> memref<8x128xf32, #tpu.memory_space<hbm>>
        tpu.enqueue_dma source(%dma_start3A_182 : memref<8x128xf32, #tpu.memory_space<hbm>>) target(%dma_start3A_179 : memref<8x128xf32, #tpu.memory_space<vmem_shared>>) target_semaphore(%run_scoped3A : memref<!tpu.dma_semaphore, #tpu.memory_space<semaphore_mem>>)
        %dma_wait3A_183 = arith.constant 5000 : i32
        %dma_wait3A_184 = arith.constant 0 : i32
        %dma_wait3A_185 = tpu.memref_slice %arg16[%dma_wait3A_183, %dma_wait3A_184] : memref<5008x128xf32, #tpu.memory_space<vmem_shared>> -> memref<8x128xf32, #tpu.memory_space<vmem_shared>>
        %dma_wait3A_186 = arith.constant 0 : i32
        %dma_wait3A_187 = arith.constant 0 : i32
        %dma_wait3A_188 = tpu.memref_slice %arg6[%dma_wait3A_186, %dma_wait3A_187] : memref<5000x128xf32, #tpu.memory_space<hbm>> -> memref<8x128xf32, #tpu.memory_space<hbm>>
        tpu.wait_dma2 semaphore(%run_scoped3A : memref<!tpu.dma_semaphore, #tpu.memory_space<semaphore_mem>>) src(%dma_wait3A_188 : memref<8x128xf32, #tpu.memory_space<hbm>>) dst(%dma_wait3A_185 : memref<8x128xf32, #tpu.memory_space<vmem_shared>>)
        tpu.yield
      }) : () -> ()
    } else {
    }
    %broadcast_in_dim3A = arith.constant 0.000000e+00 : f32
    %broadcast_in_dim3A_6 = vector.broadcast %broadcast_in_dim3A : f32 to vector<16xf32>
    %scan3A = arith.constant 0 : i32
    %scan3A_7 = arith.constant 0 : i32
    %scan3A_8 = arith.constant 80 : i32
    %scan3A_9 = arith.addi %scan3A_7, %scan3A_8 : i32
    %scan3A_10 = arith.constant 1 : i32
    scf.for %scan3A_177 = %scan3A_7 to %scan3A_9 step %scan3A_10  : i32 {
      %swap3A = arith.constant 0 : i32
      %swap3A_178 = arith.index_cast %swap3A : i32 to index
      %swap3A_179 = arith.index_cast %scan3A_177 : i32 to index
      %swap3A_180 = arith.constant 64 : index
      %swap3A_181 = tpu.vector_load %arg14[%swap3A_178, %swap3A_179, %swap3A_180] {strides = array<i32>} : memref<2x80x128xf32, #tpu.memory_space<vmem>>, vector<1x1x16xf32>,
      %swap3A_182 = vector.shape_cast %swap3A_181 : vector<1x1x16xf32> to vector<16xf32>
      %swap3A_183 = vector.shape_cast %broadcast_in_dim3A_6 : vector<16xf32> to vector<1x1x16xf32>
      tpu.vector_store %arg14[%swap3A_178, %swap3A_179, %swap3A_180], %swap3A_183 {strides = array<i32>} : memref<2x80x128xf32, #tpu.memory_space<vmem>>, vector<1x1x16xf32>,
      %swap3A_184 = arith.constant 0 : i32
      %swap3A_185 = arith.index_cast %swap3A_184 : i32 to index
      %swap3A_186 = arith.index_cast %scan3A_177 : i32 to index
      %swap3A_187 = arith.constant 0 : index
      %swap3A_188 = tpu.vector_load %arg15[%swap3A_185, %swap3A_186, %swap3A_187] {strides = array<i32>} : memref<2x80x128xf32, #tpu.memory_space<vmem>>, vector<1x1x16xf32>,
      %swap3A_189 = vector.shape_cast %swap3A_188 : vector<1x1x16xf32> to vector<16xf32>
      %swap3A_190 = vector.shape_cast %broadcast_in_dim3A_6 : vector<16xf32> to vector<1x1x16xf32>
      tpu.vector_store %arg15[%swap3A_185, %swap3A_186, %swap3A_187], %swap3A_190 {strides = array<i32>} : memref<2x80x128xf32, #tpu.memory_space<vmem>>, vector<1x1x16xf32>,
      %swap3A_191 = arith.constant 0 : i32
      %swap3A_192 = arith.index_cast %swap3A_191 : i32 to index
      %swap3A_193 = arith.index_cast %scan3A_177 : i32 to index
      %swap3A_194 = arith.constant 80 : index
      %swap3A_195 = tpu.vector_load %arg14[%swap3A_192, %swap3A_193, %swap3A_194] {strides = array<i32>} : memref<2x80x128xf32, #tpu.memory_space<vmem>>, vector<1x1x16xf32>,
      %swap3A_196 = vector.shape_cast %swap3A_195 : vector<1x1x16xf32> to vector<16xf32>
      %swap3A_197 = vector.shape_cast %broadcast_in_dim3A_6 : vector<16xf32> to vector<1x1x16xf32>
      tpu.vector_store %arg14[%swap3A_192, %swap3A_193, %swap3A_194], %swap3A_197 {strides = array<i32>} : memref<2x80x128xf32, #tpu.memory_space<vmem>>, vector<1x1x16xf32>,
      %swap3A_198 = arith.constant 0 : i32
      %swap3A_199 = arith.index_cast %swap3A_198 : i32 to index
      %swap3A_200 = arith.index_cast %scan3A_177 : i32 to index
      %swap3A_201 = arith.constant 16 : index
      %swap3A_202 = tpu.vector_load %arg15[%swap3A_199, %swap3A_200, %swap3A_201] {strides = array<i32>} : memref<2x80x128xf32, #tpu.memory_space<vmem>>, vector<1x1x16xf32>,
      %swap3A_203 = vector.shape_cast %swap3A_202 : vector<1x1x16xf32> to vector<16xf32>
      %swap3A_204 = vector.shape_cast %broadcast_in_dim3A_6 : vector<16xf32> to vector<1x1x16xf32>
      tpu.vector_store %arg15[%swap3A_199, %swap3A_200, %swap3A_201], %swap3A_204 {strides = array<i32>} : memref<2x80x128xf32, #tpu.memory_space<vmem>>, vector<1x1x16xf32>,
      %swap3A_205 = arith.constant 0 : i32
      %swap3A_206 = arith.index_cast %swap3A_205 : i32 to index
      %swap3A_207 = arith.index_cast %scan3A_177 : i32 to index
      %swap3A_208 = arith.constant 96 : index
      %swap3A_209 = tpu.vector_load %arg14[%swap3A_206, %swap3A_207, %swap3A_208] {strides = array<i32>} : memref<2x80x128xf32, #tpu.memory_space<vmem>>, vector<1x1x16xf32>,
      %swap3A_210 = vector.shape_cast %swap3A_209 : vector<1x1x16xf32> to vector<16xf32>
      %swap3A_211 = vector.shape_cast %broadcast_in_dim3A_6 : vector<16xf32> to vector<1x1x16xf32>
      tpu.vector_store %arg14[%swap3A_206, %swap3A_207, %swap3A_208], %swap3A_211 {strides = array<i32>} : memref<2x80x128xf32, #tpu.memory_space<vmem>>, vector<1x1x16xf32>,
      %swap3A_212 = arith.constant 0 : i32
      %swap3A_213 = arith.index_cast %swap3A_212 : i32 to index
      %swap3A_214 = arith.index_cast %scan3A_177 : i32 to index
      %swap3A_215 = arith.constant 32 : index
      %swap3A_216 = tpu.vector_load %arg15[%swap3A_213, %swap3A_214, %swap3A_215] {strides = array<i32>} : memref<2x80x128xf32, #tpu.memory_space<vmem>>, vector<1x1x16xf32>,
      %swap3A_217 = vector.shape_cast %swap3A_216 : vector<1x1x16xf32> to vector<16xf32>
      %swap3A_218 = vector.shape_cast %broadcast_in_dim3A_6 : vector<16xf32> to vector<1x1x16xf32>
      tpu.vector_store %arg15[%swap3A_213, %swap3A_214, %swap3A_215], %swap3A_218 {strides = array<i32>} : memref<2x80x128xf32, #tpu.memory_space<vmem>>, vector<1x1x16xf32>,
      %swap3A_219 = arith.constant 0 : i32
      %swap3A_220 = arith.index_cast %swap3A_219 : i32 to index
      %swap3A_221 = arith.index_cast %scan3A_177 : i32 to index
      %swap3A_222 = arith.constant 112 : index
      %swap3A_223 = tpu.vector_load %arg14[%swap3A_220, %swap3A_221, %swap3A_222] {strides = array<i32>} : memref<2x80x128xf32, #tpu.memory_space<vmem>>, vector<1x1x16xf32>,
      %swap3A_224 = vector.shape_cast %swap3A_223 : vector<1x1x16xf32> to vector<16xf32>
      %swap3A_225 = vector.shape_cast %broadcast_in_dim3A_6 : vector<16xf32> to vector<1x1x16xf32>
      tpu.vector_store %arg14[%swap3A_220, %swap3A_221, %swap3A_222], %swap3A_225 {strides = array<i32>} : memref<2x80x128xf32, #tpu.memory_space<vmem>>, vector<1x1x16xf32>,
      %swap3A_226 = arith.constant 0 : i32
      %swap3A_227 = arith.index_cast %swap3A_226 : i32 to index
      %swap3A_228 = arith.index_cast %scan3A_177 : i32 to index
      %swap3A_229 = arith.constant 48 : index
      %swap3A_230 = tpu.vector_load %arg15[%swap3A_227, %swap3A_228, %swap3A_229] {strides = array<i32>} : memref<2x80x128xf32, #tpu.memory_space<vmem>>, vector<1x1x16xf32>,
      %swap3A_231 = vector.shape_cast %swap3A_230 : vector<1x1x16xf32> to vector<16xf32>
      %swap3A_232 = vector.shape_cast %broadcast_in_dim3A_6 : vector<16xf32> to vector<1x1x16xf32>
      tpu.vector_store %arg15[%swap3A_227, %swap3A_228, %swap3A_229], %swap3A_232 {strides = array<i32>} : memref<2x80x128xf32, #tpu.memory_space<vmem>>, vector<1x1x16xf32>,
      %swap3A_233 = arith.constant 1 : i32
      %swap3A_234 = arith.index_cast %swap3A_233 : i32 to index
      %swap3A_235 = arith.index_cast %scan3A_177 : i32 to index
      %swap3A_236 = arith.constant 64 : index
      %swap3A_237 = tpu.vector_load %arg14[%swap3A_234, %swap3A_235, %swap3A_236] {strides = array<i32>} : memref<2x80x128xf32, #tpu.memory_space<vmem>>, vector<1x1x16xf32>,
      %swap3A_238 = vector.shape_cast %swap3A_237 : vector<1x1x16xf32> to vector<16xf32>
      %swap3A_239 = vector.shape_cast %broadcast_in_dim3A_6 : vector<16xf32> to vector<1x1x16xf32>
      tpu.vector_store %arg14[%swap3A_234, %swap3A_235, %swap3A_236], %swap3A_239 {strides = array<i32>} : memref<2x80x128xf32, #tpu.memory_space<vmem>>, vector<1x1x16xf32>,
      %swap3A_240 = arith.constant 1 : i32
      %swap3A_241 = arith.index_cast %swap3A_240 : i32 to index
      %swap3A_242 = arith.index_cast %scan3A_177 : i32 to index
      %swap3A_243 = arith.constant 0 : index
      %swap3A_244 = tpu.vector_load %arg15[%swap3A_241, %swap3A_242, %swap3A_243] {strides = array<i32>} : memref<2x80x128xf32, #tpu.memory_space<vmem>>, vector<1x1x16xf32>,
      %swap3A_245 = vector.shape_cast %swap3A_244 : vector<1x1x16xf32> to vector<16xf32>
      %swap3A_246 = vector.shape_cast %broadcast_in_dim3A_6 : vector<16xf32> to vector<1x1x16xf32>
      tpu.vector_store %arg15[%swap3A_241, %swap3A_242, %swap3A_243], %swap3A_246 {strides = array<i32>} : memref<2x80x128xf32, #tpu.memory_space<vmem>>, vector<1x1x16xf32>,
      %swap3A_247 = arith.constant 1 : i32
      %swap3A_248 = arith.index_cast %swap3A_247 : i32 to index
      %swap3A_249 = arith.index_cast %scan3A_177 : i32 to index
      %swap3A_250 = arith.constant 80 : index
      %swap3A_251 = tpu.vector_load %arg14[%swap3A_248, %swap3A_249, %swap3A_250] {strides = array<i32>} : memref<2x80x128xf32, #tpu.memory_space<vmem>>, vector<1x1x16xf32>,
      %swap3A_252 = vector.shape_cast %swap3A_251 : vector<1x1x16xf32> to vector<16xf32>
      %swap3A_253 = vector.shape_cast %broadcast_in_dim3A_6 : vector<16xf32> to vector<1x1x16xf32>
      tpu.vector_store %arg14[%swap3A_248, %swap3A_249, %swap3A_250], %swap3A_253 {strides = array<i32>} : memref<2x80x128xf32, #tpu.memory_space<vmem>>, vector<1x1x16xf32>,
      %swap3A_254 = arith.constant 1 : i32
      %swap3A_255 = arith.index_cast %swap3A_254 : i32 to index
      %swap3A_256 = arith.index_cast %scan3A_177 : i32 to index
      %swap3A_257 = arith.constant 16 : index
      %swap3A_258 = tpu.vector_load %arg15[%swap3A_255, %swap3A_256, %swap3A_257] {strides = array<i32>} : memref<2x80x128xf32, #tpu.memory_space<vmem>>, vector<1x1x16xf32>,
      %swap3A_259 = vector.shape_cast %swap3A_258 : vector<1x1x16xf32> to vector<16xf32>
      %swap3A_260 = vector.shape_cast %broadcast_in_dim3A_6 : vector<16xf32> to vector<1x1x16xf32>
      tpu.vector_store %arg15[%swap3A_255, %swap3A_256, %swap3A_257], %swap3A_260 {strides = array<i32>} : memref<2x80x128xf32, #tpu.memory_space<vmem>>, vector<1x1x16xf32>,
      %swap3A_261 = arith.constant 1 : i32
      %swap3A_262 = arith.index_cast %swap3A_261 : i32 to index
      %swap3A_263 = arith.index_cast %scan3A_177 : i32 to index
      %swap3A_264 = arith.constant 96 : index
      %swap3A_265 = tpu.vector_load %arg14[%swap3A_262, %swap3A_263, %swap3A_264] {strides = array<i32>} : memref<2x80x128xf32, #tpu.memory_space<vmem>>, vector<1x1x16xf32>,
      %swap3A_266 = vector.shape_cast %swap3A_265 : vector<1x1x16xf32> to vector<16xf32>
      %swap3A_267 = vector.shape_cast %broadcast_in_dim3A_6 : vector<16xf32> to vector<1x1x16xf32>
      tpu.vector_store %arg14[%swap3A_262, %swap3A_263, %swap3A_264], %swap3A_267 {strides = array<i32>} : memref<2x80x128xf32, #tpu.memory_space<vmem>>, vector<1x1x16xf32>,
      %swap3A_268 = arith.constant 1 : i32
      %swap3A_269 = arith.index_cast %swap3A_268 : i32 to index
      %swap3A_270 = arith.index_cast %scan3A_177 : i32 to index
      %swap3A_271 = arith.constant 32 : index
      %swap3A_272 = tpu.vector_load %arg15[%swap3A_269, %swap3A_270, %swap3A_271] {strides = array<i32>} : memref<2x80x128xf32, #tpu.memory_space<vmem>>, vector<1x1x16xf32>,
      %swap3A_273 = vector.shape_cast %swap3A_272 : vector<1x1x16xf32> to vector<16xf32>
      %swap3A_274 = vector.shape_cast %broadcast_in_dim3A_6 : vector<16xf32> to vector<1x1x16xf32>
      tpu.vector_store %arg15[%swap3A_269, %swap3A_270, %swap3A_271], %swap3A_274 {strides = array<i32>} : memref<2x80x128xf32, #tpu.memory_space<vmem>>, vector<1x1x16xf32>,
      %swap3A_275 = arith.constant 1 : i32
      %swap3A_276 = arith.index_cast %swap3A_275 : i32 to index
      %swap3A_277 = arith.index_cast %scan3A_177 : i32 to index
      %swap3A_278 = arith.constant 112 : index
      %swap3A_279 = tpu.vector_load %arg14[%swap3A_276, %swap3A_277, %swap3A_278] {strides = array<i32>} : memref<2x80x128xf32, #tpu.memory_space<vmem>>, vector<1x1x16xf32>,
      %swap3A_280 = vector.shape_cast %swap3A_279 : vector<1x1x16xf32> to vector<16xf32>
      %swap3A_281 = vector.shape_cast %broadcast_in_dim3A_6 : vector<16xf32> to vector<1x1x16xf32>
      tpu.vector_store %arg14[%swap3A_276, %swap3A_277, %swap3A_278], %swap3A_281 {strides = array<i32>} : memref<2x80x128xf32, #tpu.memory_space<vmem>>, vector<1x1x16xf32>,
      %swap3A_282 = arith.constant 1 : i32
      %swap3A_283 = arith.index_cast %swap3A_282 : i32 to index
      %swap3A_284 = arith.index_cast %scan3A_177 : i32 to index
      %swap3A_285 = arith.constant 48 : index
      %swap3A_286 = tpu.vector_load %arg15[%swap3A_283, %swap3A_284, %swap3A_285] {strides = array<i32>} : memref<2x80x128xf32, #tpu.memory_space<vmem>>, vector<1x1x16xf32>,
      %swap3A_287 = vector.shape_cast %swap3A_286 : vector<1x1x16xf32> to vector<16xf32>
      %swap3A_288 = vector.shape_cast %broadcast_in_dim3A_6 : vector<16xf32> to vector<1x1x16xf32>
      tpu.vector_store %arg15[%swap3A_283, %swap3A_284, %swap3A_285], %swap3A_288 {strides = array<i32>} : memref<2x80x128xf32, #tpu.memory_space<vmem>>, vector<1x1x16xf32>,
    }
    %scan3A_11 = arith.constant 80 : i32
    %barrier3A = arith.constant 0 : index
    tpu.barrier barrier_id(%barrier3A)
    %mul3A = arith.constant 20000 : i32
    %mul3A_12 = arith.muli %arg1, %mul3A : i32
    %add3A = arith.constant 0 : i32
    %add3A_13 = arith.addi %mul3A_12, %add3A : i32
    %dma_start3A = arith.constant 0 : i32
    %dma_start3A_14 = arith.constant 0 : i32
    %dma_start3A_15 = tpu.memref_slice %arg8[%dma_start3A, %dma_start3A_14] : memref<2x80xi32, #tpu.memory_space<vmem>> -> memref<1x80xi32, #tpu.memory_space<vmem>>
    %dma_start3A_16 = tpu.memref_squeeze %dma_start3A_15 : memref<1x80xi32, #tpu.memory_space<vmem>> -> memref<80xi32, #tpu.memory_space<vmem>>
    %dma_start3A_17 = tpu.memref_slice %arg4[%add3A_13] : memref<320000xi32, #tpu.memory_space<hbm>> -> memref<80xi32, #tpu.memory_space<hbm>>
    %dma_start3A_18 = arith.constant 0 : i32
    %dma_start3A_19 = tpu.memref_slice %arg8[%dma_start3A, %dma_start3A_18] : memref<2x80xi32, #tpu.memory_space<vmem>> -> memref<1x80xi32, #tpu.memory_space<vmem>>
    %dma_start3A_20 = tpu.memref_squeeze %dma_start3A_19 : memref<1x80xi32, #tpu.memory_space<vmem>> -> memref<80xi32, #tpu.memory_space<vmem>>
    %dma_start3A_21 = tpu.memref_slice %arg4[%add3A_13] : memref<320000xi32, #tpu.memory_space<hbm>> -> memref<80xi32, #tpu.memory_space<hbm>>
    tpu.enqueue_dma source(%dma_start3A_21 : memref<80xi32, #tpu.memory_space<hbm>>) target(%dma_start3A_20 : memref<80xi32, #tpu.memory_space<vmem>>) target_semaphore(%arg25 : memref<!tpu.dma_semaphore, #tpu.memory_space<semaphore_mem>>)
    %dma_start3A_22 = arith.constant 0 : i32
    %dma_start3A_23 = arith.constant 0 : i32
    %dma_start3A_24 = tpu.memref_slice %arg9[%dma_start3A_22, %dma_start3A_23] : memref<2x80xi32, #tpu.memory_space<vmem>> -> memref<1x80xi32, #tpu.memory_space<vmem>>
    %dma_start3A_25 = tpu.memref_squeeze %dma_start3A_24 : memref<1x80xi32, #tpu.memory_space<vmem>> -> memref<80xi32, #tpu.memory_space<vmem>>
    %dma_start3A_26 = tpu.memref_slice %arg5[%add3A_13] : memref<320000xi32, #tpu.memory_space<hbm>> -> memref<80xi32, #tpu.memory_space<hbm>>
    %dma_start3A_27 = arith.constant 0 : i32
    %dma_start3A_28 = tpu.memref_slice %arg9[%dma_start3A_22, %dma_start3A_27] : memref<2x80xi32, #tpu.memory_space<vmem>> -> memref<1x80xi32, #tpu.memory_space<vmem>>
    %dma_start3A_29 = tpu.memref_squeeze %dma_start3A_28 : memref<1x80xi32, #tpu.memory_space<vmem>> -> memref<80xi32, #tpu.memory_space<vmem>>
    %dma_start3A_30 = tpu.memref_slice %arg5[%add3A_13] : memref<320000xi32, #tpu.memory_space<hbm>> -> memref<80xi32, #tpu.memory_space<hbm>>
    tpu.enqueue_dma source(%dma_start3A_30 : memref<80xi32, #tpu.memory_space<hbm>>) target(%dma_start3A_29 : memref<80xi32, #tpu.memory_space<vmem>>) target_semaphore(%arg25 : memref<!tpu.dma_semaphore, #tpu.memory_space<semaphore_mem>>)
    %dma_wait3A = arith.constant 0 : i32
    %dma_wait3A_31 = arith.constant 0 : i32
    %dma_wait3A_32 = tpu.memref_slice %arg8[%dma_wait3A, %dma_wait3A_31] : memref<2x80xi32, #tpu.memory_space<vmem>> -> memref<1x80xi32, #tpu.memory_space<vmem>>
    %dma_wait3A_33 = tpu.memref_squeeze %dma_wait3A_32 : memref<1x80xi32, #tpu.memory_space<vmem>> -> memref<80xi32, #tpu.memory_space<vmem>>
    %dma_wait3A_34 = arith.constant 0 : i32
    %dma_wait3A_35 = tpu.memref_slice %arg4[%dma_wait3A_34] : memref<320000xi32, #tpu.memory_space<hbm>> -> memref<80xi32, #tpu.memory_space<hbm>>
    %dma_wait3A_36 = arith.constant 0 : i32
    %dma_wait3A_37 = tpu.memref_slice %arg8[%dma_wait3A, %dma_wait3A_36] : memref<2x80xi32, #tpu.memory_space<vmem>> -> memref<1x80xi32, #tpu.memory_space<vmem>>
    %dma_wait3A_38 = tpu.memref_squeeze %dma_wait3A_37 : memref<1x80xi32, #tpu.memory_space<vmem>> -> memref<80xi32, #tpu.memory_space<vmem>>
    %dma_wait3A_39 = arith.constant 0 : i32
    %dma_wait3A_40 = tpu.memref_slice %arg4[%dma_wait3A_39] : memref<320000xi32, #tpu.memory_space<hbm>> -> memref<80xi32, #tpu.memory_space<hbm>>
    tpu.wait_dma2 semaphore(%arg25 : memref<!tpu.dma_semaphore, #tpu.memory_space<semaphore_mem>>) src(%dma_wait3A_40 : memref<80xi32, #tpu.memory_space<hbm>>) dst(%dma_wait3A_38 : memref<80xi32, #tpu.memory_space<vmem>>)
    %dma_wait3A_41 = arith.constant 0 : i32
    %dma_wait3A_42 = arith.constant 0 : i32
    %dma_wait3A_43 = tpu.memref_slice %arg9[%dma_wait3A_41, %dma_wait3A_42] : memref<2x80xi32, #tpu.memory_space<vmem>> -> memref<1x80xi32, #tpu.memory_space<vmem>>
    %dma_wait3A_44 = tpu.memref_squeeze %dma_wait3A_43 : memref<1x80xi32, #tpu.memory_space<vmem>> -> memref<80xi32, #tpu.memory_space<vmem>>
    %dma_wait3A_45 = arith.constant 0 : i32
    %dma_wait3A_46 = tpu.memref_slice %arg4[%dma_wait3A_45] : memref<320000xi32, #tpu.memory_space<hbm>> -> memref<80xi32, #tpu.memory_space<hbm>>
    %dma_wait3A_47 = arith.constant 0 : i32
    %dma_wait3A_48 = tpu.memref_slice %arg9[%dma_wait3A_41, %dma_wait3A_47] : memref<2x80xi32, #tpu.memory_space<vmem>> -> memref<1x80xi32, #tpu.memory_space<vmem>>
    %dma_wait3A_49 = tpu.memref_squeeze %dma_wait3A_48 : memref<1x80xi32, #tpu.memory_space<vmem>> -> memref<80xi32, #tpu.memory_space<vmem>>
    %dma_wait3A_50 = arith.constant 0 : i32
    %dma_wait3A_51 = tpu.memref_slice %arg4[%dma_wait3A_50] : memref<320000xi32, #tpu.memory_space<hbm>> -> memref<80xi32, #tpu.memory_space<hbm>>
    tpu.wait_dma2 semaphore(%arg25 : memref<!tpu.dma_semaphore, #tpu.memory_space<semaphore_mem>>) src(%dma_wait3A_51 : memref<80xi32, #tpu.memory_space<hbm>>) dst(%dma_wait3A_49 : memref<80xi32, #tpu.memory_space<vmem>>)
    %dma_start3A_52 = arith.constant 0 : i32
    %dma_start3A_53 = arith.constant 0 : i32
    %dma_start3A_54 = arith.constant 0 : i32
    %dma_start3A_55 = arith.constant 0 : i32
    %dma_start3A_56 = tpu.memref_slice %arg12[%dma_start3A_53, %dma_start3A_54, %dma_start3A_55] : memref<2x80x128xf32, #tpu.memory_space<vmem>> -> memref<1x80x128xf32, #tpu.memory_space<vmem>>
    %dma_start3A_57 = tpu.memref_squeeze %dma_start3A_56 : memref<1x80x128xf32, #tpu.memory_space<vmem>> -> memref<80x128xf32, #tpu.memory_space<vmem>>
    %dma_start3A_58 = arith.constant 0 : i32
    %dma_start3A_59 = tpu.memref_slice %arg8[%dma_start3A_52, %dma_start3A_58] : memref<2x80xi32, #tpu.memory_space<vmem>> -> memref<1x80xi32, #tpu.memory_space<vmem>>
    %dma_start3A_60 = tpu.memref_squeeze %dma_start3A_59 : memref<1x80xi32, #tpu.memory_space<vmem>> -> memref<80xi32, #tpu.memory_space<vmem>>
    %dma_start3A_61 = arith.constant 0 : i32
    %dma_start3A_62 = arith.constant 0 : i32
    %dma_start3A_63 = tpu.memref_slice %arg2[%arg0, %dma_start3A_61, %dma_start3A_62] : memref<2x10000x128xf32, #tpu.memory_space<hbm>> -> memref<1x10000x128xf32, #tpu.memory_space<hbm>>
    %dma_start3A_64 = tpu.memref_squeeze %dma_start3A_63 : memref<1x10000x128xf32, #tpu.memory_space<hbm>> -> memref<10000x128xf32, #tpu.memory_space<hbm>>
    %dma_start3A_65 = arith.constant 0 : i32
    %dma_start3A_66 = arith.constant 0 : i32
    %dma_start3A_67 = tpu.memref_slice %dma_start3A_64[%dma_start3A_65, %dma_start3A_66] : memref<10000x128xf32, #tpu.memory_space<hbm>> -> memref<10000x128xf32, #tpu.memory_space<hbm>>
    tpu.enqueue_indirect_dma source(%dma_start3A_67 : memref<10000x128xf32, #tpu.memory_space<hbm>>) target(%dma_start3A_57 : memref<80x128xf32, #tpu.memory_space<vmem>>) offsets(%dma_start3A_60 : memref<80xi32, #tpu.memory_space<vmem>>) semaphore(%arg17 : memref<!tpu.dma_semaphore, #tpu.memory_space<semaphore_mem>>)
    %dma_start3A_68 = arith.constant 0 : i32
    %dma_start3A_69 = arith.constant 0 : i32
    %dma_start3A_70 = arith.constant 0 : i32
    %dma_start3A_71 = arith.constant 0 : i32
    %dma_start3A_72 = tpu.memref_slice %arg13[%dma_start3A_69, %dma_start3A_70, %dma_start3A_71] : memref<2x80x128xf32, #tpu.memory_space<vmem>> -> memref<1x80x128xf32, #tpu.memory_space<vmem>>
    %dma_start3A_73 = tpu.memref_squeeze %dma_start3A_72 : memref<1x80x128xf32, #tpu.memory_space<vmem>> -> memref<80x128xf32, #tpu.memory_space<vmem>>
    %dma_start3A_74 = arith.constant 0 : i32
    %dma_start3A_75 = tpu.memref_slice %arg9[%dma_start3A_68, %dma_start3A_74] : memref<2x80xi32, #tpu.memory_space<vmem>> -> memref<1x80xi32, #tpu.memory_space<vmem>>
    %dma_start3A_76 = tpu.memref_squeeze %dma_start3A_75 : memref<1x80xi32, #tpu.memory_space<vmem>> -> memref<80xi32, #tpu.memory_space<vmem>>
    %dma_start3A_77 = arith.constant 0 : i32
    %dma_start3A_78 = arith.constant 0 : i32
    %dma_start3A_79 = tpu.memref_slice %arg3[%arg0, %dma_start3A_77, %dma_start3A_78] : memref<2x10000x128xf32, #tpu.memory_space<hbm>> -> memref<1x10000x128xf32, #tpu.memory_space<hbm>>
    %dma_start3A_80 = tpu.memref_squeeze %dma_start3A_79 : memref<1x10000x128xf32, #tpu.memory_space<hbm>> -> memref<10000x128xf32, #tpu.memory_space<hbm>>
    %dma_start3A_81 = arith.constant 0 : i32
    %dma_start3A_82 = arith.constant 0 : i32
    %dma_start3A_83 = tpu.memref_slice %dma_start3A_80[%dma_start3A_81, %dma_start3A_82] : memref<10000x128xf32, #tpu.memory_space<hbm>> -> memref<10000x128xf32, #tpu.memory_space<hbm>>
    tpu.enqueue_indirect_dma source(%dma_start3A_83 : memref<10000x128xf32, #tpu.memory_space<hbm>>) target(%dma_start3A_73 : memref<80x128xf32, #tpu.memory_space<vmem>>) offsets(%dma_start3A_76 : memref<80xi32, #tpu.memory_space<vmem>>) semaphore(%arg19 : memref<!tpu.dma_semaphore, #tpu.memory_space<semaphore_mem>>)
    %mul3A_84 = arith.constant 20000 : i32
    %mul3A_85 = arith.muli %arg1, %mul3A_84 : i32
    %add3A_86 = arith.constant 80 : i32
    %add3A_87 = arith.addi %mul3A_85, %add3A_86 : i32
    %dma_start3A_88 = arith.constant 1 : i32
    %dma_start3A_89 = arith.constant 0 : i32
    %dma_start3A_90 = tpu.memref_slice %arg8[%dma_start3A_88, %dma_start3A_89] : memref<2x80xi32, #tpu.memory_space<vmem>> -> memref<1x80xi32, #tpu.memory_space<vmem>>
    %dma_start3A_91 = tpu.memref_squeeze %dma_start3A_90 : memref<1x80xi32, #tpu.memory_space<vmem>> -> memref<80xi32, #tpu.memory_space<vmem>>
    %dma_start3A_92 = tpu.memref_slice %arg4[%add3A_87] : memref<320000xi32, #tpu.memory_space<hbm>> -> memref<80xi32, #tpu.memory_space<hbm>>
    %dma_start3A_93 = arith.constant 0 : i32
    %dma_start3A_94 = tpu.memref_slice %arg8[%dma_start3A_88, %dma_start3A_93] : memref<2x80xi32, #tpu.memory_space<vmem>> -> memref<1x80xi32, #tpu.memory_space<vmem>>
    %dma_start3A_95 = tpu.memref_squeeze %dma_start3A_94 : memref<1x80xi32, #tpu.memory_space<vmem>> -> memref<80xi32, #tpu.memory_space<vmem>>
    %dma_start3A_96 = tpu.memref_slice %arg4[%add3A_87] : memref<320000xi32, #tpu.memory_space<hbm>> -> memref<80xi32, #tpu.memory_space<hbm>>
    tpu.enqueue_dma source(%dma_start3A_96 : memref<80xi32, #tpu.memory_space<hbm>>) target(%dma_start3A_95 : memref<80xi32, #tpu.memory_space<vmem>>) target_semaphore(%arg26 : memref<!tpu.dma_semaphore, #tpu.memory_space<semaphore_mem>>)
    %dma_start3A_97 = arith.constant 1 : i32
    %dma_start3A_98 = arith.constant 0 : i32
    %dma_start3A_99 = tpu.memref_slice %arg9[%dma_start3A_97, %dma_start3A_98] : memref<2x80xi32, #tpu.memory_space<vmem>> -> memref<1x80xi32, #tpu.memory_space<vmem>>
    %dma_start3A_100 = tpu.memref_squeeze %dma_start3A_99 : memref<1x80xi32, #tpu.memory_space<vmem>> -> memref<80xi32, #tpu.memory_space<vmem>>
    %dma_start3A_101 = tpu.memref_slice %arg5[%add3A_87] : memref<320000xi32, #tpu.memory_space<hbm>> -> memref<80xi32, #tpu.memory_space<hbm>>
    %dma_start3A_102 = arith.constant 0 : i32
    %dma_start3A_103 = tpu.memref_slice %arg9[%dma_start3A_97, %dma_start3A_102] : memref<2x80xi32, #tpu.memory_space<vmem>> -> memref<1x80xi32, #tpu.memory_space<vmem>>
    %dma_start3A_104 = tpu.memref_squeeze %dma_start3A_103 : memref<1x80xi32, #tpu.memory_space<vmem>> -> memref<80xi32, #tpu.memory_space<vmem>>
    %dma_start3A_105 = tpu.memref_slice %arg5[%add3A_87] : memref<320000xi32, #tpu.memory_space<hbm>> -> memref<80xi32, #tpu.memory_space<hbm>>
    tpu.enqueue_dma source(%dma_start3A_105 : memref<80xi32, #tpu.memory_space<hbm>>) target(%dma_start3A_104 : memref<80xi32, #tpu.memory_space<vmem>>) target_semaphore(%arg26 : memref<!tpu.dma_semaphore, #tpu.memory_space<semaphore_mem>>)
    %scan3A_106 = arith.constant 0 : i32
    %scan3A_107 = arith.constant 125 : i32
    %scan3A_108 = arith.addi %scan3A_106, %scan3A_107 : i32
    %scan3A_109 = arith.constant 1 : i32
    scf.for %scan3A_177 = %scan3A_106 to %scan3A_108 step %scan3A_109  : i32 {
      %mul3A_178 = arith.constant 2 : i32
      %mul3A_179 = arith.muli %scan3A_177, %mul3A_178 : i32
      %add3A_180 = arith.constant 0 : i32
      %add3A_181 = arith.addi %add3A_180, %mul3A_179 : i32
      %add3A_182 = arith.constant 0 : i32
      %add3A_183 = arith.addi %add3A_181, %add3A_182 : i32
      %add3A_184 = arith.constant 1 : i32
      %add3A_185 = arith.addi %add3A_183, %add3A_184 : i32
      %lt3A_186 = arith.constant 250 : i32
      %lt3A_187 = arith.cmpi slt, %add3A_185, %lt3A_186 : i32
      %convert_element_type3A_188 = arith.extui %lt3A_187 : i1 to i32
      %cond3A_189 = arith.constant 0 : i32
      %cond3A_190 = arith.cmpi ne, %convert_element_type3A_188, %cond3A_189 : i32
      scf.if %cond3A_190 {
        %dma_wait3A_348 = arith.constant 1 : i32
        %dma_wait3A_349 = arith.constant 0 : i32
        %dma_wait3A_350 = tpu.memref_slice %arg8[%dma_wait3A_348, %dma_wait3A_349] : memref<2x80xi32, #tpu.memory_space<vmem>> -> memref<1x80xi32, #tpu.memory_space<vmem>>
        %dma_wait3A_351 = tpu.memref_squeeze %dma_wait3A_350 : memref<1x80xi32, #tpu.memory_space<vmem>> -> memref<80xi32, #tpu.memory_space<vmem>>
        %dma_wait3A_352 = arith.constant 0 : i32
        %dma_wait3A_353 = tpu.memref_slice %arg4[%dma_wait3A_352] : memref<320000xi32, #tpu.memory_space<hbm>> -> memref<80xi32, #tpu.memory_space<hbm>>
        %dma_wait3A_354 = arith.constant 0 : i32
        %dma_wait3A_355 = tpu.memref_slice %arg8[%dma_wait3A_348, %dma_wait3A_354] : memref<2x80xi32, #tpu.memory_space<vmem>> -> memref<1x80xi32, #tpu.memory_space<vmem>>
        %dma_wait3A_356 = tpu.memref_squeeze %dma_wait3A_355 : memref<1x80xi32, #tpu.memory_space<vmem>> -> memref<80xi32, #tpu.memory_space<vmem>>
        %dma_wait3A_357 = arith.constant 0 : i32
        %dma_wait3A_358 = tpu.memref_slice %arg4[%dma_wait3A_357] : memref<320000xi32, #tpu.memory_space<hbm>> -> memref<80xi32, #tpu.memory_space<hbm>>
        tpu.wait_dma2 semaphore(%arg26 : memref<!tpu.dma_semaphore, #tpu.memory_space<semaphore_mem>>) src(%dma_wait3A_358 : memref<80xi32, #tpu.memory_space<hbm>>) dst(%dma_wait3A_356 : memref<80xi32, #tpu.memory_space<vmem>>)
        %dma_wait3A_359 = arith.constant 1 : i32
        %dma_wait3A_360 = arith.constant 0 : i32
        %dma_wait3A_361 = tpu.memref_slice %arg9[%dma_wait3A_359, %dma_wait3A_360] : memref<2x80xi32, #tpu.memory_space<vmem>> -> memref<1x80xi32, #tpu.memory_space<vmem>>
        %dma_wait3A_362 = tpu.memref_squeeze %dma_wait3A_361 : memref<1x80xi32, #tpu.memory_space<vmem>> -> memref<80xi32, #tpu.memory_space<vmem>>
        %dma_wait3A_363 = arith.constant 0 : i32
        %dma_wait3A_364 = tpu.memref_slice %arg4[%dma_wait3A_363] : memref<320000xi32, #tpu.memory_space<hbm>> -> memref<80xi32, #tpu.memory_space<hbm>>
        %dma_wait3A_365 = arith.constant 0 : i32
        %dma_wait3A_366 = tpu.memref_slice %arg9[%dma_wait3A_359, %dma_wait3A_365] : memref<2x80xi32, #tpu.memory_space<vmem>> -> memref<1x80xi32, #tpu.memory_space<vmem>>
        %dma_wait3A_367 = tpu.memref_squeeze %dma_wait3A_366 : memref<1x80xi32, #tpu.memory_space<vmem>> -> memref<80xi32, #tpu.memory_space<vmem>>
        %dma_wait3A_368 = arith.constant 0 : i32
        %dma_wait3A_369 = tpu.memref_slice %arg4[%dma_wait3A_368] : memref<320000xi32, #tpu.memory_space<hbm>> -> memref<80xi32, #tpu.memory_space<hbm>>
        tpu.wait_dma2 semaphore(%arg26 : memref<!tpu.dma_semaphore, #tpu.memory_space<semaphore_mem>>) src(%dma_wait3A_369 : memref<80xi32, #tpu.memory_space<hbm>>) dst(%dma_wait3A_367 : memref<80xi32, #tpu.memory_space<vmem>>)
        %dma_start3A_370 = arith.constant 1 : i32
        %dma_start3A_371 = arith.constant 1 : i32
        %dma_start3A_372 = arith.constant 0 : i32
        %dma_start3A_373 = arith.constant 0 : i32
        %dma_start3A_374 = tpu.memref_slice %arg12[%dma_start3A_371, %dma_start3A_372, %dma_start3A_373] : memref<2x80x128xf32, #tpu.memory_space<vmem>> -> memref<1x80x128xf32, #tpu.memory_space<vmem>>
        %dma_start3A_375 = tpu.memref_squeeze %dma_start3A_374 : memref<1x80x128xf32, #tpu.memory_space<vmem>> -> memref<80x128xf32, #tpu.memory_space<vmem>>
        %dma_start3A_376 = arith.constant 0 : i32
        %dma_start3A_377 = tpu.memref_slice %arg8[%dma_start3A_370, %dma_start3A_376] : memref<2x80xi32, #tpu.memory_space<vmem>> -> memref<1x80xi32, #tpu.memory_space<vmem>>
        %dma_start3A_378 = tpu.memref_squeeze %dma_start3A_377 : memref<1x80xi32, #tpu.memory_space<vmem>> -> memref<80xi32, #tpu.memory_space<vmem>>
        %dma_start3A_379 = arith.constant 0 : i32
        %dma_start3A_380 = arith.constant 0 : i32
        %dma_start3A_381 = tpu.memref_slice %arg2[%arg0, %dma_start3A_379, %dma_start3A_380] : memref<2x10000x128xf32, #tpu.memory_space<hbm>> -> memref<1x10000x128xf32, #tpu.memory_space<hbm>>
        %dma_start3A_382 = tpu.memref_squeeze %dma_start3A_381 : memref<1x10000x128xf32, #tpu.memory_space<hbm>> -> memref<10000x128xf32, #tpu.memory_space<hbm>>
        %dma_start3A_383 = arith.constant 0 : i32
        %dma_start3A_384 = arith.constant 0 : i32
        %dma_start3A_385 = tpu.memref_slice %dma_start3A_382[%dma_start3A_383, %dma_start3A_384] : memref<10000x128xf32, #tpu.memory_space<hbm>> -> memref<10000x128xf32, #tpu.memory_space<hbm>>
        tpu.enqueue_indirect_dma source(%dma_start3A_385 : memref<10000x128xf32, #tpu.memory_space<hbm>>) target(%dma_start3A_375 : memref<80x128xf32, #tpu.memory_space<vmem>>) offsets(%dma_start3A_378 : memref<80xi32, #tpu.memory_space<vmem>>) semaphore(%arg18 : memref<!tpu.dma_semaphore, #tpu.memory_space<semaphore_mem>>)
        %dma_start3A_386 = arith.constant 1 : i32
        %dma_start3A_387 = arith.constant 1 : i32
        %dma_start3A_388 = arith.constant 0 : i32
        %dma_start3A_389 = arith.constant 0 : i32
        %dma_start3A_390 = tpu.memref_slice %arg13[%dma_start3A_387, %dma_start3A_388, %dma_start3A_389] : memref<2x80x128xf32, #tpu.memory_space<vmem>> -> memref<1x80x128xf32, #tpu.memory_space<vmem>>
        %dma_start3A_391 = tpu.memref_squeeze %dma_start3A_390 : memref<1x80x128xf32, #tpu.memory_space<vmem>> -> memref<80x128xf32, #tpu.memory_space<vmem>>
        %dma_start3A_392 = arith.constant 0 : i32
        %dma_start3A_393 = tpu.memref_slice %arg9[%dma_start3A_386, %dma_start3A_392] : memref<2x80xi32, #tpu.memory_space<vmem>> -> memref<1x80xi32, #tpu.memory_space<vmem>>
        %dma_start3A_394 = tpu.memref_squeeze %dma_start3A_393 : memref<1x80xi32, #tpu.memory_space<vmem>> -> memref<80xi32, #tpu.memory_space<vmem>>
        %dma_start3A_395 = arith.constant 0 : i32
        %dma_start3A_396 = arith.constant 0 : i32
        %dma_start3A_397 = tpu.memref_slice %arg3[%arg0, %dma_start3A_395, %dma_start3A_396] : memref<2x10000x128xf32, #tpu.memory_space<hbm>> -> memref<1x10000x128xf32, #tpu.memory_space<hbm>>
        %dma_start3A_398 = tpu.memref_squeeze %dma_start3A_397 : memref<1x10000x128xf32, #tpu.memory_space<hbm>> -> memref<10000x128xf32, #tpu.memory_space<hbm>>
        %dma_start3A_399 = arith.constant 0 : i32
        %dma_start3A_400 = arith.constant 0 : i32
        %dma_start3A_401 = tpu.memref_slice %dma_start3A_398[%dma_start3A_399, %dma_start3A_400] : memref<10000x128xf32, #tpu.memory_space<hbm>> -> memref<10000x128xf32, #tpu.memory_space<hbm>>
        tpu.enqueue_indirect_dma source(%dma_start3A_401 : memref<10000x128xf32, #tpu.memory_space<hbm>>) target(%dma_start3A_391 : memref<80x128xf32, #tpu.memory_space<vmem>>) offsets(%dma_start3A_394 : memref<80xi32, #tpu.memory_space<vmem>>) semaphore(%arg20 : memref<!tpu.dma_semaphore, #tpu.memory_space<semaphore_mem>>)
      } else {
      }
      %ge3A = arith.constant 2 : i32
      %ge3A_191 = arith.cmpi sge, %add3A_183, %ge3A : i32
      %convert_element_type3A_192 = arith.extui %ge3A_191 : i1 to i32
      %cond3A_193 = arith.constant 0 : i32
      %cond3A_194 = arith.cmpi ne, %convert_element_type3A_192, %cond3A_193 : i32
      scf.if %cond3A_194 {
        %dma_wait3A_348 = arith.constant 0 : i32
        %dma_wait3A_349 = arith.constant 0 : i32
        %dma_wait3A_350 = arith.constant 0 : i32
        %dma_wait3A_351 = tpu.memref_slice %arg14[%dma_wait3A_348, %dma_wait3A_349, %dma_wait3A_350] : memref<2x80x128xf32, #tpu.memory_space<vmem>> -> memref<1x80x128xf32, #tpu.memory_space<vmem>>
        %dma_wait3A_352 = tpu.memref_squeeze %dma_wait3A_351 : memref<1x80x128xf32, #tpu.memory_space<vmem>> -> memref<80x128xf32, #tpu.memory_space<vmem>>
        %dma_wait3A_353 = arith.constant 0 : i32
        %dma_wait3A_354 = arith.constant 0 : i32
        %dma_wait3A_355 = tpu.memref_slice %arg6[%dma_wait3A_353, %dma_wait3A_354] : memref<5000x128xf32, #tpu.memory_space<hbm>> -> memref<80x128xf32, #tpu.memory_space<hbm>>
        %dma_wait3A_356 = arith.constant 0 : i32
        %dma_wait3A_357 = arith.constant 0 : i32
        %dma_wait3A_358 = tpu.memref_slice %arg14[%dma_wait3A_348, %dma_wait3A_356, %dma_wait3A_357] : memref<2x80x128xf32, #tpu.memory_space<vmem>> -> memref<1x80x128xf32, #tpu.memory_space<vmem>>
        %dma_wait3A_359 = tpu.memref_squeeze %dma_wait3A_358 : memref<1x80x128xf32, #tpu.memory_space<vmem>> -> memref<80x128xf32, #tpu.memory_space<vmem>>
        %dma_wait3A_360 = arith.constant 0 : i32
        %dma_wait3A_361 = arith.constant 0 : i32
        %dma_wait3A_362 = tpu.memref_slice %arg6[%dma_wait3A_360, %dma_wait3A_361] : memref<5000x128xf32, #tpu.memory_space<hbm>> -> memref<80x128xf32, #tpu.memory_space<hbm>>
        tpu.wait_dma2 semaphore(%arg21 : memref<!tpu.dma_semaphore, #tpu.memory_space<semaphore_mem>>) src(%dma_wait3A_362 : memref<80x128xf32, #tpu.memory_space<hbm>>) dst(%dma_wait3A_359 : memref<80x128xf32, #tpu.memory_space<vmem>>)
        %dma_wait3A_363 = arith.constant 0 : i32
        %dma_wait3A_364 = arith.constant 0 : i32
        %dma_wait3A_365 = arith.constant 0 : i32
        %dma_wait3A_366 = tpu.memref_slice %arg15[%dma_wait3A_363, %dma_wait3A_364, %dma_wait3A_365] : memref<2x80x128xf32, #tpu.memory_space<vmem>> -> memref<1x80x128xf32, #tpu.memory_space<vmem>>
        %dma_wait3A_367 = tpu.memref_squeeze %dma_wait3A_366 : memref<1x80x128xf32, #tpu.memory_space<vmem>> -> memref<80x128xf32, #tpu.memory_space<vmem>>
        %dma_wait3A_368 = arith.constant 0 : i32
        %dma_wait3A_369 = arith.constant 0 : i32
        %dma_wait3A_370 = tpu.memref_slice %arg6[%dma_wait3A_368, %dma_wait3A_369] : memref<5000x128xf32, #tpu.memory_space<hbm>> -> memref<80x128xf32, #tpu.memory_space<hbm>>
        %dma_wait3A_371 = arith.constant 0 : i32
        %dma_wait3A_372 = arith.constant 0 : i32
        %dma_wait3A_373 = tpu.memref_slice %arg15[%dma_wait3A_363, %dma_wait3A_371, %dma_wait3A_372] : memref<2x80x128xf32, #tpu.memory_space<vmem>> -> memref<1x80x128xf32, #tpu.memory_space<vmem>>
        %dma_wait3A_374 = tpu.memref_squeeze %dma_wait3A_373 : memref<1x80x128xf32, #tpu.memory_space<vmem>> -> memref<80x128xf32, #tpu.memory_space<vmem>>
        %dma_wait3A_375 = arith.constant 0 : i32
        %dma_wait3A_376 = arith.constant 0 : i32
        %dma_wait3A_377 = tpu.memref_slice %arg6[%dma_wait3A_375, %dma_wait3A_376] : memref<5000x128xf32, #tpu.memory_space<hbm>> -> memref<80x128xf32, #tpu.memory_space<hbm>>
        tpu.wait_dma2 semaphore(%arg23 : memref<!tpu.dma_semaphore, #tpu.memory_space<semaphore_mem>>) src(%dma_wait3A_377 : memref<80x128xf32, #tpu.memory_space<hbm>>) dst(%dma_wait3A_374 : memref<80x128xf32, #tpu.memory_space<vmem>>)
      } else {
      }
      %scan3A_195 = arith.constant 0 : i32
      %scan3A_196 = arith.constant 0 : i32
      %scan3A_197 = arith.constant 5 : i32
      %scan3A_198 = arith.addi %scan3A_196, %scan3A_197 : i32
      %scan3A_199 = arith.constant 1 : i32
      scf.for %scan3A_348 = %scan3A_196 to %scan3A_198 step %scan3A_199  : i32 {
        %mul3A_349 = arith.constant 16 : i32
        %mul3A_350 = arith.muli %scan3A_348, %mul3A_349 : i32
        %get3A = arith.constant 0 : i32
        %get3A_351 = arith.index_cast %get3A : i32 to index
        %get3A_352 = arith.index_cast %mul3A_350 : i32 to index
        %get3A_353 = tpu.vector_load %arg8[%get3A_351, %get3A_352] {strides = array<i32>} : memref<2x80xi32, #tpu.memory_space<vmem>>, vector<1x16xi32>,
        %get3A_354 = vector.shape_cast %get3A_353 : vector<1x16xi32> to vector<16xi32>
        %ge3A_355 = arith.constant 5000 : i32
        %ge3A_356 = vector.broadcast %ge3A_355 : i32 to vector<16xi32>
        %ge3A_357 = arith.cmpi sge, %get3A_354, %ge3A_356 : vector<16xi32>
        %jit3A = arith.constant 5000 : i32
        %broadcast_in_dim3A_358 = vector.broadcast %jit3A : i32 to vector<16xi32>
        %select_n3A = arith.select %ge3A_357, %broadcast_in_dim3A_358, %get3A_354 : vector<16xi1>, vector<16xi32>
        %swap3A = arith.constant 0 : i32
        %swap3A_359 = arith.index_cast %swap3A : i32 to index
        %swap3A_360 = arith.index_cast %mul3A_350 : i32 to index
        %swap3A_361 = tpu.vector_load %arg10[%swap3A_359, %swap3A_360] {strides = array<i32>} : memref<2x80xi32, #tpu.memory_space<vmem>>, vector<1x16xi32>,
        %swap3A_362 = vector.shape_cast %swap3A_361 : vector<1x16xi32> to vector<16xi32>
        %swap3A_363 = vector.shape_cast %select_n3A : vector<16xi32> to vector<1x16xi32>
        tpu.vector_store %arg10[%swap3A_359, %swap3A_360], %swap3A_363 {strides = array<i32>} : memref<2x80xi32, #tpu.memory_space<vmem>>, vector<1x16xi32>,
        %sub3A = arith.constant 5000 : i32
        %sub3A_364 = vector.broadcast %sub3A : i32 to vector<16xi32>
        %sub3A_365 = arith.subi %get3A_354, %sub3A_364 : vector<16xi32>
        %jit3A_366 = arith.constant 5000 : i32
        %broadcast_in_dim3A_367 = vector.broadcast %jit3A_366 : i32 to vector<16xi32>
        %select_n3A_368 = arith.select %ge3A_357, %sub3A_365, %broadcast_in_dim3A_367 : vector<16xi1>, vector<16xi32>
        %swap3A_369 = arith.constant 0 : i32
        %swap3A_370 = arith.index_cast %swap3A_369 : i32 to index
        %swap3A_371 = arith.index_cast %mul3A_350 : i32 to index
        %swap3A_372 = tpu.vector_load %arg11[%swap3A_370, %swap3A_371] {strides = array<i32>} : memref<2x80xi32, #tpu.memory_space<vmem>>, vector<1x16xi32>,
        %swap3A_373 = vector.shape_cast %swap3A_372 : vector<1x16xi32> to vector<16xi32>
        %swap3A_374 = vector.shape_cast %select_n3A_368 : vector<16xi32> to vector<1x16xi32>
        tpu.vector_store %arg11[%swap3A_370, %swap3A_371], %swap3A_374 {strides = array<i32>} : memref<2x80xi32, #tpu.memory_space<vmem>>, vector<1x16xi32>,
      }
      %scan3A_200 = arith.constant 5 : i32
      %dma_wait3A_201 = arith.constant 0 : i32
      %dma_wait3A_202 = arith.constant 0 : i32
      %dma_wait3A_203 = arith.constant 0 : i32
      %dma_wait3A_204 = tpu.memref_slice %arg12[%dma_wait3A_201, %dma_wait3A_202, %dma_wait3A_203] : memref<2x80x128xf32, #tpu.memory_space<vmem>> -> memref<1x80x128xf32, #tpu.memory_space<vmem>>
      %dma_wait3A_205 = tpu.memref_squeeze %dma_wait3A_204 : memref<1x80x128xf32, #tpu.memory_space<vmem>> -> memref<80x128xf32, #tpu.memory_space<vmem>>
      %dma_wait3A_206 = arith.constant 0 : i32
      %dma_wait3A_207 = arith.constant 0 : i32
      %dma_wait3A_208 = tpu.memref_slice %arg6[%dma_wait3A_206, %dma_wait3A_207] : memref<5000x128xf32, #tpu.memory_space<hbm>> -> memref<80x128xf32, #tpu.memory_space<hbm>>
      %dma_wait3A_209 = arith.constant 0 : i32
      %dma_wait3A_210 = arith.constant 0 : i32
      %dma_wait3A_211 = tpu.memref_slice %arg12[%dma_wait3A_201, %dma_wait3A_209, %dma_wait3A_210] : memref<2x80x128xf32, #tpu.memory_space<vmem>> -> memref<1x80x128xf32, #tpu.memory_space<vmem>>
      %dma_wait3A_212 = tpu.memref_squeeze %dma_wait3A_211 : memref<1x80x128xf32, #tpu.memory_space<vmem>> -> memref<80x128xf32, #tpu.memory_space<vmem>>
      %dma_wait3A_213 = arith.constant 0 : i32
      %dma_wait3A_214 = arith.constant 0 : i32
      %dma_wait3A_215 = tpu.memref_slice %arg6[%dma_wait3A_213, %dma_wait3A_214] : memref<5000x128xf32, #tpu.memory_space<hbm>> -> memref<80x128xf32, #tpu.memory_space<hbm>>
      tpu.wait_dma2 semaphore(%arg17 : memref<!tpu.dma_semaphore, #tpu.memory_space<semaphore_mem>>) src(%dma_wait3A_215 : memref<80x128xf32, #tpu.memory_space<hbm>>) dst(%dma_wait3A_212 : memref<80x128xf32, #tpu.memory_space<vmem>>)
      %dma_wait3A_216 = arith.constant 0 : i32
      %dma_wait3A_217 = arith.constant 0 : i32
      %dma_wait3A_218 = arith.constant 0 : i32
      %dma_wait3A_219 = tpu.memref_slice %arg13[%dma_wait3A_216, %dma_wait3A_217, %dma_wait3A_218] : memref<2x80x128xf32, #tpu.memory_space<vmem>> -> memref<1x80x128xf32, #tpu.memory_space<vmem>>
      %dma_wait3A_220 = tpu.memref_squeeze %dma_wait3A_219 : memref<1x80x128xf32, #tpu.memory_space<vmem>> -> memref<80x128xf32, #tpu.memory_space<vmem>>
      %dma_wait3A_221 = arith.constant 0 : i32
      %dma_wait3A_222 = arith.constant 0 : i32
      %dma_wait3A_223 = tpu.memref_slice %arg6[%dma_wait3A_221, %dma_wait3A_222] : memref<5000x128xf32, #tpu.memory_space<hbm>> -> memref<80x128xf32, #tpu.memory_space<hbm>>
      %dma_wait3A_224 = arith.constant 0 : i32
      %dma_wait3A_225 = arith.constant 0 : i32
      %dma_wait3A_226 = tpu.memref_slice %arg13[%dma_wait3A_216, %dma_wait3A_224, %dma_wait3A_225] : memref<2x80x128xf32, #tpu.memory_space<vmem>> -> memref<1x80x128xf32, #tpu.memory_space<vmem>>
      %dma_wait3A_227 = tpu.memref_squeeze %dma_wait3A_226 : memref<1x80x128xf32, #tpu.memory_space<vmem>> -> memref<80x128xf32, #tpu.memory_space<vmem>>
      %dma_wait3A_228 = arith.constant 0 : i32
      %dma_wait3A_229 = arith.constant 0 : i32
      %dma_wait3A_230 = tpu.memref_slice %arg6[%dma_wait3A_228, %dma_wait3A_229] : memref<5000x128xf32, #tpu.memory_space<hbm>> -> memref<80x128xf32, #tpu.memory_space<hbm>>
      tpu.wait_dma2 semaphore(%arg19 : memref<!tpu.dma_semaphore, #tpu.memory_space<semaphore_mem>>) src(%dma_wait3A_230 : memref<80x128xf32, #tpu.memory_space<hbm>>) dst(%dma_wait3A_227 : memref<80x128xf32, #tpu.memory_space<vmem>>)
      %add3A_231 = arith.constant 2 : i32
      %add3A_232 = arith.addi %add3A_183, %add3A_231 : i32
      %lt3A_233 = arith.constant 250 : i32
      %lt3A_234 = arith.cmpi slt, %add3A_232, %lt3A_233 : i32
      %convert_element_type3A_235 = arith.extui %lt3A_234 : i1 to i32
      %cond3A_236 = arith.constant 0 : i32
      %cond3A_237 = arith.cmpi ne, %convert_element_type3A_235, %cond3A_236 : i32
      scf.if %cond3A_237 {
        %add3A_348 = arith.constant 2 : i32
        %add3A_349 = arith.addi %add3A_183, %add3A_348 : i32
        %mul3A_350 = arith.constant 20000 : i32
        %mul3A_351 = arith.muli %arg1, %mul3A_350 : i32
        %mul3A_352 = arith.constant 80 : i32
        %mul3A_353 = arith.muli %add3A_349, %mul3A_352 : i32
        %add3A_354 = arith.addi %mul3A_351, %mul3A_353 : i32
        %dma_start3A_355 = arith.constant 0 : i32
        %dma_start3A_356 = arith.constant 0 : i32
        %dma_start3A_357 = tpu.memref_slice %arg8[%dma_start3A_355, %dma_start3A_356] : memref<2x80xi32, #tpu.memory_space<vmem>> -> memref<1x80xi32, #tpu.memory_space<vmem>>
        %dma_start3A_358 = tpu.memref_squeeze %dma_start3A_357 : memref<1x80xi32, #tpu.memory_space<vmem>> -> memref<80xi32, #tpu.memory_space<vmem>>
        %dma_start3A_359 = tpu.memref_slice %arg4[%add3A_354] : memref<320000xi32, #tpu.memory_space<hbm>> -> memref<80xi32, #tpu.memory_space<hbm>>
        %dma_start3A_360 = arith.constant 0 : i32
        %dma_start3A_361 = tpu.memref_slice %arg8[%dma_start3A_355, %dma_start3A_360] : memref<2x80xi32, #tpu.memory_space<vmem>> -> memref<1x80xi32, #tpu.memory_space<vmem>>
        %dma_start3A_362 = tpu.memref_squeeze %dma_start3A_361 : memref<1x80xi32, #tpu.memory_space<vmem>> -> memref<80xi32, #tpu.memory_space<vmem>>
        %dma_start3A_363 = tpu.memref_slice %arg4[%add3A_354] : memref<320000xi32, #tpu.memory_space<hbm>> -> memref<80xi32, #tpu.memory_space<hbm>>
        tpu.enqueue_dma source(%dma_start3A_363 : memref<80xi32, #tpu.memory_space<hbm>>) target(%dma_start3A_362 : memref<80xi32, #tpu.memory_space<vmem>>) target_semaphore(%arg25 : memref<!tpu.dma_semaphore, #tpu.memory_space<semaphore_mem>>)
        %dma_start3A_364 = arith.constant 0 : i32
        %dma_start3A_365 = arith.constant 0 : i32
        %dma_start3A_366 = tpu.memref_slice %arg9[%dma_start3A_364, %dma_start3A_365] : memref<2x80xi32, #tpu.memory_space<vmem>> -> memref<1x80xi32, #tpu.memory_space<vmem>>
        %dma_start3A_367 = tpu.memref_squeeze %dma_start3A_366 : memref<1x80xi32, #tpu.memory_space<vmem>> -> memref<80xi32, #tpu.memory_space<vmem>>
        %dma_start3A_368 = tpu.memref_slice %arg5[%add3A_354] : memref<320000xi32, #tpu.memory_space<hbm>> -> memref<80xi32, #tpu.memory_space<hbm>>
        %dma_start3A_369 = arith.constant 0 : i32
        %dma_start3A_370 = tpu.memref_slice %arg9[%dma_start3A_364, %dma_start3A_369] : memref<2x80xi32, #tpu.memory_space<vmem>> -> memref<1x80xi32, #tpu.memory_space<vmem>>
        %dma_start3A_371 = tpu.memref_squeeze %dma_start3A_370 : memref<1x80xi32, #tpu.memory_space<vmem>> -> memref<80xi32, #tpu.memory_space<vmem>>
        %dma_start3A_372 = tpu.memref_slice %arg5[%add3A_354] : memref<320000xi32, #tpu.memory_space<hbm>> -> memref<80xi32, #tpu.memory_space<hbm>>
        tpu.enqueue_dma source(%dma_start3A_372 : memref<80xi32, #tpu.memory_space<hbm>>) target(%dma_start3A_371 : memref<80xi32, #tpu.memory_space<vmem>>) target_semaphore(%arg25 : memref<!tpu.dma_semaphore, #tpu.memory_space<semaphore_mem>>)
      } else {
      }
      %parallel_loop3A = arith.constant 0 : i32
      %parallel_loop3A_238 = arith.constant 80 : i32
      %parallel_loop3A_239 = arith.constant 1 : i32
      scf.for %parallel_loop3A_348 = %parallel_loop3A to %parallel_loop3A_238 step %parallel_loop3A_239  : i32 {
        %parallel_loop3A_349 = arith.constant 0 : i32
        %parallel_loop3A_350 = arith.index_cast %parallel_loop3A_349 : i32 to index
        %parallel_loop3A_351 = arith.index_cast %parallel_loop3A_348 : i32 to index
        %parallel_loop3A_352 = arith.constant 0 : index
        %parallel_loop3A_353 = tpu.vector_load %arg12[%parallel_loop3A_350, %parallel_loop3A_351, %parallel_loop3A_352] {strides = array<i32>} : memref<2x80x128xf32, #tpu.memory_space<vmem>>, vector<1x1x16xf32>,
        %parallel_loop3A_354 = vector.shape_cast %parallel_loop3A_353 : vector<1x1x16xf32> to vector<16xf32>
        %parallel_loop3A_355 = arith.constant 0 : i32
        %parallel_loop3A_356 = arith.index_cast %parallel_loop3A_355 : i32 to index
        %parallel_loop3A_357 = arith.index_cast %parallel_loop3A_348 : i32 to index
        %parallel_loop3A_358 = arith.constant 0 : index
        %parallel_loop3A_359 = tpu.vector_load %arg13[%parallel_loop3A_356, %parallel_loop3A_357, %parallel_loop3A_358] {strides = array<i32>} : memref<2x80x128xf32, #tpu.memory_space<vmem>>, vector<1x1x16xf32>,
        %parallel_loop3A_360 = vector.shape_cast %parallel_loop3A_359 : vector<1x1x16xf32> to vector<16xf32>
        %parallel_loop3A_361 = arith.addf %parallel_loop3A_354, %parallel_loop3A_360 : vector<16xf32>
        %parallel_loop3A_362 = arith.constant 0 : i32
        %parallel_loop3A_363 = arith.index_cast %parallel_loop3A_362 : i32 to index
        %parallel_loop3A_364 = arith.index_cast %parallel_loop3A_348 : i32 to index
        %parallel_loop3A_365 = arith.constant 64 : index
        %parallel_loop3A_366 = tpu.vector_load %arg12[%parallel_loop3A_363, %parallel_loop3A_364, %parallel_loop3A_365] {strides = array<i32>} : memref<2x80x128xf32, #tpu.memory_space<vmem>>, vector<1x1x16xf32>,
        %parallel_loop3A_367 = vector.shape_cast %parallel_loop3A_366 : vector<1x1x16xf32> to vector<16xf32>
        %parallel_loop3A_368 = arith.constant 0 : i32
        %parallel_loop3A_369 = arith.index_cast %parallel_loop3A_368 : i32 to index
        %parallel_loop3A_370 = arith.index_cast %parallel_loop3A_348 : i32 to index
        %parallel_loop3A_371 = arith.constant 64 : index
        %parallel_loop3A_372 = tpu.vector_load %arg13[%parallel_loop3A_369, %parallel_loop3A_370, %parallel_loop3A_371] {strides = array<i32>} : memref<2x80x128xf32, #tpu.memory_space<vmem>>, vector<1x1x16xf32>,
        %parallel_loop3A_373 = vector.shape_cast %parallel_loop3A_372 : vector<1x1x16xf32> to vector<16xf32>
        %parallel_loop3A_374 = arith.addf %parallel_loop3A_367, %parallel_loop3A_373 : vector<16xf32>
        %parallel_loop3A_375 = arith.constant 0.000000e+00 : f32
        %parallel_loop3A_376 = vector.broadcast %parallel_loop3A_375 : f32 to vector<16xf32>
        %parallel_loop3A_377 = arith.subf %parallel_loop3A_376, %parallel_loop3A_361 : vector<16xf32>
        %parallel_loop3A_378 = math.exp %parallel_loop3A_377 : vector<16xf32>
        %parallel_loop3A_379 = arith.constant 1.000000e+00 : f32
        %parallel_loop3A_380 = vector.broadcast %parallel_loop3A_379 : f32 to vector<16xf32>
        %parallel_loop3A_381 = arith.addf %parallel_loop3A_380, %parallel_loop3A_378 : vector<16xf32>
        %parallel_loop3A_382 = arith.constant 1.000000e+00 : f32
        %parallel_loop3A_383 = vector.broadcast %parallel_loop3A_382 : f32 to vector<16xf32>
        %parallel_loop3A_384 = arith.divf %parallel_loop3A_383, %parallel_loop3A_381 : vector<16xf32>
        %parallel_loop3A_385 = math.absf %parallel_loop3A_374 : vector<16xf32>
        %parallel_loop3A_386 = arith.constant 0.000000e+00 : f32
        %parallel_loop3A_387 = vector.broadcast %parallel_loop3A_386 : f32 to vector<16xf32>
        %parallel_loop3A_388 = arith.subf %parallel_loop3A_387, %parallel_loop3A_385 : vector<16xf32>
        %parallel_loop3A_389 = math.exp %parallel_loop3A_388 : vector<16xf32>
        %parallel_loop3A_390 = arith.constant 2.000000e+00 : f32
        %parallel_loop3A_391 = vector.broadcast %parallel_loop3A_390 : f32 to vector<16xf32>
        %parallel_loop3A_392 = arith.addf %parallel_loop3A_389, %parallel_loop3A_391 : vector<16xf32>
        %parallel_loop3A_393 = arith.divf %parallel_loop3A_389, %parallel_loop3A_392 : vector<16xf32>
        %parallel_loop3A_394 = arith.mulf %parallel_loop3A_393, %parallel_loop3A_393 : vector<16xf32>
        %parallel_loop3A_395 = arith.constant 2.000000e+00 : f32
        %parallel_loop3A_396 = vector.broadcast %parallel_loop3A_395 : f32 to vector<16xf32>
        %parallel_loop3A_397 = arith.mulf %parallel_loop3A_396, %parallel_loop3A_393 : vector<16xf32>
        %parallel_loop3A_398 = arith.constant 2.000000e-01 : f32
        %parallel_loop3A_399 = vector.broadcast %parallel_loop3A_398 : f32 to vector<16xf32>
        %parallel_loop3A_400 = arith.mulf %parallel_loop3A_394, %parallel_loop3A_399 : vector<16xf32>
        %parallel_loop3A_401 = arith.constant 0.333333343 : f32
        %parallel_loop3A_402 = vector.broadcast %parallel_loop3A_401 : f32 to vector<16xf32>
        %parallel_loop3A_403 = arith.addf %parallel_loop3A_402, %parallel_loop3A_400 : vector<16xf32>
        %parallel_loop3A_404 = arith.mulf %parallel_loop3A_394, %parallel_loop3A_403 : vector<16xf32>
        %parallel_loop3A_405 = arith.constant 1.000000e+00 : f32
        %parallel_loop3A_406 = vector.broadcast %parallel_loop3A_405 : f32 to vector<16xf32>
        %parallel_loop3A_407 = arith.addf %parallel_loop3A_406, %parallel_loop3A_404 : vector<16xf32>
        %parallel_loop3A_408 = arith.mulf %parallel_loop3A_397, %parallel_loop3A_407 : vector<16xf32>
        %parallel_loop3A_409 = arith.constant 0.000000e+00 : f32
        %parallel_loop3A_410 = vector.broadcast %parallel_loop3A_409 : f32 to vector<16xf32>
        %parallel_loop3A_411 = arith.maximumf %parallel_loop3A_374, %parallel_loop3A_410 : vector<16xf32>
        %parallel_loop3A_412 = arith.addf %parallel_loop3A_411, %parallel_loop3A_408 : vector<16xf32>
        %parallel_loop3A_413 = arith.mulf %parallel_loop3A_384, %parallel_loop3A_412 : vector<16xf32>
        %parallel_loop3A_414 = arith.constant 0 : i32
        %parallel_loop3A_415 = arith.index_cast %parallel_loop3A_414 : i32 to index
        %parallel_loop3A_416 = arith.index_cast %parallel_loop3A_348 : i32 to index
        %parallel_loop3A_417 = arith.constant 0 : index
        %parallel_loop3A_418 = tpu.vector_load %arg14[%parallel_loop3A_415, %parallel_loop3A_416, %parallel_loop3A_417] {strides = array<i32>} : memref<2x80x128xf32, #tpu.memory_space<vmem>>, vector<1x1x16xf32>,
        %parallel_loop3A_419 = vector.shape_cast %parallel_loop3A_418 : vector<1x1x16xf32> to vector<16xf32>
        %parallel_loop3A_420 = vector.shape_cast %parallel_loop3A_413 : vector<16xf32> to vector<1x1x16xf32>
        tpu.vector_store %arg14[%parallel_loop3A_415, %parallel_loop3A_416, %parallel_loop3A_417], %parallel_loop3A_420 {strides = array<i32>} : memref<2x80x128xf32, #tpu.memory_space<vmem>>, vector<1x1x16xf32>,
        %parallel_loop3A_421 = arith.constant 0 : i32
        %parallel_loop3A_422 = arith.index_cast %parallel_loop3A_421 : i32 to index
        %parallel_loop3A_423 = arith.index_cast %parallel_loop3A_348 : i32 to index
        %parallel_loop3A_424 = arith.constant 64 : index
        %parallel_loop3A_425 = tpu.vector_load %arg15[%parallel_loop3A_422, %parallel_loop3A_423, %parallel_loop3A_424] {strides = array<i32>} : memref<2x80x128xf32, #tpu.memory_space<vmem>>, vector<1x1x16xf32>,
        %parallel_loop3A_426 = vector.shape_cast %parallel_loop3A_425 : vector<1x1x16xf32> to vector<16xf32>
        %parallel_loop3A_427 = vector.shape_cast %parallel_loop3A_413 : vector<16xf32> to vector<1x1x16xf32>
        tpu.vector_store %arg15[%parallel_loop3A_422, %parallel_loop3A_423, %parallel_loop3A_424], %parallel_loop3A_427 {strides = array<i32>} : memref<2x80x128xf32, #tpu.memory_space<vmem>>, vector<1x1x16xf32>,
        %parallel_loop3A_428 = arith.constant 0 : i32
        %parallel_loop3A_429 = arith.index_cast %parallel_loop3A_428 : i32 to index
        %parallel_loop3A_430 = arith.index_cast %parallel_loop3A_348 : i32 to index
        %parallel_loop3A_431 = arith.constant 16 : index
        %parallel_loop3A_432 = tpu.vector_load %arg12[%parallel_loop3A_429, %parallel_loop3A_430, %parallel_loop3A_431] {strides = array<i32>} : memref<2x80x128xf32, #tpu.memory_space<vmem>>, vector<1x1x16xf32>,
        %parallel_loop3A_433 = vector.shape_cast %parallel_loop3A_432 : vector<1x1x16xf32> to vector<16xf32>
        %parallel_loop3A_434 = arith.constant 0 : i32
        %parallel_loop3A_435 = arith.index_cast %parallel_loop3A_434 : i32 to index
        %parallel_loop3A_436 = arith.index_cast %parallel_loop3A_348 : i32 to index
        %parallel_loop3A_437 = arith.constant 16 : index
        %parallel_loop3A_438 = tpu.vector_load %arg13[%parallel_loop3A_435, %parallel_loop3A_436, %parallel_loop3A_437] {strides = array<i32>} : memref<2x80x128xf32, #tpu.memory_space<vmem>>, vector<1x1x16xf32>,
        %parallel_loop3A_439 = vector.shape_cast %parallel_loop3A_438 : vector<1x1x16xf32> to vector<16xf32>
        %parallel_loop3A_440 = arith.addf %parallel_loop3A_433, %parallel_loop3A_439 : vector<16xf32>
        %parallel_loop3A_441 = arith.constant 0 : i32
        %parallel_loop3A_442 = arith.index_cast %parallel_loop3A_441 : i32 to index
        %parallel_loop3A_443 = arith.index_cast %parallel_loop3A_348 : i32 to index
        %parallel_loop3A_444 = arith.constant 80 : index
        %parallel_loop3A_445 = tpu.vector_load %arg12[%parallel_loop3A_442, %parallel_loop3A_443, %parallel_loop3A_444] {strides = array<i32>} : memref<2x80x128xf32, #tpu.memory_space<vmem>>, vector<1x1x16xf32>,
        %parallel_loop3A_446 = vector.shape_cast %parallel_loop3A_445 : vector<1x1x16xf32> to vector<16xf32>
        %parallel_loop3A_447 = arith.constant 0 : i32
        %parallel_loop3A_448 = arith.index_cast %parallel_loop3A_447 : i32 to index
        %parallel_loop3A_449 = arith.index_cast %parallel_loop3A_348 : i32 to index
        %parallel_loop3A_450 = arith.constant 80 : index
        %parallel_loop3A_451 = tpu.vector_load %arg13[%parallel_loop3A_448, %parallel_loop3A_449, %parallel_loop3A_450] {strides = array<i32>} : memref<2x80x128xf32, #tpu.memory_space<vmem>>, vector<1x1x16xf32>,
        %parallel_loop3A_452 = vector.shape_cast %parallel_loop3A_451 : vector<1x1x16xf32> to vector<16xf32>
        %parallel_loop3A_453 = arith.addf %parallel_loop3A_446, %parallel_loop3A_452 : vector<16xf32>
        %parallel_loop3A_454 = arith.constant 0.000000e+00 : f32
        %parallel_loop3A_455 = vector.broadcast %parallel_loop3A_454 : f32 to vector<16xf32>
        %parallel_loop3A_456 = arith.subf %parallel_loop3A_455, %parallel_loop3A_440 : vector<16xf32>
        %parallel_loop3A_457 = math.exp %parallel_loop3A_456 : vector<16xf32>
        %parallel_loop3A_458 = arith.constant 1.000000e+00 : f32
        %parallel_loop3A_459 = vector.broadcast %parallel_loop3A_458 : f32 to vector<16xf32>
        %parallel_loop3A_460 = arith.addf %parallel_loop3A_459, %parallel_loop3A_457 : vector<16xf32>
        %parallel_loop3A_461 = arith.constant 1.000000e+00 : f32
        %parallel_loop3A_462 = vector.broadcast %parallel_loop3A_461 : f32 to vector<16xf32>
        %parallel_loop3A_463 = arith.divf %parallel_loop3A_462, %parallel_loop3A_460 : vector<16xf32>
        %parallel_loop3A_464 = math.absf %parallel_loop3A_453 : vector<16xf32>
        %parallel_loop3A_465 = arith.constant 0.000000e+00 : f32
        %parallel_loop3A_466 = vector.broadcast %parallel_loop3A_465 : f32 to vector<16xf32>
        %parallel_loop3A_467 = arith.subf %parallel_loop3A_466, %parallel_loop3A_464 : vector<16xf32>
        %parallel_loop3A_468 = math.exp %parallel_loop3A_467 : vector<16xf32>
        %parallel_loop3A_469 = arith.constant 2.000000e+00 : f32
        %parallel_loop3A_470 = vector.broadcast %parallel_loop3A_469 : f32 to vector<16xf32>
        %parallel_loop3A_471 = arith.addf %parallel_loop3A_468, %parallel_loop3A_470 : vector<16xf32>
        %parallel_loop3A_472 = arith.divf %parallel_loop3A_468, %parallel_loop3A_471 : vector<16xf32>
        %parallel_loop3A_473 = arith.mulf %parallel_loop3A_472, %parallel_loop3A_472 : vector<16xf32>
        %parallel_loop3A_474 = arith.constant 2.000000e+00 : f32
        %parallel_loop3A_475 = vector.broadcast %parallel_loop3A_474 : f32 to vector<16xf32>
        %parallel_loop3A_476 = arith.mulf %parallel_loop3A_475, %parallel_loop3A_472 : vector<16xf32>
        %parallel_loop3A_477 = arith.constant 2.000000e-01 : f32
        %parallel_loop3A_478 = vector.broadcast %parallel_loop3A_477 : f32 to vector<16xf32>
        %parallel_loop3A_479 = arith.mulf %parallel_loop3A_473, %parallel_loop3A_478 : vector<16xf32>
        %parallel_loop3A_480 = arith.constant 0.333333343 : f32
        %parallel_loop3A_481 = vector.broadcast %parallel_loop3A_480 : f32 to vector<16xf32>
        %parallel_loop3A_482 = arith.addf %parallel_loop3A_481, %parallel_loop3A_479 : vector<16xf32>
        %parallel_loop3A_483 = arith.mulf %parallel_loop3A_473, %parallel_loop3A_482 : vector<16xf32>
        %parallel_loop3A_484 = arith.constant 1.000000e+00 : f32
        %parallel_loop3A_485 = vector.broadcast %parallel_loop3A_484 : f32 to vector<16xf32>
        %parallel_loop3A_486 = arith.addf %parallel_loop3A_485, %parallel_loop3A_483 : vector<16xf32>
        %parallel_loop3A_487 = arith.mulf %parallel_loop3A_476, %parallel_loop3A_486 : vector<16xf32>
        %parallel_loop3A_488 = arith.constant 0.000000e+00 : f32
        %parallel_loop3A_489 = vector.broadcast %parallel_loop3A_488 : f32 to vector<16xf32>
        %parallel_loop3A_490 = arith.maximumf %parallel_loop3A_453, %parallel_loop3A_489 : vector<16xf32>
        %parallel_loop3A_491 = arith.addf %parallel_loop3A_490, %parallel_loop3A_487 : vector<16xf32>
        %parallel_loop3A_492 = arith.mulf %parallel_loop3A_463, %parallel_loop3A_491 : vector<16xf32>
        %parallel_loop3A_493 = arith.constant 0 : i32
        %parallel_loop3A_494 = arith.index_cast %parallel_loop3A_493 : i32 to index
        %parallel_loop3A_495 = arith.index_cast %parallel_loop3A_348 : i32 to index
        %parallel_loop3A_496 = arith.constant 16 : index
        %parallel_loop3A_497 = tpu.vector_load %arg14[%parallel_loop3A_494, %parallel_loop3A_495, %parallel_loop3A_496] {strides = array<i32>} : memref<2x80x128xf32, #tpu.memory_space<vmem>>, vector<1x1x16xf32>,
        %parallel_loop3A_498 = vector.shape_cast %parallel_loop3A_497 : vector<1x1x16xf32> to vector<16xf32>
        %parallel_loop3A_499 = vector.shape_cast %parallel_loop3A_492 : vector<16xf32> to vector<1x1x16xf32>
        tpu.vector_store %arg14[%parallel_loop3A_494, %parallel_loop3A_495, %parallel_loop3A_496], %parallel_loop3A_499 {strides = array<i32>} : memref<2x80x128xf32, #tpu.memory_space<vmem>>, vector<1x1x16xf32>,
        %parallel_loop3A_500 = arith.constant 0 : i32
        %parallel_loop3A_501 = arith.index_cast %parallel_loop3A_500 : i32 to index
        %parallel_loop3A_502 = arith.index_cast %parallel_loop3A_348 : i32 to index
        %parallel_loop3A_503 = arith.constant 80 : index
        %parallel_loop3A_504 = tpu.vector_load %arg15[%parallel_loop3A_501, %parallel_loop3A_502, %parallel_loop3A_503] {strides = array<i32>} : memref<2x80x128xf32, #tpu.memory_space<vmem>>, vector<1x1x16xf32>,
        %parallel_loop3A_505 = vector.shape_cast %parallel_loop3A_504 : vector<1x1x16xf32> to vector<16xf32>
        %parallel_loop3A_506 = vector.shape_cast %parallel_loop3A_492 : vector<16xf32> to vector<1x1x16xf32>
        tpu.vector_store %arg15[%parallel_loop3A_501, %parallel_loop3A_502, %parallel_loop3A_503], %parallel_loop3A_506 {strides = array<i32>} : memref<2x80x128xf32, #tpu.memory_space<vmem>>, vector<1x1x16xf32>,
        %parallel_loop3A_507 = arith.constant 0 : i32
        %parallel_loop3A_508 = arith.index_cast %parallel_loop3A_507 : i32 to index
        %parallel_loop3A_509 = arith.index_cast %parallel_loop3A_348 : i32 to index
        %parallel_loop3A_510 = arith.constant 32 : index
        %parallel_loop3A_511 = tpu.vector_load %arg12[%parallel_loop3A_508, %parallel_loop3A_509, %parallel_loop3A_510] {strides = array<i32>} : memref<2x80x128xf32, #tpu.memory_space<vmem>>, vector<1x1x16xf32>,
        %parallel_loop3A_512 = vector.shape_cast %parallel_loop3A_511 : vector<1x1x16xf32> to vector<16xf32>
        %parallel_loop3A_513 = arith.constant 0 : i32
        %parallel_loop3A_514 = arith.index_cast %parallel_loop3A_513 : i32 to index
        %parallel_loop3A_515 = arith.index_cast %parallel_loop3A_348 : i32 to index
        %parallel_loop3A_516 = arith.constant 32 : index
        %parallel_loop3A_517 = tpu.vector_load %arg13[%parallel_loop3A_514, %parallel_loop3A_515, %parallel_loop3A_516] {strides = array<i32>} : memref<2x80x128xf32, #tpu.memory_space<vmem>>, vector<1x1x16xf32>,
        %parallel_loop3A_518 = vector.shape_cast %parallel_loop3A_517 : vector<1x1x16xf32> to vector<16xf32>
        %parallel_loop3A_519 = arith.addf %parallel_loop3A_512, %parallel_loop3A_518 : vector<16xf32>
        %parallel_loop3A_520 = arith.constant 0 : i32
        %parallel_loop3A_521 = arith.index_cast %parallel_loop3A_520 : i32 to index
        %parallel_loop3A_522 = arith.index_cast %parallel_loop3A_348 : i32 to index
        %parallel_loop3A_523 = arith.constant 96 : index
        %parallel_loop3A_524 = tpu.vector_load %arg12[%parallel_loop3A_521, %parallel_loop3A_522, %parallel_loop3A_523] {strides = array<i32>} : memref<2x80x128xf32, #tpu.memory_space<vmem>>, vector<1x1x16xf32>,
        %parallel_loop3A_525 = vector.shape_cast %parallel_loop3A_524 : vector<1x1x16xf32> to vector<16xf32>
        %parallel_loop3A_526 = arith.constant 0 : i32
        %parallel_loop3A_527 = arith.index_cast %parallel_loop3A_526 : i32 to index
        %parallel_loop3A_528 = arith.index_cast %parallel_loop3A_348 : i32 to index
        %parallel_loop3A_529 = arith.constant 96 : index
        %parallel_loop3A_530 = tpu.vector_load %arg13[%parallel_loop3A_527, %parallel_loop3A_528, %parallel_loop3A_529] {strides = array<i32>} : memref<2x80x128xf32, #tpu.memory_space<vmem>>, vector<1x1x16xf32>,
        %parallel_loop3A_531 = vector.shape_cast %parallel_loop3A_530 : vector<1x1x16xf32> to vector<16xf32>
        %parallel_loop3A_532 = arith.addf %parallel_loop3A_525, %parallel_loop3A_531 : vector<16xf32>
        %parallel_loop3A_533 = arith.constant 0.000000e+00 : f32
        %parallel_loop3A_534 = vector.broadcast %parallel_loop3A_533 : f32 to vector<16xf32>
        %parallel_loop3A_535 = arith.subf %parallel_loop3A_534, %parallel_loop3A_519 : vector<16xf32>
        %parallel_loop3A_536 = math.exp %parallel_loop3A_535 : vector<16xf32>
        %parallel_loop3A_537 = arith.constant 1.000000e+00 : f32
        %parallel_loop3A_538 = vector.broadcast %parallel_loop3A_537 : f32 to vector<16xf32>
        %parallel_loop3A_539 = arith.addf %parallel_loop3A_538, %parallel_loop3A_536 : vector<16xf32>
        %parallel_loop3A_540 = arith.constant 1.000000e+00 : f32
        %parallel_loop3A_541 = vector.broadcast %parallel_loop3A_540 : f32 to vector<16xf32>
        %parallel_loop3A_542 = arith.divf %parallel_loop3A_541, %parallel_loop3A_539 : vector<16xf32>
        %parallel_loop3A_543 = math.absf %parallel_loop3A_532 : vector<16xf32>
        %parallel_loop3A_544 = arith.constant 0.000000e+00 : f32
        %parallel_loop3A_545 = vector.broadcast %parallel_loop3A_544 : f32 to vector<16xf32>
        %parallel_loop3A_546 = arith.subf %parallel_loop3A_545, %parallel_loop3A_543 : vector<16xf32>
        %parallel_loop3A_547 = math.exp %parallel_loop3A_546 : vector<16xf32>
        %parallel_loop3A_548 = arith.constant 2.000000e+00 : f32
        %parallel_loop3A_549 = vector.broadcast %parallel_loop3A_548 : f32 to vector<16xf32>
        %parallel_loop3A_550 = arith.addf %parallel_loop3A_547, %parallel_loop3A_549 : vector<16xf32>
        %parallel_loop3A_551 = arith.divf %parallel_loop3A_547, %parallel_loop3A_550 : vector<16xf32>
        %parallel_loop3A_552 = arith.mulf %parallel_loop3A_551, %parallel_loop3A_551 : vector<16xf32>
        %parallel_loop3A_553 = arith.constant 2.000000e+00 : f32
        %parallel_loop3A_554 = vector.broadcast %parallel_loop3A_553 : f32 to vector<16xf32>
        %parallel_loop3A_555 = arith.mulf %parallel_loop3A_554, %parallel_loop3A_551 : vector<16xf32>
        %parallel_loop3A_556 = arith.constant 2.000000e-01 : f32
        %parallel_loop3A_557 = vector.broadcast %parallel_loop3A_556 : f32 to vector<16xf32>
        %parallel_loop3A_558 = arith.mulf %parallel_loop3A_552, %parallel_loop3A_557 : vector<16xf32>
        %parallel_loop3A_559 = arith.constant 0.333333343 : f32
        %parallel_loop3A_560 = vector.broadcast %parallel_loop3A_559 : f32 to vector<16xf32>
        %parallel_loop3A_561 = arith.addf %parallel_loop3A_560, %parallel_loop3A_558 : vector<16xf32>
        %parallel_loop3A_562 = arith.mulf %parallel_loop3A_552, %parallel_loop3A_561 : vector<16xf32>
        %parallel_loop3A_563 = arith.constant 1.000000e+00 : f32
        %parallel_loop3A_564 = vector.broadcast %parallel_loop3A_563 : f32 to vector<16xf32>
        %parallel_loop3A_565 = arith.addf %parallel_loop3A_564, %parallel_loop3A_562 : vector<16xf32>
        %parallel_loop3A_566 = arith.mulf %parallel_loop3A_555, %parallel_loop3A_565 : vector<16xf32>
        %parallel_loop3A_567 = arith.constant 0.000000e+00 : f32
        %parallel_loop3A_568 = vector.broadcast %parallel_loop3A_567 : f32 to vector<16xf32>
        %parallel_loop3A_569 = arith.maximumf %parallel_loop3A_532, %parallel_loop3A_568 : vector<16xf32>
        %parallel_loop3A_570 = arith.addf %parallel_loop3A_569, %parallel_loop3A_566 : vector<16xf32>
        %parallel_loop3A_571 = arith.mulf %parallel_loop3A_542, %parallel_loop3A_570 : vector<16xf32>
        %parallel_loop3A_572 = arith.constant 0 : i32
        %parallel_loop3A_573 = arith.index_cast %parallel_loop3A_572 : i32 to index
        %parallel_loop3A_574 = arith.index_cast %parallel_loop3A_348 : i32 to index
        %parallel_loop3A_575 = arith.constant 32 : index
        %parallel_loop3A_576 = tpu.vector_load %arg14[%parallel_loop3A_573, %parallel_loop3A_574, %parallel_loop3A_575] {strides = array<i32>} : memref<2x80x128xf32, #tpu.memory_space<vmem>>, vector<1x1x16xf32>,
        %parallel_loop3A_577 = vector.shape_cast %parallel_loop3A_576 : vector<1x1x16xf32> to vector<16xf32>
        %parallel_loop3A_578 = vector.shape_cast %parallel_loop3A_571 : vector<16xf32> to vector<1x1x16xf32>
        tpu.vector_store %arg14[%parallel_loop3A_573, %parallel_loop3A_574, %parallel_loop3A_575], %parallel_loop3A_578 {strides = array<i32>} : memref<2x80x128xf32, #tpu.memory_space<vmem>>, vector<1x1x16xf32>,
        %parallel_loop3A_579 = arith.constant 0 : i32
        %parallel_loop3A_580 = arith.index_cast %parallel_loop3A_579 : i32 to index
        %parallel_loop3A_581 = arith.index_cast %parallel_loop3A_348 : i32 to index
        %parallel_loop3A_582 = arith.constant 96 : index
        %parallel_loop3A_583 = tpu.vector_load %arg15[%parallel_loop3A_580, %parallel_loop3A_581, %parallel_loop3A_582] {strides = array<i32>} : memref<2x80x128xf32, #tpu.memory_space<vmem>>, vector<1x1x16xf32>,
        %parallel_loop3A_584 = vector.shape_cast %parallel_loop3A_583 : vector<1x1x16xf32> to vector<16xf32>
        %parallel_loop3A_585 = vector.shape_cast %parallel_loop3A_571 : vector<16xf32> to vector<1x1x16xf32>
        tpu.vector_store %arg15[%parallel_loop3A_580, %parallel_loop3A_581, %parallel_loop3A_582], %parallel_loop3A_585 {strides = array<i32>} : memref<2x80x128xf32, #tpu.memory_space<vmem>>, vector<1x1x16xf32>,
        %parallel_loop3A_586 = arith.constant 0 : i32
        %parallel_loop3A_587 = arith.index_cast %parallel_loop3A_586 : i32 to index
        %parallel_loop3A_588 = arith.index_cast %parallel_loop3A_348 : i32 to index
        %parallel_loop3A_589 = arith.constant 48 : index
        %parallel_loop3A_590 = tpu.vector_load %arg12[%parallel_loop3A_587, %parallel_loop3A_588, %parallel_loop3A_589] {strides = array<i32>} : memref<2x80x128xf32, #tpu.memory_space<vmem>>, vector<1x1x16xf32>,
        %parallel_loop3A_591 = vector.shape_cast %parallel_loop3A_590 : vector<1x1x16xf32> to vector<16xf32>
        %parallel_loop3A_592 = arith.constant 0 : i32
        %parallel_loop3A_593 = arith.index_cast %parallel_loop3A_592 : i32 to index
        %parallel_loop3A_594 = arith.index_cast %parallel_loop3A_348 : i32 to index
        %parallel_loop3A_595 = arith.constant 48 : index
        %parallel_loop3A_596 = tpu.vector_load %arg13[%parallel_loop3A_593, %parallel_loop3A_594, %parallel_loop3A_595] {strides = array<i32>} : memref<2x80x128xf32, #tpu.memory_space<vmem>>, vector<1x1x16xf32>,
        %parallel_loop3A_597 = vector.shape_cast %parallel_loop3A_596 : vector<1x1x16xf32> to vector<16xf32>
        %parallel_loop3A_598 = arith.addf %parallel_loop3A_591, %parallel_loop3A_597 : vector<16xf32>
        %parallel_loop3A_599 = arith.constant 0 : i32
        %parallel_loop3A_600 = arith.index_cast %parallel_loop3A_599 : i32 to index
        %parallel_loop3A_601 = arith.index_cast %parallel_loop3A_348 : i32 to index
        %parallel_loop3A_602 = arith.constant 112 : index
        %parallel_loop3A_603 = tpu.vector_load %arg12[%parallel_loop3A_600, %parallel_loop3A_601, %parallel_loop3A_602] {strides = array<i32>} : memref<2x80x128xf32, #tpu.memory_space<vmem>>, vector<1x1x16xf32>,
        %parallel_loop3A_604 = vector.shape_cast %parallel_loop3A_603 : vector<1x1x16xf32> to vector<16xf32>
        %parallel_loop3A_605 = arith.constant 0 : i32
        %parallel_loop3A_606 = arith.index_cast %parallel_loop3A_605 : i32 to index
        %parallel_loop3A_607 = arith.index_cast %parallel_loop3A_348 : i32 to index
        %parallel_loop3A_608 = arith.constant 112 : index
        %parallel_loop3A_609 = tpu.vector_load %arg13[%parallel_loop3A_606, %parallel_loop3A_607, %parallel_loop3A_608] {strides = array<i32>} : memref<2x80x128xf32, #tpu.memory_space<vmem>>, vector<1x1x16xf32>,
        %parallel_loop3A_610 = vector.shape_cast %parallel_loop3A_609 : vector<1x1x16xf32> to vector<16xf32>
        %parallel_loop3A_611 = arith.addf %parallel_loop3A_604, %parallel_loop3A_610 : vector<16xf32>
        %parallel_loop3A_612 = arith.constant 0.000000e+00 : f32
        %parallel_loop3A_613 = vector.broadcast %parallel_loop3A_612 : f32 to vector<16xf32>
        %parallel_loop3A_614 = arith.subf %parallel_loop3A_613, %parallel_loop3A_598 : vector<16xf32>
        %parallel_loop3A_615 = math.exp %parallel_loop3A_614 : vector<16xf32>
        %parallel_loop3A_616 = arith.constant 1.000000e+00 : f32
        %parallel_loop3A_617 = vector.broadcast %parallel_loop3A_616 : f32 to vector<16xf32>
        %parallel_loop3A_618 = arith.addf %parallel_loop3A_617, %parallel_loop3A_615 : vector<16xf32>
        %parallel_loop3A_619 = arith.constant 1.000000e+00 : f32
        %parallel_loop3A_620 = vector.broadcast %parallel_loop3A_619 : f32 to vector<16xf32>
        %parallel_loop3A_621 = arith.divf %parallel_loop3A_620, %parallel_loop3A_618 : vector<16xf32>
        %parallel_loop3A_622 = math.absf %parallel_loop3A_611 : vector<16xf32>
        %parallel_loop3A_623 = arith.constant 0.000000e+00 : f32
        %parallel_loop3A_624 = vector.broadcast %parallel_loop3A_623 : f32 to vector<16xf32>
        %parallel_loop3A_625 = arith.subf %parallel_loop3A_624, %parallel_loop3A_622 : vector<16xf32>
        %parallel_loop3A_626 = math.exp %parallel_loop3A_625 : vector<16xf32>
        %parallel_loop3A_627 = arith.constant 2.000000e+00 : f32
        %parallel_loop3A_628 = vector.broadcast %parallel_loop3A_627 : f32 to vector<16xf32>
        %parallel_loop3A_629 = arith.addf %parallel_loop3A_626, %parallel_loop3A_628 : vector<16xf32>
        %parallel_loop3A_630 = arith.divf %parallel_loop3A_626, %parallel_loop3A_629 : vector<16xf32>
        %parallel_loop3A_631 = arith.mulf %parallel_loop3A_630, %parallel_loop3A_630 : vector<16xf32>
        %parallel_loop3A_632 = arith.constant 2.000000e+00 : f32
        %parallel_loop3A_633 = vector.broadcast %parallel_loop3A_632 : f32 to vector<16xf32>
        %parallel_loop3A_634 = arith.mulf %parallel_loop3A_633, %parallel_loop3A_630 : vector<16xf32>
        %parallel_loop3A_635 = arith.constant 2.000000e-01 : f32
        %parallel_loop3A_636 = vector.broadcast %parallel_loop3A_635 : f32 to vector<16xf32>
        %parallel_loop3A_637 = arith.mulf %parallel_loop3A_631, %parallel_loop3A_636 : vector<16xf32>
        %parallel_loop3A_638 = arith.constant 0.333333343 : f32
        %parallel_loop3A_639 = vector.broadcast %parallel_loop3A_638 : f32 to vector<16xf32>
        %parallel_loop3A_640 = arith.addf %parallel_loop3A_639, %parallel_loop3A_637 : vector<16xf32>
        %parallel_loop3A_641 = arith.mulf %parallel_loop3A_631, %parallel_loop3A_640 : vector<16xf32>
        %parallel_loop3A_642 = arith.constant 1.000000e+00 : f32
        %parallel_loop3A_643 = vector.broadcast %parallel_loop3A_642 : f32 to vector<16xf32>
        %parallel_loop3A_644 = arith.addf %parallel_loop3A_643, %parallel_loop3A_641 : vector<16xf32>
        %parallel_loop3A_645 = arith.mulf %parallel_loop3A_634, %parallel_loop3A_644 : vector<16xf32>
        %parallel_loop3A_646 = arith.constant 0.000000e+00 : f32
        %parallel_loop3A_647 = vector.broadcast %parallel_loop3A_646 : f32 to vector<16xf32>
        %parallel_loop3A_648 = arith.maximumf %parallel_loop3A_611, %parallel_loop3A_647 : vector<16xf32>
        %parallel_loop3A_649 = arith.addf %parallel_loop3A_648, %parallel_loop3A_645 : vector<16xf32>
        %parallel_loop3A_650 = arith.mulf %parallel_loop3A_621, %parallel_loop3A_649 : vector<16xf32>
        %parallel_loop3A_651 = arith.constant 0 : i32
        %parallel_loop3A_652 = arith.index_cast %parallel_loop3A_651 : i32 to index
        %parallel_loop3A_653 = arith.index_cast %parallel_loop3A_348 : i32 to index
        %parallel_loop3A_654 = arith.constant 48 : index
        %parallel_loop3A_655 = tpu.vector_load %arg14[%parallel_loop3A_652, %parallel_loop3A_653, %parallel_loop3A_654] {strides = array<i32>} : memref<2x80x128xf32, #tpu.memory_space<vmem>>, vector<1x1x16xf32>,
        %parallel_loop3A_656 = vector.shape_cast %parallel_loop3A_655 : vector<1x1x16xf32> to vector<16xf32>
        %parallel_loop3A_657 = vector.shape_cast %parallel_loop3A_650 : vector<16xf32> to vector<1x1x16xf32>
        tpu.vector_store %arg14[%parallel_loop3A_652, %parallel_loop3A_653, %parallel_loop3A_654], %parallel_loop3A_657 {strides = array<i32>} : memref<2x80x128xf32, #tpu.memory_space<vmem>>, vector<1x1x16xf32>,
        %parallel_loop3A_658 = arith.constant 0 : i32
        %parallel_loop3A_659 = arith.index_cast %parallel_loop3A_658 : i32 to index
        %parallel_loop3A_660 = arith.index_cast %parallel_loop3A_348 : i32 to index
        %parallel_loop3A_661 = arith.constant 112 : index
        %parallel_loop3A_662 = tpu.vector_load %arg15[%parallel_loop3A_659, %parallel_loop3A_660, %parallel_loop3A_661] {strides = array<i32>} : memref<2x80x128xf32, #tpu.memory_space<vmem>>, vector<1x1x16xf32>,
        %parallel_loop3A_663 = vector.shape_cast %parallel_loop3A_662 : vector<1x1x16xf32> to vector<16xf32>
        %parallel_loop3A_664 = vector.shape_cast %parallel_loop3A_650 : vector<16xf32> to vector<1x1x16xf32>
        tpu.vector_store %arg15[%parallel_loop3A_659, %parallel_loop3A_660, %parallel_loop3A_661], %parallel_loop3A_664 {strides = array<i32>} : memref<2x80x128xf32, #tpu.memory_space<vmem>>, vector<1x1x16xf32>,
      } {sc.loop_unroll_factor = 2 : i64, sc.parallel_access}
      %dma_start3A_240 = arith.constant 0 : i32
      %dma_start3A_241 = arith.constant 0 : i32
      %dma_start3A_242 = arith.constant 0 : i32
      %dma_start3A_243 = arith.constant 0 : i32
      %dma_start3A_244 = tpu.memref_slice %arg14[%dma_start3A_240, %dma_start3A_242, %dma_start3A_243] : memref<2x80x128xf32, #tpu.memory_space<vmem>> -> memref<1x80x128xf32, #tpu.memory_space<vmem>>
      %dma_start3A_245 = tpu.memref_squeeze %dma_start3A_244 : memref<1x80x128xf32, #tpu.memory_space<vmem>> -> memref<80x128xf32, #tpu.memory_space<vmem>>
      %dma_start3A_246 = arith.constant 0 : i32
      %dma_start3A_247 = tpu.memref_slice %arg10[%dma_start3A_241, %dma_start3A_246] : memref<2x80xi32, #tpu.memory_space<vmem>> -> memref<1x80xi32, #tpu.memory_space<vmem>>
      %dma_start3A_248 = tpu.memref_squeeze %dma_start3A_247 : memref<1x80xi32, #tpu.memory_space<vmem>> -> memref<80xi32, #tpu.memory_space<vmem>>
      %dma_start3A_249 = arith.constant 0 : i32
      %dma_start3A_250 = arith.constant 0 : i32
      %dma_start3A_251 = tpu.memref_slice %arg16[%dma_start3A_249, %dma_start3A_250] : memref<5008x128xf32, #tpu.memory_space<vmem_shared>> -> memref<5008x128xf32, #tpu.memory_space<vmem_shared>>
      tpu.enqueue_indirect_dma source(%dma_start3A_245 : memref<80x128xf32, #tpu.memory_space<vmem>>) target(%dma_start3A_251 : memref<5008x128xf32, #tpu.memory_space<vmem_shared>>) offsets(%dma_start3A_248 : memref<80xi32, #tpu.memory_space<vmem>>) semaphore(%arg21 : memref<!tpu.dma_semaphore, #tpu.memory_space<semaphore_mem>>) {add = true}
      %dma_start3A_252 = arith.constant 0 : i32
      %dma_start3A_253 = arith.constant 0 : i32
      %dma_start3A_254 = arith.constant 0 : i32
      %dma_start3A_255 = arith.constant 0 : i32
      %dma_start3A_256 = tpu.memref_slice %arg15[%dma_start3A_252, %dma_start3A_254, %dma_start3A_255] : memref<2x80x128xf32, #tpu.memory_space<vmem>> -> memref<1x80x128xf32, #tpu.memory_space<vmem>>
      %dma_start3A_257 = tpu.memref_squeeze %dma_start3A_256 : memref<1x80x128xf32, #tpu.memory_space<vmem>> -> memref<80x128xf32, #tpu.memory_space<vmem>>
      %dma_start3A_258 = arith.constant 0 : i32
      %dma_start3A_259 = tpu.memref_slice %arg11[%dma_start3A_253, %dma_start3A_258] : memref<2x80xi32, #tpu.memory_space<vmem>> -> memref<1x80xi32, #tpu.memory_space<vmem>>
      %dma_start3A_260 = tpu.memref_squeeze %dma_start3A_259 : memref<1x80xi32, #tpu.memory_space<vmem>> -> memref<80xi32, #tpu.memory_space<vmem>>
      %dma_start3A_261 = arith.constant 0 : i32
      %dma_start3A_262 = arith.constant 0 : i32
      %dma_start3A_263 = tpu.memref_slice %arg16[%dma_start3A_261, %dma_start3A_262] : memref<5008x128xf32, #tpu.memory_space<vmem_shared>> -> memref<5008x128xf32, #tpu.memory_space<vmem_shared>>
      tpu.enqueue_indirect_dma source(%dma_start3A_257 : memref<80x128xf32, #tpu.memory_space<vmem>>) target(%dma_start3A_263 : memref<5008x128xf32, #tpu.memory_space<vmem_shared>>) offsets(%dma_start3A_260 : memref<80xi32, #tpu.memory_space<vmem>>) semaphore(%arg23 : memref<!tpu.dma_semaphore, #tpu.memory_space<semaphore_mem>>) {add = true}
      %add3A_264 = arith.constant 1 : i32
      %add3A_265 = arith.addi %add3A_181, %add3A_264 : i32
      %add3A_266 = arith.constant 1 : i32
      %add3A_267 = arith.addi %add3A_265, %add3A_266 : i32
      %lt3A_268 = arith.constant 250 : i32
      %lt3A_269 = arith.cmpi slt, %add3A_267, %lt3A_268 : i32
      %convert_element_type3A_270 = arith.extui %lt3A_269 : i1 to i32
      %cond3A_271 = arith.constant 0 : i32
      %cond3A_272 = arith.cmpi ne, %convert_element_type3A_270, %cond3A_271 : i32
      scf.if %cond3A_272 {
        %dma_wait3A_348 = arith.constant 0 : i32
        %dma_wait3A_349 = arith.constant 0 : i32
        %dma_wait3A_350 = tpu.memref_slice %arg8[%dma_wait3A_348, %dma_wait3A_349] : memref<2x80xi32, #tpu.memory_space<vmem>> -> memref<1x80xi32, #tpu.memory_space<vmem>>
        %dma_wait3A_351 = tpu.memref_squeeze %dma_wait3A_350 : memref<1x80xi32, #tpu.memory_space<vmem>> -> memref<80xi32, #tpu.memory_space<vmem>>
        %dma_wait3A_352 = arith.constant 0 : i32
        %dma_wait3A_353 = tpu.memref_slice %arg4[%dma_wait3A_352] : memref<320000xi32, #tpu.memory_space<hbm>> -> memref<80xi32, #tpu.memory_space<hbm>>
        %dma_wait3A_354 = arith.constant 0 : i32
        %dma_wait3A_355 = tpu.memref_slice %arg8[%dma_wait3A_348, %dma_wait3A_354] : memref<2x80xi32, #tpu.memory_space<vmem>> -> memref<1x80xi32, #tpu.memory_space<vmem>>
        %dma_wait3A_356 = tpu.memref_squeeze %dma_wait3A_355 : memref<1x80xi32, #tpu.memory_space<vmem>> -> memref<80xi32, #tpu.memory_space<vmem>>
        %dma_wait3A_357 = arith.constant 0 : i32
        %dma_wait3A_358 = tpu.memref_slice %arg4[%dma_wait3A_357] : memref<320000xi32, #tpu.memory_space<hbm>> -> memref<80xi32, #tpu.memory_space<hbm>>
        tpu.wait_dma2 semaphore(%arg25 : memref<!tpu.dma_semaphore, #tpu.memory_space<semaphore_mem>>) src(%dma_wait3A_358 : memref<80xi32, #tpu.memory_space<hbm>>) dst(%dma_wait3A_356 : memref<80xi32, #tpu.memory_space<vmem>>)
        %dma_wait3A_359 = arith.constant 0 : i32
        %dma_wait3A_360 = arith.constant 0 : i32
        %dma_wait3A_361 = tpu.memref_slice %arg9[%dma_wait3A_359, %dma_wait3A_360] : memref<2x80xi32, #tpu.memory_space<vmem>> -> memref<1x80xi32, #tpu.memory_space<vmem>>
        %dma_wait3A_362 = tpu.memref_squeeze %dma_wait3A_361 : memref<1x80xi32, #tpu.memory_space<vmem>> -> memref<80xi32, #tpu.memory_space<vmem>>
        %dma_wait3A_363 = arith.constant 0 : i32
        %dma_wait3A_364 = tpu.memref_slice %arg4[%dma_wait3A_363] : memref<320000xi32, #tpu.memory_space<hbm>> -> memref<80xi32, #tpu.memory_space<hbm>>
        %dma_wait3A_365 = arith.constant 0 : i32
        %dma_wait3A_366 = tpu.memref_slice %arg9[%dma_wait3A_359, %dma_wait3A_365] : memref<2x80xi32, #tpu.memory_space<vmem>> -> memref<1x80xi32, #tpu.memory_space<vmem>>
        %dma_wait3A_367 = tpu.memref_squeeze %dma_wait3A_366 : memref<1x80xi32, #tpu.memory_space<vmem>> -> memref<80xi32, #tpu.memory_space<vmem>>
        %dma_wait3A_368 = arith.constant 0 : i32
        %dma_wait3A_369 = tpu.memref_slice %arg4[%dma_wait3A_368] : memref<320000xi32, #tpu.memory_space<hbm>> -> memref<80xi32, #tpu.memory_space<hbm>>
        tpu.wait_dma2 semaphore(%arg25 : memref<!tpu.dma_semaphore, #tpu.memory_space<semaphore_mem>>) src(%dma_wait3A_369 : memref<80xi32, #tpu.memory_space<hbm>>) dst(%dma_wait3A_367 : memref<80xi32, #tpu.memory_space<vmem>>)
        %dma_start3A_370 = arith.constant 0 : i32
        %dma_start3A_371 = arith.constant 0 : i32
        %dma_start3A_372 = arith.constant 0 : i32
        %dma_start3A_373 = arith.constant 0 : i32
        %dma_start3A_374 = tpu.memref_slice %arg12[%dma_start3A_371, %dma_start3A_372, %dma_start3A_373] : memref<2x80x128xf32, #tpu.memory_space<vmem>> -> memref<1x80x128xf32, #tpu.memory_space<vmem>>
        %dma_start3A_375 = tpu.memref_squeeze %dma_start3A_374 : memref<1x80x128xf32, #tpu.memory_space<vmem>> -> memref<80x128xf32, #tpu.memory_space<vmem>>
        %dma_start3A_376 = arith.constant 0 : i32
        %dma_start3A_377 = tpu.memref_slice %arg8[%dma_start3A_370, %dma_start3A_376] : memref<2x80xi32, #tpu.memory_space<vmem>> -> memref<1x80xi32, #tpu.memory_space<vmem>>
        %dma_start3A_378 = tpu.memref_squeeze %dma_start3A_377 : memref<1x80xi32, #tpu.memory_space<vmem>> -> memref<80xi32, #tpu.memory_space<vmem>>
        %dma_start3A_379 = arith.constant 0 : i32
        %dma_start3A_380 = arith.constant 0 : i32
        %dma_start3A_381 = tpu.memref_slice %arg2[%arg0, %dma_start3A_379, %dma_start3A_380] : memref<2x10000x128xf32, #tpu.memory_space<hbm>> -> memref<1x10000x128xf32, #tpu.memory_space<hbm>>
        %dma_start3A_382 = tpu.memref_squeeze %dma_start3A_381 : memref<1x10000x128xf32, #tpu.memory_space<hbm>> -> memref<10000x128xf32, #tpu.memory_space<hbm>>
        %dma_start3A_383 = arith.constant 0 : i32
        %dma_start3A_384 = arith.constant 0 : i32
        %dma_start3A_385 = tpu.memref_slice %dma_start3A_382[%dma_start3A_383, %dma_start3A_384] : memref<10000x128xf32, #tpu.memory_space<hbm>> -> memref<10000x128xf32, #tpu.memory_space<hbm>>
        tpu.enqueue_indirect_dma source(%dma_start3A_385 : memref<10000x128xf32, #tpu.memory_space<hbm>>) target(%dma_start3A_375 : memref<80x128xf32, #tpu.memory_space<vmem>>) offsets(%dma_start3A_378 : memref<80xi32, #tpu.memory_space<vmem>>) semaphore(%arg17 : memref<!tpu.dma_semaphore, #tpu.memory_space<semaphore_mem>>)
        %dma_start3A_386 = arith.constant 0 : i32
        %dma_start3A_387 = arith.constant 0 : i32
        %dma_start3A_388 = arith.constant 0 : i32
        %dma_start3A_389 = arith.constant 0 : i32
        %dma_start3A_390 = tpu.memref_slice %arg13[%dma_start3A_387, %dma_start3A_388, %dma_start3A_389] : memref<2x80x128xf32, #tpu.memory_space<vmem>> -> memref<1x80x128xf32, #tpu.memory_space<vmem>>
        %dma_start3A_391 = tpu.memref_squeeze %dma_start3A_390 : memref<1x80x128xf32, #tpu.memory_space<vmem>> -> memref<80x128xf32, #tpu.memory_space<vmem>>
        %dma_start3A_392 = arith.constant 0 : i32
        %dma_start3A_393 = tpu.memref_slice %arg9[%dma_start3A_386, %dma_start3A_392] : memref<2x80xi32, #tpu.memory_space<vmem>> -> memref<1x80xi32, #tpu.memory_space<vmem>>
        %dma_start3A_394 = tpu.memref_squeeze %dma_start3A_393 : memref<1x80xi32, #tpu.memory_space<vmem>> -> memref<80xi32, #tpu.memory_space<vmem>>
        %dma_start3A_395 = arith.constant 0 : i32
        %dma_start3A_396 = arith.constant 0 : i32
        %dma_start3A_397 = tpu.memref_slice %arg3[%arg0, %dma_start3A_395, %dma_start3A_396] : memref<2x10000x128xf32, #tpu.memory_space<hbm>> -> memref<1x10000x128xf32, #tpu.memory_space<hbm>>
        %dma_start3A_398 = tpu.memref_squeeze %dma_start3A_397 : memref<1x10000x128xf32, #tpu.memory_space<hbm>> -> memref<10000x128xf32, #tpu.memory_space<hbm>>
        %dma_start3A_399 = arith.constant 0 : i32
        %dma_start3A_400 = arith.constant 0 : i32
        %dma_start3A_401 = tpu.memref_slice %dma_start3A_398[%dma_start3A_399, %dma_start3A_400] : memref<10000x128xf32, #tpu.memory_space<hbm>> -> memref<10000x128xf32, #tpu.memory_space<hbm>>
        tpu.enqueue_indirect_dma source(%dma_start3A_401 : memref<10000x128xf32, #tpu.memory_space<hbm>>) target(%dma_start3A_391 : memref<80x128xf32, #tpu.memory_space<vmem>>) offsets(%dma_start3A_394 : memref<80xi32, #tpu.memory_space<vmem>>) semaphore(%arg19 : memref<!tpu.dma_semaphore, #tpu.memory_space<semaphore_mem>>)
      } else {
      }
      %ge3A_273 = arith.constant 2 : i32
      %ge3A_274 = arith.cmpi sge, %add3A_265, %ge3A_273 : i32
      %convert_element_type3A_275 = arith.extui %ge3A_274 : i1 to i32
      %cond3A_276 = arith.constant 0 : i32
      %cond3A_277 = arith.cmpi ne, %convert_element_type3A_275, %cond3A_276 : i32
      scf.if %cond3A_277 {
        %dma_wait3A_348 = arith.constant 1 : i32
        %dma_wait3A_349 = arith.constant 0 : i32
        %dma_wait3A_350 = arith.constant 0 : i32
        %dma_wait3A_351 = tpu.memref_slice %arg14[%dma_wait3A_348, %dma_wait3A_349, %dma_wait3A_350] : memref<2x80x128xf32, #tpu.memory_space<vmem>> -> memref<1x80x128xf32, #tpu.memory_space<vmem>>
        %dma_wait3A_352 = tpu.memref_squeeze %dma_wait3A_351 : memref<1x80x128xf32, #tpu.memory_space<vmem>> -> memref<80x128xf32, #tpu.memory_space<vmem>>
        %dma_wait3A_353 = arith.constant 0 : i32
        %dma_wait3A_354 = arith.constant 0 : i32
        %dma_wait3A_355 = tpu.memref_slice %arg6[%dma_wait3A_353, %dma_wait3A_354] : memref<5000x128xf32, #tpu.memory_space<hbm>> -> memref<80x128xf32, #tpu.memory_space<hbm>>
        %dma_wait3A_356 = arith.constant 0 : i32
        %dma_wait3A_357 = arith.constant 0 : i32
        %dma_wait3A_358 = tpu.memref_slice %arg14[%dma_wait3A_348, %dma_wait3A_356, %dma_wait3A_357] : memref<2x80x128xf32, #tpu.memory_space<vmem>> -> memref<1x80x128xf32, #tpu.memory_space<vmem>>
        %dma_wait3A_359 = tpu.memref_squeeze %dma_wait3A_358 : memref<1x80x128xf32, #tpu.memory_space<vmem>> -> memref<80x128xf32, #tpu.memory_space<vmem>>
        %dma_wait3A_360 = arith.constant 0 : i32
        %dma_wait3A_361 = arith.constant 0 : i32
        %dma_wait3A_362 = tpu.memref_slice %arg6[%dma_wait3A_360, %dma_wait3A_361] : memref<5000x128xf32, #tpu.memory_space<hbm>> -> memref<80x128xf32, #tpu.memory_space<hbm>>
        tpu.wait_dma2 semaphore(%arg22 : memref<!tpu.dma_semaphore, #tpu.memory_space<semaphore_mem>>) src(%dma_wait3A_362 : memref<80x128xf32, #tpu.memory_space<hbm>>) dst(%dma_wait3A_359 : memref<80x128xf32, #tpu.memory_space<vmem>>)
        %dma_wait3A_363 = arith.constant 1 : i32
        %dma_wait3A_364 = arith.constant 0 : i32
        %dma_wait3A_365 = arith.constant 0 : i32
        %dma_wait3A_366 = tpu.memref_slice %arg15[%dma_wait3A_363, %dma_wait3A_364, %dma_wait3A_365] : memref<2x80x128xf32, #tpu.memory_space<vmem>> -> memref<1x80x128xf32, #tpu.memory_space<vmem>>
        %dma_wait3A_367 = tpu.memref_squeeze %dma_wait3A_366 : memref<1x80x128xf32, #tpu.memory_space<vmem>> -> memref<80x128xf32, #tpu.memory_space<vmem>>
        %dma_wait3A_368 = arith.constant 0 : i32
        %dma_wait3A_369 = arith.constant 0 : i32
        %dma_wait3A_370 = tpu.memref_slice %arg6[%dma_wait3A_368, %dma_wait3A_369] : memref<5000x128xf32, #tpu.memory_space<hbm>> -> memref<80x128xf32, #tpu.memory_space<hbm>>
        %dma_wait3A_371 = arith.constant 0 : i32
        %dma_wait3A_372 = arith.constant 0 : i32
        %dma_wait3A_373 = tpu.memref_slice %arg15[%dma_wait3A_363, %dma_wait3A_371, %dma_wait3A_372] : memref<2x80x128xf32, #tpu.memory_space<vmem>> -> memref<1x80x128xf32, #tpu.memory_space<vmem>>
        %dma_wait3A_374 = tpu.memref_squeeze %dma_wait3A_373 : memref<1x80x128xf32, #tpu.memory_space<vmem>> -> memref<80x128xf32, #tpu.memory_space<vmem>>
        %dma_wait3A_375 = arith.constant 0 : i32
        %dma_wait3A_376 = arith.constant 0 : i32
        %dma_wait3A_377 = tpu.memref_slice %arg6[%dma_wait3A_375, %dma_wait3A_376] : memref<5000x128xf32, #tpu.memory_space<hbm>> -> memref<80x128xf32, #tpu.memory_space<hbm>>
        tpu.wait_dma2 semaphore(%arg24 : memref<!tpu.dma_semaphore, #tpu.memory_space<semaphore_mem>>) src(%dma_wait3A_377 : memref<80x128xf32, #tpu.memory_space<hbm>>) dst(%dma_wait3A_374 : memref<80x128xf32, #tpu.memory_space<vmem>>)
      } else {
      }
      %scan3A_278 = arith.constant 0 : i32
      %scan3A_279 = arith.constant 0 : i32
      %scan3A_280 = arith.constant 5 : i32
      %scan3A_281 = arith.addi %scan3A_279, %scan3A_280 : i32
      %scan3A_282 = arith.constant 1 : i32
      scf.for %scan3A_348 = %scan3A_279 to %scan3A_281 step %scan3A_282  : i32 {
        %mul3A_349 = arith.constant 16 : i32
        %mul3A_350 = arith.muli %scan3A_348, %mul3A_349 : i32
        %get3A = arith.constant 1 : i32
        %get3A_351 = arith.index_cast %get3A : i32 to index
        %get3A_352 = arith.index_cast %mul3A_350 : i32 to index
        %get3A_353 = tpu.vector_load %arg8[%get3A_351, %get3A_352] {strides = array<i32>} : memref<2x80xi32, #tpu.memory_space<vmem>>, vector<1x16xi32>,
        %get3A_354 = vector.shape_cast %get3A_353 : vector<1x16xi32> to vector<16xi32>
        %ge3A_355 = arith.constant 5000 : i32
        %ge3A_356 = vector.broadcast %ge3A_355 : i32 to vector<16xi32>
        %ge3A_357 = arith.cmpi sge, %get3A_354, %ge3A_356 : vector<16xi32>
        %jit3A = arith.constant 5000 : i32
        %broadcast_in_dim3A_358 = vector.broadcast %jit3A : i32 to vector<16xi32>
        %select_n3A = arith.select %ge3A_357, %broadcast_in_dim3A_358, %get3A_354 : vector<16xi1>, vector<16xi32>
        %swap3A = arith.constant 1 : i32
        %swap3A_359 = arith.index_cast %swap3A : i32 to index
        %swap3A_360 = arith.index_cast %mul3A_350 : i32 to index
        %swap3A_361 = tpu.vector_load %arg10[%swap3A_359, %swap3A_360] {strides = array<i32>} : memref<2x80xi32, #tpu.memory_space<vmem>>, vector<1x16xi32>,
        %swap3A_362 = vector.shape_cast %swap3A_361 : vector<1x16xi32> to vector<16xi32>
        %swap3A_363 = vector.shape_cast %select_n3A : vector<16xi32> to vector<1x16xi32>
        tpu.vector_store %arg10[%swap3A_359, %swap3A_360], %swap3A_363 {strides = array<i32>} : memref<2x80xi32, #tpu.memory_space<vmem>>, vector<1x16xi32>,
        %sub3A = arith.constant 5000 : i32
        %sub3A_364 = vector.broadcast %sub3A : i32 to vector<16xi32>
        %sub3A_365 = arith.subi %get3A_354, %sub3A_364 : vector<16xi32>
        %jit3A_366 = arith.constant 5000 : i32
        %broadcast_in_dim3A_367 = vector.broadcast %jit3A_366 : i32 to vector<16xi32>
        %select_n3A_368 = arith.select %ge3A_357, %sub3A_365, %broadcast_in_dim3A_367 : vector<16xi1>, vector<16xi32>
        %swap3A_369 = arith.constant 1 : i32
        %swap3A_370 = arith.index_cast %swap3A_369 : i32 to index
        %swap3A_371 = arith.index_cast %mul3A_350 : i32 to index
        %swap3A_372 = tpu.vector_load %arg11[%swap3A_370, %swap3A_371] {strides = array<i32>} : memref<2x80xi32, #tpu.memory_space<vmem>>, vector<1x16xi32>,
        %swap3A_373 = vector.shape_cast %swap3A_372 : vector<1x16xi32> to vector<16xi32>
        %swap3A_374 = vector.shape_cast %select_n3A_368 : vector<16xi32> to vector<1x16xi32>
        tpu.vector_store %arg11[%swap3A_370, %swap3A_371], %swap3A_374 {strides = array<i32>} : memref<2x80xi32, #tpu.memory_space<vmem>>, vector<1x16xi32>,
      }
      %scan3A_283 = arith.constant 5 : i32
      %dma_wait3A_284 = arith.constant 1 : i32
      %dma_wait3A_285 = arith.constant 0 : i32
      %dma_wait3A_286 = arith.constant 0 : i32
      %dma_wait3A_287 = tpu.memref_slice %arg12[%dma_wait3A_284, %dma_wait3A_285, %dma_wait3A_286] : memref<2x80x128xf32, #tpu.memory_space<vmem>> -> memref<1x80x128xf32, #tpu.memory_space<vmem>>
      %dma_wait3A_288 = tpu.memref_squeeze %dma_wait3A_287 : memref<1x80x128xf32, #tpu.memory_space<vmem>> -> memref<80x128xf32, #tpu.memory_space<vmem>>
      %dma_wait3A_289 = arith.constant 0 : i32
      %dma_wait3A_290 = arith.constant 0 : i32
      %dma_wait3A_291 = tpu.memref_slice %arg6[%dma_wait3A_289, %dma_wait3A_290] : memref<5000x128xf32, #tpu.memory_space<hbm>> -> memref<80x128xf32, #tpu.memory_space<hbm>>
      %dma_wait3A_292 = arith.constant 0 : i32
      %dma_wait3A_293 = arith.constant 0 : i32
      %dma_wait3A_294 = tpu.memref_slice %arg12[%dma_wait3A_284, %dma_wait3A_292, %dma_wait3A_293] : memref<2x80x128xf32, #tpu.memory_space<vmem>> -> memref<1x80x128xf32, #tpu.memory_space<vmem>>
      %dma_wait3A_295 = tpu.memref_squeeze %dma_wait3A_294 : memref<1x80x128xf32, #tpu.memory_space<vmem>> -> memref<80x128xf32, #tpu.memory_space<vmem>>
      %dma_wait3A_296 = arith.constant 0 : i32
      %dma_wait3A_297 = arith.constant 0 : i32
      %dma_wait3A_298 = tpu.memref_slice %arg6[%dma_wait3A_296, %dma_wait3A_297] : memref<5000x128xf32, #tpu.memory_space<hbm>> -> memref<80x128xf32, #tpu.memory_space<hbm>>
      tpu.wait_dma2 semaphore(%arg18 : memref<!tpu.dma_semaphore, #tpu.memory_space<semaphore_mem>>) src(%dma_wait3A_298 : memref<80x128xf32, #tpu.memory_space<hbm>>) dst(%dma_wait3A_295 : memref<80x128xf32, #tpu.memory_space<vmem>>)
      %dma_wait3A_299 = arith.constant 1 : i32
      %dma_wait3A_300 = arith.constant 0 : i32
      %dma_wait3A_301 = arith.constant 0 : i32
      %dma_wait3A_302 = tpu.memref_slice %arg13[%dma_wait3A_299, %dma_wait3A_300, %dma_wait3A_301] : memref<2x80x128xf32, #tpu.memory_space<vmem>> -> memref<1x80x128xf32, #tpu.memory_space<vmem>>
      %dma_wait3A_303 = tpu.memref_squeeze %dma_wait3A_302 : memref<1x80x128xf32, #tpu.memory_space<vmem>> -> memref<80x128xf32, #tpu.memory_space<vmem>>
      %dma_wait3A_304 = arith.constant 0 : i32
      %dma_wait3A_305 = arith.constant 0 : i32
      %dma_wait3A_306 = tpu.memref_slice %arg6[%dma_wait3A_304, %dma_wait3A_305] : memref<5000x128xf32, #tpu.memory_space<hbm>> -> memref<80x128xf32, #tpu.memory_space<hbm>>
      %dma_wait3A_307 = arith.constant 0 : i32
      %dma_wait3A_308 = arith.constant 0 : i32
      %dma_wait3A_309 = tpu.memref_slice %arg13[%dma_wait3A_299, %dma_wait3A_307, %dma_wait3A_308] : memref<2x80x128xf32, #tpu.memory_space<vmem>> -> memref<1x80x128xf32, #tpu.memory_space<vmem>>
      %dma_wait3A_310 = tpu.memref_squeeze %dma_wait3A_309 : memref<1x80x128xf32, #tpu.memory_space<vmem>> -> memref<80x128xf32, #tpu.memory_space<vmem>>
      %dma_wait3A_311 = arith.constant 0 : i32
      %dma_wait3A_312 = arith.constant 0 : i32
      %dma_wait3A_313 = tpu.memref_slice %arg6[%dma_wait3A_311, %dma_wait3A_312] : memref<5000x128xf32, #tpu.memory_space<hbm>> -> memref<80x128xf32, #tpu.memory_space<hbm>>
      tpu.wait_dma2 semaphore(%arg20 : memref<!tpu.dma_semaphore, #tpu.memory_space<semaphore_mem>>) src(%dma_wait3A_313 : memref<80x128xf32, #tpu.memory_space<hbm>>) dst(%dma_wait3A_310 : memref<80x128xf32, #tpu.memory_space<vmem>>)
      %add3A_314 = arith.constant 2 : i32
      %add3A_315 = arith.addi %add3A_265, %add3A_314 : i32
      %lt3A_316 = arith.constant 250 : i32
      %lt3A_317 = arith.cmpi slt, %add3A_315, %lt3A_316 : i32
      %convert_element_type3A_318 = arith.extui %lt3A_317 : i1 to i32
      %cond3A_319 = arith.constant 0 : i32
      %cond3A_320 = arith.cmpi ne, %convert_element_type3A_318, %cond3A_319 : i32
      scf.if %cond3A_320 {
        %add3A_348 = arith.constant 2 : i32
        %add3A_349 = arith.addi %add3A_265, %add3A_348 : i32
        %mul3A_350 = arith.constant 20000 : i32
        %mul3A_351 = arith.muli %arg1, %mul3A_350 : i32
        %mul3A_352 = arith.constant 80 : i32
        %mul3A_353 = arith.muli %add3A_349, %mul3A_352 : i32
        %add3A_354 = arith.addi %mul3A_351, %mul3A_353 : i32
        %dma_start3A_355 = arith.constant 1 : i32
        %dma_start3A_356 = arith.constant 0 : i32
        %dma_start3A_357 = tpu.memref_slice %arg8[%dma_start3A_355, %dma_start3A_356] : memref<2x80xi32, #tpu.memory_space<vmem>> -> memref<1x80xi32, #tpu.memory_space<vmem>>
        %dma_start3A_358 = tpu.memref_squeeze %dma_start3A_357 : memref<1x80xi32, #tpu.memory_space<vmem>> -> memref<80xi32, #tpu.memory_space<vmem>>
        %dma_start3A_359 = tpu.memref_slice %arg4[%add3A_354] : memref<320000xi32, #tpu.memory_space<hbm>> -> memref<80xi32, #tpu.memory_space<hbm>>
        %dma_start3A_360 = arith.constant 0 : i32
        %dma_start3A_361 = tpu.memref_slice %arg8[%dma_start3A_355, %dma_start3A_360] : memref<2x80xi32, #tpu.memory_space<vmem>> -> memref<1x80xi32, #tpu.memory_space<vmem>>
        %dma_start3A_362 = tpu.memref_squeeze %dma_start3A_361 : memref<1x80xi32, #tpu.memory_space<vmem>> -> memref<80xi32, #tpu.memory_space<vmem>>
        %dma_start3A_363 = tpu.memref_slice %arg4[%add3A_354] : memref<320000xi32, #tpu.memory_space<hbm>> -> memref<80xi32, #tpu.memory_space<hbm>>
        tpu.enqueue_dma source(%dma_start3A_363 : memref<80xi32, #tpu.memory_space<hbm>>) target(%dma_start3A_362 : memref<80xi32, #tpu.memory_space<vmem>>) target_semaphore(%arg26 : memref<!tpu.dma_semaphore, #tpu.memory_space<semaphore_mem>>)
        %dma_start3A_364 = arith.constant 1 : i32
        %dma_start3A_365 = arith.constant 0 : i32
        %dma_start3A_366 = tpu.memref_slice %arg9[%dma_start3A_364, %dma_start3A_365] : memref<2x80xi32, #tpu.memory_space<vmem>> -> memref<1x80xi32, #tpu.memory_space<vmem>>
        %dma_start3A_367 = tpu.memref_squeeze %dma_start3A_366 : memref<1x80xi32, #tpu.memory_space<vmem>> -> memref<80xi32, #tpu.memory_space<vmem>>
        %dma_start3A_368 = tpu.memref_slice %arg5[%add3A_354] : memref<320000xi32, #tpu.memory_space<hbm>> -> memref<80xi32, #tpu.memory_space<hbm>>
        %dma_start3A_369 = arith.constant 0 : i32
        %dma_start3A_370 = tpu.memref_slice %arg9[%dma_start3A_364, %dma_start3A_369] : memref<2x80xi32, #tpu.memory_space<vmem>> -> memref<1x80xi32, #tpu.memory_space<vmem>>
        %dma_start3A_371 = tpu.memref_squeeze %dma_start3A_370 : memref<1x80xi32, #tpu.memory_space<vmem>> -> memref<80xi32, #tpu.memory_space<vmem>>
        %dma_start3A_372 = tpu.memref_slice %arg5[%add3A_354] : memref<320000xi32, #tpu.memory_space<hbm>> -> memref<80xi32, #tpu.memory_space<hbm>>
        tpu.enqueue_dma source(%dma_start3A_372 : memref<80xi32, #tpu.memory_space<hbm>>) target(%dma_start3A_371 : memref<80xi32, #tpu.memory_space<vmem>>) target_semaphore(%arg26 : memref<!tpu.dma_semaphore, #tpu.memory_space<semaphore_mem>>)
      } else {
      }
      %parallel_loop3A_321 = arith.constant 0 : i32
      %parallel_loop3A_322 = arith.constant 80 : i32
      %parallel_loop3A_323 = arith.constant 1 : i32
      scf.for %parallel_loop3A_348 = %parallel_loop3A_321 to %parallel_loop3A_322 step %parallel_loop3A_323  : i32 {
        %parallel_loop3A_349 = arith.constant 1 : i32
        %parallel_loop3A_350 = arith.index_cast %parallel_loop3A_349 : i32 to index
        %parallel_loop3A_351 = arith.index_cast %parallel_loop3A_348 : i32 to index
        %parallel_loop3A_352 = arith.constant 0 : index
        %parallel_loop3A_353 = tpu.vector_load %arg12[%parallel_loop3A_350, %parallel_loop3A_351, %parallel_loop3A_352] {strides = array<i32>} : memref<2x80x128xf32, #tpu.memory_space<vmem>>, vector<1x1x16xf32>,
        %parallel_loop3A_354 = vector.shape_cast %parallel_loop3A_353 : vector<1x1x16xf32> to vector<16xf32>
        %parallel_loop3A_355 = arith.constant 1 : i32
        %parallel_loop3A_356 = arith.index_cast %parallel_loop3A_355 : i32 to index
        %parallel_loop3A_357 = arith.index_cast %parallel_loop3A_348 : i32 to index
        %parallel_loop3A_358 = arith.constant 0 : index
        %parallel_loop3A_359 = tpu.vector_load %arg13[%parallel_loop3A_356, %parallel_loop3A_357, %parallel_loop3A_358] {strides = array<i32>} : memref<2x80x128xf32, #tpu.memory_space<vmem>>, vector<1x1x16xf32>,
        %parallel_loop3A_360 = vector.shape_cast %parallel_loop3A_359 : vector<1x1x16xf32> to vector<16xf32>
        %parallel_loop3A_361 = arith.addf %parallel_loop3A_354, %parallel_loop3A_360 : vector<16xf32>
        %parallel_loop3A_362 = arith.constant 1 : i32
        %parallel_loop3A_363 = arith.index_cast %parallel_loop3A_362 : i32 to index
        %parallel_loop3A_364 = arith.index_cast %parallel_loop3A_348 : i32 to index
        %parallel_loop3A_365 = arith.constant 64 : index
        %parallel_loop3A_366 = tpu.vector_load %arg12[%parallel_loop3A_363, %parallel_loop3A_364, %parallel_loop3A_365] {strides = array<i32>} : memref<2x80x128xf32, #tpu.memory_space<vmem>>, vector<1x1x16xf32>,
        %parallel_loop3A_367 = vector.shape_cast %parallel_loop3A_366 : vector<1x1x16xf32> to vector<16xf32>
        %parallel_loop3A_368 = arith.constant 1 : i32
        %parallel_loop3A_369 = arith.index_cast %parallel_loop3A_368 : i32 to index
        %parallel_loop3A_370 = arith.index_cast %parallel_loop3A_348 : i32 to index
        %parallel_loop3A_371 = arith.constant 64 : index
        %parallel_loop3A_372 = tpu.vector_load %arg13[%parallel_loop3A_369, %parallel_loop3A_370, %parallel_loop3A_371] {strides = array<i32>} : memref<2x80x128xf32, #tpu.memory_space<vmem>>, vector<1x1x16xf32>,
        %parallel_loop3A_373 = vector.shape_cast %parallel_loop3A_372 : vector<1x1x16xf32> to vector<16xf32>
        %parallel_loop3A_374 = arith.addf %parallel_loop3A_367, %parallel_loop3A_373 : vector<16xf32>
        %parallel_loop3A_375 = arith.constant 0.000000e+00 : f32
        %parallel_loop3A_376 = vector.broadcast %parallel_loop3A_375 : f32 to vector<16xf32>
        %parallel_loop3A_377 = arith.subf %parallel_loop3A_376, %parallel_loop3A_361 : vector<16xf32>
        %parallel_loop3A_378 = math.exp %parallel_loop3A_377 : vector<16xf32>
        %parallel_loop3A_379 = arith.constant 1.000000e+00 : f32
        %parallel_loop3A_380 = vector.broadcast %parallel_loop3A_379 : f32 to vector<16xf32>
        %parallel_loop3A_381 = arith.addf %parallel_loop3A_380, %parallel_loop3A_378 : vector<16xf32>
        %parallel_loop3A_382 = arith.constant 1.000000e+00 : f32
        %parallel_loop3A_383 = vector.broadcast %parallel_loop3A_382 : f32 to vector<16xf32>
        %parallel_loop3A_384 = arith.divf %parallel_loop3A_383, %parallel_loop3A_381 : vector<16xf32>
        %parallel_loop3A_385 = math.absf %parallel_loop3A_374 : vector<16xf32>
        %parallel_loop3A_386 = arith.constant 0.000000e+00 : f32
        %parallel_loop3A_387 = vector.broadcast %parallel_loop3A_386 : f32 to vector<16xf32>
        %parallel_loop3A_388 = arith.subf %parallel_loop3A_387, %parallel_loop3A_385 : vector<16xf32>
        %parallel_loop3A_389 = math.exp %parallel_loop3A_388 : vector<16xf32>
        %parallel_loop3A_390 = arith.constant 2.000000e+00 : f32
        %parallel_loop3A_391 = vector.broadcast %parallel_loop3A_390 : f32 to vector<16xf32>
        %parallel_loop3A_392 = arith.addf %parallel_loop3A_389, %parallel_loop3A_391 : vector<16xf32>
        %parallel_loop3A_393 = arith.divf %parallel_loop3A_389, %parallel_loop3A_392 : vector<16xf32>
        %parallel_loop3A_394 = arith.mulf %parallel_loop3A_393, %parallel_loop3A_393 : vector<16xf32>
        %parallel_loop3A_395 = arith.constant 2.000000e+00 : f32
        %parallel_loop3A_396 = vector.broadcast %parallel_loop3A_395 : f32 to vector<16xf32>
        %parallel_loop3A_397 = arith.mulf %parallel_loop3A_396, %parallel_loop3A_393 : vector<16xf32>
        %parallel_loop3A_398 = arith.constant 2.000000e-01 : f32
        %parallel_loop3A_399 = vector.broadcast %parallel_loop3A_398 : f32 to vector<16xf32>
        %parallel_loop3A_400 = arith.mulf %parallel_loop3A_394, %parallel_loop3A_399 : vector<16xf32>
        %parallel_loop3A_401 = arith.constant 0.333333343 : f32
        %parallel_loop3A_402 = vector.broadcast %parallel_loop3A_401 : f32 to vector<16xf32>
        %parallel_loop3A_403 = arith.addf %parallel_loop3A_402, %parallel_loop3A_400 : vector<16xf32>
        %parallel_loop3A_404 = arith.mulf %parallel_loop3A_394, %parallel_loop3A_403 : vector<16xf32>
        %parallel_loop3A_405 = arith.constant 1.000000e+00 : f32
        %parallel_loop3A_406 = vector.broadcast %parallel_loop3A_405 : f32 to vector<16xf32>
        %parallel_loop3A_407 = arith.addf %parallel_loop3A_406, %parallel_loop3A_404 : vector<16xf32>
        %parallel_loop3A_408 = arith.mulf %parallel_loop3A_397, %parallel_loop3A_407 : vector<16xf32>
        %parallel_loop3A_409 = arith.constant 0.000000e+00 : f32
        %parallel_loop3A_410 = vector.broadcast %parallel_loop3A_409 : f32 to vector<16xf32>
        %parallel_loop3A_411 = arith.maximumf %parallel_loop3A_374, %parallel_loop3A_410 : vector<16xf32>
        %parallel_loop3A_412 = arith.addf %parallel_loop3A_411, %parallel_loop3A_408 : vector<16xf32>
        %parallel_loop3A_413 = arith.mulf %parallel_loop3A_384, %parallel_loop3A_412 : vector<16xf32>
        %parallel_loop3A_414 = arith.constant 1 : i32
        %parallel_loop3A_415 = arith.index_cast %parallel_loop3A_414 : i32 to index
        %parallel_loop3A_416 = arith.index_cast %parallel_loop3A_348 : i32 to index
        %parallel_loop3A_417 = arith.constant 0 : index
        %parallel_loop3A_418 = tpu.vector_load %arg14[%parallel_loop3A_415, %parallel_loop3A_416, %parallel_loop3A_417] {strides = array<i32>} : memref<2x80x128xf32, #tpu.memory_space<vmem>>, vector<1x1x16xf32>,
        %parallel_loop3A_419 = vector.shape_cast %parallel_loop3A_418 : vector<1x1x16xf32> to vector<16xf32>
        %parallel_loop3A_420 = vector.shape_cast %parallel_loop3A_413 : vector<16xf32> to vector<1x1x16xf32>
        tpu.vector_store %arg14[%parallel_loop3A_415, %parallel_loop3A_416, %parallel_loop3A_417], %parallel_loop3A_420 {strides = array<i32>} : memref<2x80x128xf32, #tpu.memory_space<vmem>>, vector<1x1x16xf32>,
        %parallel_loop3A_421 = arith.constant 1 : i32
        %parallel_loop3A_422 = arith.index_cast %parallel_loop3A_421 : i32 to index
        %parallel_loop3A_423 = arith.index_cast %parallel_loop3A_348 : i32 to index
        %parallel_loop3A_424 = arith.constant 64 : index
        %parallel_loop3A_425 = tpu.vector_load %arg15[%parallel_loop3A_422, %parallel_loop3A_423, %parallel_loop3A_424] {strides = array<i32>} : memref<2x80x128xf32, #tpu.memory_space<vmem>>, vector<1x1x16xf32>,
        %parallel_loop3A_426 = vector.shape_cast %parallel_loop3A_425 : vector<1x1x16xf32> to vector<16xf32>
        %parallel_loop3A_427 = vector.shape_cast %parallel_loop3A_413 : vector<16xf32> to vector<1x1x16xf32>
        tpu.vector_store %arg15[%parallel_loop3A_422, %parallel_loop3A_423, %parallel_loop3A_424], %parallel_loop3A_427 {strides = array<i32>} : memref<2x80x128xf32, #tpu.memory_space<vmem>>, vector<1x1x16xf32>,
        %parallel_loop3A_428 = arith.constant 1 : i32
        %parallel_loop3A_429 = arith.index_cast %parallel_loop3A_428 : i32 to index
        %parallel_loop3A_430 = arith.index_cast %parallel_loop3A_348 : i32 to index
        %parallel_loop3A_431 = arith.constant 16 : index
        %parallel_loop3A_432 = tpu.vector_load %arg12[%parallel_loop3A_429, %parallel_loop3A_430, %parallel_loop3A_431] {strides = array<i32>} : memref<2x80x128xf32, #tpu.memory_space<vmem>>, vector<1x1x16xf32>,
        %parallel_loop3A_433 = vector.shape_cast %parallel_loop3A_432 : vector<1x1x16xf32> to vector<16xf32>
        %parallel_loop3A_434 = arith.constant 1 : i32
        %parallel_loop3A_435 = arith.index_cast %parallel_loop3A_434 : i32 to index
        %parallel_loop3A_436 = arith.index_cast %parallel_loop3A_348 : i32 to index
        %parallel_loop3A_437 = arith.constant 16 : index
        %parallel_loop3A_438 = tpu.vector_load %arg13[%parallel_loop3A_435, %parallel_loop3A_436, %parallel_loop3A_437] {strides = array<i32>} : memref<2x80x128xf32, #tpu.memory_space<vmem>>, vector<1x1x16xf32>,
        %parallel_loop3A_439 = vector.shape_cast %parallel_loop3A_438 : vector<1x1x16xf32> to vector<16xf32>
        %parallel_loop3A_440 = arith.addf %parallel_loop3A_433, %parallel_loop3A_439 : vector<16xf32>
        %parallel_loop3A_441 = arith.constant 1 : i32
        %parallel_loop3A_442 = arith.index_cast %parallel_loop3A_441 : i32 to index
        %parallel_loop3A_443 = arith.index_cast %parallel_loop3A_348 : i32 to index
        %parallel_loop3A_444 = arith.constant 80 : index
        %parallel_loop3A_445 = tpu.vector_load %arg12[%parallel_loop3A_442, %parallel_loop3A_443, %parallel_loop3A_444] {strides = array<i32>} : memref<2x80x128xf32, #tpu.memory_space<vmem>>, vector<1x1x16xf32>,
        %parallel_loop3A_446 = vector.shape_cast %parallel_loop3A_445 : vector<1x1x16xf32> to vector<16xf32>
        %parallel_loop3A_447 = arith.constant 1 : i32
        %parallel_loop3A_448 = arith.index_cast %parallel_loop3A_447 : i32 to index
        %parallel_loop3A_449 = arith.index_cast %parallel_loop3A_348 : i32 to index
        %parallel_loop3A_450 = arith.constant 80 : index
        %parallel_loop3A_451 = tpu.vector_load %arg13[%parallel_loop3A_448, %parallel_loop3A_449, %parallel_loop3A_450] {strides = array<i32>} : memref<2x80x128xf32, #tpu.memory_space<vmem>>, vector<1x1x16xf32>,
        %parallel_loop3A_452 = vector.shape_cast %parallel_loop3A_451 : vector<1x1x16xf32> to vector<16xf32>
        %parallel_loop3A_453 = arith.addf %parallel_loop3A_446, %parallel_loop3A_452 : vector<16xf32>
        %parallel_loop3A_454 = arith.constant 0.000000e+00 : f32
        %parallel_loop3A_455 = vector.broadcast %parallel_loop3A_454 : f32 to vector<16xf32>
        %parallel_loop3A_456 = arith.subf %parallel_loop3A_455, %parallel_loop3A_440 : vector<16xf32>
        %parallel_loop3A_457 = math.exp %parallel_loop3A_456 : vector<16xf32>
        %parallel_loop3A_458 = arith.constant 1.000000e+00 : f32
        %parallel_loop3A_459 = vector.broadcast %parallel_loop3A_458 : f32 to vector<16xf32>
        %parallel_loop3A_460 = arith.addf %parallel_loop3A_459, %parallel_loop3A_457 : vector<16xf32>
        %parallel_loop3A_461 = arith.constant 1.000000e+00 : f32
        %parallel_loop3A_462 = vector.broadcast %parallel_loop3A_461 : f32 to vector<16xf32>
        %parallel_loop3A_463 = arith.divf %parallel_loop3A_462, %parallel_loop3A_460 : vector<16xf32>
        %parallel_loop3A_464 = math.absf %parallel_loop3A_453 : vector<16xf32>
        %parallel_loop3A_465 = arith.constant 0.000000e+00 : f32
        %parallel_loop3A_466 = vector.broadcast %parallel_loop3A_465 : f32 to vector<16xf32>
        %parallel_loop3A_467 = arith.subf %parallel_loop3A_466, %parallel_loop3A_464 : vector<16xf32>
        %parallel_loop3A_468 = math.exp %parallel_loop3A_467 : vector<16xf32>
        %parallel_loop3A_469 = arith.constant 2.000000e+00 : f32
        %parallel_loop3A_470 = vector.broadcast %parallel_loop3A_469 : f32 to vector<16xf32>
        %parallel_loop3A_471 = arith.addf %parallel_loop3A_468, %parallel_loop3A_470 : vector<16xf32>
        %parallel_loop3A_472 = arith.divf %parallel_loop3A_468, %parallel_loop3A_471 : vector<16xf32>
        %parallel_loop3A_473 = arith.mulf %parallel_loop3A_472, %parallel_loop3A_472 : vector<16xf32>
        %parallel_loop3A_474 = arith.constant 2.000000e+00 : f32
        %parallel_loop3A_475 = vector.broadcast %parallel_loop3A_474 : f32 to vector<16xf32>
        %parallel_loop3A_476 = arith.mulf %parallel_loop3A_475, %parallel_loop3A_472 : vector<16xf32>
        %parallel_loop3A_477 = arith.constant 2.000000e-01 : f32
        %parallel_loop3A_478 = vector.broadcast %parallel_loop3A_477 : f32 to vector<16xf32>
        %parallel_loop3A_479 = arith.mulf %parallel_loop3A_473, %parallel_loop3A_478 : vector<16xf32>
        %parallel_loop3A_480 = arith.constant 0.333333343 : f32
        %parallel_loop3A_481 = vector.broadcast %parallel_loop3A_480 : f32 to vector<16xf32>
        %parallel_loop3A_482 = arith.addf %parallel_loop3A_481, %parallel_loop3A_479 : vector<16xf32>
        %parallel_loop3A_483 = arith.mulf %parallel_loop3A_473, %parallel_loop3A_482 : vector<16xf32>
        %parallel_loop3A_484 = arith.constant 1.000000e+00 : f32
        %parallel_loop3A_485 = vector.broadcast %parallel_loop3A_484 : f32 to vector<16xf32>
        %parallel_loop3A_486 = arith.addf %parallel_loop3A_485, %parallel_loop3A_483 : vector<16xf32>
        %parallel_loop3A_487 = arith.mulf %parallel_loop3A_476, %parallel_loop3A_486 : vector<16xf32>
        %parallel_loop3A_488 = arith.constant 0.000000e+00 : f32
        %parallel_loop3A_489 = vector.broadcast %parallel_loop3A_488 : f32 to vector<16xf32>
        %parallel_loop3A_490 = arith.maximumf %parallel_loop3A_453, %parallel_loop3A_489 : vector<16xf32>
        %parallel_loop3A_491 = arith.addf %parallel_loop3A_490, %parallel_loop3A_487 : vector<16xf32>
        %parallel_loop3A_492 = arith.mulf %parallel_loop3A_463, %parallel_loop3A_491 : vector<16xf32>
        %parallel_loop3A_493 = arith.constant 1 : i32
        %parallel_loop3A_494 = arith.index_cast %parallel_loop3A_493 : i32 to index
        %parallel_loop3A_495 = arith.index_cast %parallel_loop3A_348 : i32 to index
        %parallel_loop3A_496 = arith.constant 16 : index
        %parallel_loop3A_497 = tpu.vector_load %arg14[%parallel_loop3A_494, %parallel_loop3A_495, %parallel_loop3A_496] {strides = array<i32>} : memref<2x80x128xf32, #tpu.memory_space<vmem>>, vector<1x1x16xf32>,
        %parallel_loop3A_498 = vector.shape_cast %parallel_loop3A_497 : vector<1x1x16xf32> to vector<16xf32>
        %parallel_loop3A_499 = vector.shape_cast %parallel_loop3A_492 : vector<16xf32> to vector<1x1x16xf32>
        tpu.vector_store %arg14[%parallel_loop3A_494, %parallel_loop3A_495, %parallel_loop3A_496], %parallel_loop3A_499 {strides = array<i32>} : memref<2x80x128xf32, #tpu.memory_space<vmem>>, vector<1x1x16xf32>,
        %parallel_loop3A_500 = arith.constant 1 : i32
        %parallel_loop3A_501 = arith.index_cast %parallel_loop3A_500 : i32 to index
        %parallel_loop3A_502 = arith.index_cast %parallel_loop3A_348 : i32 to index
        %parallel_loop3A_503 = arith.constant 80 : index
        %parallel_loop3A_504 = tpu.vector_load %arg15[%parallel_loop3A_501, %parallel_loop3A_502, %parallel_loop3A_503] {strides = array<i32>} : memref<2x80x128xf32, #tpu.memory_space<vmem>>, vector<1x1x16xf32>,
        %parallel_loop3A_505 = vector.shape_cast %parallel_loop3A_504 : vector<1x1x16xf32> to vector<16xf32>
        %parallel_loop3A_506 = vector.shape_cast %parallel_loop3A_492 : vector<16xf32> to vector<1x1x16xf32>
        tpu.vector_store %arg15[%parallel_loop3A_501, %parallel_loop3A_502, %parallel_loop3A_503], %parallel_loop3A_506 {strides = array<i32>} : memref<2x80x128xf32, #tpu.memory_space<vmem>>, vector<1x1x16xf32>,
        %parallel_loop3A_507 = arith.constant 1 : i32
        %parallel_loop3A_508 = arith.index_cast %parallel_loop3A_507 : i32 to index
        %parallel_loop3A_509 = arith.index_cast %parallel_loop3A_348 : i32 to index
        %parallel_loop3A_510 = arith.constant 32 : index
        %parallel_loop3A_511 = tpu.vector_load %arg12[%parallel_loop3A_508, %parallel_loop3A_509, %parallel_loop3A_510] {strides = array<i32>} : memref<2x80x128xf32, #tpu.memory_space<vmem>>, vector<1x1x16xf32>,
        %parallel_loop3A_512 = vector.shape_cast %parallel_loop3A_511 : vector<1x1x16xf32> to vector<16xf32>
        %parallel_loop3A_513 = arith.constant 1 : i32
        %parallel_loop3A_514 = arith.index_cast %parallel_loop3A_513 : i32 to index
        %parallel_loop3A_515 = arith.index_cast %parallel_loop3A_348 : i32 to index
        %parallel_loop3A_516 = arith.constant 32 : index
        %parallel_loop3A_517 = tpu.vector_load %arg13[%parallel_loop3A_514, %parallel_loop3A_515, %parallel_loop3A_516] {strides = array<i32>} : memref<2x80x128xf32, #tpu.memory_space<vmem>>, vector<1x1x16xf32>,
        %parallel_loop3A_518 = vector.shape_cast %parallel_loop3A_517 : vector<1x1x16xf32> to vector<16xf32>
        %parallel_loop3A_519 = arith.addf %parallel_loop3A_512, %parallel_loop3A_518 : vector<16xf32>
        %parallel_loop3A_520 = arith.constant 1 : i32
        %parallel_loop3A_521 = arith.index_cast %parallel_loop3A_520 : i32 to index
        %parallel_loop3A_522 = arith.index_cast %parallel_loop3A_348 : i32 to index
        %parallel_loop3A_523 = arith.constant 96 : index
        %parallel_loop3A_524 = tpu.vector_load %arg12[%parallel_loop3A_521, %parallel_loop3A_522, %parallel_loop3A_523] {strides = array<i32>} : memref<2x80x128xf32, #tpu.memory_space<vmem>>, vector<1x1x16xf32>,
        %parallel_loop3A_525 = vector.shape_cast %parallel_loop3A_524 : vector<1x1x16xf32> to vector<16xf32>
        %parallel_loop3A_526 = arith.constant 1 : i32
        %parallel_loop3A_527 = arith.index_cast %parallel_loop3A_526 : i32 to index
        %parallel_loop3A_528 = arith.index_cast %parallel_loop3A_348 : i32 to index
        %parallel_loop3A_529 = arith.constant 96 : index
        %parallel_loop3A_530 = tpu.vector_load %arg13[%parallel_loop3A_527, %parallel_loop3A_528, %parallel_loop3A_529] {strides = array<i32>} : memref<2x80x128xf32, #tpu.memory_space<vmem>>, vector<1x1x16xf32>,
        %parallel_loop3A_531 = vector.shape_cast %parallel_loop3A_530 : vector<1x1x16xf32> to vector<16xf32>
        %parallel_loop3A_532 = arith.addf %parallel_loop3A_525, %parallel_loop3A_531 : vector<16xf32>
        %parallel_loop3A_533 = arith.constant 0.000000e+00 : f32
        %parallel_loop3A_534 = vector.broadcast %parallel_loop3A_533 : f32 to vector<16xf32>
        %parallel_loop3A_535 = arith.subf %parallel_loop3A_534, %parallel_loop3A_519 : vector<16xf32>
        %parallel_loop3A_536 = math.exp %parallel_loop3A_535 : vector<16xf32>
        %parallel_loop3A_537 = arith.constant 1.000000e+00 : f32
        %parallel_loop3A_538 = vector.broadcast %parallel_loop3A_537 : f32 to vector<16xf32>
        %parallel_loop3A_539 = arith.addf %parallel_loop3A_538, %parallel_loop3A_536 : vector<16xf32>
        %parallel_loop3A_540 = arith.constant 1.000000e+00 : f32
        %parallel_loop3A_541 = vector.broadcast %parallel_loop3A_540 : f32 to vector<16xf32>
        %parallel_loop3A_542 = arith.divf %parallel_loop3A_541, %parallel_loop3A_539 : vector<16xf32>
        %parallel_loop3A_543 = math.absf %parallel_loop3A_532 : vector<16xf32>
        %parallel_loop3A_544 = arith.constant 0.000000e+00 : f32
        %parallel_loop3A_545 = vector.broadcast %parallel_loop3A_544 : f32 to vector<16xf32>
        %parallel_loop3A_546 = arith.subf %parallel_loop3A_545, %parallel_loop3A_543 : vector<16xf32>
        %parallel_loop3A_547 = math.exp %parallel_loop3A_546 : vector<16xf32>
        %parallel_loop3A_548 = arith.constant 2.000000e+00 : f32
        %parallel_loop3A_549 = vector.broadcast %parallel_loop3A_548 : f32 to vector<16xf32>
        %parallel_loop3A_550 = arith.addf %parallel_loop3A_547, %parallel_loop3A_549 : vector<16xf32>
        %parallel_loop3A_551 = arith.divf %parallel_loop3A_547, %parallel_loop3A_550 : vector<16xf32>
        %parallel_loop3A_552 = arith.mulf %parallel_loop3A_551, %parallel_loop3A_551 : vector<16xf32>
        %parallel_loop3A_553 = arith.constant 2.000000e+00 : f32
        %parallel_loop3A_554 = vector.broadcast %parallel_loop3A_553 : f32 to vector<16xf32>
        %parallel_loop3A_555 = arith.mulf %parallel_loop3A_554, %parallel_loop3A_551 : vector<16xf32>
        %parallel_loop3A_556 = arith.constant 2.000000e-01 : f32
        %parallel_loop3A_557 = vector.broadcast %parallel_loop3A_556 : f32 to vector<16xf32>
        %parallel_loop3A_558 = arith.mulf %parallel_loop3A_552, %parallel_loop3A_557 : vector<16xf32>
        %parallel_loop3A_559 = arith.constant 0.333333343 : f32
        %parallel_loop3A_560 = vector.broadcast %parallel_loop3A_559 : f32 to vector<16xf32>
        %parallel_loop3A_561 = arith.addf %parallel_loop3A_560, %parallel_loop3A_558 : vector<16xf32>
        %parallel_loop3A_562 = arith.mulf %parallel_loop3A_552, %parallel_loop3A_561 : vector<16xf32>
        %parallel_loop3A_563 = arith.constant 1.000000e+00 : f32
        %parallel_loop3A_564 = vector.broadcast %parallel_loop3A_563 : f32 to vector<16xf32>
        %parallel_loop3A_565 = arith.addf %parallel_loop3A_564, %parallel_loop3A_562 : vector<16xf32>
        %parallel_loop3A_566 = arith.mulf %parallel_loop3A_555, %parallel_loop3A_565 : vector<16xf32>
        %parallel_loop3A_567 = arith.constant 0.000000e+00 : f32
        %parallel_loop3A_568 = vector.broadcast %parallel_loop3A_567 : f32 to vector<16xf32>
        %parallel_loop3A_569 = arith.maximumf %parallel_loop3A_532, %parallel_loop3A_568 : vector<16xf32>
        %parallel_loop3A_570 = arith.addf %parallel_loop3A_569, %parallel_loop3A_566 : vector<16xf32>
        %parallel_loop3A_571 = arith.mulf %parallel_loop3A_542, %parallel_loop3A_570 : vector<16xf32>
        %parallel_loop3A_572 = arith.constant 1 : i32
        %parallel_loop3A_573 = arith.index_cast %parallel_loop3A_572 : i32 to index
        %parallel_loop3A_574 = arith.index_cast %parallel_loop3A_348 : i32 to index
        %parallel_loop3A_575 = arith.constant 32 : index
        %parallel_loop3A_576 = tpu.vector_load %arg14[%parallel_loop3A_573, %parallel_loop3A_574, %parallel_loop3A_575] {strides = array<i32>} : memref<2x80x128xf32, #tpu.memory_space<vmem>>, vector<1x1x16xf32>,
        %parallel_loop3A_577 = vector.shape_cast %parallel_loop3A_576 : vector<1x1x16xf32> to vector<16xf32>
        %parallel_loop3A_578 = vector.shape_cast %parallel_loop3A_571 : vector<16xf32> to vector<1x1x16xf32>
        tpu.vector_store %arg14[%parallel_loop3A_573, %parallel_loop3A_574, %parallel_loop3A_575], %parallel_loop3A_578 {strides = array<i32>} : memref<2x80x128xf32, #tpu.memory_space<vmem>>, vector<1x1x16xf32>,
        %parallel_loop3A_579 = arith.constant 1 : i32
        %parallel_loop3A_580 = arith.index_cast %parallel_loop3A_579 : i32 to index
        %parallel_loop3A_581 = arith.index_cast %parallel_loop3A_348 : i32 to index
        %parallel_loop3A_582 = arith.constant 96 : index
        %parallel_loop3A_583 = tpu.vector_load %arg15[%parallel_loop3A_580, %parallel_loop3A_581, %parallel_loop3A_582] {strides = array<i32>} : memref<2x80x128xf32, #tpu.memory_space<vmem>>, vector<1x1x16xf32>,
        %parallel_loop3A_584 = vector.shape_cast %parallel_loop3A_583 : vector<1x1x16xf32> to vector<16xf32>
        %parallel_loop3A_585 = vector.shape_cast %parallel_loop3A_571 : vector<16xf32> to vector<1x1x16xf32>
        tpu.vector_store %arg15[%parallel_loop3A_580, %parallel_loop3A_581, %parallel_loop3A_582], %parallel_loop3A_585 {strides = array<i32>} : memref<2x80x128xf32, #tpu.memory_space<vmem>>, vector<1x1x16xf32>,
        %parallel_loop3A_586 = arith.constant 1 : i32
        %parallel_loop3A_587 = arith.index_cast %parallel_loop3A_586 : i32 to index
        %parallel_loop3A_588 = arith.index_cast %parallel_loop3A_348 : i32 to index
        %parallel_loop3A_589 = arith.constant 48 : index
        %parallel_loop3A_590 = tpu.vector_load %arg12[%parallel_loop3A_587, %parallel_loop3A_588, %parallel_loop3A_589] {strides = array<i32>} : memref<2x80x128xf32, #tpu.memory_space<vmem>>, vector<1x1x16xf32>,
        %parallel_loop3A_591 = vector.shape_cast %parallel_loop3A_590 : vector<1x1x16xf32> to vector<16xf32>
        %parallel_loop3A_592 = arith.constant 1 : i32
        %parallel_loop3A_593 = arith.index_cast %parallel_loop3A_592 : i32 to index
        %parallel_loop3A_594 = arith.index_cast %parallel_loop3A_348 : i32 to index
        %parallel_loop3A_595 = arith.constant 48 : index
        %parallel_loop3A_596 = tpu.vector_load %arg13[%parallel_loop3A_593, %parallel_loop3A_594, %parallel_loop3A_595] {strides = array<i32>} : memref<2x80x128xf32, #tpu.memory_space<vmem>>, vector<1x1x16xf32>,
        %parallel_loop3A_597 = vector.shape_cast %parallel_loop3A_596 : vector<1x1x16xf32> to vector<16xf32>
        %parallel_loop3A_598 = arith.addf %parallel_loop3A_591, %parallel_loop3A_597 : vector<16xf32>
        %parallel_loop3A_599 = arith.constant 1 : i32
        %parallel_loop3A_600 = arith.index_cast %parallel_loop3A_599 : i32 to index
        %parallel_loop3A_601 = arith.index_cast %parallel_loop3A_348 : i32 to index
        %parallel_loop3A_602 = arith.constant 112 : index
        %parallel_loop3A_603 = tpu.vector_load %arg12[%parallel_loop3A_600, %parallel_loop3A_601, %parallel_loop3A_602] {strides = array<i32>} : memref<2x80x128xf32, #tpu.memory_space<vmem>>, vector<1x1x16xf32>,
        %parallel_loop3A_604 = vector.shape_cast %parallel_loop3A_603 : vector<1x1x16xf32> to vector<16xf32>
        %parallel_loop3A_605 = arith.constant 1 : i32
        %parallel_loop3A_606 = arith.index_cast %parallel_loop3A_605 : i32 to index
        %parallel_loop3A_607 = arith.index_cast %parallel_loop3A_348 : i32 to index
        %parallel_loop3A_608 = arith.constant 112 : index
        %parallel_loop3A_609 = tpu.vector_load %arg13[%parallel_loop3A_606, %parallel_loop3A_607, %parallel_loop3A_608] {strides = array<i32>} : memref<2x80x128xf32, #tpu.memory_space<vmem>>, vector<1x1x16xf32>,
        %parallel_loop3A_610 = vector.shape_cast %parallel_loop3A_609 : vector<1x1x16xf32> to vector<16xf32>
        %parallel_loop3A_611 = arith.addf %parallel_loop3A_604, %parallel_loop3A_610 : vector<16xf32>
        %parallel_loop3A_612 = arith.constant 0.000000e+00 : f32
        %parallel_loop3A_613 = vector.broadcast %parallel_loop3A_612 : f32 to vector<16xf32>
        %parallel_loop3A_614 = arith.subf %parallel_loop3A_613, %parallel_loop3A_598 : vector<16xf32>
        %parallel_loop3A_615 = math.exp %parallel_loop3A_614 : vector<16xf32>
        %parallel_loop3A_616 = arith.constant 1.000000e+00 : f32
        %parallel_loop3A_617 = vector.broadcast %parallel_loop3A_616 : f32 to vector<16xf32>
        %parallel_loop3A_618 = arith.addf %parallel_loop3A_617, %parallel_loop3A_615 : vector<16xf32>
        %parallel_loop3A_619 = arith.constant 1.000000e+00 : f32
        %parallel_loop3A_620 = vector.broadcast %parallel_loop3A_619 : f32 to vector<16xf32>
        %parallel_loop3A_621 = arith.divf %parallel_loop3A_620, %parallel_loop3A_618 : vector<16xf32>
        %parallel_loop3A_622 = math.absf %parallel_loop3A_611 : vector<16xf32>
        %parallel_loop3A_623 = arith.constant 0.000000e+00 : f32
        %parallel_loop3A_624 = vector.broadcast %parallel_loop3A_623 : f32 to vector<16xf32>
        %parallel_loop3A_625 = arith.subf %parallel_loop3A_624, %parallel_loop3A_622 : vector<16xf32>
        %parallel_loop3A_626 = math.exp %parallel_loop3A_625 : vector<16xf32>
        %parallel_loop3A_627 = arith.constant 2.000000e+00 : f32
        %parallel_loop3A_628 = vector.broadcast %parallel_loop3A_627 : f32 to vector<16xf32>
        %parallel_loop3A_629 = arith.addf %parallel_loop3A_626, %parallel_loop3A_628 : vector<16xf32>
        %parallel_loop3A_630 = arith.divf %parallel_loop3A_626, %parallel_loop3A_629 : vector<16xf32>
        %parallel_loop3A_631 = arith.mulf %parallel_loop3A_630, %parallel_loop3A_630 : vector<16xf32>
        %parallel_loop3A_632 = arith.constant 2.000000e+00 : f32
        %parallel_loop3A_633 = vector.broadcast %parallel_loop3A_632 : f32 to vector<16xf32>
        %parallel_loop3A_634 = arith.mulf %parallel_loop3A_633, %parallel_loop3A_630 : vector<16xf32>
        %parallel_loop3A_635 = arith.constant 2.000000e-01 : f32
        %parallel_loop3A_636 = vector.broadcast %parallel_loop3A_635 : f32 to vector<16xf32>
        %parallel_loop3A_637 = arith.mulf %parallel_loop3A_631, %parallel_loop3A_636 : vector<16xf32>
        %parallel_loop3A_638 = arith.constant 0.333333343 : f32
        %parallel_loop3A_639 = vector.broadcast %parallel_loop3A_638 : f32 to vector<16xf32>
        %parallel_loop3A_640 = arith.addf %parallel_loop3A_639, %parallel_loop3A_637 : vector<16xf32>
        %parallel_loop3A_641 = arith.mulf %parallel_loop3A_631, %parallel_loop3A_640 : vector<16xf32>
        %parallel_loop3A_642 = arith.constant 1.000000e+00 : f32
        %parallel_loop3A_643 = vector.broadcast %parallel_loop3A_642 : f32 to vector<16xf32>
        %parallel_loop3A_644 = arith.addf %parallel_loop3A_643, %parallel_loop3A_641 : vector<16xf32>
        %parallel_loop3A_645 = arith.mulf %parallel_loop3A_634, %parallel_loop3A_644 : vector<16xf32>
        %parallel_loop3A_646 = arith.constant 0.000000e+00 : f32
        %parallel_loop3A_647 = vector.broadcast %parallel_loop3A_646 : f32 to vector<16xf32>
        %parallel_loop3A_648 = arith.maximumf %parallel_loop3A_611, %parallel_loop3A_647 : vector<16xf32>
        %parallel_loop3A_649 = arith.addf %parallel_loop3A_648, %parallel_loop3A_645 : vector<16xf32>
        %parallel_loop3A_650 = arith.mulf %parallel_loop3A_621, %parallel_loop3A_649 : vector<16xf32>
        %parallel_loop3A_651 = arith.constant 1 : i32
        %parallel_loop3A_652 = arith.index_cast %parallel_loop3A_651 : i32 to index
        %parallel_loop3A_653 = arith.index_cast %parallel_loop3A_348 : i32 to index
        %parallel_loop3A_654 = arith.constant 48 : index
        %parallel_loop3A_655 = tpu.vector_load %arg14[%parallel_loop3A_652, %parallel_loop3A_653, %parallel_loop3A_654] {strides = array<i32>} : memref<2x80x128xf32, #tpu.memory_space<vmem>>, vector<1x1x16xf32>,
        %parallel_loop3A_656 = vector.shape_cast %parallel_loop3A_655 : vector<1x1x16xf32> to vector<16xf32>
        %parallel_loop3A_657 = vector.shape_cast %parallel_loop3A_650 : vector<16xf32> to vector<1x1x16xf32>
        tpu.vector_store %arg14[%parallel_loop3A_652, %parallel_loop3A_653, %parallel_loop3A_654], %parallel_loop3A_657 {strides = array<i32>} : memref<2x80x128xf32, #tpu.memory_space<vmem>>, vector<1x1x16xf32>,
        %parallel_loop3A_658 = arith.constant 1 : i32
        %parallel_loop3A_659 = arith.index_cast %parallel_loop3A_658 : i32 to index
        %parallel_loop3A_660 = arith.index_cast %parallel_loop3A_348 : i32 to index
        %parallel_loop3A_661 = arith.constant 112 : index
        %parallel_loop3A_662 = tpu.vector_load %arg15[%parallel_loop3A_659, %parallel_loop3A_660, %parallel_loop3A_661] {strides = array<i32>} : memref<2x80x128xf32, #tpu.memory_space<vmem>>, vector<1x1x16xf32>,
        %parallel_loop3A_663 = vector.shape_cast %parallel_loop3A_662 : vector<1x1x16xf32> to vector<16xf32>
        %parallel_loop3A_664 = vector.shape_cast %parallel_loop3A_650 : vector<16xf32> to vector<1x1x16xf32>
        tpu.vector_store %arg15[%parallel_loop3A_659, %parallel_loop3A_660, %parallel_loop3A_661], %parallel_loop3A_664 {strides = array<i32>} : memref<2x80x128xf32, #tpu.memory_space<vmem>>, vector<1x1x16xf32>,
      } {sc.loop_unroll_factor = 2 : i64, sc.parallel_access}
      %dma_start3A_324 = arith.constant 1 : i32
      %dma_start3A_325 = arith.constant 1 : i32
      %dma_start3A_326 = arith.constant 0 : i32
      %dma_start3A_327 = arith.constant 0 : i32
      %dma_start3A_328 = tpu.memref_slice %arg14[%dma_start3A_324, %dma_start3A_326, %dma_start3A_327] : memref<2x80x128xf32, #tpu.memory_space<vmem>> -> memref<1x80x128xf32, #tpu.memory_space<vmem>>
      %dma_start3A_329 = tpu.memref_squeeze %dma_start3A_328 : memref<1x80x128xf32, #tpu.memory_space<vmem>> -> memref<80x128xf32, #tpu.memory_space<vmem>>
      %dma_start3A_330 = arith.constant 0 : i32
      %dma_start3A_331 = tpu.memref_slice %arg10[%dma_start3A_325, %dma_start3A_330] : memref<2x80xi32, #tpu.memory_space<vmem>> -> memref<1x80xi32, #tpu.memory_space<vmem>>
      %dma_start3A_332 = tpu.memref_squeeze %dma_start3A_331 : memref<1x80xi32, #tpu.memory_space<vmem>> -> memref<80xi32, #tpu.memory_space<vmem>>
      %dma_start3A_333 = arith.constant 0 : i32
      %dma_start3A_334 = arith.constant 0 : i32
      %dma_start3A_335 = tpu.memref_slice %arg16[%dma_start3A_333, %dma_start3A_334] : memref<5008x128xf32, #tpu.memory_space<vmem_shared>> -> memref<5008x128xf32, #tpu.memory_space<vmem_shared>>
      tpu.enqueue_indirect_dma source(%dma_start3A_329 : memref<80x128xf32, #tpu.memory_space<vmem>>) target(%dma_start3A_335 : memref<5008x128xf32, #tpu.memory_space<vmem_shared>>) offsets(%dma_start3A_332 : memref<80xi32, #tpu.memory_space<vmem>>) semaphore(%arg22 : memref<!tpu.dma_semaphore, #tpu.memory_space<semaphore_mem>>) {add = true}
      %dma_start3A_336 = arith.constant 1 : i32
      %dma_start3A_337 = arith.constant 1 : i32
      %dma_start3A_338 = arith.constant 0 : i32
      %dma_start3A_339 = arith.constant 0 : i32
      %dma_start3A_340 = tpu.memref_slice %arg15[%dma_start3A_336, %dma_start3A_338, %dma_start3A_339] : memref<2x80x128xf32, #tpu.memory_space<vmem>> -> memref<1x80x128xf32, #tpu.memory_space<vmem>>
      %dma_start3A_341 = tpu.memref_squeeze %dma_start3A_340 : memref<1x80x128xf32, #tpu.memory_space<vmem>> -> memref<80x128xf32, #tpu.memory_space<vmem>>
      %dma_start3A_342 = arith.constant 0 : i32
      %dma_start3A_343 = tpu.memref_slice %arg11[%dma_start3A_337, %dma_start3A_342] : memref<2x80xi32, #tpu.memory_space<vmem>> -> memref<1x80xi32, #tpu.memory_space<vmem>>
      %dma_start3A_344 = tpu.memref_squeeze %dma_start3A_343 : memref<1x80xi32, #tpu.memory_space<vmem>> -> memref<80xi32, #tpu.memory_space<vmem>>
      %dma_start3A_345 = arith.constant 0 : i32
      %dma_start3A_346 = arith.constant 0 : i32
      %dma_start3A_347 = tpu.memref_slice %arg16[%dma_start3A_345, %dma_start3A_346] : memref<5008x128xf32, #tpu.memory_space<vmem_shared>> -> memref<5008x128xf32, #tpu.memory_space<vmem_shared>>
      tpu.enqueue_indirect_dma source(%dma_start3A_341 : memref<80x128xf32, #tpu.memory_space<vmem>>) target(%dma_start3A_347 : memref<5008x128xf32, #tpu.memory_space<vmem_shared>>) offsets(%dma_start3A_344 : memref<80xi32, #tpu.memory_space<vmem>>) semaphore(%arg24 : memref<!tpu.dma_semaphore, #tpu.memory_space<semaphore_mem>>) {add = true}
    }
    %scan3A_110 = arith.constant 125 : i32
    %dma_wait3A_111 = arith.constant 0 : i32
    %dma_wait3A_112 = arith.constant 0 : i32
    %dma_wait3A_113 = arith.constant 0 : i32
    %dma_wait3A_114 = tpu.memref_slice %arg14[%dma_wait3A_111, %dma_wait3A_112, %dma_wait3A_113] : memref<2x80x128xf32, #tpu.memory_space<vmem>> -> memref<1x80x128xf32, #tpu.memory_space<vmem>>
    %dma_wait3A_115 = tpu.memref_squeeze %dma_wait3A_114 : memref<1x80x128xf32, #tpu.memory_space<vmem>> -> memref<80x128xf32, #tpu.memory_space<vmem>>
    %dma_wait3A_116 = arith.constant 0 : i32
    %dma_wait3A_117 = arith.constant 0 : i32
    %dma_wait3A_118 = tpu.memref_slice %arg6[%dma_wait3A_116, %dma_wait3A_117] : memref<5000x128xf32, #tpu.memory_space<hbm>> -> memref<80x128xf32, #tpu.memory_space<hbm>>
    %dma_wait3A_119 = arith.constant 0 : i32
    %dma_wait3A_120 = arith.constant 0 : i32
    %dma_wait3A_121 = tpu.memref_slice %arg14[%dma_wait3A_111, %dma_wait3A_119, %dma_wait3A_120] : memref<2x80x128xf32, #tpu.memory_space<vmem>> -> memref<1x80x128xf32, #tpu.memory_space<vmem>>
    %dma_wait3A_122 = tpu.memref_squeeze %dma_wait3A_121 : memref<1x80x128xf32, #tpu.memory_space<vmem>> -> memref<80x128xf32, #tpu.memory_space<vmem>>
    %dma_wait3A_123 = arith.constant 0 : i32
    %dma_wait3A_124 = arith.constant 0 : i32
    %dma_wait3A_125 = tpu.memref_slice %arg6[%dma_wait3A_123, %dma_wait3A_124] : memref<5000x128xf32, #tpu.memory_space<hbm>> -> memref<80x128xf32, #tpu.memory_space<hbm>>
    tpu.wait_dma2 semaphore(%arg21 : memref<!tpu.dma_semaphore, #tpu.memory_space<semaphore_mem>>) src(%dma_wait3A_125 : memref<80x128xf32, #tpu.memory_space<hbm>>) dst(%dma_wait3A_122 : memref<80x128xf32, #tpu.memory_space<vmem>>)
    %dma_wait3A_126 = arith.constant 0 : i32
    %dma_wait3A_127 = arith.constant 0 : i32
    %dma_wait3A_128 = arith.constant 0 : i32
    %dma_wait3A_129 = tpu.memref_slice %arg15[%dma_wait3A_126, %dma_wait3A_127, %dma_wait3A_128] : memref<2x80x128xf32, #tpu.memory_space<vmem>> -> memref<1x80x128xf32, #tpu.memory_space<vmem>>
    %dma_wait3A_130 = tpu.memref_squeeze %dma_wait3A_129 : memref<1x80x128xf32, #tpu.memory_space<vmem>> -> memref<80x128xf32, #tpu.memory_space<vmem>>
    %dma_wait3A_131 = arith.constant 0 : i32
    %dma_wait3A_132 = arith.constant 0 : i32
    %dma_wait3A_133 = tpu.memref_slice %arg6[%dma_wait3A_131, %dma_wait3A_132] : memref<5000x128xf32, #tpu.memory_space<hbm>> -> memref<80x128xf32, #tpu.memory_space<hbm>>
    %dma_wait3A_134 = arith.constant 0 : i32
    %dma_wait3A_135 = arith.constant 0 : i32
    %dma_wait3A_136 = tpu.memref_slice %arg15[%dma_wait3A_126, %dma_wait3A_134, %dma_wait3A_135] : memref<2x80x128xf32, #tpu.memory_space<vmem>> -> memref<1x80x128xf32, #tpu.memory_space<vmem>>
    %dma_wait3A_137 = tpu.memref_squeeze %dma_wait3A_136 : memref<1x80x128xf32, #tpu.memory_space<vmem>> -> memref<80x128xf32, #tpu.memory_space<vmem>>
    %dma_wait3A_138 = arith.constant 0 : i32
    %dma_wait3A_139 = arith.constant 0 : i32
    %dma_wait3A_140 = tpu.memref_slice %arg6[%dma_wait3A_138, %dma_wait3A_139] : memref<5000x128xf32, #tpu.memory_space<hbm>> -> memref<80x128xf32, #tpu.memory_space<hbm>>
    tpu.wait_dma2 semaphore(%arg23 : memref<!tpu.dma_semaphore, #tpu.memory_space<semaphore_mem>>) src(%dma_wait3A_140 : memref<80x128xf32, #tpu.memory_space<hbm>>) dst(%dma_wait3A_137 : memref<80x128xf32, #tpu.memory_space<vmem>>)
    %dma_wait3A_141 = arith.constant 1 : i32
    %dma_wait3A_142 = arith.constant 0 : i32
    %dma_wait3A_143 = arith.constant 0 : i32
    %dma_wait3A_144 = tpu.memref_slice %arg14[%dma_wait3A_141, %dma_wait3A_142, %dma_wait3A_143] : memref<2x80x128xf32, #tpu.memory_space<vmem>> -> memref<1x80x128xf32, #tpu.memory_space<vmem>>
    %dma_wait3A_145 = tpu.memref_squeeze %dma_wait3A_144 : memref<1x80x128xf32, #tpu.memory_space<vmem>> -> memref<80x128xf32, #tpu.memory_space<vmem>>
    %dma_wait3A_146 = arith.constant 0 : i32
    %dma_wait3A_147 = arith.constant 0 : i32
    %dma_wait3A_148 = tpu.memref_slice %arg6[%dma_wait3A_146, %dma_wait3A_147] : memref<5000x128xf32, #tpu.memory_space<hbm>> -> memref<80x128xf32, #tpu.memory_space<hbm>>
    %dma_wait3A_149 = arith.constant 0 : i32
    %dma_wait3A_150 = arith.constant 0 : i32
    %dma_wait3A_151 = tpu.memref_slice %arg14[%dma_wait3A_141, %dma_wait3A_149, %dma_wait3A_150] : memref<2x80x128xf32, #tpu.memory_space<vmem>> -> memref<1x80x128xf32, #tpu.memory_space<vmem>>
    %dma_wait3A_152 = tpu.memref_squeeze %dma_wait3A_151 : memref<1x80x128xf32, #tpu.memory_space<vmem>> -> memref<80x128xf32, #tpu.memory_space<vmem>>
    %dma_wait3A_153 = arith.constant 0 : i32
    %dma_wait3A_154 = arith.constant 0 : i32
    %dma_wait3A_155 = tpu.memref_slice %arg6[%dma_wait3A_153, %dma_wait3A_154] : memref<5000x128xf32, #tpu.memory_space<hbm>> -> memref<80x128xf32, #tpu.memory_space<hbm>>
    tpu.wait_dma2 semaphore(%arg22 : memref<!tpu.dma_semaphore, #tpu.memory_space<semaphore_mem>>) src(%dma_wait3A_155 : memref<80x128xf32, #tpu.memory_space<hbm>>) dst(%dma_wait3A_152 : memref<80x128xf32, #tpu.memory_space<vmem>>)
    %dma_wait3A_156 = arith.constant 1 : i32
    %dma_wait3A_157 = arith.constant 0 : i32
    %dma_wait3A_158 = arith.constant 0 : i32
    %dma_wait3A_159 = tpu.memref_slice %arg15[%dma_wait3A_156, %dma_wait3A_157, %dma_wait3A_158] : memref<2x80x128xf32, #tpu.memory_space<vmem>> -> memref<1x80x128xf32, #tpu.memory_space<vmem>>
    %dma_wait3A_160 = tpu.memref_squeeze %dma_wait3A_159 : memref<1x80x128xf32, #tpu.memory_space<vmem>> -> memref<80x128xf32, #tpu.memory_space<vmem>>
    %dma_wait3A_161 = arith.constant 0 : i32
    %dma_wait3A_162 = arith.constant 0 : i32
    %dma_wait3A_163 = tpu.memref_slice %arg6[%dma_wait3A_161, %dma_wait3A_162] : memref<5000x128xf32, #tpu.memory_space<hbm>> -> memref<80x128xf32, #tpu.memory_space<hbm>>
    %dma_wait3A_164 = arith.constant 0 : i32
    %dma_wait3A_165 = arith.constant 0 : i32
    %dma_wait3A_166 = tpu.memref_slice %arg15[%dma_wait3A_156, %dma_wait3A_164, %dma_wait3A_165] : memref<2x80x128xf32, #tpu.memory_space<vmem>> -> memref<1x80x128xf32, #tpu.memory_space<vmem>>
    %dma_wait3A_167 = tpu.memref_squeeze %dma_wait3A_166 : memref<1x80x128xf32, #tpu.memory_space<vmem>> -> memref<80x128xf32, #tpu.memory_space<vmem>>
    %dma_wait3A_168 = arith.constant 0 : i32
    %dma_wait3A_169 = arith.constant 0 : i32
    %dma_wait3A_170 = tpu.memref_slice %arg6[%dma_wait3A_168, %dma_wait3A_169] : memref<5000x128xf32, #tpu.memory_space<hbm>> -> memref<80x128xf32, #tpu.memory_space<hbm>>
    tpu.wait_dma2 semaphore(%arg24 : memref<!tpu.dma_semaphore, #tpu.memory_space<semaphore_mem>>) src(%dma_wait3A_170 : memref<80x128xf32, #tpu.memory_space<hbm>>) dst(%dma_wait3A_167 : memref<80x128xf32, #tpu.memory_space<vmem>>)
    %barrier3A_171 = arith.constant 0 : index
    tpu.barrier barrier_id(%barrier3A_171)
    %lt3A_172 = arith.constant 5 : i32
    %lt3A_173 = arith.cmpi slt, %arg1, %lt3A_172 : i32
    %convert_element_type3A_174 = arith.extui %lt3A_173 : i1 to i32
    %cond3A_175 = arith.constant 0 : i32
    %cond3A_176 = arith.cmpi ne, %convert_element_type3A_174, %cond3A_175 : i32
    scf.if %cond3A_176 {
      %mul3A_177 = arith.constant 1000 : i32
      %mul3A_178 = arith.muli %arg1, %mul3A_177 : i32
      %mul3A_179 = arith.constant 1000 : i32
      %mul3A_180 = arith.muli %arg1, %mul3A_179 : i32
      "tpu.region"() ({
        %run_scoped3A = tpu.sem_alloc : memref<!tpu.dma_semaphore, #tpu.memory_space<semaphore_mem>>
        %dma_start3A_181 = arith.constant 0 : i32
        %dma_start3A_182 = tpu.memref_slice %arg7[%arg0, %mul3A_180, %dma_start3A_181] : memref<2x5000x128xf32, #tpu.memory_space<hbm>> -> memref<1x1000x128xf32, #tpu.memory_space<hbm>>
        %dma_start3A_183 = tpu.memref_squeeze %dma_start3A_182 : memref<1x1000x128xf32, #tpu.memory_space<hbm>> -> memref<1000x128xf32, #tpu.memory_space<hbm>>
        %dma_start3A_184 = arith.constant 0 : i32
        %dma_start3A_185 = tpu.memref_slice %arg16[%mul3A_178, %dma_start3A_184] : memref<5008x128xf32, #tpu.memory_space<vmem_shared>> -> memref<1000x128xf32, #tpu.memory_space<vmem_shared>>
        tpu.enqueue_dma source(%dma_start3A_185 : memref<1000x128xf32, #tpu.memory_space<vmem_shared>>) target(%dma_start3A_183 : memref<1000x128xf32, #tpu.memory_space<hbm>>) target_semaphore(%run_scoped3A : memref<!tpu.dma_semaphore, #tpu.memory_space<semaphore_mem>>)
        %dma_wait3A_186 = arith.constant 0 : i32
        %dma_wait3A_187 = tpu.memref_slice %arg7[%arg0, %mul3A_180, %dma_wait3A_186] : memref<2x5000x128xf32, #tpu.memory_space<hbm>> -> memref<1x1000x128xf32, #tpu.memory_space<hbm>>
        %dma_wait3A_188 = tpu.memref_squeeze %dma_wait3A_187 : memref<1x1000x128xf32, #tpu.memory_space<hbm>> -> memref<1000x128xf32, #tpu.memory_space<hbm>>
        %dma_wait3A_189 = arith.constant 0 : i32
        %dma_wait3A_190 = tpu.memref_slice %arg16[%mul3A_178, %dma_wait3A_189] : memref<5008x128xf32, #tpu.memory_space<vmem_shared>> -> memref<1000x128xf32, #tpu.memory_space<vmem_shared>>
        tpu.wait_dma2 semaphore(%run_scoped3A : memref<!tpu.dma_semaphore, #tpu.memory_space<semaphore_mem>>) src(%dma_wait3A_190 : memref<1000x128xf32, #tpu.memory_space<vmem_shared>>) dst(%dma_wait3A_188 : memref<1000x128xf32, #tpu.memory_space<hbm>>)
        tpu.yield
      }) : () -> ()
    } else {
    }
    return
  }
}

module attributes {stable_mosaic.version = 14 : i64} {
  func.func @_tables_body(%arg0: i32, %arg1: i32, %arg2: memref<1000x128xf32, #tpu.memory_space<vmem>>, %arg3: memref<1x128x128xf32, #tpu.memory_space<vmem>>, %arg4: memref<1x1x128xf32, #tpu.memory_space<vmem>>, %arg5: memref<1x128x128xf32, #tpu.memory_space<vmem>>, %arg6: memref<1x1000x128xf32, #tpu.memory_space<vmem>>, %arg7: memref<1x1000x128xf32, #tpu.memory_space<vmem>>) attributes {dimension_semantics = [#tpu.dimension_semantics<arbitrary>, #tpu.dimension_semantics<arbitrary>], iteration_bounds = array<i64: 10, 2>, scalar_prefetch = 0 : i64, scratch_operands = 0 : i64, tpu.core_type = #tpu.core_type<tc>, window_params = [{transform_indices = @transform_0, window_bounds = array<i64: 1000, 128>}, {transform_indices = @transform_1, window_bounds = array<i64: 1, 128, 128>}, {transform_indices = @transform_2, window_bounds = array<i64: 1, 1, 128>}, {transform_indices = @transform_3, window_bounds = array<i64: 1, 128, 128>}, {transform_indices = @transform_4, window_bounds = array<i64: 1, 1000, 128>}, {transform_indices = @transform_5, window_bounds = array<i64: 1, 1000, 128>}]} {
    %get3A = arith.constant 0 : index
    %get3A_0 = arith.constant 0 : index
    %get3A_1 = vector.load %arg2[%get3A, %get3A_0] : memref<1000x128xf32, #tpu.memory_space<vmem>>, vector<1000x128xf32>
    %get3A_2 = arith.constant 0 : index
    %get3A_3 = arith.constant 0 : index
    %get3A_4 = arith.constant 0 : index
    %get3A_5 = vector.load %arg3[%get3A_2, %get3A_3, %get3A_4] : memref<1x128x128xf32, #tpu.memory_space<vmem>>, vector<1x128x128xf32>
    %get3A_6 = vector.shape_cast %get3A_5 : vector<1x128x128xf32> to vector<128x128xf32>
    %dot_general3A = arith.constant dense<0.000000e+00> : vector<1000x128xf32>
    %dot_general3A_7 = tpu.matmul %get3A_1, %get3A_6, %dot_general3A {dimension_numbers = #tpu.dot_dimension_numbers<[1], [0], [0], [1], [0, 0, 1, 1], [], []>, transpose_lhs_hint = false} : vector<1000x128xf32>, vector<128x128xf32>, vector<1000x128xf32> -> vector<1000x128xf32>
    %get3A_8 = arith.constant 0 : index
    %get3A_9 = arith.constant 0 : index
    %get3A_10 = arith.constant 0 : index
    %get3A_11 = vector.load %arg4[%get3A_8, %get3A_9, %get3A_10] : memref<1x1x128xf32, #tpu.memory_space<vmem>>, vector<1x1x128xf32>
    %get3A_12 = vector.shape_cast %get3A_11 : vector<1x1x128xf32> to vector<1x128xf32>
    %add3A = vector.broadcast %get3A_12 : vector<1x128xf32> to vector<1000x128xf32>
    %add3A_13 = arith.addf %dot_general3A_7, %add3A : vector<1000x128xf32>
    %broadcast_in_dim3A = vector.shape_cast %add3A_13 : vector<1000x128xf32> to vector<1x1000x128xf32>
    %swap3A = arith.constant 0 : index
    %swap3A_14 = arith.constant 0 : index
    %swap3A_15 = arith.constant 0 : index
    %swap3A_16 = vector.load %arg6[%swap3A, %swap3A_14, %swap3A_15] : memref<1x1000x128xf32, #tpu.memory_space<vmem>>, vector<1x1000x128xf32>
    tpu.vector_store %arg6[%swap3A, %swap3A_14, %swap3A_15], %broadcast_in_dim3A {strides = array<i32>} : memref<1x1000x128xf32, #tpu.memory_space<vmem>>, vector<1x1000x128xf32>,
    %get3A_17 = arith.constant 0 : index
    %get3A_18 = arith.constant 0 : index
    %get3A_19 = arith.constant 0 : index
    %get3A_20 = vector.load %arg5[%get3A_17, %get3A_18, %get3A_19] : memref<1x128x128xf32, #tpu.memory_space<vmem>>, vector<1x128x128xf32>
    %get3A_21 = vector.shape_cast %get3A_20 : vector<1x128x128xf32> to vector<128x128xf32>
    %dot_general3A_22 = arith.constant dense<0.000000e+00> : vector<1000x128xf32>
    %dot_general3A_23 = tpu.matmul %get3A_1, %get3A_21, %dot_general3A_22 {dimension_numbers = #tpu.dot_dimension_numbers<[1], [0], [0], [1], [0, 0, 1, 1], [], []>, transpose_lhs_hint = false} : vector<1000x128xf32>, vector<128x128xf32>, vector<1000x128xf32> -> vector<1000x128xf32>
    %broadcast_in_dim3A_24 = vector.shape_cast %dot_general3A_23 : vector<1000x128xf32> to vector<1x1000x128xf32>
    %swap3A_25 = arith.constant 0 : index
    %swap3A_26 = arith.constant 0 : index
    %swap3A_27 = arith.constant 0 : index
    %swap3A_28 = vector.load %arg7[%swap3A_25, %swap3A_26, %swap3A_27] : memref<1x1000x128xf32, #tpu.memory_space<vmem>>, vector<1x1000x128xf32>
    tpu.vector_store %arg7[%swap3A_25, %swap3A_26, %swap3A_27], %broadcast_in_dim3A_24 {strides = array<i32>} : memref<1x1000x128xf32, #tpu.memory_space<vmem>>, vector<1x1000x128xf32>,
    return
  }
  func.func @transform_0(%arg0: i32, %arg1: i32) -> (i32, i32) {
    %c0_i32 = arith.constant 0 : i32
    %c0_i32_0 = arith.constant 0 : i32
    return %arg0, %c0_i32 : i32, i32
  }
  func.func @transform_1(%arg0: i32, %arg1: i32) -> (i32, i32, i32) {
    %c0_i32 = arith.constant 0 : i32
    %c0_i32_0 = arith.constant 0 : i32
    %c0_i32_1 = arith.constant 0 : i32
    return %arg1, %c0_i32, %c0_i32_0 : i32, i32, i32
  }
  func.func @transform_2(%arg0: i32, %arg1: i32) -> (i32, i32, i32) {
    %c0_i32 = arith.constant 0 : i32
    %c0_i32_0 = arith.constant 0 : i32
    %c0_i32_1 = arith.constant 0 : i32
    return %arg1, %c0_i32, %c0_i32_0 : i32, i32, i32
  }
  func.func @transform_3(%arg0: i32, %arg1: i32) -> (i32, i32, i32) {
    %c0_i32 = arith.constant 0 : i32
    %c0_i32_0 = arith.constant 0 : i32
    %c0_i32_1 = arith.constant 0 : i32
    return %arg1, %c0_i32, %c0_i32_0 : i32, i32, i32
  }
  func.func @transform_4(%arg0: i32, %arg1: i32) -> (i32, i32, i32) {
    %c0_i32 = arith.constant 0 : i32
    %c0_i32_0 = arith.constant 0 : i32
    return %arg1, %arg0, %c0_i32 : i32, i32, i32
  }
  func.func @transform_5(%arg0: i32, %arg1: i32) -> (i32, i32, i32) {
    %c0_i32 = arith.constant 0 : i32
    %c0_i32_0 = arith.constant 0 : i32
    return %arg1, %arg0, %c0_i32 : i32, i32, i32
  }
}

module attributes {stable_mosaic.version = 14 : i64} {
  func.func @_final_body(%arg0: memref<10000x128xf32, #tpu.memory_space<vmem>>, %arg1: memref<2x5000x128xf32, #tpu.memory_space<vmem>>, %arg2: memref<10000x1xf32, #tpu.memory_space<vmem>>, %arg3: memref<8x120xf32, #tpu.memory_space<vmem>>, %arg4: memref<1x120xf32, #tpu.memory_space<vmem>>, %arg5: memref<120x1xf32, #tpu.memory_space<vmem>>, %arg6: memref<1x1xf32, #tpu.memory_space<vmem>>, %arg7: memref<1x1xf32, #tpu.memory_space<vmem>>) attributes {dimension_semantics = [], scalar_prefetch = 0 : i64, scratch_operands = 0 : i64, tpu.core_type = #tpu.core_type<tc>} {
    %get3A = arith.constant 0 : index
    %get3A_0 = arith.constant 0 : index
    %get3A_1 = arith.constant 0 : index
    %get3A_2 = vector.load %arg1[%get3A, %get3A_0, %get3A_1] : memref<2x5000x128xf32, #tpu.memory_space<vmem>>, vector<1x5000x64xf32>
    %get3A_3 = vector.shape_cast %get3A_2 : vector<1x5000x64xf32> to vector<5000x64xf32>
    %get3A_4 = arith.constant 0 : index
    %get3A_5 = arith.constant 0 : index
    %get3A_6 = arith.constant 64 : index
    %get3A_7 = vector.load %arg1[%get3A_4, %get3A_5, %get3A_6] : memref<2x5000x128xf32, #tpu.memory_space<vmem>>, vector<1x5000x64xf32>
    %get3A_8 = vector.shape_cast %get3A_7 : vector<1x5000x64xf32> to vector<5000x64xf32>
    %concatenate3A = tpu.concatenate %get3A_3, %get3A_8 in 0 : vector<5000x64xf32>, vector<5000x64xf32> -> vector<10000x64xf32>
    %get3A_9 = arith.constant 1 : index
    %get3A_10 = arith.constant 0 : index
    %get3A_11 = arith.constant 0 : index
    %get3A_12 = vector.load %arg1[%get3A_9, %get3A_10, %get3A_11] : memref<2x5000x128xf32, #tpu.memory_space<vmem>>, vector<1x5000x64xf32>
    %get3A_13 = vector.shape_cast %get3A_12 : vector<1x5000x64xf32> to vector<5000x64xf32>
    %get3A_14 = arith.constant 1 : index
    %get3A_15 = arith.constant 0 : index
    %get3A_16 = arith.constant 64 : index
    %get3A_17 = vector.load %arg1[%get3A_14, %get3A_15, %get3A_16] : memref<2x5000x128xf32, #tpu.memory_space<vmem>>, vector<1x5000x64xf32>
    %get3A_18 = vector.shape_cast %get3A_17 : vector<1x5000x64xf32> to vector<5000x64xf32>
    %concatenate3A_19 = tpu.concatenate %get3A_13, %get3A_18 in 0 : vector<5000x64xf32>, vector<5000x64xf32> -> vector<10000x64xf32>
    %concatenate3A_20 = tpu.concatenate %concatenate3A, %concatenate3A_19 in 1 : vector<10000x64xf32>, vector<10000x64xf32> -> vector<10000x128xf32>
    %get3A_21 = arith.constant 0 : index
    %get3A_22 = arith.constant 0 : index
    %get3A_23 = vector.load %arg0[%get3A_21, %get3A_22] : memref<10000x128xf32, #tpu.memory_space<vmem>>, vector<10000x8xf32>
    %slice3A = vector.extract_strided_slice %concatenate3A_20 {offsets = [0, 0], sizes = [10000, 8], strides = [1, 1]} : vector<10000x128xf32> to vector<10000x8xf32>
    %add3A = arith.addf %get3A_23, %slice3A : vector<10000x8xf32>
    %get3A_24 = arith.constant 0 : index
    %get3A_25 = arith.constant 8 : index
    %get3A_26 = vector.load %arg0[%get3A_24, %get3A_25] : memref<10000x128xf32, #tpu.memory_space<vmem>>, vector<10000x120xf32>
    %slice3A_27 = vector.extract_strided_slice %concatenate3A_20 {offsets = [0, 8], sizes = [10000, 120], strides = [1, 1]} : vector<10000x128xf32> to vector<10000x120xf32>
    %add3A_28 = arith.addf %get3A_26, %slice3A_27 : vector<10000x120xf32>
    %get3A_29 = arith.constant 0 : index
    %get3A_30 = arith.constant 0 : index
    %get3A_31 = vector.load %arg3[%get3A_29, %get3A_30] : memref<8x120xf32, #tpu.memory_space<vmem>>, vector<8x120xf32>
    %dot_general3A = arith.constant dense<0.000000e+00> : vector<10000x120xf32>
    %dot_general3A_32 = tpu.matmul %add3A, %get3A_31, %dot_general3A {dimension_numbers = #tpu.dot_dimension_numbers<[1], [0], [0], [1], [0, 0, 1, 1], [], []>, transpose_lhs_hint = false} : vector<10000x8xf32>, vector<8x120xf32>, vector<10000x120xf32> -> vector<10000x120xf32>
    %get3A_33 = arith.constant 0 : index
    %get3A_34 = arith.constant 0 : index
    %get3A_35 = vector.load %arg4[%get3A_33, %get3A_34] : memref<1x120xf32, #tpu.memory_space<vmem>>, vector<1x120xf32>
    %add3A_36 = vector.broadcast %get3A_35 : vector<1x120xf32> to vector<10000x120xf32>
    %add3A_37 = arith.addf %dot_general3A_32, %add3A_36 : vector<10000x120xf32>
    %mul3A = arith.mulf %add3A_37, %add3A_28 : vector<10000x120xf32>
    %get3A_38 = arith.constant 0 : index
    %get3A_39 = arith.constant 0 : index
    %get3A_40 = vector.load %arg2[%get3A_38, %get3A_39] : memref<10000x1xf32, #tpu.memory_space<vmem>>, vector<10000x1xf32>
    %mul3A_41 = vector.broadcast %get3A_40 : vector<10000x1xf32> to vector<10000x120xf32>
    %mul3A_42 = arith.mulf %mul3A, %mul3A_41 : vector<10000x120xf32>
    %get3A_43 = arith.constant 0 : index
    %get3A_44 = arith.constant 0 : index
    %get3A_45 = vector.load %arg5[%get3A_43, %get3A_44] : memref<120x1xf32, #tpu.memory_space<vmem>>, vector<120x1xf32>
    %dot_general3A_46 = arith.constant dense<0.000000e+00> : vector<10000x1xf32>
    %dot_general3A_47 = tpu.matmul %mul3A_42, %get3A_45, %dot_general3A_46 {dimension_numbers = #tpu.dot_dimension_numbers<[1], [0], [0], [1], [0, 0, 1, 1], [], []>, transpose_lhs_hint = false} : vector<10000x120xf32>, vector<120x1xf32>, vector<10000x1xf32> -> vector<10000x1xf32>
    %reduce_sum3A = vector.shape_cast %dot_general3A_47 : vector<10000x1xf32> to vector<1x10000x1xf32>
    %reduce_sum3A_48 = arith.constant dense<0.000000e+00> : vector<1xf32>
    %reduce_sum3A_49 = vector.multi_reduction <add>, %reduce_sum3A, %reduce_sum3A_48 [1, 2] : vector<1x10000x1xf32> to vector<1xf32>
    %reduce_sum3A_50 = vector.shape_cast %reduce_sum3A_49 : vector<1xf32> to vector<1x1x1xf32>
    %reduce_sum3A_51 = vector.extract %reduce_sum3A_50[0, 0, 0] : f32 from vector<1x1x1xf32>
    %get3A_52 = arith.constant 0 : index
    %get3A_53 = arith.constant 0 : index
    %get3A_54 = vector.load %arg6[%get3A_52, %get3A_53] : memref<1x1xf32, #tpu.memory_space<vmem>>, vector<1x1xf32>
    %get3A_55 = vector.extract %get3A_54[0, 0] : f32 from vector<1x1xf32>
    %mul3A_56 = arith.constant 1.000000e+04 : f32
    %mul3A_57 = arith.mulf %mul3A_56, %get3A_55 : f32
    %add3A_58 = arith.addf %reduce_sum3A_51, %mul3A_57 : f32
    %get3A_59 = arith.constant 0 : index
    %get3A_60 = arith.constant 0 : index
    %get3A_61 = vector.load %arg2[%get3A_59, %get3A_60] : memref<10000x1xf32, #tpu.memory_space<vmem>>, vector<10000x1xf32>
    %reduce_sum3A_62 = vector.shape_cast %get3A_61 : vector<10000x1xf32> to vector<1x10000x1xf32>
    %reduce_sum3A_63 = arith.constant dense<0.000000e+00> : vector<1xf32>
    %reduce_sum3A_64 = vector.multi_reduction <add>, %reduce_sum3A_62, %reduce_sum3A_63 [1, 2] : vector<1x10000x1xf32> to vector<1xf32>
    %reduce_sum3A_65 = vector.shape_cast %reduce_sum3A_64 : vector<1xf32> to vector<1x1x1xf32>
    %reduce_sum3A_66 = vector.extract %reduce_sum3A_65[0, 0, 0] : f32 from vector<1x1x1xf32>
    %div3A = arith.divf %add3A_58, %reduce_sum3A_66 : f32
    %broadcast_in_dim3A = vector.broadcast %div3A : f32 to vector<1x1xf32>
    %swap3A = arith.constant 0 : index
    %swap3A_67 = arith.constant 0 : index
    %swap3A_68 = vector.load %arg7[%swap3A, %swap3A_67] : memref<1x1xf32, #tpu.memory_space<vmem>>, vector<1x1xf32>
    tpu.vector_store %arg7[%swap3A, %swap3A_67], %broadcast_in_dim3A {strides = array<i32>} : memref<1x1xf32, #tpu.memory_space<vmem>>, vector<1x1xf32>,
    return
  }
}

</mosaic_0001>

<sc_bundles>
// kernel: kernel.5.cloned.1.call-start
scs
__scs_entry_jumppad:
0x0: {  	(pc) =	sbr.rel $0x88, $3  }
0x1: {  	(tag) =	ssettag $0x0;
	lr =	simm.s32 $0x1  }
0x2: {  	[smem:$0x3F92] =	sst lr;
	_ =	strace $0xD0000000  }
0x3: {  	_ = 	snop  }
0x4: {  	_ = 	snop  }
0x5: {  	_ = 	snop  }
0x6: {  	_ = 	snop  }
0x7: {  	_ = 	snop  }
__scs_overlays_trampoline_lowered:
0x8: {  	[smem:$0x3FA1] =	sst s0  }
0x9: {  	[smem:$0x3FA2] =	sst s1  }
0xa: {  	[smem:$0x3FA3] =	sst s2  }
0xb: {  	[smem:$0x3FA4] =	sst s3  }
0xc: {  	[smem:$0x3FA5] =	sst s4  }
0xd: {  	[smem:$0x3FA6] =	sst s5  }
0xe: {  	[smem:$0x3FA7] =	sst s6  }
0xf: {  	[smem:$0x3FA8] =	sst s7  }
0x10: {  	[smem:$0x3FA9] =	sst s8  }
0x11: {  	[smem:$0x3FAA] =	sst s9;
	s0 =	simm.s32 @!p0 $0x0  }
0x12: {  	s1 =	sld [smem:$0x3F90];
	s0 =	simm.s32 @p0 $0x1  }
0x13: {  	[smem:$0x3FAB] =	sst s0;
	s0 =	simm.s32 @!p1 $0x0  }
0x14: {  	s2 =	sld [smem:$0x3F8F];
	s0 =	simm.s32 @p1 $0x1  }
0x15: {  	[smem:$0x3FAC] =	sst s0;
	s0 =	simm.s32 @!p2 $0x0  }
0x16: {  	s3 =	sld [smem:$0x3FDB];
	s0 =	simm.s32 @p2 $0x1  }
0x17: {  	s4 =	simm.s32 $0x1BF5;
	[smem:$0x3FAE] =	sst s0  }
0x18: {  	s0 =	sld [smem:$0x3F91];
	_ =	swait.ge [sflag:s4], $0x0  }
0x19: {  	s7 =	sld [smem:$0x3F92]  }
0x1a: {  	s8 =	sadd.s32 $0xFFFFE003, lr  }
0x1b: {  	s9 =	sadd.s32 $0xFFFFFEF7, lr;
	s5 =	simm.s32 $0xFFFFFFFF;
	p2 =	slt.u32 s8, $0xFFFFF086  }
0x1c: {  	p1 =	slt.u32 s9, $0xF7A;
	s5 =	simm.s32 @!p2 $0x0  }
0x1d: {  	s5 =	simm.s32 @p1 $0x1;
	p0 =	seq.s32 s7, s2  }
0x1e: {  	s7 =	smul.u32 @!p0 $0xF7A, s2;
	p2 =	seq.s32 @!p0 s5, $0x0  }
0x1f: {  	s9 =	smul.u32 $0xF7A, s1;
	s8 =	simm.s32 @!p0 $0x1BF5;
	p2 =	por !p2, p0  }
0x20: {  	[sflag:s8] =	ssyncset.s32 @!p0 $0xFFFFF086;
	s6 =	sadd.s32 @!p0 s3, s7;
	s7 =	simm.s32 @!p0 $0x108  }
0x21: {  	s3 =	sadd.s32 s3, s9;
	s6 =	sadd.s32 @!p0 $0x88, s6;
	s7 =	simm.s32 @p2 $0x1082  }
0x22: {  	[simem:s7], [sflag:s8] =	dma.local @!p0 [hbm:s6], $0xF7A  }
0x23: {  	s9 =	sor.u32 $0xD0000000, s2;
	s6 =	simm.s32 $0x108;
	_ =	swait.ge @!p0 [sflag:s8], $0x0  }
0x24: {  	s3 =	sadd.s32 $0x88, s3;
	s6 =	simm.s32 @!p1 $0x1082;
	[sflag:s4] =	ssyncset.s32 $0xFFFFF086  }
0x25: {  	[simem:s6], [sflag:s4] =	dma.local [hbm:s3], $0xF7A  }
0x26: {  	[smem:$0x3F92] =	sst s1;
	(tag) =	ssettag s2;
	_ =	strace s9  }
0x27: {  	s1 =	sld [smem:$0x3FA2]  }
0x28: {  	s2 =	sld [smem:$0x3FA3]  }
0x29: {  	s4 =	sld [smem:$0x3FA5]  }
0x2a: {  	p0 =	seq.s32 s5, $0x0;
	s5 =	sld [smem:$0x3FA6]  }
0x2b: {  	s6 =	sld [smem:$0x3FA7]  }
0x2c: {  	s7 =	sld [smem:$0x3FA8]  }
0x2d: {  	s3 =	simm.s32 $0x108;
	s8 =	sld [smem:$0x3FA9]  }
0x2e: {  	s3 =	simm.s32 @!p0 $0x1082;
	s9 =	sld [smem:$0x3FAA]  }
0x2f: {  	lr =	sadd.s32 s0, s3;
	s0 =	sld [smem:$0x3FA1]  }
0x30: {  	s3 =	sld [smem:$0x3FA4]  }
0x31: {  	[smem:$0x3FAD] =	sst s10  }
0x32: {  	s10 =	sld [smem:$0x3FAB];
	_ =	sdelay $0x3  }
0x33: {  	p0 =	seq.s32 s10, $0x1;
	s10 =	sld [smem:$0x3FAD];
	_ =	sdelay $0x3  }
0x34: {  	[smem:$0x3FAD] =	sst s10  }
0x35: {  	s10 =	sld [smem:$0x3FAC];
	_ =	sdelay $0x3  }
0x36: {  	p1 =	seq.s32 s10, $0x1;
	s10 =	sld [smem:$0x3FAD];
	_ =	sdelay $0x3  }
0x37: {  	[smem:$0x3FAD] =	sst s10  }
0x38: {  	s10 =	sld [smem:$0x3FAE]  }
0x39: {  	_ = 	snop;
	(pc) =	sbr.ind lr, $3  }
0x3a: {  	_ = 	snop  }
0x3b: {  	_ = 	snop  }
0x3c: {  	p2 =	seq.s32 s10, $0x1;
	s10 =	sld [smem:$0x3FAD]  }
0x3d: {  	_ =	shalt  }
0x3e: {  	_ =	shalt  }
0x3f: {  	_ =	shalt  }
0x40: {  	_ =	shalt  }
0x41: {  	_ =	shalt  }
0x42: {  	_ =	shalt  }
0x43: {  	_ =	shalt  }
0x44: {  	_ =	shalt  }
0x45: {  	_ =	shalt  }
0x46: {  	_ =	shalt  }
0x47: {  	_ =	shalt  }
0x48: {  	_ =	shalt  }
0x49: {  	_ =	shalt  }
0x4a: {  	_ =	shalt  }
0x4b: {  	_ =	shalt  }
0x4c: {  	_ =	shalt  }
0x4d: {  	_ =	shalt  }
0x4e: {  	_ =	shalt  }
0x4f: {  	_ =	shalt  }
0x50: {  	_ =	shalt  }
0x51: {  	_ =	shalt  }
0x52: {  	_ =	shalt  }
0x53: {  	_ =	shalt  }
0x54: {  	_ =	shalt  }
0x55: {  	_ =	shalt  }
0x56: {  	_ =	shalt  }
0x57: {  	_ =	shalt  }
0x58: {  	_ =	shalt  }
0x59: {  	_ =	shalt  }
0x5a: {  	_ =	shalt  }
0x5b: {  	_ =	shalt  }
0x5c: {  	_ =	shalt  }
0x5d: {  	_ =	shalt  }
0x5e: {  	_ =	shalt  }
0x5f: {  	_ =	shalt  }
0x60: {  	_ =	shalt  }
0x61: {  	_ =	shalt  }
0x62: {  	_ =	shalt  }
0x63: {  	_ =	shalt  }
0x64: {  	_ =	shalt  }
0x65: {  	_ =	shalt  }
0x66: {  	_ =	shalt  }
0x67: {  	_ =	shalt  }
0x68: {  	_ =	shalt  }
0x69: {  	_ =	shalt  }
0x6a: {  	_ =	shalt  }
0x6b: {  	_ =	shalt  }
0x6c: {  	_ =	shalt  }
0x6d: {  	_ =	shalt  }
0x6e: {  	_ =	shalt  }
0x6f: {  	_ =	shalt  }
0x70: {  	_ =	shalt  }
0x71: {  	_ =	shalt  }
0x72: {  	_ =	shalt  }
0x73: {  	_ =	shalt  }
0x74: {  	_ =	shalt  }
0x75: {  	_ =	shalt  }
0x76: {  	_ =	shalt  }
0x77: {  	_ =	shalt  }
0x78: {  	_ =	shalt  }
0x79: {  	_ =	shalt  }
0x7a: {  	_ =	shalt  }
0x7b: {  	_ =	shalt  }
0x7c: {  	_ =	shalt  }
0x7d: {  	_ =	shalt  }
0x7e: {  	_ =	shalt  }
0x7f: {  	_ =	shalt  }
0x80: {  	_ =	shalt  }
0x81: {  	_ =	shalt  }
0x82: {  	_ =	shalt  }
0x83: {  	_ =	shalt  }
0x84: {  	_ =	shalt  }
0x85: {  	_ =	shalt  }
0x86: {  	_ =	shalt  }
0x87: {  	_ =	shalt  }
.Lfunc_end0:
.L_simem_size_0:
called_computation_lowered:
.L_overlay_start_0:
0x88: {  	s2 =	sld [smem:$0x3FD9]  }
0x89: {  	s3 =	sld [smem:$0x3FFE];
	_ =	sdelay $0x1  }
0x8a: {  	s1 =	srdreg.scid  }
0x8b: {  	s0 =	sand.u32 $0x1, s1  }
0x8c: {  	s16 =	sshll.u32 s0, $0xA;
	s2 =	sadd.s32 s3, s2  }
0x8d: {  	s2 =	sadd.s32 s2, s16  }
0x8e: {  	[smem:$0x3FB9] =	sst s2  }
0x8f: {  	_ = 	snop  }
0x90: {  	(tm) =	ssettm $0x1  }
0x91: {  	s17 =	sld [smem:$0x3FFB];
	_ =	sdelay $0x3  }
0x92: {  	_ =	strace s17  }
0x93: {  	s2 =	sld [smem:$0x3FFC];
	_ =	sdelay $0x3  }
0x94: {  	_ =	strace s2  }
0x95: {  	s2 =	sld [smem:$0x3FFD];
	_ =	sdelay $0x3  }
0x96: {  	_ =	strace s2  }
0x97: {  	_ =	strace $0x8FFFFFFF  }
0x98: {  	s18 =	sld [smem:$0x3FDB];
	_ =	sdelay $0x1  }
0x99: {  	s19 =	simm.s32 $_scs_section_size  }
0x9a: {  	s4 =	simm.s32 $_size__tile_overlayer_lowered;
	s5 =	simm.s32 $_tile_overlayer_lowered  }
0x9b: {  	s22 =	simm.s32 $0x1BFF;
	s21 =	sshll.u32 s5, $0x1;
	s2 =	sadd.s32 s19, s18  }
0x9c: {  	s6 =	simm.s32 $0x0;
	s20 =	sshll.u32 s4, $0x1;
	s4 =	sadd.s32 s21, s2  }
0x9d: {  	[timem:s6], [sflag:s22] =	dma.local [hbm:s4], s20  }
0x9e: {  	_ =	swait.ge [sflag:s22], s20  }
0x9f: {  	s3 =	ssub.s32 $0x0, s20;
	[sflag:s22] =	ssyncset.done $0x0  }
0xa0: {  	[sflag:s22] =	ssyncadd.s32 s3;
	_ =	sdelay $0x1  }
0xa1: {  	s23 =	simm.s32 $0x1B8B  }
0xa2: {  	_ =	swait.ge [sflag:s23], $0x1  }
0xa3: {  	[sflag:s23] =	ssyncset.done $0x0  }
0xa4: {  	s25 =	simm.s32 $0x1B8E;
	s24 =	sld [smem:$0x3FFE];
	[sflag:s23] =	ssyncadd.s32 $0xFFFFFFFF  }
0xa5: {  	s26 =	simm.s32 $execute0_lowered;
	[smem:$0x3FD2] =	sst s25  }
0xa6: {  	s4 =	sshll.u32 s26, $0x1;
	_ =	strace $0x80000046;
	[dreg:$0x1] =	wrdreg $0xFFFFFFFF  }
0xa7: {  	s28 =	simm.s32 $_size_execute0_lowered;
	s2 =	sadd.s32 s2, s4;
	[dreg:$0x0] =	wrdreg $0x0  }
0xa8: {  	s4 =	sshll.u32 s28, $0x1;
	[dreg:$0x2] =	wrdreg s2  }
0xa9: {  	[dreg:$0x3] =	wrdreg s4  }
0xaa: {  	[dreg:$0x4] =	wrdreg $0xC0  }
0xab: {  	_ =	task [dreg:s6], $0x5FFFF  }
0xac: {  	[dreg:$0x1] =	wrdreg $0xFFFFFFFF  }
0xad: {  	[dreg:$0x0] =	wrdreg $0x60  }
0xae: {  	[dreg:$0x2] =	wrdreg s24  }
0xaf: {  	[dreg:$0x3] =	wrdreg $0x144000  }
0xb0: {  	[dreg:$0x4] =	wrdreg $0x9  }
0xb1: {  	_ =	task.clear_ibuf [dreg:s6], $0x5FFFF;
	_ =	strace $0x90000046  }
0xb2: {  	s29 =	simm.s32 $0x9;
	_ =	strace $0x80000048  }
0xb3: {  	_ =	swait.ge [sflag:s29], $0x1  }
0xb4: {  	[sflag:s29] =	ssyncadd.s32 $0xFFFFFFFF  }
0xb5: {  	_ =	strace $0x90000048  }
0xb6: {  	_ =	sfence  }
0xb7: {  	s30 =	sld [smem:$0x0];
	_ =	sdelay $0x2  }
0xb8: {  	s31 =	sshll.u32 s1, $0xD;
	s1 =	sshrl.u32 s1, $0x2  }
0xb9: {  	s3 =	sand.u32 $0x4000, s31;
	s1 =	sadd.s32 s1, s30  }
0xba: {  	s0 =	sor.u32 s3, s0;
	s1 =	sshll.u32 s1, $0x11  }
0xbb: {  	s0 =	sor.u32 s1, s0  }
0xbc: {  	s0 =	sadd.s32 $0x8F2B, s0  }
0xbd: {  	[sflag:s0] =	ssyncadd.remote.s32 $0x1  }
0xbe: {  	_ =	sfence.sel $0xFFFF  }
0xbf: {  	[dreg:$0x0] =	wrdreg $0xFFFFFFFF;
	(pc) =	sbr.abs _section_cstart, $3  }
0xc0: {  	[dreg:$0x1] =	wrdreg $0xFFFFFFFF  }
0xc1: {  	_ =	task.clear_ibuf [dreg:s6], $0x2FFFF;
	_ =	strace $0x9FFFFFFF  }
0xc2: {  	(tm) =	ssettm $0x7FFFFFFF  }
0xc3: {  	_ =	shalt  }
tec
execute0_lowered:
.L_overlay_start_1:
0x0: {  	(tag) =	ssettag $0x1  }
0x1: {  	s0 =	rddreg [dreg:$0x0];
	s13 =	stileid.u32  }
0x2: {  	s2 =	srdreg.scid;
	s7 =	smul.u32 $0x1F400, s13  }
0x3: {  	s1 =	rddreg [dreg:$0x1];
	s20 =	smul.u32 $0x7D000, s13  }
0x4: {  	s14 =	simm.s32 $0x0;
	s2 =	sand.u32 $0x1, s2;
	s8 =	smul.u32 $0x4E20, s13  }
0x5: {  	[smem:$0x7FF] =	sst s14;
	s4 =	sadd.s32 $0xC000, s0;
	s23 =	smul.u32 $0x3E80, s13  }
0x6: {  	s5 =	sadd.s32 $0x2200, s0;
	s10 =	sadd.s32 $0xB2200, s0;
	s3 =	smul.u32 $0x27100, s2  }
0x7: {  	s9 =	sadd.s32 $0x9C400, s1;
	p0 =	sgt.u32 s13, $0x4;
	s6 =	smul.u32 $0x9C400, s2  }
0x8: {  	_ =	strace $0x80000047;
	s2 =	ssub.s32 $0x2, s2;
	[dreg:$0x4] =	wrdreg s10  }
0x9: {  	p1 =	sne.s32 @p0 s13, $0x5;
	s21 =	sshrl.u32 s2, $0x1;
	s22 =	sshrl.u32 s20, $0x2  }
0xa: {  	s12 =	sshrl.u32 s8, $0x3;
	s30 =	sadd.s32 $0xA0, s8;
	s31 =	sadd.s32 $0xF0, s8  }
0xb: {  	p1 =	por p1, !p0;
	s3 =	sadd.s32 s3, s0;
	[dreg:$0xa] =	wrdreg s30  }
0xc: {  	s6 =	sadd.s32 s7, s6;
	s7 =	sadd.s32 s10, s23;
	[dreg:$0xb] =	wrdreg s31  }
0xd: {  	s2 =	ssub.s32 s2, s21;
	s24 =	sadd.s32 s4, s12;
	[dreg:$0x5] =	wrdreg s7  }
0xe: {  	s25 =	sadd.s32 s5, s12;
	s26 =	sadd.s32 $0xA, s12;
	[dreg:$0x6] =	wrdreg s24  }
0xf: {  	[dreg:$0x7] =	wrdreg s25;
	s10 =	sadd.s32 $0x64000, s3;
	s28 =	sadd.s32 s4, s26  }
0x10: {  	s11 =	sadd.s32 $0x15E00, s3;
	s3 =	sadd.s32 s5, s26;
	[dreg:$0x8] =	wrdreg s28  }
0x11: {  	s6 =	sshrl.u32 s6, $0x3;
	s2 =	smax.u32 s2, $0x1;
	[dreg:$0x9] =	wrdreg s3  }
0x12: {  	s0 =	sadd.s32 s6, s0;
	[dreg:$0xd] =	wrdreg s2;
	s2 =	sshrl.u32 @!p1 s9, $0x3  }
0x13: {  	s6 =	sadd.s32 s22, s1;
	s0 =	sadd.s32 $0xC5C00, s0;
	[dreg:$0xe] =	wrdreg s2  }
0x14: {  	s6 =	sshrl.u32 @!p0 s6, $0x3;
	[dreg:$0xc] =	wrdreg s0;
	s0 =	sshll.u32 @!p0 s13, $0x6  }
0x15: {  	s29 =	simm.s32 $0xA;
	[dreg:$0x10] =	wrdreg s6;
	s7 =	sor.u32 @!p0 $0x1C0B, s0  }
0x16: {  	v0 =	vimm.f32 $0.0e+00;
	s23 =	simm.s32 $0x50;
	s9 =	simm.s32 $0x4;
	[dreg:$0xf] =	wrdreg s7  }
.LBB2_1:
0x17: {  	[dreg:$0x3] =	wrdreg s14  }
0x18: {  	s2 =	rddreg [dreg:$0x4]  }
0x19: {  	s0 =	simm.s32 @!p1 $0x1D4B;
	s3 =	rddreg [dreg:$0xe]  }
0x1a: {  	[spmem:s3], [sflag:s0] =	dma.local @!p1 [hbm:s2], $0x80  }
0x1b: {  	s0 =	simm.s32 @!p1 $0xB  }
0x1c: {  	_ =	swait.ge @!p1 [sflag:s0], $0x80  }
0x1d: {  	[sflag:s0] =	ssyncset.done @!p1 $0x0  }
0x1e: {  	[sflag:s0] =	ssyncadd.s32 @!p1 $0xFFFFFF80;
	s0 =	rddreg [dreg:$0x5]  }
0x1f: {  	[spmem:s6], [sflag:s7] =	dma.local @!p0 [hbm:s0], $0x3E80  }
0x20: {  	s0 =	simm.s32 @!p0 $0xB  }
0x21: {  	_ =	swait.ge @!p0 [sflag:s0], $0x3E80  }
0x22: {  	[sflag:s0] =	ssyncset.done @!p0 $0x0  }
0x23: {  	s2 =	simm.s32 $0xFFFF6200;
	[sflag:s0] =	ssyncadd.s32 @!p0 $0xFFFFC180;
	s0 =	simm.s32 $0xFFFFD800  }
.LBB2_2:
0x24: {  	p2 =	sne.s32 s2, $0xFFFFFE00;
	[tilespmem:s0+$0x14430] =	vst v0  }
0x25: {  	[tilespmem:s0+$0xCC40] =	vst v0  }
0x26: {  	[tilespmem:s0+$0x11C00] =	vst v0  }
0x27: {  	[tilespmem:s0+$0xCC50] =	vst v0  }
0x28: {  	[tilespmem:s0+$0x11C10] =	vst v0  }
0x29: {  	[tilespmem:s0+$0xCC60] =	vst v0  }
0x2a: {  	[tilespmem:s0+$0x11C20] =	vst v0  }
0x2b: {  	[tilespmem:s0+$0xCC70] =	vst v0  }
0x2c: {  	[tilespmem:s0+$0x11C30] =	vst v0  }
0x2d: {  	[tilespmem:s0+$0xF440] =	vst v0  }
0x2e: {  	[tilespmem:s0+$0x14400] =	vst v0  }
.Ltmp0:
0x2f: {  	[tilespmem:s0+$0xF450] =	vst v0;
	(pc) =	sbr.rel @p2 .LBB2_2-.Ltmp0, $4  }
0x30: {  	[tilespmem:s0+$0x14410] =	vst v0  }
0x31: {  	[tilespmem:s0+$0xF460] =	vst v0  }
0x32: {  	[tilespmem:s0+$0x14420] =	vst v0  }
0x33: {  	[tilespmem:s0+$0xF470] =	vst v0;
	s0 =	sshra.s32 s2, $0x2;
	s2 =	sadd.s32 $0x200, s2  }
0x34: {  	[tilespmem:s0+$0x14430] =	vst v0  }
0x35: {  	[tilespmem:s0+$0xCC40] =	vst v0  }
0x36: {  	[tilespmem:s0+$0x11C00] =	vst v0  }
0x37: {  	[tilespmem:s0+$0xCC50] =	vst v0  }
0x38: {  	[tilespmem:s0+$0x11C10] =	vst v0  }
0x39: {  	[tilespmem:s0+$0xCC60] =	vst v0  }
0x3a: {  	[tilespmem:s0+$0x11C20] =	vst v0  }
0x3b: {  	[tilespmem:s0+$0xCC70] =	vst v0  }
0x3c: {  	[tilespmem:s0+$0x11C30] =	vst v0  }
0x3d: {  	[tilespmem:s0+$0xF440] =	vst v0  }
0x3e: {  	[tilespmem:s0+$0x14400] =	vst v0  }
0x3f: {  	[tilespmem:s0+$0xF450] =	vst v0  }
0x40: {  	[tilespmem:s0+$0x14410] =	vst v0  }
0x41: {  	[tilespmem:s0+$0xF460] =	vst v0  }
0x42: {  	[tilespmem:s0+$0x14420] =	vst v0  }
0x43: {  	[tilespmem:s0+$0xF470] =	vst v0  }
0x44: {  	[bflag:$0x0] =	sbarrier.arrive $0xFFFF  }
0x45: {  	s19 =	simm.s32 $0x0;
	s20 =	rddreg [dreg:$0x6]  }
0x46: {  	[tilespmem:s19], [sflag:$0x9] =	stream.linear.gather [hbm4b:s20+s19], $0x50, $0x38;
	[tilespmem:$0x1E080] =	vst v63  }
0x47: {  	s2 =	simm.s32 $0x100;
	s22 =	simm.s32 $0x9;
	s21 =	rddreg [dreg:$0x7]  }
0x48: {  	[tilespmem:s2], [sflag:$0x9] =	stream.linear.gather [hbm4b:s21+s19], $0x50, $0x38;
	[tilespmem:$0x1E080] =	vst v63  }
0x49: {  	_ =	swait.ge [sflag:s22], $0x50  }
0x4a: {  	[sflag:s22] =	ssyncset.done $0x0  }
0x4b: {  	[sflag:s22] =	ssyncadd.s32 $0xFFFFFFB0  }
0x4c: {  	_ =	swait.ge [sflag:s22], $0x50  }
0x4d: {  	[sflag:s22] =	ssyncset.done $0x0  }
0x4e: {  	s24 =	simm.s32 $0x400;
	[sflag:s22] =	ssyncadd.s32 $0xFFFFFFB0  }
0x4f: {  	[tilespmem:s24], [sflag:$0x1] =	stream.indirect.gather [hbm4b:s10+s23], $0x80, s19, s23, $0xb8;
	[tilespmem:$0x1E080] =	vst v63  }
0x50: {  	s25 =	simm.s32 $0x5400  }
0x51: {  	[tilespmem:s25], [sflag:$0x3] =	stream.indirect.gather [hbm4b:s11+s23], $0x80, s2, s23, $0xb8;
	[tilespmem:$0x1E080] =	vst v63  }
0x52: {  	s28 =	simm.s32 $0x80;
	s26 =	rddreg [dreg:$0x8]  }
0x53: {  	[tilespmem:s28], [sflag:$0xA] =	stream.linear.gather [hbm4b:s26+s19], $0x50, $0x38;
	[tilespmem:$0x1E080] =	vst v63  }
0x54: {  	s31 =	simm.s32 $0x180;
	s30 =	rddreg [dreg:$0x9]  }
0x55: {  	[tilespmem:s31], [sflag:$0xA] =	stream.linear.gather [hbm4b:s30+s19], $0x50, $0x38;
	[tilespmem:$0x1E080] =	vst v63  }
.LBB2_4:
0x56: {  	_ =	swait.ge [sflag:s29], $0x50  }
0x57: {  	[sflag:s29] =	ssyncset.done $0x0  }
0x58: {  	[sflag:s29] =	ssyncadd.s32 $0xFFFFFFB0  }
0x59: {  	_ =	swait.ge [sflag:s29], $0x50  }
0x5a: {  	s0 =	simm.s32 $0x80;
	[sflag:s29] =	ssyncset.done $0x0  }
0x5b: {  	s2 =	simm.s32 $0x2C00;
	p2 =	seq.s32 s19, $0x0;
	[sflag:s29] =	ssyncadd.s32 $0xFFFFFFB0  }
0x5c: {  	[tilespmem:s2], [sflag:$0x2] =	stream.indirect.gather [hbm4b:s10+s23], $0x80, s0, s23, $0xb8;
	[tilespmem:$0x1E080] =	vst v63  }
0x5d: {  	s15 =	simm.s32 $0x180;
	s16 =	simm.s32 $0x7C00;
	s0 =	simm.s32 @!p2 $0x5  }
0x5e: {  	[tilespmem:s16], [sflag:$0x4] =	stream.indirect.gather [hbm4b:s11+s23], $0x80, s15, s23, $0xb8;
	[tilespmem:$0x1E080] =	vst v63  }
0x5f: {  	_ =	swait.ge @!p2 [sflag:s0], $0x2800  }
0x60: {  	[sflag:s0] =	ssyncset.done @!p2 $0x0  }
0x61: {  	[sflag:s0] =	ssyncadd.s32 @!p2 $0xFFFFD800;
	s0 =	simm.s32 @!p2 $0x7  }
0x62: {  	_ =	swait.ge @!p2 [sflag:s0], $0x2800  }
0x63: {  	[sflag:s0] =	ssyncset.done @!p2 $0x0  }
0x64: {  	[sflag:s0] =	ssyncadd.s32 @!p2 $0xFFFFD800  }
0x65: {  	v1 =	vld [tilespmem:$0x0];
	_ =	sdelay $0x1  }
0x66: {  	v2 =	vld [tilespmem:$0x10];
	_ =	sdelay $0x1  }
0x67: {  	v3 =	vld [tilespmem:$0x20]  }
0x68: {  	vm0 =	vlt.s32 v1, $0x1388  }
0x69: {  	v5 =	vld [tilespmem:$0x30];
	v4 =	vnsel vm0, $0x1388, v1;
	v1 =	vadd.s32 $0xFFFFEC78, v1  }
0x6a: {  	vm12 =	vlt.s32 v2, $0x1388;
	[tilespmem:$0x200] =	vst v4;
	v1 =	vsel vm0, $0x1388, v1  }
0x6b: {  	v4 =	vld [tilespmem:$0x40];
	[tilespmem:$0x300] =	vst v1;
	v1 =	vnsel vm12, $0x1388, v2;
	v2 =	vadd.s32 $0xFFFFEC78, v2  }
0x6c: {  	vm13 =	vlt.s32 v3, $0x1388;
	[tilespmem:$0x210] =	vst v1;
	v1 =	vsel vm12, $0x1388, v2  }
0x6d: {  	v2 =	vadd.s32 $0xFFFFEC78, v3;
	[tilespmem:$0x310] =	vst v1;
	v1 =	vnsel vm13, $0x1388, v3  }
0x6e: {  	vm14 =	vlt.s32 v5, $0x1388;
	[tilespmem:$0x220] =	vst v1;
	v1 =	vsel vm13, $0x1388, v2  }
0x6f: {  	v2 =	vadd.s32 $0xFFFFEC78, v5;
	[tilespmem:$0x320] =	vst v1;
	v1 =	vnsel vm14, $0x1388, v5  }
0x70: {  	vm15 =	vlt.s32 v4, $0x1388;
	[tilespmem:$0x230] =	vst v1;
	v1 =	vsel vm14, $0x1388, v2  }
0x71: {  	v2 =	vadd.s32 $0xFFFFEC78, v4;
	[tilespmem:$0x330] =	vst v1;
	v1 =	vnsel vm15, $0x1388, v4  }
0x72: {  	[tilespmem:$0x240] =	vst v1;
	v1 =	vsel vm15, $0x1388, v2  }
0x73: {  	s17 =	simm.s32 $0x1;
	[tilespmem:$0x340] =	vst v1  }
0x74: {  	_ =	swait.ge [sflag:s17], $0x2800  }
0x75: {  	[sflag:s17] =	ssyncset.done $0x0  }
0x76: {  	s18 =	simm.s32 $0x3;
	p2 =	seq.s32 s19, $0x7C;
	[sflag:s17] =	ssyncadd.s32 $0xFFFFD800  }
0x77: {  	s20 =	smul.u32 @!p2 $0xA0, s19;
	_ =	swait.ge [sflag:s18], $0x2800  }
0x78: {  	s0 =	rddreg [dreg:$0xa]  }
0x79: {  	s0 =	sadd.s32 @!p2 s20, s0  }
0x7a: {  	[sflag:s18] =	ssyncset.done $0x0;
	s0 =	sshrl.u32 @!p2 s0, $0x3  }
0x7b: {  	s3 =	simm.s32 @!p2 $0x0;
	[sflag:s18] =	ssyncadd.s32 $0xFFFFD800;
	s2 =	sadd.s32 @!p2 s4, s0  }
0x7c: {  	[tilespmem:s3], [sflag:$0x9] =	stream.linear.gather @!p2 [hbm4b:s2+s3], $0x50, $0x38;
	[tilespmem:$0x1E080] =	vst v63  }
0x7d: {  	s7 =	simm.s32 $0x480;
	s0 =	sadd.s32 @!p2 s5, s0;
	s2 =	simm.s32 @!p2 $0x100  }
0x7e: {  	[tilespmem:s2], [sflag:$0x9] =	stream.linear.gather @!p2 [hbm4b:s0+s3], $0x50, $0x38;
	[tilespmem:$0x1E080] =	vst v63  }
0x7f: {  	s21 =	simm.s32 $0x5480;
	v1 =	vld [tilespmem:s7+$0x40]  }
0x80: {  	v2 =	vld [tilespmem:s21+$0x40];
	_ =	sdelay $0x4  }
0x81: {  	v1 =	vadd.f32 v2, v1;
	_ =	sdelay $0x1  }
0x82: {  	v2 =	vand.u32 $0x7FFFFFFF, v1  }
0x83: {  	v2 =	vsub.f32 $0.0e+00, v2  }
0x84: {  	v3 =	vld [tilespmem:s7+$0xFFFFFFC0]  }
0x85: {  	v4 =	vld [tilespmem:s21+$0xFFFFFFC0];
	v2 =	vmul.f32 $1.442695020e+00, v2  }
0x86: {  	v5 =	vld [tilespmem:s21+$0xFFFFFF80]  }
0x87: {  	v6 =	vld [tilespmem:s7+$0xFFFFFF80];
	(erf) = vpow2.f32 v2;
	_ =	sdelay $0x2  }
0x88: {  	v2 =	vadd.f32 v4, v3  }
0x89: {  	v3 =	vld [tilespmem:s7+$0x0]  }
0x8a: {  	v4 =	vadd.f32 v5, v6;
	v6 =	vld [tilespmem:s21+$0x0];
	v5 =	vand.u32 $0x7FFFFFFF, v2  }
0x8b: {  	v5 =	vsub.f32 $0.0e+00, v5  }
0x8c: {  	v4 =	vsub.f32 $0.0e+00, v4  }
0x8d: {  	v5 =	vmul.f32 $1.442695020e+00, v5  }
0x8e: {  	v4 =	vmul.f32 $1.442695020e+00, v4;
	v7 =	vpop (erf)  }
0x8f: {  	v3 =	vadd.f32 v6, v3;
	(erf) = vpow2.f32 v5;
	v5 =	vadd.f32 $2.000000000e+00, v7  }
0x90: {  	(erf) = vpow2.f32 v4  }
0x91: {  	v3 =	vsub.f32 $0.0e+00, v3;
	(erf) = vrcp.f32 v5;
	_ =	sdelay $0x1  }
0x92: {  	v3 =	vmul.f32 $1.442695020e+00, v3;
	_ =	sdelay $0x1  }
0x93: {  	(erf) = vpow2.f32 v3;
	_ =	sdelay $0x2  }
0x94: {  	v3 =	vpop (erf)  }
0x95: {  	v4 =	vpop (erf)  }
0x96: {  	v5 =	vpop (erf)  }
0x97: {  	v5 =	vmul.f32 v5, v7;
	_ =	sdelay $0x1  }
0x98: {  	v6 =	vadd.f32 $2.000000000e+00, v3;
	v7 =	vmul.f32 v5, v5  }
0x99: {  	v4 =	vadd.f32 $1.000000000e+00, v4;
	v8 =	vpop (erf)  }
0x9a: {  	(erf) = vrcp.f32 v6;
	v6 =	vadd.f32 $1.000000000e+00, v8;
	v8 =	vmul.f32 $2.000000030e-01, v7;
	_ =	sdelay $0x1  }
0x9b: {  	(erf) = vrcp.f32 v4;
	v4 =	vadd.f32 $3.333333430e-01, v8  }
0x9c: {  	(erf) = vrcp.f32 v6  }
0x9d: {  	v4 =	vmul.f32 v4, v7;
	_ =	sdelay $0x1  }
0x9e: {  	v5 =	vadd.f32 v5, v5;
	v4 =	vadd.f32 $1.000000000e+00, v4;
	_ =	sdelay $0x1  }
0x9f: {  	v4 =	vmul.f32 v4, v5;
	_ =	sdelay $0x1  }
0xa0: {  	v1 =	vmax.f32 v1, $0.0e+00;
	v5 =	vpop (erf)  }
0xa1: {  	v3 =	vmul.f32 v5, v3;
	v5 =	vpop (erf);
	v1 =	vadd.f32 v4, v1  }
0xa2: {  	v4 =	vpop (erf)  }
0xa3: {  	v6 =	vmul.f32 v3, v3;
	v1 =	vmul.f32 v1, v4  }
0xa4: {  	s3 =	simm.s32 $0xA480  }
0xa5: {  	s22 =	simm.s32 $0xF4C0;
	v4 =	vmul.f32 $2.000000030e-01, v6;
	[tilespmem:s3+$0x0] =	vst v1  }
0xa6: {  	[tilespmem:s22+$0x0] =	vst v1  }
0xa7: {  	v1 =	vadd.f32 $3.333333430e-01, v4;
	v4 =	vld [tilespmem:s7+$0x50]  }
0xa8: {  	v7 =	vld [tilespmem:s21+$0x50]  }
0xa9: {  	v1 =	vmul.f32 v1, v6;
	_ =	sdelay $0x1  }
0xaa: {  	v3 =	vadd.f32 v3, v3;
	v1 =	vadd.f32 $1.000000000e+00, v1;
	_ =	sdelay $0x1  }
0xab: {  	v1 =	vmul.f32 v1, v3;
	v3 =	vadd.f32 v7, v4  }
0xac: {  	v2 =	vmax.f32 v2, $0.0e+00  }
0xad: {  	v1 =	vadd.f32 v1, v2;
	v2 =	vand.u32 $0x7FFFFFFF, v3  }
0xae: {  	s26 =	simm.s32 $0x580;
	v2 =	vsub.f32 $0.0e+00, v2  }
0xaf: {  	s18 =	simm.s32 $0x5580;
	v4 =	vld [tilespmem:s26+$0x40]  }
0xb0: {  	v1 =	vmul.f32 v1, v5;
	v5 =	vld [tilespmem:s18+$0x40];
	v2 =	vmul.f32 $1.442695020e+00, v2;
	_ =	sdelay $0x1  }
0xb1: {  	(erf) = vpow2.f32 v2  }
0xb2: {  	v8 =	vld [tilespmem:s21+$0x10]  }
0xb3: {  	v2 =	vld [tilespmem:s26+$0xFFFFFFC0]  }
0xb4: {  	v4 =	vadd.f32 v5, v4;
	v5 =	vld [tilespmem:s18+$0xFFFFFFC0]  }
0xb5: {  	v6 =	vld [tilespmem:s7+$0x10]  }
0xb6: {  	v9 =	vld [tilespmem:s18+$0xFFFFFF80];
	[tilespmem:s3+$0xFFFFFF80] =	vst v1;
	v7 =	vand.u32 $0x7FFFFFFF, v4  }
0xb7: {  	v10 =	vld [tilespmem:s26+$0xFFFFFF80];
	[tilespmem:s22+$0xFFFFFF80] =	vst v1;
	v7 =	vsub.f32 $0.0e+00, v7  }
0xb8: {  	v1 =	vld [tilespmem:s7+$0xFFFFFFD0]  }
0xb9: {  	v11 =	vld [tilespmem:s21+$0xFFFFFFD0];
	v7 =	vmul.f32 $1.442695020e+00, v7;
	v5 =	vadd.f32 v5, v2  }
0xba: {  	v6 =	vadd.f32 v8, v6;
	v12 =	vpop (erf)  }
0xbb: {  	(erf) = vpow2.f32 v7;
	v2 =	vand.u32 $0x7FFFFFFF, v5;
	v7 =	vadd.f32 $2.000000000e+00, v12  }
0xbc: {  	v2 =	vsub.f32 $0.0e+00, v2  }
0xbd: {  	v6 =	vsub.f32 $0.0e+00, v6;
	(erf) = vrcp.f32 v7  }
0xbe: {  	v8 =	vld [tilespmem:s7+$0xFFFFFF90];
	v7 =	vadd.f32 v9, v10;
	v9 =	vmul.f32 $1.442695020e+00, v2;
	v2 =	vadd.f32 v11, v1  }
0xbf: {  	v13 =	vld [tilespmem:s21+$0xFFFFFF90]  }
0xc0: {  	v6 =	vmul.f32 $1.442695020e+00, v6;
	v1 =	vld [tilespmem:s26+$0x0];
	(erf) = vpow2.f32 v9;
	v9 =	vand.u32 $0x7FFFFFFF, v2  }
0xc1: {  	v10 =	vld [tilespmem:s18+$0x0];
	v9 =	vsub.f32 $0.0e+00, v9  }
0xc2: {  	v7 =	vsub.f32 $0.0e+00, v7;
	(erf) = vpow2.f32 v6;
	_ =	sdelay $0x1  }
0xc3: {  	v6 =	vmul.f32 $1.442695020e+00, v7;
	v7 =	vadd.f32 v13, v8;
	v8 =	vmul.f32 $1.442695020e+00, v9  }
0xc4: {  	v9 =	vpop (erf)  }
0xc5: {  	v1 =	vadd.f32 v10, v1;
	(erf) = vpow2.f32 v6;
	v6 =	vadd.f32 $2.000000000e+00, v9  }
0xc6: {  	v7 =	vsub.f32 $0.0e+00, v7;
	(erf) = vpow2.f32 v8  }
0xc7: {  	v1 =	vsub.f32 $0.0e+00, v1;
	v8 =	vpop (erf);
	(erf) = vrcp.f32 v6  }
0xc8: {  	v6 =	vmul.f32 $1.442695020e+00, v7;
	v7 =	vmul.f32 v8, v12  }
0xc9: {  	v1 =	vmul.f32 $1.442695020e+00, v1;
	v8 =	vpop (erf)  }
0xca: {  	(erf) = vpow2.f32 v6;
	v6 =	vmul.f32 v7, v7;
	v10 =	vadd.f32 $2.000000000e+00, v8;
	v11 =	vpop (erf)  }
0xcb: {  	(erf) = vpow2.f32 v1;
	v1 =	vadd.f32 $1.000000000e+00, v11  }
0xcc: {  	v11 =	vmul.f32 $2.000000030e-01, v6;
	_ =	sdelay $0x1  }
0xcd: {  	(erf) = vrcp.f32 v10;
	v10 =	vpop (erf);
	v11 =	vadd.f32 $3.333333430e-01, v11  }
0xce: {  	(erf) = vrcp.f32 v1;
	v1 =	vpop (erf);
	v10 =	vadd.f32 $1.000000000e+00, v10  }
0xcf: {  	v6 =	vmul.f32 v11, v6;
	v11 =	vadd.f32 $2.000000000e+00, v1;
	v12 =	vpop (erf)  }
0xd0: {  	v9 =	vmul.f32 v12, v9  }
0xd1: {  	v7 =	vadd.f32 v7, v7  }
0xd2: {  	(erf) = vrcp.f32 v10;
	v6 =	vadd.f32 $1.000000000e+00, v6;
	v10 =	vpop (erf);
	v12 =	vmul.f32 v9, v9  }
0xd3: {  	(erf) = vrcp.f32 v11;
	v11 =	vpop (erf)  }
0xd4: {  	v6 =	vmul.f32 v6, v7;
	v7 =	vadd.f32 $1.000000000e+00, v11;
	v11 =	vmul.f32 $2.000000030e-01, v12  }
0xd5: {  	v3 =	vmax.f32 v3, $0.0e+00;
	v10 =	vadd.f32 $1.000000000e+00, v10  }
0xd6: {  	v3 =	vadd.f32 v6, v3;
	v6 =	vadd.f32 $3.333333430e-01, v11  }
0xd7: {  	v13 =	vpop (erf);
	(erf) = vrcp.f32 v10  }
0xd8: {  	(erf) = vrcp.f32 v7;
	v6 =	vmul.f32 v6, v12  }
0xd9: {  	v7 =	vpop (erf)  }
0xda: {  	v3 =	vmul.f32 v3, v7;
	v7 =	vadd.f32 v9, v9;
	v6 =	vadd.f32 $1.000000000e+00, v6;
	_ =	sdelay $0x1  }
0xdb: {  	[tilespmem:s3+$0x10] =	vst v3;
	v6 =	vmul.f32 v6, v7  }
0xdc: {  	[tilespmem:s22+$0x10] =	vst v3  }
0xdd: {  	v9 =	vpop (erf);
	v3 =	vld [tilespmem:s7+$0x60]  }
0xde: {  	v4 =	vmax.f32 v4, $0.0e+00;
	v10 =	vpop (erf);
	v7 =	vld [tilespmem:s21+$0x60]  }
0xdf: {  	v4 =	vadd.f32 v6, v4;
	v6 =	vpop (erf)  }
0xe0: {  	v11 =	vpop (erf)  }
0xe1: {  	v4 =	vmul.f32 v4, v11  }
0xe2: {  	s30 =	simm.s32 $0xA580  }
0xe3: {  	s31 =	simm.s32 $0xF5C0;
	v7 =	vadd.f32 v7, v3;
	[tilespmem:s30+$0x0] =	vst v4  }
0xe4: {  	v3 =	vmul.f32 v13, v8;
	[tilespmem:s31+$0x0] =	vst v4  }
0xe5: {  	v4 =	vand.u32 $0x7FFFFFFF, v7;
	v8 =	vld [tilespmem:s26+$0x50]  }
0xe6: {  	v11 =	vmul.f32 v3, v3;
	v4 =	vsub.f32 $0.0e+00, v4;
	v12 =	vld [tilespmem:s18+$0x50];
	_ =	sdelay $0x1  }
0xe7: {  	v13 =	vmul.f32 $2.000000030e-01, v11;
	v4 =	vmul.f32 $1.442695020e+00, v4;
	_ =	sdelay $0x1  }
0xe8: {  	(erf) = vpow2.f32 v4;
	v4 =	vadd.f32 $3.333333430e-01, v13  }
0xe9: {  	s14 =	simm.s32 $0x5680;
	v10 =	vmul.f32 v10, v1;
	v1 =	vadd.f32 v12, v8  }
0xea: {  	v16 =	vld [tilespmem:s14+$0x40];
	v4 =	vmul.f32 v4, v11  }
0xeb: {  	v14 =	vld [tilespmem:s21+$0x20];
	v3 =	vadd.f32 v3, v3;
	v11 =	vmul.f32 v10, v10;
	v12 =	vand.u32 $0x7FFFFFFF, v1  }
0xec: {  	s6 =	simm.s32 $0x680;
	v13 =	vld [tilespmem:s7+$0x20];
	v4 =	vadd.f32 $1.000000000e+00, v4;
	v12 =	vsub.f32 $0.0e+00, v12  }
0xed: {  	v8 =	vld [tilespmem:s6+$0x40];
	v15 =	vmul.f32 $2.000000030e-01, v11  }
0xee: {  	v3 =	vmul.f32 v4, v3;
	v4 =	vmul.f32 $1.442695020e+00, v12  }
0xef: {  	v12 =	vadd.f32 $3.333333430e-01, v15  }
0xf0: {  	v17 =	vld [tilespmem:s14+$0xFFFFFFC0];
	v5 =	vmax.f32 v5, $0.0e+00;
	(erf) = vpow2.f32 v4  }
0xf1: {  	v10 =	vadd.f32 v10, v10;
	v3 =	vadd.f32 v3, v5;
	v5 =	vld [tilespmem:s6+$0xFFFFFFC0];
	v11 =	vmul.f32 v12, v11  }
0xf2: {  	v13 =	vadd.f32 v14, v13;
	v12 =	vld [tilespmem:s14+$0xFFFFFF80];
	v4 =	vadd.f32 v16, v8;
	v15 =	vpop (erf)  }
0xf3: {  	v8 =	vld [tilespmem:s6+$0xFFFFFF80];
	v14 =	vadd.f32 $2.000000000e+00, v15;
	v11 =	vadd.f32 $1.000000000e+00, v11  }
0xf4: {  	v16 =	vld [tilespmem:s18+$0x10];
	v3 =	vmul.f32 v3, v9;
	v9 =	vsub.f32 $0.0e+00, v13  }
0xf5: {  	v13 =	vld [tilespmem:s26+$0x10];
	(erf) = vrcp.f32 v14;
	v10 =	vmul.f32 v11, v10  }
0xf6: {  	v14 =	vand.u32 $0x7FFFFFFF, v4;
	[tilespmem:s30+$0xFFFFFF80] =	vst v3;
	v9 =	vmul.f32 $1.442695020e+00, v9  }
0xf7: {  	v14 =	vsub.f32 $0.0e+00, v14;
	[tilespmem:s31+$0xFFFFFF80] =	vst v3  }
0xf8: {  	v11 =	vmax.f32 v2, $0.0e+00;
	v2 =	vadd.f32 v17, v5;
	v3 =	vld [tilespmem:s26+$0xFFFFFFD0];
	(erf) = vpow2.f32 v9  }
0xf9: {  	v8 =	vadd.f32 v12, v8;
	v5 =	vadd.f32 v10, v11;
	v9 =	vmul.f32 $1.442695020e+00, v14;
	v14 =	vld [tilespmem:s18+$0xFFFFFFD0];
	v10 =	vpop (erf)  }
0xfa: {  	v12 =	vadd.f32 v16, v13;
	v13 =	vadd.f32 $2.000000000e+00, v10  }
0xfb: {  	v11 =	vand.u32 $0x7FFFFFFF, v2;
	v5 =	vmul.f32 v5, v6;
	v6 =	vld [tilespmem:s18+$0xFFFFFF90]  }
0xfc: {  	v11 =	vsub.f32 $0.0e+00, v11;
	(erf) = vpow2.f32 v9;
	v9 =	vld [tilespmem:s26+$0xFFFFFF90]  }
0xfd: {  	v12 =	vsub.f32 $0.0e+00, v12  }
0xfe: {  	v11 =	vmul.f32 $1.442695020e+00, v11;
	(erf) = vrcp.f32 v13;
	v3 =	vadd.f32 v14, v3;
	v13 =	vpop (erf)  }
0xff: {  	v8 =	vsub.f32 $0.0e+00, v8;
	v14 =	vld [tilespmem:s6+$0x0];
	v13 =	vmul.f32 v13, v15  }
0x100: {  	v12 =	vmul.f32 $1.442695020e+00, v12;
	(erf) = vpow2.f32 v11;
	v11 =	vand.u32 $0x7FFFFFFF, v3;
	v15 =	vld [tilespmem:s14+$0x0]  }
0x101: {  	v6 =	vadd.f32 v6, v9;
	v11 =	vsub.f32 $0.0e+00, v11;
	v9 =	vpop (erf);
	v16 =	vmul.f32 v13, v13  }
0x102: {  	v8 =	vmul.f32 $1.442695020e+00, v8;
	[tilespmem:s3+$0xFFFFFF90] =	vst v5;
	(erf) = vpow2.f32 v12;
	v9 =	vadd.f32 $1.000000000e+00, v9  }
0x103: {  	[tilespmem:s22+$0xFFFFFF90] =	vst v5;
	v5 =	vsub.f32 $0.0e+00, v6;
	v6 =	vmul.f32 $1.442695020e+00, v11;
	v12 =	vmul.f32 $2.000000030e-01, v16  }
0x104: {  	(erf) = vpow2.f32 v8  }
0x105: {  	v8 =	vld [tilespmem:s7+$0xFFFFFFE0];
	(erf) = vrcp.f32 v9;
	v11 =	vpop (erf);
	v9 =	vadd.f32 v15, v14;
	v12 =	vadd.f32 $3.333333430e-01, v12  }
0x106: {  	v5 =	vmul.f32 $1.442695020e+00, v5;
	v14 =	vadd.f32 $2.000000000e+00, v11;
	v15 =	vld [tilespmem:s21+$0xFFFFFFE0]  }
0x107: {  	(erf) = vpow2.f32 v6;
	v6 =	vpop (erf);
	v9 =	vsub.f32 $0.0e+00, v9;
	v12 =	vmul.f32 v12, v16  }
0x108: {  	(erf) = vrcp.f32 v14;
	v6 =	vmul.f32 v6, v10  }
0x109: {  	v10 =	vadd.f32 v13, v13;
	v9 =	vmul.f32 $1.442695020e+00, v9;
	v12 =	vadd.f32 $1.000000000e+00, v12  }
0x10a: {  	v13 =	vpop (erf);
	(erf) = vpow2.f32 v5  }
0x10b: {  	v8 =	vadd.f32 v15, v8;
	v15 =	vpop (erf);
	(erf) = vpow2.f32 v9;
	v9 =	vmul.f32 v12, v10  }
0x10c: {  	v5 =	vmul.f32 v6, v6  }
0x10d: {  	v7 =	vmax.f32 v7, $0.0e+00;
	v14 =	vadd.f32 $2.000000000e+00, v13  }
0x10e: {  	v16 =	vpop (erf);
	v10 =	vadd.f32 $1.000000000e+00, v15;
	v12 =	vmul.f32 $2.000000030e-01, v5;
	v7 =	vadd.f32 v9, v7  }
0x10f: {  	v15 =	vand.u32 $0x7FFFFFFF, v8;
	(erf) = vrcp.f32 v14;
	v9 =	vpop (erf)  }
0x110: {  	v12 =	vadd.f32 $3.333333430e-01, v12;
	(erf) = vrcp.f32 v10;
	v7 =	vmul.f32 v7, v9  }
0x111: {  	v10 =	vsub.f32 $0.0e+00, v15;
	v15 =	vld [tilespmem:s7+$0xFFFFFFA0];
	v14 =	vpop (erf)  }
0x112: {  	v16 =	vadd.f32 $1.000000000e+00, v16;
	v5 =	vmul.f32 v12, v5;
	v12 =	vld [tilespmem:s21+$0xFFFFFFA0];
	v9 =	vpop (erf)  }
0x113: {  	v6 =	vadd.f32 v6, v6;
	v10 =	vmul.f32 $1.442695020e+00, v10;
	v9 =	vmul.f32 v9, v11;
	[tilespmem:s3+$0x20] =	vst v7  }
0x114: {  	v17 =	vadd.f32 $2.000000000e+00, v14;
	(erf) = vrcp.f32 v16;
	v5 =	vadd.f32 $1.000000000e+00, v5;
	[tilespmem:s22+$0x20] =	vst v7;
	v7 =	vpop (erf)  }
0x115: {  	(erf) = vpow2.f32 v10;
	v10 =	vmul.f32 v9, v9;
	v11 =	vld [tilespmem:s7+$0x70];
	v7 =	vadd.f32 $1.000000000e+00, v7  }
0x116: {  	v1 =	vmax.f32 v1, $0.0e+00;
	v5 =	vmul.f32 v5, v6;
	(erf) = vrcp.f32 v17;
	v6 =	vld [tilespmem:s21+$0x70];
	v16 =	vpop (erf)  }
0x117: {  	v12 =	vadd.f32 v12, v15;
	v16 =	vadd.f32 $1.000000000e+00, v16;
	v17 =	vmul.f32 $2.000000030e-01, v10  }
0x118: {  	v1 =	vadd.f32 v5, v1;
	v15 =	vpop (erf);
	(erf) = vrcp.f32 v7  }
0x119: {  	v12 =	vsub.f32 $0.0e+00, v12;
	v5 =	vadd.f32 $3.333333430e-01, v17;
	(erf) = vrcp.f32 v16;
	v7 =	vpop (erf)  }
0x11a: {  	v7 =	vmul.f32 v1, v7  }
0x11b: {  	v5 =	vmul.f32 v5, v10;
	v10 =	vmul.f32 $1.442695020e+00, v12;
	v1 =	vadd.f32 v6, v11  }
0x11c: {  	[tilespmem:s30+$0x10] =	vst v7  }
0x11d: {  	v6 =	vadd.f32 v9, v9;
	v5 =	vadd.f32 $1.000000000e+00, v5;
	v11 =	vand.u32 $0x7FFFFFFF, v1;
	[tilespmem:s31+$0x10] =	vst v7  }
0x11e: {  	v9 =	vpop (erf);
	(erf) = vpow2.f32 v10;
	v11 =	vsub.f32 $0.0e+00, v11;
	v7 =	vld [tilespmem:s26+$0x60]  }
0x11f: {  	v10 =	vpop (erf);
	v5 =	vmul.f32 v5, v6;
	v6 =	vld [tilespmem:s18+$0x60]  }
0x120: {  	v4 =	vmax.f32 v4, $0.0e+00;
	v12 =	vpop (erf)  }
0x121: {  	v16 =	vadd.f32 $2.000000000e+00, v10;
	v4 =	vadd.f32 v5, v4;
	v17 =	vpop (erf)  }
0x122: {  	v5 =	vmul.f32 $1.442695020e+00, v11;
	v11 =	vpop (erf)  }
0x123: {  	(erf) = vrcp.f32 v16;
	v4 =	vmul.f32 v4, v11  }
0x124: {  	s25 =	simm.s32 $0xA680;
	(erf) = vpow2.f32 v5;
	v7 =	vadd.f32 v6, v7  }
0x125: {  	s24 =	simm.s32 $0xF6C0;
	v5 =	vmul.f32 v15, v13;
	v11 =	vld [tilespmem:s21+$0x30];
	[tilespmem:s25+$0x0] =	vst v4  }
0x126: {  	v6 =	vld [tilespmem:s7+$0x30];
	[tilespmem:s24+$0x0] =	vst v4;
	v4 =	vand.u32 $0x7FFFFFFF, v7  }
0x127: {  	v13 =	vmul.f32 v5, v5;
	v15 =	vpop (erf);
	v16 =	vld [tilespmem:s6+$0x50];
	v4 =	vsub.f32 $0.0e+00, v4  }
0x128: {  	v15 =	vadd.f32 $1.000000000e+00, v15;
	v18 =	vld [tilespmem:s14+$0x50]  }
0x129: {  	v19 =	vmul.f32 $2.000000030e-01, v13;
	v4 =	vmul.f32 $1.442695020e+00, v4  }
0x12a: {  	(erf) = vrcp.f32 v15  }
0x12b: {  	v15 =	vadd.f32 $3.333333430e-01, v19;
	(erf) = vpow2.f32 v4;
	v4 =	vadd.f32 v11, v6  }
0x12c: {  	v11 =	vmul.f32 v12, v14;
	v12 =	vpop (erf)  }
0x12d: {  	v13 =	vmul.f32 v15, v13;
	v14 =	vpop (erf);
	v6 =	vadd.f32 v18, v16;
	v4 =	vsub.f32 $0.0e+00, v4  }
0x12e: {  	v5 =	vadd.f32 v5, v5;
	v15 =	vmul.f32 v11, v11;
	v16 =	vadd.f32 $2.000000000e+00, v14  }
0x12f: {  	v19 =	vld [tilespmem:s26+$0x20];
	v13 =	vadd.f32 $1.000000000e+00, v13;
	v18 =	vand.u32 $0x7FFFFFFF, v6;
	v4 =	vmul.f32 $1.442695020e+00, v4  }
0x130: {  	s13 =	simm.s32 $0x780;
	v20 =	vmul.f32 $2.000000030e-01, v15;
	(erf) = vrcp.f32 v16;
	v16 =	vsub.f32 $0.0e+00, v18;
	v18 =	vld [tilespmem:s18+$0x20]  }
0x131: {  	s12 =	simm.s32 $0x5780;
	v5 =	vmul.f32 v13, v5;
	v13 =	vld [tilespmem:s13+$0x40];
	(erf) = vpow2.f32 v4  }
0x132: {  	v4 =	vmul.f32 v12, v10;
	v10 =	vld [tilespmem:s12+$0x40];
	v12 =	vmul.f32 $1.442695020e+00, v16;
	_ =	sdelay $0x1  }
0x133: {  	v2 =	vmax.f32 v2, $0.0e+00  }
0x134: {  	v16 =	vadd.f32 $3.333333430e-01, v20;
	v2 =	vadd.f32 v5, v2;
	v20 =	vpop (erf)  }
0x135: {  	v22 =	vld [tilespmem:s13+$0xFFFFFFC0];
	v21 =	vmul.f32 v4, v4;
	(erf) = vpow2.f32 v12;
	v18 =	vadd.f32 v18, v19;
	v12 =	vpop (erf)  }
0x136: {  	v15 =	vmul.f32 v16, v15;
	v16 =	vld [tilespmem:s12+$0xFFFFFFC0];
	v19 =	vadd.f32 $2.000000000e+00, v12;
	v5 =	vadd.f32 v10, v13  }
0x137: {  	v2 =	vmul.f32 v2, v9;
	v9 =	vmul.f32 $2.000000030e-01, v21  }
0x138: {  	v24 =	vld [tilespmem:s14+$0x10];
	v10 =	vsub.f32 $0.0e+00, v18;
	(erf) = vrcp.f32 v19;
	v19 =	vand.u32 $0x7FFFFFFF, v5  }
0x139: {  	v11 =	vadd.f32 v11, v11;
	v13 =	vadd.f32 $1.000000000e+00, v15;
	v15 =	vld [tilespmem:s6+$0x10]  }
0x13a: {  	v23 =	vld [tilespmem:s12+$0xFFFFFF80];
	v3 =	vmax.f32 v3, $0.0e+00;
	[tilespmem:s25+$0xFFFFFF80] =	vst v2;
	v9 =	vadd.f32 $3.333333430e-01, v9;
	v18 =	vpop (erf);
	v10 =	vmul.f32 $1.442695020e+00, v10  }
0x13b: {  	[tilespmem:s24+$0xFFFFFF80] =	vst v2;
	v11 =	vmul.f32 v13, v11;
	v13 =	vld [tilespmem:s13+$0xFFFFFF80];
	v2 =	vadd.f32 v16, v22;
	v16 =	vsub.f32 $0.0e+00, v19;
	v19 =	vpop (erf)  }
0x13c: {  	v22 =	vld [tilespmem:s6+$0xFFFFFFD0];
	v9 =	vmul.f32 v9, v21;
	(erf) = vpow2.f32 v10;
	v10 =	vadd.f32 $1.000000000e+00, v19  }
0x13d: {  	v4 =	vadd.f32 v4, v4;
	v3 =	vadd.f32 v11, v3;
	v11 =	vld [tilespmem:s14+$0xFFFFFFD0];
	v16 =	vmul.f32 $1.442695020e+00, v16  }
0x13e: {  	v9 =	vadd.f32 $1.000000000e+00, v9;
	v15 =	vadd.f32 v24, v15;
	v21 =	vpop (erf);
	(erf) = vrcp.f32 v10  }
0x13f: {  	v19 =	vand.u32 $0x7FFFFFFF, v2;
	(erf) = vpow2.f32 v16;
	v16 =	vadd.f32 $2.000000000e+00, v21  }
0x140: {  	v19 =	vsub.f32 $0.0e+00, v19;
	v9 =	vmul.f32 v9, v4;
	v4 =	vadd.f32 v23, v13  }
0x141: {  	v8 =	vmax.f32 v8, $0.0e+00;
	v3 =	vmul.f32 v3, v17;
	v13 =	vld [tilespmem:s14+$0xFFFFFF90];
	v15 =	vsub.f32 $0.0e+00, v15  }
0x142: {  	v10 =	vld [tilespmem:s6+$0xFFFFFF90];
	v17 =	vmul.f32 $1.442695020e+00, v19;
	v19 =	vsub.f32 $0.0e+00, v4;
	v4 =	vadd.f32 v11, v22  }
0x143: {  	v9 =	vadd.f32 v9, v8;
	v8 =	vmul.f32 $1.442695020e+00, v15;
	(erf) = vrcp.f32 v16;
	v16 =	vpop (erf)  }
0x144: {  	v11 =	vmul.f32 v16, v12  }
0x145: {  	v15 =	vld [tilespmem:s12+$0x0];
	v16 =	vand.u32 $0x7FFFFFFF, v4  }
0x146: {  	[tilespmem:s30+$0xFFFFFF90] =	vst v3;
	(erf) = vpow2.f32 v17;
	v12 =	vld [tilespmem:s13+$0x0];
	v16 =	vsub.f32 $0.0e+00, v16;
	v17 =	vmul.f32 v11, v11  }
0x147: {  	[tilespmem:s31+$0xFFFFFF90] =	vst v3;
	v3 =	vmul.f32 $1.442695020e+00, v19;
	v10 =	vadd.f32 v13, v10;
	(erf) = vpow2.f32 v8;
	v8 =	vpop (erf)  }
0x148: {  	v19 =	vld [tilespmem:s26+$0xFFFFFFE0];
	v13 =	vmul.f32 v18, v14;
	v18 =	vadd.f32 $1.000000000e+00, v8;
	v22 =	vmul.f32 $2.000000030e-01, v17  }
0x149: {  	v14 =	vld [tilespmem:s18+$0xFFFFFFE0];
	(erf) = vpow2.f32 v3;
	v3 =	vsub.f32 $0.0e+00, v10;
	v8 =	vpop (erf)  }
0x14a: {  	v10 =	vmul.f32 $1.442695020e+00, v16;
	(erf) = vrcp.f32 v18;
	v16 =	vpop (erf);
	v22 =	vadd.f32 $3.333333430e-01, v22  }
0x14b: {  	v9 =	vmul.f32 v9, v20;
	v12 =	vadd.f32 v15, v12;
	v15 =	vadd.f32 $2.000000000e+00, v16  }
0x14c: {  	v11 =	vadd.f32 v11, v11;
	(erf) = vpow2.f32 v10;
	v17 =	vmul.f32 v22, v17  }
0x14d: {  	v10 =	vmul.f32 $1.442695020e+00, v3;
	v18 =	vpop (erf);
	v12 =	vsub.f32 $0.0e+00, v12;
	(erf) = vrcp.f32 v15  }
0x14e: {  	v3 =	vadd.f32 v14, v19;
	v14 =	vmul.f32 v18, v21;
	v17 =	vadd.f32 $1.000000000e+00, v17  }
0x14f: {  	v7 =	vmax.f32 v7, $0.0e+00;
	v12 =	vmul.f32 $1.442695020e+00, v12;
	v15 =	vpop (erf);
	(erf) = vpow2.f32 v10  }
0x150: {  	v20 =	vand.u32 $0x7FFFFFFF, v3;
	v10 =	vmul.f32 v14, v14;
	v11 =	vmul.f32 v17, v11  }
0x151: {  	v20 =	vsub.f32 $0.0e+00, v20;
	v18 =	vadd.f32 $2.000000000e+00, v15;
	v19 =	vpop (erf);
	(erf) = vpow2.f32 v12  }
0x152: {  	v12 =	vadd.f32 $1.000000000e+00, v19;
	v17 =	vmul.f32 $2.000000030e-01, v10;
	v21 =	vpop (erf);
	v7 =	vadd.f32 v11, v7  }
0x153: {  	v19 =	vld [tilespmem:s26+$0xFFFFFFA0];
	(erf) = vrcp.f32 v18;
	v18 =	vadd.f32 $1.000000000e+00, v21;
	v21 =	vpop (erf)  }
0x154: {  	[tilespmem:s3+$0xFFFFFFA0] =	vst v9;
	v11 =	vld [tilespmem:s18+$0xFFFFFFA0];
	v17 =	vadd.f32 $3.333333430e-01, v17;
	(erf) = vrcp.f32 v12;
	v7 =	vmul.f32 v7, v21  }
0x155: {  	[tilespmem:s22+$0xFFFFFFA0] =	vst v9;
	v12 =	vmul.f32 $1.442695020e+00, v20;
	v9 =	vpop (erf);
	(erf) = vrcp.f32 v18  }
0x156: {  	v18 =	vadd.f32 $2.000000000e+00, v9;
	v10 =	vmul.f32 v17, v10;
	v17 =	vmul.f32 v13, v13;
	v20 =	vpop (erf);
	[tilespmem:s30+$0x20] =	vst v7  }
0x157: {  	(erf) = vpow2.f32 v12;
	v12 =	vld [tilespmem:s7+$0xFFFFFFF0];
	v16 =	vmul.f32 v20, v16;
	[tilespmem:s31+$0x20] =	vst v7  }
0x158: {  	(erf) = vrcp.f32 v18;
	v10 =	vadd.f32 $1.000000000e+00, v10;
	v7 =	vadd.f32 v14, v14;
	v18 =	vld [tilespmem:s26+$0x70]  }
0x159: {  	v14 =	vmul.f32 $2.000000030e-01, v17;
	v11 =	vadd.f32 v11, v19;
	v19 =	vpop (erf);
	v20 =	vmul.f32 v16, v16;
	v21 =	vld [tilespmem:s18+$0x70]  }
0x15a: {  	v19 =	vadd.f32 $1.000000000e+00, v19;
	v7 =	vmul.f32 v10, v7;
	v10 =	vld [tilespmem:s21+$0xFFFFFFF0]  }
0x15b: {  	v6 =	vmax.f32 v6, $0.0e+00;
	v22 =	vpop (erf);
	v11 =	vsub.f32 $0.0e+00, v11;
	v23 =	vmul.f32 $2.000000030e-01, v20  }
0x15c: {  	v22 =	vadd.f32 $1.000000000e+00, v22;
	v40 =	vpop (erf);
	(erf) = vrcp.f32 v19;
	v6 =	vadd.f32 v7, v6  }
0x15d: {  	v7 =	vadd.f32 $3.333333430e-01, v14;
	v11 =	vmul.f32 $1.442695020e+00, v11;
	v14 =	vpop (erf);
	v19 =	vadd.f32 $3.333333430e-01, v23  }
0x15e: {  	(erf) = vrcp.f32 v22;
	v22 =	vmax.f32 v2, $0.0e+00;
	v14 =	vmul.f32 v6, v14  }
0x15f: {  	v2 =	vadd.f32 v21, v18;
	v6 =	vadd.f32 v10, v12;
	v10 =	vmul.f32 v19, v20  }
0x160: {  	v16 =	vadd.f32 v16, v16  }
0x161: {  	v23 =	vpop (erf);
	(erf) = vpow2.f32 v11;
	[tilespmem:s25+$0x10] =	vst v14;
	v20 =	vand.u32 $0x7FFFFFFF, v2;
	v10 =	vadd.f32 $1.000000000e+00, v10  }
0x162: {  	v15 =	vmul.f32 v40, v15;
	v18 =	vld [tilespmem:s7+$0xFFFFFFB0];
	v7 =	vmul.f32 v7, v17;
	v11 =	vpop (erf);
	[tilespmem:s24+$0x10] =	vst v14;
	v14 =	vsub.f32 $0.0e+00, v20  }
0x163: {  	v5 =	vmax.f32 v5, $0.0e+00;
	v12 =	vld [tilespmem:s21+$0xFFFFFFB0];
	v19 =	vadd.f32 $2.000000000e+00, v11;
	v10 =	vmul.f32 v10, v16  }
0x164: {  	v7 =	vadd.f32 $1.000000000e+00, v7;
	v17 =	vld [tilespmem:s6+$0x60];
	v14 =	vmul.f32 $1.442695020e+00, v14;
	v16 =	vmul.f32 v15, v15  }
0x165: {  	v13 =	vadd.f32 v13, v13;
	v20 =	vand.u32 $0x7FFFFFFF, v6;
	(erf) = vrcp.f32 v19;
	v19 =	vld [tilespmem:s14+$0x60]  }
0x166: {  	v21 =	vpop (erf);
	v20 =	vsub.f32 $0.0e+00, v20;
	(erf) = vpow2.f32 v14;
	v14 =	vmul.f32 $2.000000030e-01, v16  }
0x167: {  	v41 =	vpop (erf);
	v5 =	vadd.f32 v10, v5  }
0x168: {  	v13 =	vmul.f32 v7, v13;
	v10 =	vmul.f32 $1.442695020e+00, v20;
	v7 =	vpop (erf)  }
0x169: {  	v12 =	vadd.f32 v12, v18;
	v5 =	vmul.f32 v5, v7  }
0x16a: {  	(erf) = vpow2.f32 v10;
	v10 =	vadd.f32 $3.333333430e-01, v14;
	v7 =	vadd.f32 v19, v17;
	v14 =	vpop (erf)  }
0x16b: {  	s7 =	simm.s32 $0xA780;
	v9 =	vmul.f32 v21, v9;
	v12 =	vsub.f32 $0.0e+00, v12;
	v17 =	vld [tilespmem:s26+$0x30];
	v14 =	vadd.f32 $1.000000000e+00, v14  }
0x16c: {  	v1 =	vmax.f32 v1, $0.0e+00;
	s21 =	simm.s32 $0xF7C0;
	v19 =	vld [tilespmem:s18+$0x30];
	[tilespmem:s7+$0x0] =	vst v5;
	v18 =	vand.u32 $0x7FFFFFFF, v7  }
0x16d: {  	v20 =	vmul.f32 v9, v9;
	v12 =	vmul.f32 $1.442695020e+00, v12;
	[tilespmem:s21+$0x0] =	vst v5;
	v5 =	vsub.f32 $0.0e+00, v18  }
0x16e: {  	v1 =	vadd.f32 v13, v1;
	v10 =	vmul.f32 v10, v16;
	v13 =	vld [tilespmem:s13+$0x50];
	(erf) = vrcp.f32 v14  }
0x16f: {  	v15 =	vadd.f32 v15, v15;
	v16 =	vld [tilespmem:s12+$0x50];
	v5 =	vmul.f32 $1.442695020e+00, v5;
	v14 =	vpop (erf);
	(erf) = vpow2.f32 v12  }
0x170: {  	v10 =	vadd.f32 $1.000000000e+00, v10;
	v11 =	vmul.f32 v14, v11;
	v14 =	vmul.f32 $2.000000030e-01, v20  }
0x171: {  	v8 =	vmul.f32 v1, v8;
	v18 =	vpop (erf);
	(erf) = vpow2.f32 v5;
	v5 =	vadd.f32 v19, v17  }
0x172: {  	v12 =	vmul.f32 v11, v11;
	v1 =	vadd.f32 $3.333333430e-01, v14;
	v14 =	vadd.f32 $2.000000000e+00, v18  }
0x173: {  	v15 =	vmul.f32 v10, v15;
	v19 =	vsub.f32 $0.0e+00, v5  }
0x174: {  	v10 =	vpop (erf);
	v5 =	vadd.f32 v16, v13;
	v17 =	vmul.f32 $2.000000030e-01, v12;
	(erf) = vrcp.f32 v14;
	v14 =	vld [tilespmem:s6+$0x20]  }
0x175: {  	v13 =	vadd.f32 $2.000000000e+00, v10;
	v1 =	vmul.f32 v1, v20;
	v16 =	vmul.f32 $1.442695020e+00, v19;
	v20 =	vld [tilespmem:s14+$0x20]  }
0x176: {  	v9 =	vadd.f32 v9, v9;
	v19 =	vand.u32 $0x7FFFFFFF, v5  }
0x177: {  	s16 =	simm.s32 $0x880;
	(erf) = vrcp.f32 v13;
	v19 =	vsub.f32 $0.0e+00, v19;
	v17 =	vadd.f32 $3.333333430e-01, v17  }
0x178: {  	s17 =	simm.s32 $0x5880;
	v13 =	vadd.f32 v15, v22;
	v15 =	vld [tilespmem:s16+$0x40];
	(erf) = vpow2.f32 v16;
	v1 =	vadd.f32 $1.000000000e+00, v1  }
0x179: {  	v19 =	vmul.f32 $1.442695020e+00, v19;
	v12 =	vmul.f32 v17, v12;
	v16 =	vpop (erf);
	v17 =	vld [tilespmem:s17+$0x40]  }
0x17a: {  	v13 =	vmul.f32 v13, v23;
	v1 =	vmul.f32 v1, v9;
	v21 =	vpop (erf);
	v14 =	vadd.f32 v20, v14  }
0x17b: {  	v22 =	vld [tilespmem:s16+$0xFFFFFFC0];
	(erf) = vpow2.f32 v19;
	v9 =	vadd.f32 $1.000000000e+00, v12;
	v12 =	vadd.f32 $1.000000000e+00, v21;
	v23 =	vpop (erf)  }
0x17c: {  	v4 =	vmax.f32 v4, $0.0e+00;
	v11 =	vadd.f32 v11, v11;
	[tilespmem:s7+$0xFFFFFF80] =	vst v13;
	v21 =	vld [tilespmem:s17+$0xFFFFFFC0];
	v19 =	vadd.f32 $2.000000000e+00, v23  }
0x17d: {  	v25 =	vld [tilespmem:s17+$0xFFFFFF80];
	v1 =	vadd.f32 v1, v4;
	[tilespmem:s21+$0xFFFFFF80] =	vst v13;
	v13 =	vsub.f32 $0.0e+00, v14;
	(erf) = vrcp.f32 v12  }
0x17e: {  	v9 =	vmul.f32 v9, v11;
	v11 =	vld [tilespmem:s16+$0xFFFFFF80];
	v4 =	vadd.f32 v17, v15;
	(erf) = vrcp.f32 v19  }
0x17f: {  	v3 =	vmax.f32 v3, $0.0e+00;
	v15 =	vmul.f32 v1, v41;
	v13 =	vmul.f32 $1.442695020e+00, v13;
	v19 =	vld [tilespmem:s12+$0x10];
	v12 =	vpop (erf)  }
0x180: {  	v1 =	vadd.f32 v9, v3;
	v3 =	vld [tilespmem:s13+$0x10];
	v12 =	vmul.f32 v12, v18;
	v9 =	vand.u32 $0x7FFFFFFF, v4;
	v17 =	vpop (erf)  }
0x181: {  	v14 =	vld [tilespmem:s13+$0xFFFFFFD0];
	v18 =	vadd.f32 v21, v22;
	v9 =	vsub.f32 $0.0e+00, v9;
	v21 =	vpop (erf)  }
0x182: {  	v22 =	vld [tilespmem:s12+$0xFFFFFFD0];
	(erf) = vpow2.f32 v13;
	v20 =	vmul.f32 v12, v12;
	v13 =	vadd.f32 $1.000000000e+00, v21  }
0x183: {  	v11 =	vadd.f32 v25, v11;
	v21 =	vand.u32 $0x7FFFFFFF, v18;
	v9 =	vmul.f32 $1.442695020e+00, v9  }
0x184: {  	v21 =	vsub.f32 $0.0e+00, v21;
	v43 =	vpop (erf);
	v42 =	vmul.f32 $2.000000030e-01, v20;
	(erf) = vrcp.f32 v13  }
0x185: {  	v3 =	vadd.f32 v19, v3;
	v19 =	vadd.f32 $2.000000000e+00, v43;
	(erf) = vpow2.f32 v9  }
0x186: {  	v16 =	vmul.f32 v1, v16;
	v13 =	vld [tilespmem:s13+$0xFFFFFF90];
	v11 =	vsub.f32 $0.0e+00, v11;
	v21 =	vmul.f32 $1.442695020e+00, v21  }
0x187: {  	v9 =	vld [tilespmem:s12+$0xFFFFFF90];
	v14 =	vadd.f32 v22, v14;
	v24 =	vadd.f32 $3.333333430e-01, v42;
	v1 =	vpop (erf);
	(erf) = vrcp.f32 v19  }
0x188: {  	[tilespmem:s25+$0xFFFFFF90] =	vst v15;
	v11 =	vmul.f32 $1.442695020e+00, v11;
	v3 =	vsub.f32 $0.0e+00, v3;
	v22 =	vpop (erf);
	(erf) = vpow2.f32 v21  }
0x189: {  	[tilespmem:s24+$0xFFFFFF90] =	vst v15;
	v15 =	vand.u32 $0x7FFFFFFF, v14;
	v21 =	vld [tilespmem:s17+$0x0];
	v20 =	vmul.f32 v24, v20;
	v19 =	vmul.f32 v22, v23  }
0x18a: {  	v22 =	vld [tilespmem:s16+$0x0];
	v3 =	vmul.f32 $1.442695020e+00, v3;
	v15 =	vsub.f32 $0.0e+00, v15  }
0x18b: {  	v12 =	vadd.f32 v12, v12;
	v20 =	vadd.f32 $1.000000000e+00, v20;
	v23 =	vmul.f32 v19, v19  }
0x18c: {  	v9 =	vadd.f32 v9, v13;
	v13 =	vpop (erf);
	(erf) = vpow2.f32 v3;
	v3 =	vmax.f32 v6, $0.0e+00  }
0x18d: {  	v44 =	vld [tilespmem:s6+$0xFFFFFFE0];
	v6 =	vmul.f32 $1.442695020e+00, v15;
	v13 =	vadd.f32 $1.000000000e+00, v13;
	(erf) = vpow2.f32 v11;
	v11 =	vpop (erf)  }
0x18e: {  	v12 =	vmul.f32 v20, v12;
	v20 =	vld [tilespmem:s14+$0xFFFFFFE0];
	v26 =	vmul.f32 $2.000000030e-01, v23;
	v9 =	vsub.f32 $0.0e+00, v9;
	v15 =	vpop (erf)  }
0x18f: {  	(erf) = vrcp.f32 v13;
	v13 =	vadd.f32 v21, v22;
	v21 =	vadd.f32 $2.000000000e+00, v15  }
0x190: {  	v26 =	vadd.f32 $3.333333430e-01, v26;
	(erf) = vpow2.f32 v6  }
0x191: {  	v2 =	vmax.f32 v2, $0.0e+00;
	v7 =	vmax.f32 v7, $0.0e+00;
	v6 =	vmul.f32 $1.442695020e+00, v9  }
0x192: {  	v22 =	vpop (erf);
	v9 =	vmul.f32 v26, v23;
	v13 =	vsub.f32 $0.0e+00, v13;
	(erf) = vrcp.f32 v21  }
0x193: {  	v19 =	vadd.f32 v19, v19;
	v22 =	vmul.f32 v22, v43;
	v20 =	vadd.f32 v20, v44;
	v21 =	vpop (erf)  }
0x194: {  	[tilespmem:s30+$0xFFFFFFA0] =	vst v16;
	v9 =	vadd.f32 $1.000000000e+00, v9;
	v13 =	vmul.f32 $1.442695020e+00, v13;
	v23 =	vadd.f32 $2.000000000e+00, v21  }
0x195: {  	[tilespmem:s31+$0xFFFFFFA0] =	vst v16;
	v16 =	vmax.f32 v18, $0.0e+00;
	(erf) = vpow2.f32 v6;
	v6 =	vmul.f32 v22, v22  }
0x196: {  	v24 =	vand.u32 $0x7FFFFFFF, v20;
	v9 =	vmul.f32 v9, v19;
	v45 =	vpop (erf);
	(erf) = vpow2.f32 v13  }
0x197: {  	v46 =	vld [tilespmem:s14+$0xFFFFFFA0];
	v2 =	vadd.f32 v12, v2;
	v13 =	vsub.f32 $0.0e+00, v24;
	v47 =	vpop (erf);
	v27 =	vmul.f32 $2.000000030e-01, v6  }
0x198: {  	v19 =	vld [tilespmem:s6+$0xFFFFFFA0];
	v25 =	vadd.f32 $1.000000000e+00, v45;
	v7 =	vadd.f32 v9, v7;
	(erf) = vrcp.f32 v23;
	v23 =	vpop (erf)  }
0x199: {  	v9 =	vadd.f32 $1.000000000e+00, v47;
	v13 =	vmul.f32 $1.442695020e+00, v13;
	v48 =	vadd.f32 $3.333333430e-01, v27;
	v12 =	vpop (erf)  }
0x19a: {  	(erf) = vrcp.f32 v25;
	v7 =	vmul.f32 v7, v23;
	v18 =	vadd.f32 $2.000000000e+00, v12  }
0x19b: {  	(erf) = vrcp.f32 v9;
	v6 =	vmul.f32 v48, v6;
	v23 =	vpop (erf)  }
0x19c: {  	v9 =	vmul.f32 v2, v11;
	v11 =	vmul.f32 v23, v15  }
0x19d: {  	v2 =	vadd.f32 v46, v19;
	(erf) = vpow2.f32 v13;
	v13 =	vld [tilespmem:s26+$0xFFFFFFF0];
	[tilespmem:s25+$0x20] =	vst v7;
	v6 =	vadd.f32 $1.000000000e+00, v6  }
0x19e: {  	v23 =	vld [tilespmem:s18+$0xFFFFFFF0];
	[tilespmem:s24+$0x20] =	vst v7;
	(erf) = vrcp.f32 v18;
	v7 =	vadd.f32 v22, v22;
	v19 =	vmul.f32 v11, v11;
	v18 =	vpop (erf)  }
0x19f: {  	v10 =	vmul.f32 v17, v10;
	v2 =	vsub.f32 $0.0e+00, v2;
	v15 =	vld [tilespmem:s6+$0x70];
	v17 =	vadd.f32 $1.000000000e+00, v18;
	v18 =	vpop (erf)  }
0x1a0: {  	v22 =	vld [tilespmem:s14+$0x70];
	v6 =	vmul.f32 v6, v7;
	v7 =	vadd.f32 $1.000000000e+00, v18;
	v18 =	vmul.f32 $2.000000030e-01, v19  }
0x1a1: {  	v5 =	vmax.f32 v5, $0.0e+00  }
0x1a2: {  	v2 =	vmul.f32 $1.442695020e+00, v2;
	v49 =	vpop (erf);
	(erf) = vrcp.f32 v17;
	v18 =	vadd.f32 $3.333333430e-01, v18  }
0x1a3: {  	v5 =	vadd.f32 v6, v5;
	v17 =	vmul.f32 v49, v21;
	(erf) = vrcp.f32 v7  }
0x1a4: {  	v6 =	vpop (erf);
	(erf) = vpow2.f32 v2;
	v2 =	vadd.f32 v23, v13;
	v13 =	vmul.f32 v18, v19  }
0x1a5: {  	v21 =	vpop (erf);
	v5 =	vmul.f32 v5, v6;
	v6 =	vadd.f32 v22, v15  }
0x1a6: {  	v11 =	vadd.f32 v11, v11;
	v7 =	vmul.f32 v17, v17;
	v23 =	vld [tilespmem:s18+$0xFFFFFFB0];
	v15 =	vpop (erf);
	v13 =	vadd.f32 $1.000000000e+00, v13  }
0x1a7: {  	v18 =	vld [tilespmem:s26+$0xFFFFFFB0];
	[tilespmem:s7+$0x10] =	vst v5;
	v19 =	vadd.f32 $2.000000000e+00, v15;
	v22 =	vand.u32 $0x7FFFFFFF, v6  }
0x1a8: {  	v50 =	vpop (erf);
	v51 =	vmul.f32 $2.000000030e-01, v7;
	[tilespmem:s21+$0x10] =	vst v5;
	v5 =	vsub.f32 $0.0e+00, v22;
	v11 =	vmul.f32 v13, v11  }
0x1a9: {  	v12 =	vmul.f32 v50, v12;
	v22 =	vld [tilespmem:s13+$0x60];
	(erf) = vrcp.f32 v19  }
0x1aa: {  	v4 =	vmax.f32 v4, $0.0e+00;
	v19 =	vand.u32 $0x7FFFFFFF, v2;
	v13 =	vld [tilespmem:s12+$0x60];
	v5 =	vmul.f32 $1.442695020e+00, v5  }
0x1ab: {  	v52 =	vadd.f32 $3.333333430e-01, v51;
	v19 =	vsub.f32 $0.0e+00, v19;
	v53 =	vmul.f32 v12, v12  }
0x1ac: {  	v4 =	vadd.f32 v11, v4;
	(erf) = vpow2.f32 v5;
	v5 =	vadd.f32 v23, v18;
	v11 =	vpop (erf)  }
0x1ad: {  	v17 =	vadd.f32 v17, v17;
	v7 =	vmul.f32 v52, v7;
	v19 =	vmul.f32 $1.442695020e+00, v19;
	v18 =	vpop (erf)  }
0x1ae: {  	v23 =	vmul.f32 $2.000000030e-01, v53;
	v5 =	vsub.f32 $0.0e+00, v5;
	v4 =	vmul.f32 v4, v18  }
0x1af: {  	v14 =	vmax.f32 v14, $0.0e+00;
	s26 =	simm.s32 $0xA880;
	v18 =	vadd.f32 $1.000000000e+00, v7;
	v7 =	vadd.f32 v13, v22  }
0x1b0: {  	s28 =	simm.s32 $0xF8C0;
	(erf) = vpow2.f32 v19;
	v19 =	vmul.f32 v10, v10;
	v22 =	vadd.f32 $3.333333430e-01, v23;
	v23 =	vld [tilespmem:s6+$0x30];
	[tilespmem:s26+$0x0] =	vst v4  }
0x1b1: {  	v13 =	vpop (erf);
	v5 =	vmul.f32 $1.442695020e+00, v5;
	v17 =	vmul.f32 v18, v17;
	v18 =	vld [tilespmem:s14+$0x30];
	[tilespmem:s28+$0x0] =	vst v4;
	v4 =	vand.u32 $0x7FFFFFFF, v7  }
0x1b2: {  	v13 =	vadd.f32 $1.000000000e+00, v13;
	v22 =	vmul.f32 v22, v53;
	v55 =	vpop (erf);
	v54 =	vld [tilespmem:s16+$0x50];
	v4 =	vsub.f32 $0.0e+00, v4  }
0x1b3: {  	v12 =	vadd.f32 v12, v12;
	v56 =	vmul.f32 $2.000000030e-01, v19;
	v15 =	vmul.f32 v55, v15;
	v57 =	vld [tilespmem:s17+$0x50]  }
0x1b4: {  	(erf) = vrcp.f32 v13;
	v13 =	vadd.f32 $1.000000000e+00, v22;
	v4 =	vmul.f32 $1.442695020e+00, v4  }
0x1b5: {  	v16 =	vadd.f32 v17, v16;
	(erf) = vpow2.f32 v5;
	v17 =	vmul.f32 v15, v15  }
0x1b6: {  	v22 =	vpop (erf);
	v12 =	vmul.f32 v13, v12;
	(erf) = vpow2.f32 v4;
	v4 =	vadd.f32 v18, v23  }
0x1b7: {  	v58 =	vmul.f32 $2.000000030e-01, v17;
	v18 =	vadd.f32 $2.000000000e+00, v22;
	v23 =	vadd.f32 $3.333333430e-01, v56  }
0x1b8: {  	v12 =	vadd.f32 v12, v14;
	v5 =	vadd.f32 v57, v54  }
0x1b9: {  	v60 =	vld [tilespmem:s13+$0x20];
	v16 =	vmul.f32 v16, v21;
	v13 =	vpop (erf);
	v21 =	vadd.f32 $3.333333430e-01, v58;
	v4 =	vsub.f32 $0.0e+00, v4  }
0x1ba: {  	s18 =	simm.s32 $0x980;
	v61 =	vld [tilespmem:s12+$0x20];
	v59 =	vadd.f32 $2.000000000e+00, v13;
	(erf) = vrcp.f32 v18;
	v14 =	vand.u32 $0x7FFFFFFF, v5  }
0x1bb: {  	s0 =	simm.s32 $0x5980;
	v18 =	vld [tilespmem:s18+$0x40];
	v17 =	vmul.f32 v21, v17;
	v4 =	vmul.f32 $1.442695020e+00, v4;
	v14 =	vsub.f32 $0.0e+00, v14  }
0x1bc: {  	v15 =	vadd.f32 v15, v15;
	v19 =	vmul.f32 v23, v19;
	v23 =	vmul.f32 v12, v11;
	v21 =	vld [tilespmem:s0+$0x40]  }
0x1bd: {  	(erf) = vrcp.f32 v59;
	v11 =	vmul.f32 $1.442695020e+00, v14;
	v14 =	vadd.f32 $1.000000000e+00, v17  }
0x1be: {  	v10 =	vadd.f32 v10, v10;
	(erf) = vpow2.f32 v4;
	v17 =	vadd.f32 $1.000000000e+00, v19  }
0x1bf: {  	v4 =	vpop (erf);
	v14 =	vmul.f32 v14, v15  }
0x1c0: {  	v10 =	vmul.f32 v17, v10;
	v17 =	vadd.f32 v61, v60;
	v19 =	vpop (erf);
	(erf) = vpow2.f32 v11  }
0x1c1: {  	v62 =	vld [tilespmem:s0+$0xFFFFFFC0];
	v20 =	vmax.f32 v20, $0.0e+00;
	v11 =	vadd.f32 v21, v18;
	v19 =	vadd.f32 $1.000000000e+00, v19  }
0x1c2: {  	[tilespmem:s26+$0xFFFFFF80] =	vst v16;
	v12 =	vld [tilespmem:s18+$0xFFFFFFC0];
	v28 =	vpop (erf);
	v14 =	vadd.f32 v14, v20;
	v17 =	vsub.f32 $0.0e+00, v17  }
0x1c3: {  	[tilespmem:s28+$0xFFFFFF80] =	vst v16;
	v3 =	vadd.f32 v10, v3;
	v10 =	vld [tilespmem:s17+$0x10];
	v31 =	vadd.f32 $2.000000000e+00, v28;
	v16 =	vpop (erf);
	(erf) = vrcp.f32 v19  }
0x1c4: {  	v16 =	vmul.f32 v16, v22;
	v19 =	vld [tilespmem:s16+$0x10];
	v20 =	vmul.f32 v14, v4  }
0x1c5: {  	v63 =	vld [tilespmem:s0+$0xFFFFFF80];
	v4 =	vand.u32 $0x7FFFFFFF, v11;
	v14 =	vmul.f32 $1.442695020e+00, v17;
	(erf) = vrcp.f32 v31  }
0x1c6: {  	v15 =	vld [tilespmem:s18+$0xFFFFFF80];
	v21 =	vpop (erf);
	v4 =	vsub.f32 $0.0e+00, v4;
	v17 =	vmul.f32 v16, v16  }
0x1c7: {  	v35 =	vld [tilespmem:s17+$0xFFFFFF90];
	v12 =	vadd.f32 v62, v12;
	(erf) = vpow2.f32 v14;
	v32 =	vpop (erf)  }
0x1c8: {  	v18 =	vld [tilespmem:s16+$0xFFFFFFD0];
	v4 =	vmul.f32 $1.442695020e+00, v4;
	v14 =	vadd.f32 $1.000000000e+00, v32;
	v33 =	vmul.f32 $2.000000030e-01, v17  }
0x1c9: {  	v6 =	vmax.f32 v6, $0.0e+00;
	v24 =	vand.u32 $0x7FFFFFFF, v12;
	v22 =	vld [tilespmem:s17+$0xFFFFFFD0];
	v10 =	vadd.f32 v10, v19;
	v34 =	vpop (erf)  }
0x1ca: {  	v25 =	vadd.f32 $3.333333430e-01, v33;
	(erf) = vrcp.f32 v14;
	v14 =	vld [tilespmem:s16+$0xFFFFFF90];
	v19 =	vadd.f32 $2.000000000e+00, v34  }
0x1cb: {  	v15 =	vadd.f32 v63, v15;
	(erf) = vpow2.f32 v4;
	v10 =	vsub.f32 $0.0e+00, v10  }
0x1cc: {  	v24 =	vsub.f32 $0.0e+00, v24;
	v17 =	vmul.f32 v25, v17;
	v4 =	vpop (erf);
	(erf) = vrcp.f32 v19  }
0x1cd: {  	v16 =	vadd.f32 v16, v16;
	v15 =	vsub.f32 $0.0e+00, v15;
	v10 =	vmul.f32 $1.442695020e+00, v10  }
0x1ce: {  	[tilespmem:s7+$0xFFFFFF90] =	vst v23;
	v24 =	vmul.f32 $1.442695020e+00, v24;
	v18 =	vadd.f32 v22, v18;
	v17 =	vadd.f32 $1.000000000e+00, v17;
	v19 =	vpop (erf)  }
0x1cf: {  	[tilespmem:s21+$0xFFFFFF90] =	vst v23;
	v23 =	vld [tilespmem:s0+$0x0];
	v15 =	vmul.f32 $1.442695020e+00, v15;
	v14 =	vadd.f32 v35, v14;
	v19 =	vmul.f32 v19, v28  }
0x1d0: {  	v22 =	vld [tilespmem:s18+$0x0];
	v36 =	vand.u32 $0x7FFFFFFF, v18;
	(erf) = vpow2.f32 v24;
	v16 =	vmul.f32 v17, v16  }
0x1d1: {  	v24 =	vsub.f32 $0.0e+00, v36;
	(erf) = vpow2.f32 v10;
	v10 =	vpop (erf);
	v37 =	vmul.f32 v19, v19  }
0x1d2: {  	(erf) = vpow2.f32 v15;
	v15 =	vsub.f32 $0.0e+00, v14;
	v10 =	vadd.f32 $1.000000000e+00, v10  }
0x1d3: {  	v38 =	vld [tilespmem:s12+$0xFFFFFFE0];
	v6 =	vadd.f32 v16, v6;
	v16 =	vmul.f32 $1.442695020e+00, v24;
	v14 =	vpop (erf);
	v39 =	vmul.f32 $2.000000030e-01, v37  }
0x1d4: {  	v17 =	vld [tilespmem:s13+$0xFFFFFFE0];
	v19 =	vadd.f32 v19, v19;
	v15 =	vmul.f32 $1.442695020e+00, v15;
	v40 =	vpop (erf);
	(erf) = vrcp.f32 v10  }
0x1d5: {  	v14 =	vmul.f32 v6, v14;
	v6 =	vadd.f32 v23, v22;
	v28 =	vadd.f32 $3.333333430e-01, v39;
	v22 =	vpop (erf)  }
0x1d6: {  	v10 =	vadd.f32 $2.000000000e+00, v40;
	(erf) = vpow2.f32 v16;
	v22 =	vmul.f32 v22, v34  }
0x1d7: {  	v16 =	vmax.f32 v18, $0.0e+00;
	v6 =	vsub.f32 $0.0e+00, v6;
	v18 =	vmul.f32 v28, v37  }
0x1d8: {  	(erf) = vrcp.f32 v10;
	v26 =	vmul.f32 v22, v22  }
0x1d9: {  	v23 =	vld [tilespmem:s13+$0xFFFFFFA0];
	v10 =	vadd.f32 v38, v17;
	v17 =	vpop (erf);
	v6 =	vmul.f32 $1.442695020e+00, v6;
	v18 =	vadd.f32 $1.000000000e+00, v18  }
0x1da: {  	(erf) = vpow2.f32 v15;
	v15 =	vld [tilespmem:s12+$0xFFFFFFA0];
	v41 =	vadd.f32 $2.000000000e+00, v17;
	v43 =	vmul.f32 $2.000000030e-01, v26  }
0x1db: {  	v27 =	vand.u32 $0x7FFFFFFF, v10;
	v18 =	vmul.f32 v18, v19;
	v19 =	vpop (erf);
	(erf) = vpow2.f32 v6  }
0x1dc: {  	v7 =	vmax.f32 v7, $0.0e+00;
	v6 =	vsub.f32 $0.0e+00, v27  }
0x1dd: {  	[tilespmem:s25+$0xFFFFFFA0] =	vst v20;
	v42 =	vpop (erf);
	v19 =	vadd.f32 $1.000000000e+00, v19;
	(erf) = vrcp.f32 v41;
	v28 =	vadd.f32 $3.333333430e-01, v43  }
0x1de: {  	[tilespmem:s24+$0xFFFFFFA0] =	vst v20;
	v7 =	vadd.f32 v18, v7;
	v27 =	vadd.f32 $1.000000000e+00, v42;
	v6 =	vmul.f32 $1.442695020e+00, v6  }
0x1df: {  	v20 =	vld [tilespmem:s6+$0xFFFFFFF0];
	v15 =	vadd.f32 v15, v23;
	v44 =	vpop (erf);
	(erf) = vrcp.f32 v19;
	v26 =	vmul.f32 v28, v26  }
0x1e0: {  	v18 =	vld [tilespmem:s14+$0xFFFFFFF0];
	v30 =	vpop (erf);
	v7 =	vmul.f32 v7, v44;
	(erf) = vrcp.f32 v27  }
0x1e1: {  	v45 =	vadd.f32 $2.000000000e+00, v30;
	v23 =	vpop (erf);
	(erf) = vpow2.f32 v6;
	v6 =	vsub.f32 $0.0e+00, v15  }
0x1e2: {  	v23 =	vmul.f32 v23, v40;
	v15 =	vadd.f32 v22, v22;
	v22 =	vadd.f32 $1.000000000e+00, v26  }
0x1e3: {  	v46 =	vpop (erf);
	[tilespmem:s7+$0x20] =	vst v7;
	(erf) = vrcp.f32 v45  }
0x1e4: {  	[tilespmem:s21+$0x20] =	vst v7;
	v7 =	vmul.f32 v21, v13;
	v13 =	vmul.f32 v23, v23;
	v50 =	vpop (erf)  }
0x1e5: {  	v48 =	vmul.f32 $1.442695020e+00, v6;
	v6 =	vadd.f32 v18, v20;
	v47 =	vld [tilespmem:s13+$0x70];
	v18 =	vadd.f32 $1.000000000e+00, v50  }
0x1e6: {  	v21 =	vadd.f32 $1.000000000e+00, v46;
	v15 =	vmul.f32 v22, v15;
	v49 =	vld [tilespmem:s12+$0x70];
	v20 =	vmul.f32 $2.000000030e-01, v13;
	v22 =	vpop (erf)  }
0x1e7: {  	v5 =	vmax.f32 v5, $0.0e+00;
	v17 =	vmul.f32 v22, v17  }
0x1e8: {  	v5 =	vadd.f32 v15, v5;
	(erf) = vrcp.f32 v21;
	v20 =	vadd.f32 $3.333333430e-01, v20  }
0x1e9: {  	(erf) = vrcp.f32 v18;
	v22 =	vmul.f32 v17, v17;
	v18 =	vpop (erf)  }
0x1ea: {  	v23 =	vadd.f32 v23, v23;
	v13 =	vmul.f32 v20, v13;
	v18 =	vmul.f32 v5, v18  }
0x1eb: {  	v29 =	vld [tilespmem:s6+$0xFFFFFFB0];
	v15 =	vand.u32 $0x7FFFFFFF, v6;
	v21 =	vpop (erf);
	v5 =	vadd.f32 v49, v47;
	v53 =	vmul.f32 $2.000000030e-01, v22  }
0x1ec: {  	v19 =	vld [tilespmem:s14+$0xFFFFFFB0];
	v56 =	vsub.f32 $0.0e+00, v15;
	(erf) = vpow2.f32 v48;
	v13 =	vadd.f32 $1.000000000e+00, v13;
	v20 =	vpop (erf);
	[tilespmem:s26+$0x10] =	vst v18  }
0x1ed: {  	v51 =	vadd.f32 $2.000000000e+00, v20;
	v25 =	vand.u32 $0x7FFFFFFF, v5;
	v52 =	vpop (erf);
	v15 =	vadd.f32 $3.333333430e-01, v53;
	[tilespmem:s28+$0x10] =	vst v18  }
0x1ee: {  	v13 =	vmul.f32 v13, v23;
	v18 =	vsub.f32 $0.0e+00, v25;
	v54 =	vmul.f32 v52, v30;
	v55 =	vld [tilespmem:s16+$0x60]  }
0x1ef: {  	(erf) = vrcp.f32 v51;
	v23 =	vld [tilespmem:s17+$0x60]  }
0x1f0: {  	v11 =	vmax.f32 v11, $0.0e+00;
	v18 =	vmul.f32 $1.442695020e+00, v18;
	v57 =	vmul.f32 v54, v54  }
0x1f1: {  	v24 =	vmul.f32 $1.442695020e+00, v56;
	v22 =	vmul.f32 v15, v22;
	v11 =	vadd.f32 v13, v11;
	v15 =	vpop (erf)  }
0x1f2: {  	v19 =	vadd.f32 v19, v29;
	(erf) = vpow2.f32 v18;
	v13 =	vpop (erf);
	v18 =	vmul.f32 $2.000000030e-01, v57  }
0x1f3: {  	v17 =	vadd.f32 v17, v17;
	v22 =	vadd.f32 $1.000000000e+00, v22;
	v13 =	vmul.f32 v11, v13  }
0x1f4: {  	s6 =	simm.s32 $0xA980;
	v58 =	vmul.f32 v7, v7;
	v18 =	vadd.f32 $3.333333430e-01, v18;
	v11 =	vadd.f32 v23, v55  }
0x1f5: {  	s14 =	simm.s32 $0xF9C0;
	v19 =	vsub.f32 $0.0e+00, v19;
	v17 =	vmul.f32 v22, v17;
	v59 =	vpop (erf);
	(erf) = vpow2.f32 v24;
	[tilespmem:s6+$0x0] =	vst v13  }
0x1f6: {  	v60 =	vld [tilespmem:s12+$0x30];
	v22 =	vadd.f32 $1.000000000e+00, v59;
	[tilespmem:s14+$0x0] =	vst v13;
	v13 =	vmul.f32 v18, v57;
	v18 =	vand.u32 $0x7FFFFFFF, v11  }
0x1f7: {  	[tilespmem:s3+$0x30] =	vst v8;
	v12 =	vmax.f32 v12, $0.0e+00;
	v61 =	vmul.f32 $2.000000030e-01, v58;
	v19 =	vmul.f32 $1.442695020e+00, v19;
	v23 =	vld [tilespmem:s13+$0x30]  }
0x1f8: {  	[tilespmem:s22+$0x30] =	vst v8;
	v8 =	vadd.f32 v17, v12;
	v17 =	vsub.f32 $0.0e+00, v18;
	(erf) = vrcp.f32 v22  }
0x1f9: {  	v25 =	vadd.f32 v54, v54;
	v12 =	vld [tilespmem:s18+$0x50];
	v13 =	vadd.f32 $1.000000000e+00, v13;
	v18 =	vpop (erf);
	(erf) = vpow2.f32 v19  }
0x1fa: {  	[tilespmem:s30+$0x30] =	vst v9;
	v2 =	vmax.f32 v2, $0.0e+00;
	v62 =	vld [tilespmem:s0+$0x50];
	v17 =	vmul.f32 $1.442695020e+00, v17;
	v18 =	vmul.f32 v18, v20  }
0x1fb: {  	[tilespmem:s31+$0x30] =	vst v9;
	v8 =	vmul.f32 v8, v21;
	v21 =	vadd.f32 $3.333333430e-01, v61;
	v13 =	vmul.f32 v13, v25  }
0x1fc: {  	[tilespmem:s25+$0x30] =	vst v14;
	v9 =	vpop (erf);
	(erf) = vpow2.f32 v17;
	v17 =	vadd.f32 v60, v23;
	v20 =	vmul.f32 v18, v18  }
0x1fd: {  	v10 =	vmax.f32 v10, $0.0e+00;
	[tilespmem:s6+$0xFFFFFF80] =	vst v8;
	v19 =	vadd.f32 v18, v18;
	v63 =	vadd.f32 $2.000000000e+00, v9  }
0x1fe: {  	[tilespmem:s14+$0xFFFFFF80] =	vst v8;
	v22 =	vadd.f32 v13, v16;
	v13 =	vmul.f32 v21, v58;
	v23 =	vmul.f32 $2.000000030e-01, v20  }
0x1ff: {  	s8 =	simm.s32 $0xA80;
	s15 =	simm.s32 $0x5980;
	s2 =	simm.s32 $0xA;
	[tilespmem:s24+$0x30] =	vst v14;
	v18 =	vld [tilespmem:s18+$0xFFFFFFD0];
	v12 =	vadd.f32 v62, v12;
	v14 =	vsub.f32 $0.0e+00, v17;
	v8 =	vpop (erf);
	(erf) = vrcp.f32 v63  }
.LBB2_5:
0x200: {  	v16 =	vld [tilespmem:s8+$0x40];
	v15 =	vmul.f32 v22, v15;
	v17 =	vadd.f32 $3.333333430e-01, v23;
	v21 =	vadd.f32 $2.000000000e+00, v8  }
0x201: {  	v13 =	vadd.f32 $1.000000000e+00, v13;
	v22 =	vand.u32 $0x7FFFFFFF, v12;
	v23 =	vld [tilespmem:s16+$0x20];
	v25 =	vmul.f32 $1.442695020e+00, v14  }
0x202: {  	s0 =	sadd.s32 $0x100, s0;
	v22 =	vsub.f32 $0.0e+00, v22;
	[tilespmem:s26+$0xFFFFFF90] =	vst v15;
	v24 =	vld [tilespmem:s17+$0x20];
	v17 =	vmul.f32 v17, v20;
	v20 =	vpop (erf);
	(erf) = vrcp.f32 v21  }
0x203: {  	v6 =	vmax.f32 v6, $0.0e+00;
	v7 =	vadd.f32 v7, v7;
	v21 =	vld [tilespmem:s0+$0x40];
	[tilespmem:s28+$0xFFFFFF90] =	vst v15;
	(erf) = vpow2.f32 v25;
	v14 =	vpop (erf)  }
0x204: {  	v15 =	vld [tilespmem:s8+$0xFFFFFFC0];
	v26 =	vmul.f32 $1.442695020e+00, v22;
	v17 =	vadd.f32 $1.000000000e+00, v17;
	v14 =	vadd.f32 $1.000000000e+00, v14  }
0x205: {  	v3 =	vmul.f32 v3, v1;
	v1 =	vmov v4;
	v7 =	vmul.f32 v13, v7;
	v25 =	vld [tilespmem:s0+$0xFFFFFFC0]  }
0x206: {  	v4 =	vld [tilespmem:s0+$0xFFFFFF80];
	(erf) = vpow2.f32 v26;
	v22 =	vpop (erf);
	v17 =	vmul.f32 v17, v19  }
0x207: {  	v19 =	vld [tilespmem:s8+$0xFFFFFF80];
	v23 =	vadd.f32 v24, v23;
	v24 =	vadd.f32 $2.000000000e+00, v22;
	(erf) = vrcp.f32 v14;
	[tilespmem:s3+$0xFFFFFFB0] =	vst v3;
	s3 =	smov.u32 s30;
	s30 =	smov.u32 s25;
	s25 =	smov.u32 s7  }
0x208: {  	s7 =	smov.u32 s26;
	s26 =	smov.u32 s6;
	v13 =	vadd.f32 v21, v16;
	v14 =	vld [tilespmem:s15+$0xFFFFFFD0];
	v10 =	vadd.f32 v17, v10;
	v16 =	vpop (erf);
	[tilespmem:s22+$0xFFFFFFB0] =	vst v3;
	s22 =	smov.u32 s31  }
0x209: {  	s31 =	smov.u32 s24;
	s24 =	smov.u32 s21;
	s21 =	smov.u32 s28;
	v17 =	vld [tilespmem:s18+$0xFFFFFF90];
	v21 =	vsub.f32 $0.0e+00, v23;
	(erf) = vrcp.f32 v24;
	v16 =	vmul.f32 v16, v9  }
0x20a: {  	v3 =	vadd.f32 v7, v2;
	v2 =	vmovc v6;
	s28 =	smov.u32 s14;
	v9 =	vadd.f32 v25, v15;
	v15 =	vld [tilespmem:s18+$0x10];
	v10 =	vmul.f32 v10, v20  }
0x20b: {  	v7 =	vand.u32 $0x7FFFFFFF, v13;
	v20 =	vld [tilespmem:s15+$0x10];
	v21 =	vmul.f32 $1.442695020e+00, v21;
	v23 =	vmul.f32 v16, v16;
	v6 =	vpop (erf)  }
0x20c: {  	s2 =	sadd.s32 $0x2, s2;
	v7 =	vsub.f32 $0.0e+00, v7;
	v4 =	vadd.f32 v4, v19;
	v19 =	vand.u32 $0x7FFFFFFF, v9;
	v24 =	vld [tilespmem:s15+$0xFFFFFF90];
	[tilespmem:s25+$0xFFFFFFA0] =	vst v10;
	v25 =	vpop (erf)  }
0x20d: {  	p3 =	slt.u32 s2, $0x4E;
	v26 =	vld [tilespmem:s16+$0xFFFFFFE0];
	(erf) = vpow2.f32 v21;
	[tilespmem:s24+$0xFFFFFFA0] =	vst v10;
	v10 =	vadd.f32 $1.000000000e+00, v25;
	v21 =	vmul.f32 $2.000000030e-01, v23  }
0x20e: {  	v19 =	vsub.f32 $0.0e+00, v19;
	v29 =	vmul.f32 $1.442695020e+00, v7;
	v25 =	vsub.f32 $0.0e+00, v4;
	v7 =	vld [tilespmem:s17+$0xFFFFFFE0]  }
0x20f: {  	v9 =	vmax.f32 v9, $0.0e+00;
	v27 =	vpop (erf);
	v28 =	vld [tilespmem:s16+$0xFFFFFFA0];
	v21 =	vadd.f32 $3.333333430e-01, v21;
	(erf) = vrcp.f32 v10  }
0x210: {  	(erf) = vpow2.f32 v29;
	v10 =	vadd.f32 v20, v15;
	v29 =	vadd.f32 $2.000000000e+00, v27;
	v20 =	vld [tilespmem:s17+$0xFFFFFFA0];
	v4 =	vpop (erf)  }
0x211: {  	v14 =	vadd.f32 v14, v18;
	v19 =	vmul.f32 $1.442695020e+00, v19;
	v18 =	vld [tilespmem:s13+$0xFFFFFFF0];
	v21 =	vmul.f32 v21, v23  }
0x212: {  	v23 =	vmul.f32 $1.442695020e+00, v25;
	v10 =	vsub.f32 $0.0e+00, v10;
	(erf) = vrcp.f32 v29;
	v15 =	vpop (erf);
	v25 =	vld [tilespmem:s12+$0xFFFFFFF0]  }
0x213: {  	v16 =	vadd.f32 v16, v16;
	v15 =	vmul.f32 v15, v22;
	v22 =	vld [tilespmem:s13+$0xFFFFFFB0];
	v21 =	vadd.f32 $1.000000000e+00, v21;
	s13 =	smov.u32 s16;
	s16 =	smov.u32 s18;
	s18 =	smov.u32 s8  }
0x214: {  	v29 =	vld [tilespmem:s8+$0x0];
	(erf) = vpow2.f32 v19;
	v19 =	vand.u32 $0x7FFFFFFF, v14;
	v32 =	vmul.f32 $1.442695020e+00, v10  }
0x215: {  	v30 =	vld [tilespmem:s0+$0x0];
	v33 =	vsub.f32 $0.0e+00, v19;
	v31 =	vmul.f32 v15, v15;
	v16 =	vmul.f32 v21, v16  }
0x216: {  	v5 =	vmax.f32 v5, $0.0e+00;
	v17 =	vadd.f32 v24, v17;
	(erf) = vpow2.f32 v32;
	v10 =	vpop (erf);
	v21 =	vld [tilespmem:s12+$0xFFFFFFB0];
	s12 =	smov.u32 s17;
	s17 =	smov.u32 s15;
	s15 =	smov.u32 s0  }
0x217: {  	v10 =	vadd.f32 $1.000000000e+00, v10;
	v24 =	vmul.f32 $2.000000030e-01, v31;
	v5 =	vadd.f32 v16, v5  }
0x218: {  	v16 =	vsub.f32 $0.0e+00, v17;
	v32 =	vmul.f32 $1.442695020e+00, v33;
	(erf) = vpow2.f32 v23;
	v19 =	vpop (erf)  }
0x219: {  	v23 =	vpop (erf);
	v24 =	vadd.f32 $3.333333430e-01, v24;
	(erf) = vrcp.f32 v10;
	v5 =	vmul.f32 v5, v19  }
0x21a: {  	v10 =	vadd.f32 v30, v29;
	v19 =	vadd.f32 $2.000000000e+00, v23;
	(erf) = vpow2.f32 v32  }
0x21b: {  	v14 =	vmax.f32 v14, $0.0e+00;
	v16 =	vmul.f32 $1.442695020e+00, v16;
	v17 =	vpop (erf);
	v24 =	vmul.f32 v24, v31;
	[tilespmem:s25+$0x30] =	vst v5  }
0x21c: {  	v7 =	vadd.f32 v7, v26;
	v10 =	vsub.f32 $0.0e+00, v10;
	(erf) = vrcp.f32 v19;
	[tilespmem:s24+$0x30] =	vst v5  }
0x21d: {  	v15 =	vadd.f32 v15, v15;
	v17 =	vmul.f32 v17, v27;
	v5 =	vpop (erf);
	v19 =	vadd.f32 $1.000000000e+00, v24  }
0x21e: {  	v24 =	vadd.f32 $2.000000000e+00, v5;
	v10 =	vmul.f32 $1.442695020e+00, v10;
	(erf) = vpow2.f32 v16  }
0x21f: {  	v27 =	vand.u32 $0x7FFFFFFF, v7;
	v16 =	vmul.f32 v17, v17;
	v26 =	vpop (erf);
	v15 =	vmul.f32 v19, v15  }
0x220: {  	v11 =	vmax.f32 v11, $0.0e+00;
	v29 =	vsub.f32 $0.0e+00, v27;
	(erf) = vpow2.f32 v10  }
0x221: {  	v26 =	vadd.f32 $1.000000000e+00, v26;
	v30 =	vmul.f32 $2.000000030e-01, v16;
	v19 =	vpop (erf);
	v11 =	vadd.f32 v15, v11  }
0x222: {  	v15 =	vadd.f32 $1.000000000e+00, v19;
	(erf) = vrcp.f32 v24;
	v19 =	vmul.f32 $1.442695020e+00, v29;
	v10 =	vpop (erf)  }
0x223: {  	v24 =	vadd.f32 $3.333333430e-01, v30;
	v27 =	vpop (erf);
	(erf) = vrcp.f32 v26;
	v11 =	vmul.f32 v11, v10  }
0x224: {  	v20 =	vadd.f32 v20, v28;
	(erf) = vrcp.f32 v15;
	v15 =	vadd.f32 $2.000000000e+00, v27  }
0x225: {  	v10 =	vmax.f32 v7, $0.0e+00;
	v16 =	vmul.f32 v24, v16;
	v26 =	vpop (erf);
	[tilespmem:s7+$0x20] =	vst v11;
	(erf) = vpow2.f32 v19  }
0x226: {  	v19 =	vmul.f32 v26, v23;
	(erf) = vrcp.f32 v15;
	v15 =	vsub.f32 $0.0e+00, v20;
	[tilespmem:s21+$0x20] =	vst v11  }
0x227: {  	v7 =	vmul.f32 v6, v8;
	v11 =	vadd.f32 v17, v17;
	v16 =	vadd.f32 $1.000000000e+00, v16;
	v17 =	vpop (erf);
	v20 =	vld [tilespmem:s13+$0x70]  }
0x228: {  	v8 =	vmul.f32 v19, v19;
	v17 =	vadd.f32 $1.000000000e+00, v17;
	v15 =	vmul.f32 $1.442695020e+00, v15;
	v23 =	vld [tilespmem:s12+$0x70]  }
0x229: {  	v6 =	vadd.f32 v25, v18;
	v11 =	vmul.f32 v16, v11;
	v16 =	vadd.f32 v21, v22;
	v24 =	vpop (erf)  }
0x22a: {  	v12 =	vmax.f32 v12, $0.0e+00;
	v24 =	vadd.f32 $1.000000000e+00, v24;
	v21 =	vmul.f32 $2.000000030e-01, v8  }
0x22b: {  	v11 =	vadd.f32 v11, v12;
	v12 =	vand.u32 $0x7FFFFFFF, v6;
	v22 =	vpop (erf);
	(erf) = vrcp.f32 v17  }
0x22c: {  	v17 =	vmul.f32 v22, v5;
	v22 =	vadd.f32 $3.333333430e-01, v21;
	(erf) = vrcp.f32 v24;
	v5 =	vpop (erf)  }
0x22d: {  	v18 =	vpop (erf);
	v11 =	vmul.f32 v11, v5;
	v5 =	vadd.f32 v23, v20;
	(erf) = vpow2.f32 v15  }
0x22e: {  	v15 =	vmul.f32 v17, v17;
	v17 =	vadd.f32 v17, v17;
	v8 =	vmul.f32 v22, v8;
	v20 =	vpop (erf)  }
0x22f: {  	v19 =	vadd.f32 v19, v19;
	[tilespmem:s6+$0x10] =	vst v11;
	v21 =	vpop (erf);
	v22 =	vadd.f32 $2.000000000e+00, v20;
	v23 =	vand.u32 $0x7FFFFFFF, v5  }
0x230: {  	v24 =	vmul.f32 $2.000000030e-01, v15;
	v8 =	vadd.f32 $1.000000000e+00, v8;
	[tilespmem:s14+$0x10] =	vst v11;
	v11 =	vsub.f32 $0.0e+00, v23  }
0x231: {  	v12 =	vsub.f32 $0.0e+00, v12;
	v21 =	vmul.f32 v21, v27;
	v23 =	vld [tilespmem:s16+$0x60];
	(erf) = vrcp.f32 v22  }
0x232: {  	v22 =	vadd.f32 $3.333333430e-01, v24;
	v8 =	vmul.f32 v8, v19;
	v19 =	vld [tilespmem:s17+$0x60];
	v25 =	vmul.f32 $1.442695020e+00, v11  }
0x233: {  	v13 =	vmax.f32 v13, $0.0e+00;
	v24 =	vmul.f32 v21, v21;
	v21 =	vadd.f32 v21, v21  }
0x234: {  	v22 =	vmul.f32 v22, v15;
	v8 =	vadd.f32 v8, v13;
	v15 =	vpop (erf);
	(erf) = vpow2.f32 v25  }
0x235: {  	v16 =	vsub.f32 $0.0e+00, v16;
	v12 =	vmul.f32 $1.442695020e+00, v12;
	v13 =	vmul.f32 $2.000000030e-01, v24;
	v11 =	vpop (erf)  }
0x236: {  	v26 =	vmul.f32 v7, v7;
	v22 =	vadd.f32 $1.000000000e+00, v22;
	v8 =	vmul.f32 v8, v11;
	v25 =	vpop (erf)  }
0x237: {  	s6 =	sadd.s32 $0x100, s6;
	v13 =	vadd.f32 $3.333333430e-01, v13;
	v11 =	vadd.f32 v19, v23;
	(erf) = vpow2.f32 v12  }
0x238: {  	v16 =	vmul.f32 $1.442695020e+00, v16;
	s14 =	sadd.s32 $0x100, s14;
	v25 =	vadd.f32 $1.000000000e+00, v25;
	v12 =	vmul.f32 v22, v17;
	[tilespmem:s6+$0x0] =	vst v8;
	v22 =	vld [tilespmem:s13+$0x30]  }
0x239: {  	v19 =	vmul.f32 $2.000000030e-01, v26;
	[tilespmem:s14+$0x0] =	vst v8;
	v8 =	vmul.f32 v13, v24;
	v13 =	vand.u32 $0x7FFFFFFF, v11;
	v23 =	vld [tilespmem:s12+$0x30]  }
0x23a: {  	v27 =	vadd.f32 v12, v9;
	v12 =	vld [tilespmem:s8+$0x50];
	v13 =	vsub.f32 $0.0e+00, v13;
	(erf) = vrcp.f32 v25;
	v17 =	vpop (erf)  }
0x23b: {  	v24 =	vld [tilespmem:s0+$0x50];
	v8 =	vadd.f32 $1.000000000e+00, v8;
	v17 =	vmul.f32 v17, v20;
	(erf) = vpow2.f32 v16  }
.Ltmp1:
0x23c: {  	v16 =	vmul.f32 v27, v18;
	v13 =	vmul.f32 $1.442695020e+00, v13;
	v18 =	vadd.f32 $3.333333430e-01, v19;
	(pc) =	sbr.rel @p3 .LBB2_5-.Ltmp1, $4  }
0x23d: {  	v25 =	vmul.f32 v8, v21;
	v20 =	vmul.f32 v17, v17;
	v19 =	vadd.f32 v17, v17;
	v9 =	vpop (erf)  }
0x23e: {  	[tilespmem:s6+$0xFFFFFF80] =	vst v16;
	(erf) = vpow2.f32 v13;
	v17 =	vadd.f32 v23, v22;
	v21 =	vadd.f32 $2.000000000e+00, v9  }
0x23f: {  	v13 =	vmul.f32 v18, v26;
	[tilespmem:s14+$0xFFFFFF80] =	vst v16;
	v22 =	vadd.f32 v25, v14;
	v23 =	vmul.f32 $2.000000030e-01, v20  }
0x240: {  	s8 =	sadd.s32 $0x100, s8;
	v18 =	vld [tilespmem:s18+$0xFFFFFFD0];
	v12 =	vadd.f32 v24, v12;
	v14 =	vsub.f32 $0.0e+00, v17;
	(erf) = vrcp.f32 v21;
	v8 =	vpop (erf)  }
0x241: {  	_ = 	snop  }
0x242: {  	v16 =	vand.u32 $0x7FFFFFFF, v12  }
0x243: {  	v17 =	vadd.f32 $2.000000000e+00, v8;
	v16 =	vsub.f32 $0.0e+00, v16  }
0x244: {  	v21 =	vld [tilespmem:s16+$0x20];
	v14 =	vmul.f32 $1.442695020e+00, v14  }
0x245: {  	(erf) = vrcp.f32 v17;
	v17 =	vld [tilespmem:s17+$0x20];
	v16 =	vmul.f32 $1.442695020e+00, v16  }
0x246: {  	(erf) = vpow2.f32 v14  }
0x247: {  	(erf) = vpow2.f32 v16  }
0x248: {  	v24 =	vpop (erf)  }
0x249: {  	v14 =	vpop (erf)  }
0x24a: {  	v27 =	vld [tilespmem:s15+$0x10];
	v14 =	vadd.f32 $1.000000000e+00, v14;
	v17 =	vadd.f32 v17, v21  }
0x24b: {  	v25 =	vpop (erf);
	v21 =	vld [tilespmem:s18+$0x10]  }
0x24c: {  	v26 =	vadd.f32 $2.000000000e+00, v25;
	(erf) = vrcp.f32 v14;
	v14 =	vsub.f32 $0.0e+00, v17  }
0x24d: {  	v16 =	vpop (erf)  }
0x24e: {  	(erf) = vrcp.f32 v26;
	v17 =	vpop (erf);
	v14 =	vmul.f32 $1.442695020e+00, v14  }
0x24f: {  	v44 =	vpop (erf)  }
0x250: {  	v26 =	vadd.f32 $1.000000000e+00, v44;
	(erf) = vpow2.f32 v14;
	v14 =	vadd.f32 v27, v21;
	v28 =	vpop (erf)  }
0x251: {  	v21 =	vadd.f32 $2.000000000e+00, v28  }
0x252: {  	(erf) = vrcp.f32 v26;
	v14 =	vsub.f32 $0.0e+00, v14  }
0x253: {  	v45 =	vld [tilespmem:s15+$0xFFFFFFD0];
	(erf) = vrcp.f32 v21;
	_ =	sdelay $0x1  }
0x254: {  	v46 =	vld [tilespmem:s18+$0xFFFFFF90];
	v21 =	vmul.f32 $1.442695020e+00, v14  }
0x255: {  	v29 =	vld [tilespmem:s15+$0xFFFFFF90];
	v22 =	vmul.f32 v22, v15;
	v15 =	vadd.f32 $3.333333430e-01, v23;
	v14 =	vpop (erf)  }
0x256: {  	v30 =	vpop (erf);
	(erf) = vpow2.f32 v21  }
0x257: {  	v20 =	vmul.f32 v15, v20;
	v21 =	vadd.f32 v45, v18;
	v18 =	vmul.f32 v30, v25;
	_ =	sdelay $0x1  }
0x258: {  	[tilespmem:s26+$0xFFFFFF90] =	vst v22;
	v20 =	vadd.f32 $1.000000000e+00, v20;
	v23 =	vand.u32 $0x7FFFFFFF, v21;
	v47 =	vpop (erf);
	v25 =	vmul.f32 v18, v18  }
0x259: {  	[tilespmem:s28+$0xFFFFFF90] =	vst v22;
	v22 =	vadd.f32 v29, v46;
	v23 =	vsub.f32 $0.0e+00, v23;
	v15 =	vpop (erf)  }
0x25a: {  	v50 =	vld [tilespmem:s16+$0xFFFFFFE0];
	v19 =	vmul.f32 v20, v19;
	v26 =	vadd.f32 $1.000000000e+00, v47;
	v48 =	vmul.f32 $2.000000030e-01, v25;
	v49 =	vpop (erf)  }
0x25b: {  	v51 =	vld [tilespmem:s17+$0xFFFFFFE0];
	v23 =	vmul.f32 $1.442695020e+00, v23;
	v28 =	vmul.f32 v49, v28  }
0x25c: {  	v22 =	vsub.f32 $0.0e+00, v22;
	(erf) = vrcp.f32 v26;
	v27 =	vadd.f32 $3.333333430e-01, v48  }
0x25d: {  	(erf) = vpow2.f32 v23;
	v23 =	vmul.f32 v28, v28  }
0x25e: {  	v22 =	vmul.f32 $1.442695020e+00, v22;
	v25 =	vmul.f32 v27, v25;
	v52 =	vpop (erf)  }
0x25f: {  	v54 =	vadd.f32 v18, v18;
	v20 =	vadd.f32 $1.000000000e+00, v52;
	v53 =	vmul.f32 $2.000000030e-01, v23  }
0x260: {  	v18 =	vadd.f32 v51, v50;
	(erf) = vpow2.f32 v22;
	v25 =	vadd.f32 $1.000000000e+00, v25  }
0x261: {  	(erf) = vrcp.f32 v20;
	v22 =	vadd.f32 $3.333333430e-01, v53  }
0x262: {  	v55 =	vld [tilespmem:s17+$0xFFFFFFA0];
	v10 =	vadd.f32 v19, v10;
	v56 =	vand.u32 $0x7FFFFFFF, v18;
	v20 =	vmul.f32 v25, v54  }
0x263: {  	v11 =	vmax.f32 v11, $0.0e+00;
	v19 =	vld [tilespmem:s16+$0xFFFFFFA0];
	v22 =	vmul.f32 v22, v23;
	v23 =	vsub.f32 $0.0e+00, v56  }
0x264: {  	v10 =	vmul.f32 v10, v24;
	v11 =	vadd.f32 v20, v11  }
0x265: {  	v57 =	vpop (erf);
	v20 =	vadd.f32 v28, v28;
	v22 =	vadd.f32 $1.000000000e+00, v22;
	v23 =	vmul.f32 $1.442695020e+00, v23  }
0x266: {  	[tilespmem:s7+$0xFFFFFFA0] =	vst v10;
	v58 =	vpop (erf);
	v11 =	vmul.f32 v11, v57  }
0x267: {  	[tilespmem:s21+$0xFFFFFFA0] =	vst v10;
	v10 =	vadd.f32 $2.000000000e+00, v58;
	v20 =	vmul.f32 v22, v20  }
0x268: {  	v12 =	vmax.f32 v12, $0.0e+00;
	v19 =	vadd.f32 v55, v19;
	v59 =	vld [tilespmem:s12+$0xFFFFFFF0];
	[tilespmem:s26+$0x20] =	vst v11;
	(erf) = vpow2.f32 v23  }
0x269: {  	v22 =	vld [tilespmem:s13+$0xFFFFFFF0];
	[tilespmem:s28+$0x20] =	vst v11;
	(erf) = vrcp.f32 v10;
	v23 =	vpop (erf);
	v12 =	vadd.f32 v20, v12  }
0x26a: {  	v10 =	vsub.f32 $0.0e+00, v19;
	v19 =	vld [tilespmem:s16+$0x70];
	v11 =	vpop (erf)  }
0x26b: {  	v20 =	vld [tilespmem:s13+$0xFFFFFFB0];
	v23 =	vadd.f32 $1.000000000e+00, v23;
	v11 =	vmul.f32 v12, v11  }
0x26c: {  	v10 =	vmul.f32 $1.442695020e+00, v10;
	v12 =	vld [tilespmem:s17+$0x70]  }
0x26d: {  	(erf) = vrcp.f32 v23;
	v23 =	vld [tilespmem:s12+$0xFFFFFFB0];
	[tilespmem:s6+$0x10] =	vst v11  }
0x26e: {  	(erf) = vpow2.f32 v10;
	[tilespmem:s14+$0x10] =	vst v11  }
0x26f: {  	v60 =	vld [tilespmem:s18+$0x60]  }
0x270: {  	v61 =	vld [tilespmem:s15+$0x60]  }
0x271: {  	v11 =	vadd.f32 v59, v22;
	v10 =	vadd.f32 v12, v19;
	v12 =	vpop (erf)  }
0x272: {  	v19 =	vadd.f32 v23, v20;
	v20 =	vpop (erf);
	v22 =	vadd.f32 $2.000000000e+00, v12  }
0x273: {  	v24 =	vand.u32 $0x7FFFFFFF, v11;
	v23 =	vand.u32 $0x7FFFFFFF, v10;
	v20 =	vmul.f32 v20, v58  }
0x274: {  	v23 =	vsub.f32 $0.0e+00, v23;
	(erf) = vrcp.f32 v22;
	v22 =	vsub.f32 $0.0e+00, v24  }
0x275: {  	v19 =	vsub.f32 $0.0e+00, v19;
	v25 =	vadd.f32 v61, v60  }
0x276: {  	v62 =	vmul.f32 v20, v20;
	v23 =	vmul.f32 $1.442695020e+00, v23;
	v63 =	vpop (erf)  }
0x277: {  	v22 =	vmul.f32 $1.442695020e+00, v22;
	v19 =	vmul.f32 $1.442695020e+00, v19;
	v32 =	vpop (erf);
	v33 =	vand.u32 $0x7FFFFFFF, v25  }
0x278: {  	(erf) = vpow2.f32 v23;
	v23 =	vadd.f32 $1.000000000e+00, v32;
	v34 =	vsub.f32 $0.0e+00, v33  }
0x279: {  	v35 =	vmul.f32 $2.000000030e-01, v62;
	(erf) = vpow2.f32 v22  }
0x27a: {  	v36 =	vld [tilespmem:s17+$0x30];
	(erf) = vrcp.f32 v23;
	v23 =	vmul.f32 $1.442695020e+00, v34  }
0x27b: {  	v22 =	vld [tilespmem:s16+$0x30];
	(erf) = vpow2.f32 v19  }
0x27c: {  	v19 =	vadd.f32 $3.333333430e-01, v35;
	(erf) = vpow2.f32 v23;
	_ =	sdelay $0x1  }
0x27d: {  	v19 =	vmul.f32 v19, v62;
	_ =	sdelay $0x1  }
0x27e: {  	v40 =	vld [tilespmem:s15+$0x20];
	v37 =	vpop (erf);
	v22 =	vadd.f32 v36, v22  }
0x27f: {  	v38 =	vadd.f32 v20, v20;
	v23 =	vld [tilespmem:s18+$0x20];
	v39 =	vadd.f32 $1.000000000e+00, v19;
	v20 =	vpop (erf)  }
0x280: {  	v22 =	vsub.f32 $0.0e+00, v22;
	v41 =	vadd.f32 $2.000000000e+00, v20;
	v19 =	vpop (erf)  }
0x281: {  	v24 =	vmul.f32 v39, v38;
	v42 =	vadd.f32 $2.000000000e+00, v19;
	v31 =	vpop (erf)  }
0x282: {  	v21 =	vmax.f32 v21, $0.0e+00;
	v22 =	vmul.f32 $1.442695020e+00, v22;
	(erf) = vrcp.f32 v41;
	v43 =	vpop (erf)  }
0x283: {  	v21 =	vadd.f32 v24, v21;
	(erf) = vrcp.f32 v42;
	v44 =	vadd.f32 $1.000000000e+00, v43;
	v45 =	vpop (erf)  }
0x284: {  	(erf) = vpow2.f32 v22;
	v22 =	vadd.f32 v40, v23;
	v23 =	vadd.f32 $2.000000000e+00, v45  }
0x285: {  	(erf) = vrcp.f32 v44  }
0x286: {  	v21 =	vmul.f32 v21, v63;
	v22 =	vsub.f32 $0.0e+00, v22;
	(erf) = vrcp.f32 v23;
	_ =	sdelay $0x1  }
0x287: {  	[tilespmem:s6+$0xFFFFFF90] =	vst v21;
	v22 =	vmul.f32 $1.442695020e+00, v22  }
0x288: {  	[tilespmem:s14+$0xFFFFFF90] =	vst v21  }
0x289: {  	v21 =	vld [tilespmem:s18+$0xFFFFFFE0];
	(erf) = vpow2.f32 v22  }
0x28a: {  	v22 =	vld [tilespmem:s15+$0xFFFFFFE0];
	v24 =	vpop (erf)  }
0x28b: {  	v27 =	vmul.f32 v37, v12;
	v23 =	vpop (erf)  }
0x28c: {  	v46 =	vpop (erf)  }
0x28d: {  	v48 =	vmul.f32 v27, v27;
	v12 =	vpop (erf)  }
0x28e: {  	v47 =	vpop (erf)  }
0x28f: {  	v49 =	vadd.f32 v22, v21;
	v21 =	vmul.f32 $2.000000030e-01, v48;
	v28 =	vmul.f32 v47, v45;
	_ =	sdelay $0x1  }
0x290: {  	v32 =	vand.u32 $0x7FFFFFFF, v49;
	v21 =	vadd.f32 $3.333333430e-01, v21;
	v22 =	vmul.f32 v28, v28  }
0x291: {  	v26 =	vadd.f32 $1.000000000e+00, v46;
	v32 =	vsub.f32 $0.0e+00, v32;
	v33 =	vpop (erf)  }
0x292: {  	v21 =	vmul.f32 v21, v48;
	v33 =	vadd.f32 $1.000000000e+00, v33;
	v34 =	vmul.f32 $2.000000030e-01, v22  }
0x293: {  	v27 =	vadd.f32 v27, v27;
	(erf) = vrcp.f32 v26;
	v50 =	vmul.f32 $1.442695020e+00, v32  }
0x294: {  	v51 =	vld [tilespmem:s18+$0xFFFFFFA0];
	v21 =	vadd.f32 $1.000000000e+00, v21;
	(erf) = vrcp.f32 v33;
	v52 =	vadd.f32 $3.333333430e-01, v34  }
0x295: {  	v53 =	vld [tilespmem:s15+$0xFFFFFFA0];
	(erf) = vpow2.f32 v50  }
0x296: {  	v21 =	vmul.f32 v21, v27;
	v22 =	vmul.f32 v52, v22  }
0x297: {  	v18 =	vmax.f32 v18, $0.0e+00;
	v54 =	vadd.f32 v28, v28  }
0x298: {  	v18 =	vadd.f32 v21, v18;
	v22 =	vadd.f32 $1.000000000e+00, v22;
	_ =	sdelay $0x1  }
0x299: {  	v21 =	vmul.f32 v22, v54;
	v22 =	vadd.f32 v53, v51  }
0x29a: {  	v25 =	vmax.f32 v25, $0.0e+00  }
0x29b: {  	v55 =	vmul.f32 v18, v31;
	v18 =	vpop (erf);
	v21 =	vadd.f32 v21, v25;
	v22 =	vsub.f32 $0.0e+00, v22  }
0x29c: {  	v56 =	vpop (erf)  }
0x29d: {  	[tilespmem:s26+$0xFFFFFFA0] =	vst v55;
	v21 =	vmul.f32 v21, v56;
	v22 =	vmul.f32 $1.442695020e+00, v22;
	v57 =	vpop (erf)  }
0x29e: {  	[tilespmem:s28+$0xFFFFFFA0] =	vst v55;
	v58 =	vadd.f32 $2.000000000e+00, v57  }
0x29f: {  	[tilespmem:s6+$0x20] =	vst v21;
	(erf) = vpow2.f32 v22  }
0x2a0: {  	v59 =	vld [tilespmem:s16+$0xFFFFFFF0];
	[tilespmem:s14+$0x20] =	vst v21;
	(erf) = vrcp.f32 v58  }
0x2a1: {  	v21 =	vld [tilespmem:s18+$0x70]  }
0x2a2: {  	v22 =	vld [tilespmem:s15+$0x70]  }
0x2a3: {  	v60 =	vld [tilespmem:s17+$0xFFFFFFF0];
	_ =	sdelay $0x3  }
0x2a4: {  	v22 =	vadd.f32 v22, v21  }
0x2a5: {  	v21 =	vadd.f32 v60, v59;
	v61 =	vpop (erf)  }
0x2a6: {  	v62 =	vand.u32 $0x7FFFFFFF, v22;
	v63 =	vpop (erf)  }
0x2a7: {  	v33 =	vand.u32 $0x7FFFFFFF, v21;
	v27 =	vsub.f32 $0.0e+00, v62;
	v25 =	vmul.f32 v63, v57  }
0x2a8: {  	v34 =	vsub.f32 $0.0e+00, v33  }
0x2a9: {  	v27 =	vmul.f32 $1.442695020e+00, v27;
	v35 =	vmul.f32 v25, v25  }
0x2aa: {  	v28 =	vmul.f32 $1.442695020e+00, v34  }
0x2ab: {  	v26 =	vadd.f32 $1.000000000e+00, v61;
	(erf) = vpow2.f32 v27;
	v36 =	vmul.f32 $2.000000030e-01, v35  }
0x2ac: {  	v37 =	vld [tilespmem:s16+$0xFFFFFFB0];
	(erf) = vpow2.f32 v28  }
0x2ad: {  	v38 =	vld [tilespmem:s17+$0xFFFFFFB0];
	(erf) = vrcp.f32 v26;
	v39 =	vadd.f32 $3.333333430e-01, v36;
	_ =	sdelay $0x1  }
0x2ae: {  	v40 =	vld [tilespmem:s18+$0x30];
	v26 =	vmul.f32 v39, v35  }
0x2af: {  	v41 =	vld [tilespmem:s15+$0x30]  }
0x2b0: {  	v25 =	vadd.f32 v25, v25;
	v26 =	vadd.f32 $1.000000000e+00, v26  }
0x2b1: {  	v28 =	vadd.f32 v38, v37  }
0x2b2: {  	v25 =	vmul.f32 v26, v25  }
0x2b3: {  	v42 =	vmax.f32 v49, $0.0e+00;
	v28 =	vsub.f32 $0.0e+00, v28;
	v43 =	vpop (erf)  }
0x2b4: {  	v27 =	vadd.f32 v41, v40;
	v44 =	vpop (erf);
	v25 =	vadd.f32 v25, v42  }
0x2b5: {  	v45 =	vmul.f32 $1.442695020e+00, v28;
	v46 =	vpop (erf)  }
0x2b6: {  	v27 =	vsub.f32 $0.0e+00, v27;
	v47 =	vadd.f32 $2.000000000e+00, v43;
	v25 =	vmul.f32 v25, v46  }
0x2b7: {  	(erf) = vpow2.f32 v45;
	v48 =	vadd.f32 $2.000000000e+00, v44  }
0x2b8: {  	v27 =	vmul.f32 $1.442695020e+00, v27;
	(erf) = vrcp.f32 v47;
	[tilespmem:s6+$0xFFFFFFA0] =	vst v25  }
0x2b9: {  	(erf) = vrcp.f32 v48;
	[tilespmem:s14+$0xFFFFFFA0] =	vst v25  }
0x2ba: {  	(erf) = vpow2.f32 v27;
	v25 =	vld [tilespmem:s18+$0xFFFFFFF0]  }
0x2bb: {  	v49 =	vld [tilespmem:s15+$0xFFFFFFF0];
	_ =	sdelay $0x4  }
0x2bc: {  	v50 =	vpop (erf);
	v25 =	vadd.f32 v49, v25  }
0x2bd: {  	v51 =	vpop (erf)  }
0x2be: {  	v52 =	vpop (erf);
	v53 =	vand.u32 $0x7FFFFFFF, v25  }
0x2bf: {  	v27 =	vadd.f32 $1.000000000e+00, v50;
	v54 =	vpop (erf);
	v31 =	vsub.f32 $0.0e+00, v53  }
0x2c0: {  	v32 =	vadd.f32 $1.000000000e+00, v54  }
0x2c1: {  	(erf) = vrcp.f32 v27;
	v55 =	vmul.f32 $1.442695020e+00, v31  }
0x2c2: {  	v56 =	vld [tilespmem:s18+$0xFFFFFFB0];
	(erf) = vrcp.f32 v32  }
0x2c3: {  	v57 =	vld [tilespmem:s15+$0xFFFFFFB0];
	(erf) = vpow2.f32 v55  }
0x2c4: {  	v9 =	vmul.f32 v16, v9  }
0x2c5: {  	v8 =	vmul.f32 v17, v8  }
0x2c6: {  	v16 =	vmul.f32 v9, v9  }
0x2c7: {  	v13 =	vadd.f32 $1.000000000e+00, v13;
	v17 =	vmul.f32 v8, v8  }
0x2c8: {  	v7 =	vadd.f32 v7, v7;
	v58 =	vmul.f32 $2.000000030e-01, v16;
	v31 =	vadd.f32 v57, v56  }
0x2c9: {  	v59 =	vmul.f32 $2.000000030e-01, v17  }
0x2ca: {  	v7 =	vmul.f32 v13, v7;
	v13 =	vadd.f32 $3.333333430e-01, v58;
	v60 =	vpop (erf);
	v31 =	vsub.f32 $0.0e+00, v31  }
0x2cb: {  	v1 =	vmul.f32 v3, v1;
	v20 =	vmul.f32 v24, v20;
	v3 =	vadd.f32 $3.333333430e-01, v59;
	v61 =	vpop (erf)  }
0x2cc: {  	v13 =	vmul.f32 v13, v16;
	v16 =	vmul.f32 $1.442695020e+00, v31;
	v62 =	vpop (erf)  }
0x2cd: {  	v3 =	vmul.f32 v3, v17;
	v17 =	vmul.f32 v20, v20;
	v63 =	vadd.f32 $2.000000000e+00, v62  }
0x2ce: {  	v9 =	vadd.f32 v9, v9;
	v19 =	vmul.f32 v23, v19;
	(erf) = vpow2.f32 v16  }
0x2cf: {  	v13 =	vadd.f32 $1.000000000e+00, v13;
	v16 =	vmul.f32 $2.000000030e-01, v17;
	(erf) = vrcp.f32 v63  }
0x2d0: {  	v8 =	vadd.f32 v8, v8;
	v23 =	vmul.f32 v19, v19;
	v3 =	vadd.f32 $1.000000000e+00, v3  }
0x2d1: {  	v2 =	vadd.f32 v7, v2;
	v7 =	vmul.f32 v13, v9;
	v9 =	vadd.f32 $3.333333430e-01, v16  }
0x2d2: {  	v3 =	vmul.f32 v3, v8;
	v8 =	vmul.f32 $2.000000030e-01, v23  }
0x2d3: {  	v2 =	vmul.f32 v2, v4;
	v4 =	vmul.f32 v9, v17  }
0x2d4: {  	v6 =	vmax.f32 v6, $0.0e+00;
	v8 =	vadd.f32 $3.333333430e-01, v8;
	v9 =	vmul.f32 v51, v43  }
0x2d5: {  	v5 =	vmax.f32 v5, $0.0e+00;
	v13 =	vadd.f32 v20, v20;
	v4 =	vadd.f32 $1.000000000e+00, v4  }
0x2d6: {  	v5 =	vadd.f32 v7, v5;
	v7 =	vmul.f32 v8, v23;
	v8 =	vmul.f32 v9, v9  }
0x2d7: {  	v11 =	vmax.f32 v11, $0.0e+00;
	v4 =	vmul.f32 v4, v13;
	v13 =	vmul.f32 v52, v44;
	v16 =	vpop (erf)  }
0x2d8: {  	v7 =	vadd.f32 $1.000000000e+00, v7;
	v17 =	vadd.f32 v19, v19;
	v19 =	vmul.f32 $2.000000030e-01, v8;
	v20 =	vpop (erf)  }
0x2d9: {  	v3 =	vadd.f32 v3, v6;
	v6 =	vmul.f32 v13, v13;
	v20 =	vmul.f32 v20, v62  }
0x2da: {  	v10 =	vmax.f32 v10, $0.0e+00;
	v7 =	vmul.f32 v7, v17;
	v17 =	vadd.f32 $3.333333430e-01, v19  }
0x2db: {  	[tilespmem:s3+$0xFFFFFFB0] =	vst v1;
	v4 =	vadd.f32 v4, v10;
	v10 =	vmul.f32 $2.000000030e-01, v6;
	v19 =	vmul.f32 v20, v20  }
0x2dc: {  	[tilespmem:s22+$0xFFFFFFB0] =	vst v1;
	v1 =	vmul.f32 v3, v14;
	v3 =	vadd.f32 v7, v11;
	v7 =	vmul.f32 v17, v8  }
0x2dd: {  	[tilespmem:s30+$0xFFFFFFB0] =	vst v2;
	v8 =	vadd.f32 $3.333333430e-01, v10;
	v10 =	vadd.f32 $1.000000000e+00, v16;
	v11 =	vmul.f32 $2.000000030e-01, v19  }
0x2de: {  	[tilespmem:s31+$0xFFFFFFB0] =	vst v2;
	v2 =	vmul.f32 v5, v15;
	v5 =	vadd.f32 v9, v9;
	v7 =	vadd.f32 $1.000000000e+00, v7  }
0x2df: {  	[tilespmem:s25+$0xFFFFFFB0] =	vst v1;
	v6 =	vmul.f32 v8, v6;
	(erf) = vrcp.f32 v10;
	v8 =	vadd.f32 $3.333333430e-01, v11  }
0x2e0: {  	[tilespmem:s24+$0xFFFFFFB0] =	vst v1;
	v3 =	vmul.f32 v3, v12;
	v1 =	vmul.f32 v7, v5;
	v5 =	vmax.f32 v22, $0.0e+00  }
0x2e1: {  	[tilespmem:s7+$0x30] =	vst v2;
	v7 =	vadd.f32 v13, v13;
	v6 =	vadd.f32 $1.000000000e+00, v6;
	v8 =	vmul.f32 v8, v19  }
0x2e2: {  	[tilespmem:s21+$0x30] =	vst v2;
	v4 =	vmul.f32 v4, v18;
	v1 =	vadd.f32 v1, v5  }
0x2e3: {  	[tilespmem:s7+$0xFFFFFFB0] =	vst v3;
	v2 =	vmul.f32 v6, v7;
	v6 =	vadd.f32 v20, v20;
	v5 =	vadd.f32 $1.000000000e+00, v8  }
0x2e4: {  	[tilespmem:s21+$0xFFFFFFB0] =	vst v3;
	v3 =	vmax.f32 v21, $0.0e+00;
	v1 =	vmul.f32 v1, v61  }
0x2e5: {  	[tilespmem:s26+$0x30] =	vst v4;
	v2 =	vadd.f32 v2, v3;
	v3 =	vmul.f32 v5, v6  }
0x2e6: {  	[tilespmem:s28+$0x30] =	vst v4;
	v4 =	vmax.f32 v25, $0.0e+00  }
0x2e7: {  	[tilespmem:s6+$0x30] =	vst v1;
	v2 =	vmul.f32 v2, v60;
	v3 =	vadd.f32 v3, v4  }
0x2e8: {  	[tilespmem:s14+$0x30] =	vst v1;
	v1 =	vpop (erf)  }
0x2e9: {  	[tilespmem:s26+$0xFFFFFFB0] =	vst v2;
	v1 =	vmul.f32 v3, v1  }
0x2ea: {  	[tilespmem:s28+$0xFFFFFFB0] =	vst v2  }
0x2eb: {  	[tilespmem:s6+$0xFFFFFFB0] =	vst v1  }
0x2ec: {  	s0 =	simm.s32 $0x200;
	s2 =	simm.s32 $0xA400;
	[tilespmem:s14+$0xFFFFFFB0] =	vst v1  }
0x2ed: {  	[spmem:s1] =	stream.indirect.scatter.add.f32 [tilespmem:s2], [sflag:$0x5], $0x80, s0, s23, $0xb8;
	[tilespmem:$0x1E080] =	vst v63  }
0x2ee: {  	s25 =	simm.s32 $0xF400;
	s24 =	simm.s32 $0x300;
	s0 =	simm.s32 @!p2 $0x9  }
0x2ef: {  	[spmem:s1] =	stream.indirect.scatter.add.f32 [tilespmem:s25], [sflag:$0x7], $0x80, s24, s23, $0xb8;
	[tilespmem:$0x1E080] =	vst v63  }
0x2f0: {  	_ =	swait.ge @!p2 [sflag:s0], $0x50  }
0x2f1: {  	[sflag:s0] =	ssyncset.done @!p2 $0x0  }
0x2f2: {  	[sflag:s0] =	ssyncadd.s32 @!p2 $0xFFFFFFB0  }
0x2f3: {  	_ =	swait.ge @!p2 [sflag:s0], $0x50  }
0x2f4: {  	p3 =	seq.s32 @!p2 s19, $0x0;
	s3 =	simm.s32 @!p2 $0x400;
	[sflag:s0] =	ssyncset.done @!p2 $0x0  }
0x2f5: {  	s2 =	simm.s32 @!p2 $0x50;
	[sflag:s0] =	ssyncadd.s32 @!p2 $0xFFFFFFB0;
	s0 =	simm.s32 @!p2 $0x0  }
0x2f6: {  	[tilespmem:s3], [sflag:$0x1] =	stream.indirect.gather @!p2 [hbm4b:s10+s2], $0x80, s0, s2, $0xb8;
	[tilespmem:$0x1E080] =	vst v63  }
0x2f7: {  	p3 =	por p2, !p3;
	s6 =	simm.s32 @!p2 $0x5400;
	s3 =	simm.s32 @!p2 $0x100  }
0x2f8: {  	[tilespmem:s6], [sflag:$0x3] =	stream.indirect.gather @!p2 [hbm4b:s11+s2], $0x80, s3, s2, $0xb8;
	[tilespmem:$0x1E080] =	vst v63  }
0x2f9: {  	s2 =	simm.s32 @p3 $0x6  }
0x2fa: {  	_ =	swait.ge @p3 [sflag:s2], $0x2800  }
0x2fb: {  	[sflag:s2] =	ssyncset.done @p3 $0x0  }
0x2fc: {  	[sflag:s2] =	ssyncadd.s32 @p3 $0xFFFFD800;
	s2 =	simm.s32 @p3 $0x8  }
0x2fd: {  	_ =	swait.ge @p3 [sflag:s2], $0x2800  }
0x2fe: {  	[sflag:s2] =	ssyncset.done @p3 $0x0  }
0x2ff: {  	[sflag:s2] =	ssyncadd.s32 @p3 $0xFFFFD800  }
0x300: {  	v1 =	vld [tilespmem:$0x80];
	_ =	sdelay $0x1  }
0x301: {  	v2 =	vld [tilespmem:$0x90];
	_ =	sdelay $0x1  }
0x302: {  	v3 =	vld [tilespmem:$0xA0]  }
0x303: {  	vm0 =	vlt.s32 v1, $0x1388  }
0x304: {  	v5 =	vld [tilespmem:$0xB0];
	v4 =	vnsel vm0, $0x1388, v1;
	v1 =	vadd.s32 $0xFFFFEC78, v1  }
0x305: {  	vm12 =	vlt.s32 v2, $0x1388;
	[tilespmem:$0x280] =	vst v4;
	v1 =	vsel vm0, $0x1388, v1  }
0x306: {  	v4 =	vld [tilespmem:$0xC0];
	[tilespmem:$0x380] =	vst v1;
	v1 =	vnsel vm12, $0x1388, v2;
	v2 =	vadd.s32 $0xFFFFEC78, v2  }
0x307: {  	vm13 =	vlt.s32 v3, $0x1388;
	[tilespmem:$0x290] =	vst v1;
	v1 =	vsel vm12, $0x1388, v2  }
0x308: {  	v2 =	vadd.s32 $0xFFFFEC78, v3;
	[tilespmem:$0x390] =	vst v1;
	v1 =	vnsel vm13, $0x1388, v3  }
0x309: {  	vm14 =	vlt.s32 v5, $0x1388;
	[tilespmem:$0x2A0] =	vst v1;
	v1 =	vsel vm13, $0x1388, v2  }
0x30a: {  	v2 =	vadd.s32 $0xFFFFEC78, v5;
	[tilespmem:$0x3A0] =	vst v1;
	v1 =	vnsel vm14, $0x1388, v5  }
0x30b: {  	vm15 =	vlt.s32 v4, $0x1388;
	[tilespmem:$0x2B0] =	vst v1;
	v1 =	vsel vm14, $0x1388, v2  }
0x30c: {  	v2 =	vadd.s32 $0xFFFFEC78, v4;
	[tilespmem:$0x3B0] =	vst v1;
	v1 =	vnsel vm15, $0x1388, v4  }
0x30d: {  	[tilespmem:$0x2C0] =	vst v1;
	v1 =	vsel vm15, $0x1388, v2  }
0x30e: {  	s26 =	simm.s32 $0x2;
	[tilespmem:$0x3C0] =	vst v1  }
0x30f: {  	_ =	swait.ge [sflag:s26], $0x2800  }
0x310: {  	[sflag:s26] =	ssyncset.done $0x0  }
0x311: {  	[sflag:s26] =	ssyncadd.s32 $0xFFFFD800  }
0x312: {  	_ =	swait.ge [sflag:s9], $0x2800  }
0x313: {  	s2 =	rddreg [dreg:$0xb]  }
0x314: {  	s2 =	sadd.s32 @!p2 s20, s2  }
0x315: {  	[sflag:s9] =	ssyncset.done $0x0;
	s2 =	sshrl.u32 @!p2 s2, $0x3  }
0x316: {  	s6 =	simm.s32 @!p2 $0x80;
	[sflag:s9] =	ssyncadd.s32 $0xFFFFD800;
	s3 =	sadd.s32 @!p2 s4, s2  }
0x317: {  	[tilespmem:s6], [sflag:$0xA] =	stream.linear.gather @!p2 [hbm4b:s3+s0], $0x50, $0x38;
	[tilespmem:$0x1E080] =	vst v63  }
0x318: {  	s2 =	sadd.s32 @!p2 s5, s2;
	s3 =	simm.s32 @!p2 $0x180  }
0x319: {  	[tilespmem:s3], [sflag:$0xA] =	stream.linear.gather @!p2 [hbm4b:s2+s0], $0x50, $0x38;
	[tilespmem:$0x1E080] =	vst v63  }
0x31a: {  	s0 =	simm.s32 $0x2CF0  }
0x31b: {  	s2 =	simm.s32 $0x7CF0;
	v1 =	vld [tilespmem:s0+$0xFFFFFFD0]  }
0x31c: {  	v2 =	vld [tilespmem:s2+$0xFFFFFFD0];
	_ =	sdelay $0x4  }
0x31d: {  	v1 =	vadd.f32 v2, v1;
	_ =	sdelay $0x1  }
0x31e: {  	v2 =	vand.u32 $0x7FFFFFFF, v1  }
0x31f: {  	v2 =	vsub.f32 $0.0e+00, v2  }
0x320: {  	v3 =	vld [tilespmem:s0+$0xFFFFFF50]  }
0x321: {  	v4 =	vld [tilespmem:s2+$0xFFFFFF50];
	v2 =	vmul.f32 $1.442695020e+00, v2  }
0x322: {  	v5 =	vld [tilespmem:s2+$0xFFFFFF10]  }
0x323: {  	v6 =	vld [tilespmem:s0+$0xFFFFFF10];
	(erf) = vpow2.f32 v2;
	_ =	sdelay $0x2  }
0x324: {  	v2 =	vadd.f32 v4, v3  }
0x325: {  	v3 =	vld [tilespmem:s0+$0xFFFFFF90]  }
0x326: {  	v4 =	vadd.f32 v5, v6;
	v6 =	vld [tilespmem:s2+$0xFFFFFF90];
	v5 =	vand.u32 $0x7FFFFFFF, v2  }
0x327: {  	v5 =	vsub.f32 $0.0e+00, v5  }
0x328: {  	v4 =	vsub.f32 $0.0e+00, v4  }
0x329: {  	v5 =	vmul.f32 $1.442695020e+00, v5  }
0x32a: {  	v4 =	vmul.f32 $1.442695020e+00, v4;
	v7 =	vpop (erf)  }
0x32b: {  	v3 =	vadd.f32 v6, v3;
	(erf) = vpow2.f32 v5;
	v5 =	vadd.f32 $2.000000000e+00, v7  }
0x32c: {  	(erf) = vpow2.f32 v4  }
0x32d: {  	v3 =	vsub.f32 $0.0e+00, v3;
	(erf) = vrcp.f32 v5;
	_ =	sdelay $0x1  }
0x32e: {  	v3 =	vmul.f32 $1.442695020e+00, v3;
	_ =	sdelay $0x1  }
0x32f: {  	(erf) = vpow2.f32 v3;
	_ =	sdelay $0x2  }
0x330: {  	v3 =	vpop (erf)  }
0x331: {  	v4 =	vpop (erf)  }
0x332: {  	v5 =	vpop (erf)  }
0x333: {  	v5 =	vmul.f32 v5, v7;
	_ =	sdelay $0x1  }
0x334: {  	v6 =	vadd.f32 $2.000000000e+00, v3;
	v7 =	vmul.f32 v5, v5  }
0x335: {  	v4 =	vadd.f32 $1.000000000e+00, v4;
	v8 =	vpop (erf)  }
0x336: {  	(erf) = vrcp.f32 v6;
	v6 =	vadd.f32 $1.000000000e+00, v8;
	v8 =	vmul.f32 $2.000000030e-01, v7;
	_ =	sdelay $0x1  }
0x337: {  	(erf) = vrcp.f32 v4;
	v4 =	vadd.f32 $3.333333430e-01, v8  }
0x338: {  	(erf) = vrcp.f32 v6  }
0x339: {  	v4 =	vmul.f32 v4, v7;
	_ =	sdelay $0x1  }
0x33a: {  	v5 =	vadd.f32 v5, v5;
	v4 =	vadd.f32 $1.000000000e+00, v4;
	_ =	sdelay $0x1  }
0x33b: {  	v4 =	vmul.f32 v4, v5;
	_ =	sdelay $0x1  }
0x33c: {  	v1 =	vmax.f32 v1, $0.0e+00;
	v5 =	vpop (erf)  }
0x33d: {  	v3 =	vmul.f32 v5, v3;
	v5 =	vpop (erf);
	v1 =	vadd.f32 v4, v1  }
0x33e: {  	v4 =	vpop (erf)  }
0x33f: {  	v6 =	vmul.f32 v3, v3;
	v1 =	vmul.f32 v1, v4  }
0x340: {  	s3 =	simm.s32 $0xCCB0  }
0x341: {  	s20 =	simm.s32 $0x11CF0;
	v4 =	vmul.f32 $2.000000030e-01, v6;
	[tilespmem:s3+$0xFFFFFFD0] =	vst v1  }
0x342: {  	[tilespmem:s20+$0xFFFFFFD0] =	vst v1  }
0x343: {  	v1 =	vadd.f32 $3.333333430e-01, v4;
	v4 =	vld [tilespmem:s0+$0xFFFFFFE0]  }
0x344: {  	v7 =	vld [tilespmem:s2+$0xFFFFFFE0]  }
0x345: {  	v1 =	vmul.f32 v1, v6;
	_ =	sdelay $0x1  }
0x346: {  	v3 =	vadd.f32 v3, v3;
	v1 =	vadd.f32 $1.000000000e+00, v1;
	_ =	sdelay $0x1  }
0x347: {  	v1 =	vmul.f32 v1, v3;
	v3 =	vadd.f32 v7, v4  }
0x348: {  	v2 =	vmax.f32 v2, $0.0e+00  }
0x349: {  	v1 =	vadd.f32 v1, v2;
	v2 =	vand.u32 $0x7FFFFFFF, v3  }
0x34a: {  	s6 =	simm.s32 $0x2DF0;
	v2 =	vsub.f32 $0.0e+00, v2  }
0x34b: {  	s8 =	simm.s32 $0x7DF0;
	v4 =	vld [tilespmem:s6+$0xFFFFFFD0]  }
0x34c: {  	v1 =	vmul.f32 v1, v5;
	v5 =	vld [tilespmem:s8+$0xFFFFFFD0];
	v2 =	vmul.f32 $1.442695020e+00, v2;
	_ =	sdelay $0x1  }
0x34d: {  	(erf) = vpow2.f32 v2  }
0x34e: {  	v8 =	vld [tilespmem:s2+$0xFFFFFFA0]  }
0x34f: {  	v2 =	vld [tilespmem:s6+$0xFFFFFF50]  }
0x350: {  	v4 =	vadd.f32 v5, v4;
	v5 =	vld [tilespmem:s8+$0xFFFFFF50]  }
0x351: {  	v6 =	vld [tilespmem:s0+$0xFFFFFFA0]  }
0x352: {  	v9 =	vld [tilespmem:s8+$0xFFFFFF10];
	[tilespmem:s3+$0xFFFFFF50] =	vst v1;
	v7 =	vand.u32 $0x7FFFFFFF, v4  }
0x353: {  	v10 =	vld [tilespmem:s6+$0xFFFFFF10];
	[tilespmem:s20+$0xFFFFFF50] =	vst v1;
	v7 =	vsub.f32 $0.0e+00, v7  }
0x354: {  	v1 =	vld [tilespmem:s0+$0xFFFFFF60]  }
0x355: {  	v11 =	vld [tilespmem:s2+$0xFFFFFF60];
	v7 =	vmul.f32 $1.442695020e+00, v7;
	v5 =	vadd.f32 v5, v2  }
0x356: {  	v6 =	vadd.f32 v8, v6;
	v12 =	vpop (erf)  }
0x357: {  	(erf) = vpow2.f32 v7;
	v2 =	vand.u32 $0x7FFFFFFF, v5;
	v7 =	vadd.f32 $2.000000000e+00, v12  }
0x358: {  	v2 =	vsub.f32 $0.0e+00, v2  }
0x359: {  	v6 =	vsub.f32 $0.0e+00, v6;
	(erf) = vrcp.f32 v7  }
0x35a: {  	v8 =	vld [tilespmem:s0+$0xFFFFFF20];
	v7 =	vadd.f32 v9, v10;
	v9 =	vmul.f32 $1.442695020e+00, v2;
	v2 =	vadd.f32 v11, v1  }
0x35b: {  	v13 =	vld [tilespmem:s2+$0xFFFFFF20]  }
0x35c: {  	v6 =	vmul.f32 $1.442695020e+00, v6;
	v1 =	vld [tilespmem:s6+$0xFFFFFF90];
	(erf) = vpow2.f32 v9;
	v9 =	vand.u32 $0x7FFFFFFF, v2  }
0x35d: {  	v10 =	vld [tilespmem:s8+$0xFFFFFF90];
	v9 =	vsub.f32 $0.0e+00, v9  }
0x35e: {  	v7 =	vsub.f32 $0.0e+00, v7;
	(erf) = vpow2.f32 v6;
	_ =	sdelay $0x1  }
0x35f: {  	v6 =	vmul.f32 $1.442695020e+00, v7;
	v7 =	vadd.f32 v13, v8;
	v8 =	vmul.f32 $1.442695020e+00, v9  }
0x360: {  	v9 =	vpop (erf)  }
0x361: {  	v1 =	vadd.f32 v10, v1;
	(erf) = vpow2.f32 v6;
	v6 =	vadd.f32 $2.000000000e+00, v9  }
0x362: {  	v7 =	vsub.f32 $0.0e+00, v7;
	(erf) = vpow2.f32 v8  }
0x363: {  	v1 =	vsub.f32 $0.0e+00, v1;
	v8 =	vpop (erf);
	(erf) = vrcp.f32 v6  }
0x364: {  	v6 =	vmul.f32 $1.442695020e+00, v7;
	v7 =	vmul.f32 v8, v12  }
0x365: {  	v1 =	vmul.f32 $1.442695020e+00, v1;
	v8 =	vpop (erf)  }
0x366: {  	(erf) = vpow2.f32 v6;
	v6 =	vmul.f32 v7, v7;
	v10 =	vadd.f32 $2.000000000e+00, v8;
	v11 =	vpop (erf)  }
0x367: {  	(erf) = vpow2.f32 v1;
	v1 =	vadd.f32 $1.000000000e+00, v11  }
0x368: {  	v11 =	vmul.f32 $2.000000030e-01, v6;
	_ =	sdelay $0x1  }
0x369: {  	(erf) = vrcp.f32 v10;
	v10 =	vpop (erf);
	v11 =	vadd.f32 $3.333333430e-01, v11  }
0x36a: {  	(erf) = vrcp.f32 v1;
	v1 =	vpop (erf);
	v10 =	vadd.f32 $1.000000000e+00, v10  }
0x36b: {  	v6 =	vmul.f32 v11, v6;
	v11 =	vadd.f32 $2.000000000e+00, v1;
	v12 =	vpop (erf)  }
0x36c: {  	v9 =	vmul.f32 v12, v9  }
0x36d: {  	v7 =	vadd.f32 v7, v7  }
0x36e: {  	(erf) = vrcp.f32 v10;
	v6 =	vadd.f32 $1.000000000e+00, v6;
	v10 =	vpop (erf);
	v12 =	vmul.f32 v9, v9  }
0x36f: {  	(erf) = vrcp.f32 v11;
	v11 =	vpop (erf)  }
0x370: {  	v6 =	vmul.f32 v6, v7;
	v7 =	vadd.f32 $1.000000000e+00, v11;
	v11 =	vmul.f32 $2.000000030e-01, v12  }
0x371: {  	v3 =	vmax.f32 v3, $0.0e+00;
	v10 =	vadd.f32 $1.000000000e+00, v10  }
0x372: {  	v3 =	vadd.f32 v6, v3;
	v6 =	vadd.f32 $3.333333430e-01, v11  }
0x373: {  	(erf) = vrcp.f32 v10  }
0x374: {  	v13 =	vpop (erf);
	(erf) = vrcp.f32 v7;
	v6 =	vmul.f32 v6, v12  }
0x375: {  	v7 =	vpop (erf)  }
0x376: {  	v3 =	vmul.f32 v3, v7;
	v7 =	vadd.f32 v9, v9;
	v6 =	vadd.f32 $1.000000000e+00, v6;
	_ =	sdelay $0x1  }
0x377: {  	[tilespmem:s3+$0xFFFFFFE0] =	vst v3;
	v6 =	vmul.f32 v6, v7  }
0x378: {  	[tilespmem:s20+$0xFFFFFFE0] =	vst v3  }
0x379: {  	v9 =	vpop (erf);
	v3 =	vld [tilespmem:s0+$0xFFFFFFF0]  }
0x37a: {  	v4 =	vmax.f32 v4, $0.0e+00;
	v10 =	vpop (erf);
	v7 =	vld [tilespmem:s2+$0xFFFFFFF0]  }
0x37b: {  	v4 =	vadd.f32 v6, v4;
	v6 =	vpop (erf)  }
0x37c: {  	v11 =	vpop (erf)  }
0x37d: {  	v4 =	vmul.f32 v4, v11  }
0x37e: {  	s22 =	simm.s32 $0xCDB0  }
0x37f: {  	s30 =	simm.s32 $0x11DF0;
	v7 =	vadd.f32 v7, v3;
	[tilespmem:s22+$0xFFFFFFD0] =	vst v4  }
0x380: {  	v3 =	vmul.f32 v13, v8;
	[tilespmem:s30+$0xFFFFFFD0] =	vst v4  }
0x381: {  	v4 =	vand.u32 $0x7FFFFFFF, v7;
	v8 =	vld [tilespmem:s6+$0xFFFFFFE0]  }
0x382: {  	v11 =	vmul.f32 v3, v3;
	v4 =	vsub.f32 $0.0e+00, v4;
	v12 =	vld [tilespmem:s8+$0xFFFFFFE0];
	_ =	sdelay $0x1  }
0x383: {  	v13 =	vmul.f32 $2.000000030e-01, v11;
	v4 =	vmul.f32 $1.442695020e+00, v4;
	_ =	sdelay $0x1  }
0x384: {  	(erf) = vpow2.f32 v4;
	v4 =	vadd.f32 $3.333333430e-01, v13  }
0x385: {  	s15 =	simm.s32 $0x7EF0;
	v10 =	vmul.f32 v10, v1;
	v1 =	vadd.f32 v12, v8  }
0x386: {  	v16 =	vld [tilespmem:s15+$0xFFFFFFD0];
	v4 =	vmul.f32 v4, v11  }
0x387: {  	v14 =	vld [tilespmem:s2+$0xFFFFFFB0];
	v3 =	vadd.f32 v3, v3;
	v11 =	vmul.f32 v10, v10;
	v12 =	vand.u32 $0x7FFFFFFF, v1  }
0x388: {  	s14 =	simm.s32 $0x2EF0;
	v13 =	vld [tilespmem:s0+$0xFFFFFFB0];
	v4 =	vadd.f32 $1.000000000e+00, v4;
	v12 =	vsub.f32 $0.0e+00, v12  }
0x389: {  	v8 =	vld [tilespmem:s14+$0xFFFFFFD0];
	v15 =	vmul.f32 $2.000000030e-01, v11  }
0x38a: {  	v3 =	vmul.f32 v4, v3;
	v4 =	vmul.f32 $1.442695020e+00, v12  }
0x38b: {  	v12 =	vadd.f32 $3.333333430e-01, v15  }
0x38c: {  	v17 =	vld [tilespmem:s15+$0xFFFFFF50];
	v5 =	vmax.f32 v5, $0.0e+00;
	(erf) = vpow2.f32 v4  }
0x38d: {  	v10 =	vadd.f32 v10, v10;
	v3 =	vadd.f32 v3, v5;
	v5 =	vld [tilespmem:s14+$0xFFFFFF50];
	v11 =	vmul.f32 v12, v11  }
0x38e: {  	v13 =	vadd.f32 v14, v13;
	v12 =	vld [tilespmem:s15+$0xFFFFFF10];
	v4 =	vadd.f32 v16, v8;
	v15 =	vpop (erf)  }
0x38f: {  	v8 =	vld [tilespmem:s14+$0xFFFFFF10];
	v14 =	vadd.f32 $2.000000000e+00, v15;
	v11 =	vadd.f32 $1.000000000e+00, v11  }
0x390: {  	v16 =	vld [tilespmem:s8+$0xFFFFFFA0];
	v3 =	vmul.f32 v3, v9;
	v9 =	vsub.f32 $0.0e+00, v13  }
0x391: {  	v13 =	vld [tilespmem:s6+$0xFFFFFFA0];
	(erf) = vrcp.f32 v14;
	v10 =	vmul.f32 v11, v10  }
0x392: {  	v14 =	vand.u32 $0x7FFFFFFF, v4;
	[tilespmem:s22+$0xFFFFFF50] =	vst v3;
	v9 =	vmul.f32 $1.442695020e+00, v9  }
0x393: {  	v14 =	vsub.f32 $0.0e+00, v14;
	[tilespmem:s30+$0xFFFFFF50] =	vst v3  }
0x394: {  	v11 =	vmax.f32 v2, $0.0e+00;
	v2 =	vadd.f32 v17, v5;
	v3 =	vld [tilespmem:s6+$0xFFFFFF60];
	(erf) = vpow2.f32 v9  }
0x395: {  	v8 =	vadd.f32 v12, v8;
	v5 =	vadd.f32 v10, v11;
	v9 =	vmul.f32 $1.442695020e+00, v14;
	v14 =	vld [tilespmem:s8+$0xFFFFFF60];
	v10 =	vpop (erf)  }
0x396: {  	v12 =	vadd.f32 v16, v13;
	v13 =	vadd.f32 $2.000000000e+00, v10  }
0x397: {  	v11 =	vand.u32 $0x7FFFFFFF, v2;
	v5 =	vmul.f32 v5, v6;
	v6 =	vld [tilespmem:s8+$0xFFFFFF20]  }
0x398: {  	v11 =	vsub.f32 $0.0e+00, v11;
	(erf) = vpow2.f32 v9;
	v9 =	vld [tilespmem:s6+$0xFFFFFF20]  }
0x399: {  	v12 =	vsub.f32 $0.0e+00, v12  }
0x39a: {  	v11 =	vmul.f32 $1.442695020e+00, v11;
	(erf) = vrcp.f32 v13;
	v3 =	vadd.f32 v14, v3;
	v13 =	vpop (erf)  }
0x39b: {  	v8 =	vsub.f32 $0.0e+00, v8;
	v14 =	vld [tilespmem:s14+$0xFFFFFF90];
	v13 =	vmul.f32 v13, v15  }
0x39c: {  	v12 =	vmul.f32 $1.442695020e+00, v12;
	(erf) = vpow2.f32 v11;
	v11 =	vand.u32 $0x7FFFFFFF, v3;
	v15 =	vld [tilespmem:s15+$0xFFFFFF90]  }
0x39d: {  	v6 =	vadd.f32 v6, v9;
	v11 =	vsub.f32 $0.0e+00, v11;
	v9 =	vpop (erf);
	v16 =	vmul.f32 v13, v13  }
0x39e: {  	v8 =	vmul.f32 $1.442695020e+00, v8;
	[tilespmem:s3+$0xFFFFFF60] =	vst v5;
	(erf) = vpow2.f32 v12;
	v9 =	vadd.f32 $1.000000000e+00, v9  }
0x39f: {  	[tilespmem:s20+$0xFFFFFF60] =	vst v5;
	v5 =	vsub.f32 $0.0e+00, v6;
	v6 =	vmul.f32 $1.442695020e+00, v11;
	v12 =	vmul.f32 $2.000000030e-01, v16  }
0x3a0: {  	(erf) = vpow2.f32 v8  }
0x3a1: {  	v8 =	vld [tilespmem:s0+$0xFFFFFF70];
	(erf) = vrcp.f32 v9;
	v11 =	vpop (erf);
	v9 =	vadd.f32 v15, v14;
	v12 =	vadd.f32 $3.333333430e-01, v12  }
0x3a2: {  	v5 =	vmul.f32 $1.442695020e+00, v5;
	v14 =	vadd.f32 $2.000000000e+00, v11;
	v15 =	vld [tilespmem:s2+$0xFFFFFF70]  }
0x3a3: {  	(erf) = vpow2.f32 v6;
	v6 =	vpop (erf);
	v9 =	vsub.f32 $0.0e+00, v9;
	v12 =	vmul.f32 v12, v16  }
0x3a4: {  	(erf) = vrcp.f32 v14;
	v6 =	vmul.f32 v6, v10  }
0x3a5: {  	v10 =	vadd.f32 v13, v13;
	v9 =	vmul.f32 $1.442695020e+00, v9;
	v12 =	vadd.f32 $1.000000000e+00, v12  }
0x3a6: {  	v13 =	vpop (erf);
	(erf) = vpow2.f32 v5  }
0x3a7: {  	v8 =	vadd.f32 v15, v8;
	v15 =	vpop (erf);
	(erf) = vpow2.f32 v9;
	v9 =	vmul.f32 v12, v10  }
0x3a8: {  	v5 =	vmul.f32 v6, v6  }
0x3a9: {  	v7 =	vmax.f32 v7, $0.0e+00;
	v14 =	vadd.f32 $2.000000000e+00, v13  }
0x3aa: {  	v16 =	vpop (erf);
	v10 =	vadd.f32 $1.000000000e+00, v15;
	v12 =	vmul.f32 $2.000000030e-01, v5;
	v7 =	vadd.f32 v9, v7  }
0x3ab: {  	v15 =	vand.u32 $0x7FFFFFFF, v8;
	(erf) = vrcp.f32 v14;
	v9 =	vpop (erf)  }
0x3ac: {  	v12 =	vadd.f32 $3.333333430e-01, v12;
	(erf) = vrcp.f32 v10;
	v7 =	vmul.f32 v7, v9  }
0x3ad: {  	v10 =	vsub.f32 $0.0e+00, v15;
	v15 =	vld [tilespmem:s0+$0xFFFFFF30];
	v14 =	vpop (erf)  }
0x3ae: {  	v16 =	vadd.f32 $1.000000000e+00, v16;
	v5 =	vmul.f32 v12, v5;
	v12 =	vld [tilespmem:s2+$0xFFFFFF30];
	v9 =	vpop (erf)  }
0x3af: {  	v6 =	vadd.f32 v6, v6;
	v10 =	vmul.f32 $1.442695020e+00, v10;
	v9 =	vmul.f32 v9, v11;
	[tilespmem:s3+$0xFFFFFFF0] =	vst v7  }
0x3b0: {  	v17 =	vadd.f32 $2.000000000e+00, v14;
	(erf) = vrcp.f32 v16;
	v5 =	vadd.f32 $1.000000000e+00, v5;
	[tilespmem:s20+$0xFFFFFFF0] =	vst v7;
	v7 =	vpop (erf)  }
0x3b1: {  	(erf) = vpow2.f32 v10;
	v10 =	vmul.f32 v9, v9;
	v11 =	vld [tilespmem:s0+$0x0];
	v7 =	vadd.f32 $1.000000000e+00, v7  }
0x3b2: {  	v1 =	vmax.f32 v1, $0.0e+00;
	v5 =	vmul.f32 v5, v6;
	(erf) = vrcp.f32 v17;
	v6 =	vld [tilespmem:s2+$0x0];
	v16 =	vpop (erf)  }
0x3b3: {  	v12 =	vadd.f32 v12, v15;
	v16 =	vadd.f32 $1.000000000e+00, v16;
	v17 =	vmul.f32 $2.000000030e-01, v10  }
0x3b4: {  	v1 =	vadd.f32 v5, v1;
	v15 =	vpop (erf);
	(erf) = vrcp.f32 v7  }
0x3b5: {  	v12 =	vsub.f32 $0.0e+00, v12;
	v5 =	vadd.f32 $3.333333430e-01, v17;
	(erf) = vrcp.f32 v16;
	v7 =	vpop (erf)  }
0x3b6: {  	v7 =	vmul.f32 v1, v7  }
0x3b7: {  	v5 =	vmul.f32 v5, v10;
	v10 =	vmul.f32 $1.442695020e+00, v12;
	v1 =	vadd.f32 v6, v11  }
0x3b8: {  	[tilespmem:s22+$0xFFFFFFE0] =	vst v7  }
0x3b9: {  	v6 =	vadd.f32 v9, v9;
	v5 =	vadd.f32 $1.000000000e+00, v5;
	v11 =	vand.u32 $0x7FFFFFFF, v1;
	[tilespmem:s30+$0xFFFFFFE0] =	vst v7  }
0x3ba: {  	v9 =	vpop (erf);
	(erf) = vpow2.f32 v10;
	v11 =	vsub.f32 $0.0e+00, v11;
	v7 =	vld [tilespmem:s6+$0xFFFFFFF0]  }
0x3bb: {  	v10 =	vpop (erf);
	v5 =	vmul.f32 v5, v6;
	v6 =	vld [tilespmem:s8+$0xFFFFFFF0]  }
0x3bc: {  	v4 =	vmax.f32 v4, $0.0e+00;
	v12 =	vpop (erf)  }
0x3bd: {  	v16 =	vadd.f32 $2.000000000e+00, v10;
	v4 =	vadd.f32 v5, v4;
	v17 =	vpop (erf)  }
0x3be: {  	v5 =	vmul.f32 $1.442695020e+00, v11;
	v11 =	vpop (erf)  }
0x3bf: {  	(erf) = vrcp.f32 v16;
	v4 =	vmul.f32 v4, v11  }
0x3c0: {  	s24 =	simm.s32 $0xCEB0;
	(erf) = vpow2.f32 v5;
	v7 =	vadd.f32 v6, v7  }
0x3c1: {  	s31 =	simm.s32 $0x11EF0;
	v5 =	vmul.f32 v15, v13;
	v11 =	vld [tilespmem:s2+$0xFFFFFFC0];
	[tilespmem:s24+$0xFFFFFFD0] =	vst v4  }
0x3c2: {  	v6 =	vld [tilespmem:s0+$0xFFFFFFC0];
	[tilespmem:s31+$0xFFFFFFD0] =	vst v4;
	v4 =	vand.u32 $0x7FFFFFFF, v7  }
0x3c3: {  	v13 =	vmul.f32 v5, v5;
	v15 =	vpop (erf);
	v16 =	vld [tilespmem:s14+$0xFFFFFFE0];
	v4 =	vsub.f32 $0.0e+00, v4  }
0x3c4: {  	v15 =	vadd.f32 $1.000000000e+00, v15;
	v18 =	vld [tilespmem:s15+$0xFFFFFFE0]  }
0x3c5: {  	v19 =	vmul.f32 $2.000000030e-01, v13;
	v4 =	vmul.f32 $1.442695020e+00, v4  }
0x3c6: {  	(erf) = vrcp.f32 v15  }
0x3c7: {  	v15 =	vadd.f32 $3.333333430e-01, v19;
	(erf) = vpow2.f32 v4;
	v4 =	vadd.f32 v11, v6  }
0x3c8: {  	v11 =	vmul.f32 v12, v14;
	v12 =	vpop (erf)  }
0x3c9: {  	v13 =	vmul.f32 v15, v13;
	v14 =	vpop (erf);
	v6 =	vadd.f32 v18, v16;
	v4 =	vsub.f32 $0.0e+00, v4  }
0x3ca: {  	v5 =	vadd.f32 v5, v5;
	v15 =	vmul.f32 v11, v11;
	v16 =	vadd.f32 $2.000000000e+00, v14  }
0x3cb: {  	v19 =	vld [tilespmem:s6+$0xFFFFFFB0];
	v13 =	vadd.f32 $1.000000000e+00, v13;
	v18 =	vand.u32 $0x7FFFFFFF, v6;
	v4 =	vmul.f32 $1.442695020e+00, v4  }
0x3cc: {  	s7 =	simm.s32 $0x2FF0;
	v20 =	vmul.f32 $2.000000030e-01, v15;
	(erf) = vrcp.f32 v16;
	v16 =	vsub.f32 $0.0e+00, v18;
	v18 =	vld [tilespmem:s8+$0xFFFFFFB0]  }
0x3cd: {  	s12 =	simm.s32 $0x7FF0;
	v5 =	vmul.f32 v13, v5;
	v13 =	vld [tilespmem:s7+$0xFFFFFFD0];
	(erf) = vpow2.f32 v4  }
0x3ce: {  	v4 =	vmul.f32 v12, v10;
	v10 =	vld [tilespmem:s12+$0xFFFFFFD0];
	v12 =	vmul.f32 $1.442695020e+00, v16;
	_ =	sdelay $0x1  }
0x3cf: {  	v2 =	vmax.f32 v2, $0.0e+00  }
0x3d0: {  	v16 =	vadd.f32 $3.333333430e-01, v20;
	v2 =	vadd.f32 v5, v2;
	v20 =	vpop (erf)  }
0x3d1: {  	v22 =	vld [tilespmem:s7+$0xFFFFFF50];
	v21 =	vmul.f32 v4, v4;
	(erf) = vpow2.f32 v12;
	v18 =	vadd.f32 v18, v19;
	v12 =	vpop (erf)  }
0x3d2: {  	v15 =	vmul.f32 v16, v15;
	v16 =	vld [tilespmem:s12+$0xFFFFFF50];
	v19 =	vadd.f32 $2.000000000e+00, v12;
	v5 =	vadd.f32 v10, v13  }
0x3d3: {  	v2 =	vmul.f32 v2, v9;
	v9 =	vmul.f32 $2.000000030e-01, v21  }
0x3d4: {  	v35 =	vld [tilespmem:s15+$0xFFFFFFA0];
	v10 =	vsub.f32 $0.0e+00, v18;
	(erf) = vrcp.f32 v19;
	v19 =	vand.u32 $0x7FFFFFFF, v5  }
0x3d5: {  	v11 =	vadd.f32 v11, v11;
	v13 =	vadd.f32 $1.000000000e+00, v15;
	v15 =	vld [tilespmem:s14+$0xFFFFFFA0]  }
0x3d6: {  	v23 =	vld [tilespmem:s12+$0xFFFFFF10];
	v3 =	vmax.f32 v3, $0.0e+00;
	[tilespmem:s24+$0xFFFFFF50] =	vst v2;
	v9 =	vadd.f32 $3.333333430e-01, v9;
	v18 =	vpop (erf);
	v10 =	vmul.f32 $1.442695020e+00, v10  }
0x3d7: {  	[tilespmem:s31+$0xFFFFFF50] =	vst v2;
	v11 =	vmul.f32 v13, v11;
	v13 =	vld [tilespmem:s7+$0xFFFFFF10];
	v2 =	vadd.f32 v16, v22;
	v16 =	vsub.f32 $0.0e+00, v19;
	v19 =	vpop (erf)  }
0x3d8: {  	v22 =	vld [tilespmem:s14+$0xFFFFFF60];
	v9 =	vmul.f32 v9, v21;
	(erf) = vpow2.f32 v10;
	v10 =	vadd.f32 $1.000000000e+00, v19  }
0x3d9: {  	v4 =	vadd.f32 v4, v4;
	v3 =	vadd.f32 v11, v3;
	v11 =	vld [tilespmem:s15+$0xFFFFFF60];
	v16 =	vmul.f32 $1.442695020e+00, v16  }
0x3da: {  	v9 =	vadd.f32 $1.000000000e+00, v9;
	v15 =	vadd.f32 v35, v15;
	v21 =	vpop (erf);
	(erf) = vrcp.f32 v10  }
0x3db: {  	v19 =	vand.u32 $0x7FFFFFFF, v2;
	(erf) = vpow2.f32 v16;
	v16 =	vadd.f32 $2.000000000e+00, v21  }
0x3dc: {  	v19 =	vsub.f32 $0.0e+00, v19;
	v9 =	vmul.f32 v9, v4;
	v4 =	vadd.f32 v23, v13  }
0x3dd: {  	v8 =	vmax.f32 v8, $0.0e+00;
	v3 =	vmul.f32 v3, v17;
	v13 =	vld [tilespmem:s15+$0xFFFFFF20];
	v15 =	vsub.f32 $0.0e+00, v15  }
0x3de: {  	v10 =	vld [tilespmem:s14+$0xFFFFFF20];
	v17 =	vmul.f32 $1.442695020e+00, v19;
	v19 =	vsub.f32 $0.0e+00, v4;
	v4 =	vadd.f32 v11, v22  }
0x3df: {  	v9 =	vadd.f32 v9, v8;
	v8 =	vmul.f32 $1.442695020e+00, v15;
	(erf) = vrcp.f32 v16;
	v16 =	vpop (erf)  }
0x3e0: {  	v11 =	vmul.f32 v16, v12  }
0x3e1: {  	v15 =	vld [tilespmem:s12+$0xFFFFFF90];
	v16 =	vand.u32 $0x7FFFFFFF, v4  }
0x3e2: {  	[tilespmem:s22+$0xFFFFFF60] =	vst v3;
	(erf) = vpow2.f32 v17;
	v12 =	vld [tilespmem:s7+$0xFFFFFF90];
	v16 =	vsub.f32 $0.0e+00, v16;
	v17 =	vmul.f32 v11, v11  }
0x3e3: {  	[tilespmem:s30+$0xFFFFFF60] =	vst v3;
	v3 =	vmul.f32 $1.442695020e+00, v19;
	v10 =	vadd.f32 v13, v10;
	(erf) = vpow2.f32 v8;
	v8 =	vpop (erf)  }
0x3e4: {  	v19 =	vld [tilespmem:s6+$0xFFFFFF70];
	v13 =	vmul.f32 v18, v14;
	v18 =	vadd.f32 $1.000000000e+00, v8;
	v22 =	vmul.f32 $2.000000030e-01, v17  }
0x3e5: {  	v14 =	vld [tilespmem:s8+$0xFFFFFF70];
	(erf) = vpow2.f32 v3;
	v3 =	vsub.f32 $0.0e+00, v10;
	v8 =	vpop (erf)  }
0x3e6: {  	v10 =	vmul.f32 $1.442695020e+00, v16;
	(erf) = vrcp.f32 v18;
	v16 =	vpop (erf);
	v22 =	vadd.f32 $3.333333430e-01, v22  }
0x3e7: {  	v9 =	vmul.f32 v9, v20;
	v12 =	vadd.f32 v15, v12;
	v15 =	vadd.f32 $2.000000000e+00, v16  }
0x3e8: {  	v11 =	vadd.f32 v11, v11;
	(erf) = vpow2.f32 v10;
	v17 =	vmul.f32 v22, v17  }
0x3e9: {  	v10 =	vmul.f32 $1.442695020e+00, v3;
	v18 =	vpop (erf);
	v12 =	vsub.f32 $0.0e+00, v12;
	(erf) = vrcp.f32 v15  }
0x3ea: {  	v3 =	vadd.f32 v14, v19;
	v14 =	vmul.f32 v18, v21;
	v17 =	vadd.f32 $1.000000000e+00, v17  }
0x3eb: {  	v7 =	vmax.f32 v7, $0.0e+00;
	v12 =	vmul.f32 $1.442695020e+00, v12;
	v15 =	vpop (erf);
	(erf) = vpow2.f32 v10  }
0x3ec: {  	v20 =	vand.u32 $0x7FFFFFFF, v3;
	v10 =	vmul.f32 v14, v14;
	v11 =	vmul.f32 v17, v11  }
0x3ed: {  	v20 =	vsub.f32 $0.0e+00, v20;
	v18 =	vadd.f32 $2.000000000e+00, v15;
	v19 =	vpop (erf);
	(erf) = vpow2.f32 v12  }
0x3ee: {  	v12 =	vadd.f32 $1.000000000e+00, v19;
	v17 =	vmul.f32 $2.000000030e-01, v10;
	v21 =	vpop (erf);
	v7 =	vadd.f32 v11, v7  }
0x3ef: {  	v19 =	vld [tilespmem:s6+$0xFFFFFF30];
	(erf) = vrcp.f32 v18;
	v18 =	vadd.f32 $1.000000000e+00, v21;
	v21 =	vpop (erf)  }
0x3f0: {  	[tilespmem:s3+$0xFFFFFF70] =	vst v9;
	v11 =	vld [tilespmem:s8+$0xFFFFFF30];
	v17 =	vadd.f32 $3.333333430e-01, v17;
	(erf) = vrcp.f32 v12;
	v7 =	vmul.f32 v7, v21  }
0x3f1: {  	[tilespmem:s20+$0xFFFFFF70] =	vst v9;
	v12 =	vmul.f32 $1.442695020e+00, v20;
	v9 =	vpop (erf);
	(erf) = vrcp.f32 v18  }
0x3f2: {  	v18 =	vadd.f32 $2.000000000e+00, v9;
	v10 =	vmul.f32 v17, v10;
	v17 =	vmul.f32 v13, v13;
	v20 =	vpop (erf);
	[tilespmem:s22+$0xFFFFFFF0] =	vst v7  }
0x3f3: {  	(erf) = vpow2.f32 v12;
	v12 =	vld [tilespmem:s0+$0xFFFFFF80];
	v16 =	vmul.f32 v20, v16;
	[tilespmem:s30+$0xFFFFFFF0] =	vst v7  }
0x3f4: {  	(erf) = vrcp.f32 v18;
	v10 =	vadd.f32 $1.000000000e+00, v10;
	v7 =	vadd.f32 v14, v14;
	v18 =	vld [tilespmem:s6+$0x0]  }
0x3f5: {  	v14 =	vmul.f32 $2.000000030e-01, v17;
	v11 =	vadd.f32 v11, v19;
	v19 =	vpop (erf);
	v20 =	vmul.f32 v16, v16;
	v21 =	vld [tilespmem:s8+$0x0]  }
0x3f6: {  	v19 =	vadd.f32 $1.000000000e+00, v19;
	v7 =	vmul.f32 v10, v7;
	v10 =	vld [tilespmem:s2+$0xFFFFFF80]  }
0x3f7: {  	v6 =	vmax.f32 v6, $0.0e+00;
	v22 =	vpop (erf);
	v11 =	vsub.f32 $0.0e+00, v11;
	v23 =	vmul.f32 $2.000000030e-01, v20  }
0x3f8: {  	v22 =	vadd.f32 $1.000000000e+00, v22;
	v36 =	vpop (erf);
	(erf) = vrcp.f32 v19;
	v6 =	vadd.f32 v7, v6  }
0x3f9: {  	v7 =	vadd.f32 $3.333333430e-01, v14;
	v11 =	vmul.f32 $1.442695020e+00, v11;
	v14 =	vpop (erf);
	v19 =	vadd.f32 $3.333333430e-01, v23  }
0x3fa: {  	(erf) = vrcp.f32 v22;
	v22 =	vmax.f32 v2, $0.0e+00;
	v14 =	vmul.f32 v6, v14  }
0x3fb: {  	v2 =	vadd.f32 v21, v18;
	v6 =	vadd.f32 v10, v12;
	v10 =	vmul.f32 v19, v20  }
0x3fc: {  	v16 =	vadd.f32 v16, v16  }
0x3fd: {  	v23 =	vpop (erf);
	(erf) = vpow2.f32 v11;
	[tilespmem:s24+$0xFFFFFFE0] =	vst v14;
	v20 =	vand.u32 $0x7FFFFFFF, v2;
	v10 =	vadd.f32 $1.000000000e+00, v10  }
0x3fe: {  	v15 =	vmul.f32 v36, v15;
	v18 =	vld [tilespmem:s0+$0xFFFFFF40];
	v7 =	vmul.f32 v7, v17;
	v11 =	vpop (erf);
	[tilespmem:s31+$0xFFFFFFE0] =	vst v14;
	v14 =	vsub.f32 $0.0e+00, v20  }
0x3ff: {  	v5 =	vmax.f32 v5, $0.0e+00;
	v12 =	vld [tilespmem:s2+$0xFFFFFF40];
	v19 =	vadd.f32 $2.000000000e+00, v11;
	v10 =	vmul.f32 v10, v16  }
0x400: {  	v7 =	vadd.f32 $1.000000000e+00, v7;
	v17 =	vld [tilespmem:s14+$0xFFFFFFF0];
	v14 =	vmul.f32 $1.442695020e+00, v14;
	v16 =	vmul.f32 v15, v15  }
0x401: {  	v13 =	vadd.f32 v13, v13;
	v20 =	vand.u32 $0x7FFFFFFF, v6;
	(erf) = vrcp.f32 v19;
	v19 =	vld [tilespmem:s15+$0xFFFFFFF0]  }
0x402: {  	v21 =	vpop (erf);
	v20 =	vsub.f32 $0.0e+00, v20;
	(erf) = vpow2.f32 v14;
	v14 =	vmul.f32 $2.000000030e-01, v16  }
0x403: {  	v37 =	vpop (erf);
	v5 =	vadd.f32 v10, v5  }
0x404: {  	v13 =	vmul.f32 v7, v13;
	v10 =	vmul.f32 $1.442695020e+00, v20;
	v7 =	vpop (erf)  }
0x405: {  	v12 =	vadd.f32 v12, v18;
	v5 =	vmul.f32 v5, v7  }
0x406: {  	(erf) = vpow2.f32 v10;
	v10 =	vadd.f32 $3.333333430e-01, v14;
	v7 =	vadd.f32 v19, v17;
	v14 =	vpop (erf)  }
0x407: {  	s21 =	simm.s32 $0xCFB0;
	v9 =	vmul.f32 v21, v9;
	v12 =	vsub.f32 $0.0e+00, v12;
	v17 =	vld [tilespmem:s6+$0xFFFFFFC0];
	v14 =	vadd.f32 $1.000000000e+00, v14  }
0x408: {  	s25 =	simm.s32 $0x11FF0;
	v1 =	vmax.f32 v1, $0.0e+00;
	v19 =	vld [tilespmem:s8+$0xFFFFFFC0];
	[tilespmem:s21+$0xFFFFFFD0] =	vst v5;
	v18 =	vand.u32 $0x7FFFFFFF, v7  }
0x409: {  	v20 =	vmul.f32 v9, v9;
	v12 =	vmul.f32 $1.442695020e+00, v12;
	[tilespmem:s25+$0xFFFFFFD0] =	vst v5;
	v5 =	vsub.f32 $0.0e+00, v18  }
0x40a: {  	v1 =	vadd.f32 v13, v1;
	v10 =	vmul.f32 v10, v16;
	v13 =	vld [tilespmem:s7+$0xFFFFFFE0];
	(erf) = vrcp.f32 v14  }
0x40b: {  	v15 =	vadd.f32 v15, v15;
	v16 =	vld [tilespmem:s12+$0xFFFFFFE0];
	v5 =	vmul.f32 $1.442695020e+00, v5;
	v14 =	vpop (erf);
	(erf) = vpow2.f32 v12  }
0x40c: {  	v10 =	vadd.f32 $1.000000000e+00, v10;
	v11 =	vmul.f32 v14, v11;
	v14 =	vmul.f32 $2.000000030e-01, v20  }
0x40d: {  	v8 =	vmul.f32 v1, v8;
	v18 =	vpop (erf);
	(erf) = vpow2.f32 v5;
	v5 =	vadd.f32 v19, v17  }
0x40e: {  	v12 =	vmul.f32 v11, v11;
	v1 =	vadd.f32 $3.333333430e-01, v14;
	v14 =	vadd.f32 $2.000000000e+00, v18  }
0x40f: {  	v15 =	vmul.f32 v10, v15;
	v19 =	vsub.f32 $0.0e+00, v5  }
0x410: {  	v10 =	vpop (erf);
	v5 =	vadd.f32 v16, v13;
	v17 =	vmul.f32 $2.000000030e-01, v12;
	(erf) = vrcp.f32 v14;
	v14 =	vld [tilespmem:s14+$0xFFFFFFB0]  }
0x411: {  	v13 =	vadd.f32 $2.000000000e+00, v10;
	v1 =	vmul.f32 v1, v20;
	v16 =	vmul.f32 $1.442695020e+00, v19;
	v20 =	vld [tilespmem:s15+$0xFFFFFFB0]  }
0x412: {  	v9 =	vadd.f32 v9, v9;
	v19 =	vand.u32 $0x7FFFFFFF, v5  }
0x413: {  	s13 =	simm.s32 $0x30F0;
	(erf) = vrcp.f32 v13;
	v19 =	vsub.f32 $0.0e+00, v19;
	v17 =	vadd.f32 $3.333333430e-01, v17  }
0x414: {  	s16 =	simm.s32 $0x80F0;
	v13 =	vadd.f32 v15, v22;
	v15 =	vld [tilespmem:s13+$0xFFFFFFD0];
	(erf) = vpow2.f32 v16;
	v1 =	vadd.f32 $1.000000000e+00, v1  }
0x415: {  	v19 =	vmul.f32 $1.442695020e+00, v19;
	v12 =	vmul.f32 v17, v12;
	v16 =	vpop (erf);
	v17 =	vld [tilespmem:s16+$0xFFFFFFD0]  }
0x416: {  	v13 =	vmul.f32 v13, v23;
	v1 =	vmul.f32 v1, v9;
	v21 =	vpop (erf);
	v14 =	vadd.f32 v20, v14  }
0x417: {  	v22 =	vld [tilespmem:s13+$0xFFFFFF50];
	(erf) = vpow2.f32 v19;
	v9 =	vadd.f32 $1.000000000e+00, v12;
	v12 =	vadd.f32 $1.000000000e+00, v21;
	v23 =	vpop (erf)  }
0x418: {  	v4 =	vmax.f32 v4, $0.0e+00;
	v11 =	vadd.f32 v11, v11;
	[tilespmem:s21+$0xFFFFFF50] =	vst v13;
	v21 =	vld [tilespmem:s16+$0xFFFFFF50];
	v19 =	vadd.f32 $2.000000000e+00, v23  }
0x419: {  	v38 =	vld [tilespmem:s16+$0xFFFFFF10];
	v1 =	vadd.f32 v1, v4;
	[tilespmem:s25+$0xFFFFFF50] =	vst v13;
	v13 =	vsub.f32 $0.0e+00, v14;
	(erf) = vrcp.f32 v12  }
0x41a: {  	v9 =	vmul.f32 v9, v11;
	v11 =	vld [tilespmem:s13+$0xFFFFFF10];
	v4 =	vadd.f32 v17, v15;
	(erf) = vrcp.f32 v19  }
0x41b: {  	v3 =	vmax.f32 v3, $0.0e+00;
	v15 =	vmul.f32 v1, v37;
	v13 =	vmul.f32 $1.442695020e+00, v13;
	v19 =	vld [tilespmem:s12+$0xFFFFFFA0];
	v12 =	vpop (erf)  }
0x41c: {  	v1 =	vadd.f32 v9, v3;
	v3 =	vld [tilespmem:s7+$0xFFFFFFA0];
	v12 =	vmul.f32 v12, v18;
	v9 =	vand.u32 $0x7FFFFFFF, v4;
	v17 =	vpop (erf)  }
0x41d: {  	v14 =	vld [tilespmem:s7+$0xFFFFFF60];
	v18 =	vadd.f32 v21, v22;
	v9 =	vsub.f32 $0.0e+00, v9;
	v21 =	vpop (erf)  }
0x41e: {  	v22 =	vld [tilespmem:s12+$0xFFFFFF60];
	(erf) = vpow2.f32 v13;
	v20 =	vmul.f32 v12, v12;
	v13 =	vadd.f32 $1.000000000e+00, v21  }
0x41f: {  	v11 =	vadd.f32 v38, v11;
	v21 =	vand.u32 $0x7FFFFFFF, v18;
	v9 =	vmul.f32 $1.442695020e+00, v9  }
0x420: {  	v21 =	vsub.f32 $0.0e+00, v21;
	v40 =	vpop (erf);
	v39 =	vmul.f32 $2.000000030e-01, v20;
	(erf) = vrcp.f32 v13  }
0x421: {  	v3 =	vadd.f32 v19, v3;
	v19 =	vadd.f32 $2.000000000e+00, v40;
	(erf) = vpow2.f32 v9  }
0x422: {  	v16 =	vmul.f32 v1, v16;
	v13 =	vld [tilespmem:s7+$0xFFFFFF20];
	v11 =	vsub.f32 $0.0e+00, v11;
	v21 =	vmul.f32 $1.442695020e+00, v21  }
0x423: {  	v9 =	vld [tilespmem:s12+$0xFFFFFF20];
	v14 =	vadd.f32 v22, v14;
	v24 =	vadd.f32 $3.333333430e-01, v39;
	v1 =	vpop (erf);
	(erf) = vrcp.f32 v19  }
0x424: {  	[tilespmem:s24+$0xFFFFFF60] =	vst v15;
	v11 =	vmul.f32 $1.442695020e+00, v11;
	v3 =	vsub.f32 $0.0e+00, v3;
	v22 =	vpop (erf);
	(erf) = vpow2.f32 v21  }
0x425: {  	[tilespmem:s31+$0xFFFFFF60] =	vst v15;
	v15 =	vand.u32 $0x7FFFFFFF, v14;
	v21 =	vld [tilespmem:s16+$0xFFFFFF90];
	v20 =	vmul.f32 v24, v20;
	v19 =	vmul.f32 v22, v23  }
0x426: {  	v22 =	vld [tilespmem:s13+$0xFFFFFF90];
	v3 =	vmul.f32 $1.442695020e+00, v3;
	v15 =	vsub.f32 $0.0e+00, v15  }
0x427: {  	v12 =	vadd.f32 v12, v12;
	v20 =	vadd.f32 $1.000000000e+00, v20;
	v23 =	vmul.f32 v19, v19  }
0x428: {  	v9 =	vadd.f32 v9, v13;
	v13 =	vpop (erf);
	(erf) = vpow2.f32 v3;
	v3 =	vmax.f32 v6, $0.0e+00  }
0x429: {  	v41 =	vld [tilespmem:s14+$0xFFFFFF70];
	v6 =	vmul.f32 $1.442695020e+00, v15;
	v13 =	vadd.f32 $1.000000000e+00, v13;
	(erf) = vpow2.f32 v11;
	v11 =	vpop (erf)  }
0x42a: {  	v12 =	vmul.f32 v20, v12;
	v20 =	vld [tilespmem:s15+$0xFFFFFF70];
	v42 =	vmul.f32 $2.000000030e-01, v23;
	v9 =	vsub.f32 $0.0e+00, v9;
	v15 =	vpop (erf)  }
0x42b: {  	(erf) = vrcp.f32 v13;
	v13 =	vadd.f32 v21, v22;
	v21 =	vadd.f32 $2.000000000e+00, v15  }
0x42c: {  	v26 =	vadd.f32 $3.333333430e-01, v42;
	(erf) = vpow2.f32 v6  }
0x42d: {  	v2 =	vmax.f32 v2, $0.0e+00;
	v7 =	vmax.f32 v7, $0.0e+00;
	v6 =	vmul.f32 $1.442695020e+00, v9  }
0x42e: {  	v22 =	vpop (erf);
	v9 =	vmul.f32 v26, v23;
	v13 =	vsub.f32 $0.0e+00, v13;
	(erf) = vrcp.f32 v21  }
0x42f: {  	v19 =	vadd.f32 v19, v19;
	v22 =	vmul.f32 v22, v40;
	v20 =	vadd.f32 v20, v41;
	v21 =	vpop (erf)  }
0x430: {  	[tilespmem:s22+$0xFFFFFF70] =	vst v16;
	v9 =	vadd.f32 $1.000000000e+00, v9;
	v13 =	vmul.f32 $1.442695020e+00, v13;
	v23 =	vadd.f32 $2.000000000e+00, v21  }
0x431: {  	[tilespmem:s30+$0xFFFFFF70] =	vst v16;
	v16 =	vmax.f32 v18, $0.0e+00;
	(erf) = vpow2.f32 v6;
	v6 =	vmul.f32 v22, v22  }
0x432: {  	v24 =	vand.u32 $0x7FFFFFFF, v20;
	v9 =	vmul.f32 v9, v19;
	v43 =	vpop (erf);
	(erf) = vpow2.f32 v13  }
0x433: {  	v44 =	vld [tilespmem:s15+$0xFFFFFF30];
	v2 =	vadd.f32 v12, v2;
	v13 =	vsub.f32 $0.0e+00, v24;
	v45 =	vpop (erf);
	v46 =	vmul.f32 $2.000000030e-01, v6  }
0x434: {  	v19 =	vld [tilespmem:s14+$0xFFFFFF30];
	v25 =	vadd.f32 $1.000000000e+00, v43;
	v7 =	vadd.f32 v9, v7;
	(erf) = vrcp.f32 v23;
	v23 =	vpop (erf)  }
0x435: {  	v9 =	vadd.f32 $1.000000000e+00, v45;
	v13 =	vmul.f32 $1.442695020e+00, v13;
	v47 =	vadd.f32 $3.333333430e-01, v46;
	v12 =	vpop (erf)  }
0x436: {  	(erf) = vrcp.f32 v25;
	v7 =	vmul.f32 v7, v23;
	v18 =	vadd.f32 $2.000000000e+00, v12  }
0x437: {  	(erf) = vrcp.f32 v9;
	v6 =	vmul.f32 v47, v6;
	v23 =	vpop (erf)  }
0x438: {  	v9 =	vmul.f32 v2, v11;
	v11 =	vmul.f32 v23, v15  }
0x439: {  	v2 =	vadd.f32 v44, v19;
	(erf) = vpow2.f32 v13;
	v13 =	vld [tilespmem:s6+$0xFFFFFF80];
	[tilespmem:s24+$0xFFFFFFF0] =	vst v7;
	v6 =	vadd.f32 $1.000000000e+00, v6  }
0x43a: {  	v23 =	vld [tilespmem:s8+$0xFFFFFF80];
	[tilespmem:s31+$0xFFFFFFF0] =	vst v7;
	(erf) = vrcp.f32 v18;
	v7 =	vadd.f32 v22, v22;
	v19 =	vmul.f32 v11, v11;
	v18 =	vpop (erf)  }
0x43b: {  	v10 =	vmul.f32 v17, v10;
	v2 =	vsub.f32 $0.0e+00, v2;
	v15 =	vld [tilespmem:s14+$0x0];
	v17 =	vadd.f32 $1.000000000e+00, v18;
	v18 =	vpop (erf)  }
0x43c: {  	v22 =	vld [tilespmem:s15+$0x0];
	v6 =	vmul.f32 v6, v7;
	v7 =	vadd.f32 $1.000000000e+00, v18;
	v18 =	vmul.f32 $2.000000030e-01, v19  }
0x43d: {  	v5 =	vmax.f32 v5, $0.0e+00  }
0x43e: {  	v2 =	vmul.f32 $1.442695020e+00, v2;
	v48 =	vpop (erf);
	(erf) = vrcp.f32 v17;
	v18 =	vadd.f32 $3.333333430e-01, v18  }
0x43f: {  	v5 =	vadd.f32 v6, v5;
	v17 =	vmul.f32 v48, v21;
	(erf) = vrcp.f32 v7  }
0x440: {  	v6 =	vpop (erf);
	(erf) = vpow2.f32 v2;
	v2 =	vadd.f32 v23, v13;
	v13 =	vmul.f32 v18, v19  }
0x441: {  	v21 =	vpop (erf);
	v5 =	vmul.f32 v5, v6;
	v6 =	vadd.f32 v22, v15  }
0x442: {  	v11 =	vadd.f32 v11, v11;
	v7 =	vmul.f32 v17, v17;
	v23 =	vld [tilespmem:s8+$0xFFFFFF40];
	v15 =	vpop (erf);
	v13 =	vadd.f32 $1.000000000e+00, v13  }
0x443: {  	v18 =	vld [tilespmem:s6+$0xFFFFFF40];
	[tilespmem:s21+$0xFFFFFFE0] =	vst v5;
	v19 =	vadd.f32 $2.000000000e+00, v15;
	v22 =	vand.u32 $0x7FFFFFFF, v6  }
0x444: {  	v49 =	vpop (erf);
	v50 =	vmul.f32 $2.000000030e-01, v7;
	[tilespmem:s25+$0xFFFFFFE0] =	vst v5;
	v5 =	vsub.f32 $0.0e+00, v22;
	v11 =	vmul.f32 v13, v11  }
0x445: {  	v12 =	vmul.f32 v49, v12;
	v22 =	vld [tilespmem:s7+$0xFFFFFFF0];
	(erf) = vrcp.f32 v19  }
0x446: {  	v4 =	vmax.f32 v4, $0.0e+00;
	v19 =	vand.u32 $0x7FFFFFFF, v2;
	v13 =	vld [tilespmem:s12+$0xFFFFFFF0];
	v5 =	vmul.f32 $1.442695020e+00, v5  }
0x447: {  	v51 =	vadd.f32 $3.333333430e-01, v50;
	v19 =	vsub.f32 $0.0e+00, v19;
	v52 =	vmul.f32 v12, v12  }
0x448: {  	v4 =	vadd.f32 v11, v4;
	(erf) = vpow2.f32 v5;
	v5 =	vadd.f32 v23, v18;
	v11 =	vpop (erf)  }
0x449: {  	v17 =	vadd.f32 v17, v17;
	v7 =	vmul.f32 v51, v7;
	v19 =	vmul.f32 $1.442695020e+00, v19;
	v18 =	vpop (erf)  }
0x44a: {  	v23 =	vmul.f32 $2.000000030e-01, v52;
	v5 =	vsub.f32 $0.0e+00, v5;
	v4 =	vmul.f32 v4, v18  }
0x44b: {  	s17 =	simm.s32 $0xD0B0;
	v14 =	vmax.f32 v14, $0.0e+00;
	v18 =	vadd.f32 $1.000000000e+00, v7;
	v7 =	vadd.f32 v13, v22  }
0x44c: {  	s26 =	simm.s32 $0x120F0;
	(erf) = vpow2.f32 v19;
	v19 =	vmul.f32 v10, v10;
	v22 =	vadd.f32 $3.333333430e-01, v23;
	v23 =	vld [tilespmem:s14+$0xFFFFFFC0];
	[tilespmem:s17+$0xFFFFFFD0] =	vst v4  }
0x44d: {  	v13 =	vpop (erf);
	v5 =	vmul.f32 $1.442695020e+00, v5;
	v17 =	vmul.f32 v18, v17;
	v18 =	vld [tilespmem:s15+$0xFFFFFFC0];
	[tilespmem:s26+$0xFFFFFFD0] =	vst v4;
	v4 =	vand.u32 $0x7FFFFFFF, v7  }
0x44e: {  	v13 =	vadd.f32 $1.000000000e+00, v13;
	v22 =	vmul.f32 v22, v52;
	v54 =	vpop (erf);
	v53 =	vld [tilespmem:s13+$0xFFFFFFE0];
	v4 =	vsub.f32 $0.0e+00, v4  }
0x44f: {  	v12 =	vadd.f32 v12, v12;
	v55 =	vmul.f32 $2.000000030e-01, v19;
	v15 =	vmul.f32 v54, v15;
	v56 =	vld [tilespmem:s16+$0xFFFFFFE0]  }
0x450: {  	(erf) = vrcp.f32 v13;
	v13 =	vadd.f32 $1.000000000e+00, v22;
	v4 =	vmul.f32 $1.442695020e+00, v4  }
0x451: {  	v16 =	vadd.f32 v17, v16;
	(erf) = vpow2.f32 v5;
	v17 =	vmul.f32 v15, v15  }
0x452: {  	v22 =	vpop (erf);
	v12 =	vmul.f32 v13, v12;
	(erf) = vpow2.f32 v4;
	v4 =	vadd.f32 v18, v23  }
0x453: {  	v57 =	vmul.f32 $2.000000030e-01, v17;
	v18 =	vadd.f32 $2.000000000e+00, v22;
	v23 =	vadd.f32 $3.333333430e-01, v55  }
0x454: {  	v12 =	vadd.f32 v12, v14;
	v5 =	vadd.f32 v56, v53  }
0x455: {  	v59 =	vld [tilespmem:s7+$0xFFFFFFB0];
	v16 =	vmul.f32 v16, v21;
	v13 =	vpop (erf);
	v21 =	vadd.f32 $3.333333430e-01, v57;
	v4 =	vsub.f32 $0.0e+00, v4  }
0x456: {  	s28 =	simm.s32 $0x31F0;
	v60 =	vld [tilespmem:s12+$0xFFFFFFB0];
	v58 =	vadd.f32 $2.000000000e+00, v13;
	(erf) = vrcp.f32 v18;
	v14 =	vand.u32 $0x7FFFFFFF, v5  }
0x457: {  	s0 =	simm.s32 $0x81F0;
	v18 =	vld [tilespmem:s28+$0xFFFFFFD0];
	v17 =	vmul.f32 v21, v17;
	v4 =	vmul.f32 $1.442695020e+00, v4;
	v14 =	vsub.f32 $0.0e+00, v14  }
0x458: {  	v15 =	vadd.f32 v15, v15;
	v19 =	vmul.f32 v23, v19;
	v23 =	vmul.f32 v12, v11;
	v21 =	vld [tilespmem:s0+$0xFFFFFFD0]  }
0x459: {  	(erf) = vrcp.f32 v58;
	v11 =	vmul.f32 $1.442695020e+00, v14;
	v14 =	vadd.f32 $1.000000000e+00, v17  }
0x45a: {  	v10 =	vadd.f32 v10, v10;
	(erf) = vpow2.f32 v4;
	v17 =	vadd.f32 $1.000000000e+00, v19  }
0x45b: {  	v4 =	vpop (erf);
	v14 =	vmul.f32 v14, v15  }
0x45c: {  	v10 =	vmul.f32 v17, v10;
	v17 =	vadd.f32 v60, v59;
	v19 =	vpop (erf);
	(erf) = vpow2.f32 v11  }
0x45d: {  	v61 =	vld [tilespmem:s0+$0xFFFFFF50];
	v20 =	vmax.f32 v20, $0.0e+00;
	v11 =	vadd.f32 v21, v18;
	v19 =	vadd.f32 $1.000000000e+00, v19  }
0x45e: {  	[tilespmem:s17+$0xFFFFFF50] =	vst v16;
	v12 =	vld [tilespmem:s28+$0xFFFFFF50];
	v63 =	vpop (erf);
	v14 =	vadd.f32 v14, v20;
	v17 =	vsub.f32 $0.0e+00, v17  }
0x45f: {  	[tilespmem:s26+$0xFFFFFF50] =	vst v16;
	v3 =	vadd.f32 v10, v3;
	v10 =	vld [tilespmem:s16+$0xFFFFFFA0];
	v29 =	vadd.f32 $2.000000000e+00, v63;
	v16 =	vpop (erf);
	(erf) = vrcp.f32 v19  }
0x460: {  	v16 =	vmul.f32 v16, v22;
	v19 =	vld [tilespmem:s13+$0xFFFFFFA0];
	v20 =	vmul.f32 v14, v4  }
0x461: {  	v62 =	vld [tilespmem:s0+$0xFFFFFF10];
	v4 =	vand.u32 $0x7FFFFFFF, v11;
	v14 =	vmul.f32 $1.442695020e+00, v17;
	(erf) = vrcp.f32 v29  }
0x462: {  	v15 =	vld [tilespmem:s28+$0xFFFFFF10];
	v21 =	vpop (erf);
	v4 =	vsub.f32 $0.0e+00, v4;
	v17 =	vmul.f32 v16, v16  }
0x463: {  	v12 =	vadd.f32 v61, v12;
	v18 =	vld [tilespmem:s13+$0xFFFFFF60];
	(erf) = vpow2.f32 v14;
	v30 =	vpop (erf)  }
0x464: {  	v22 =	vld [tilespmem:s16+$0xFFFFFF60];
	v4 =	vmul.f32 $1.442695020e+00, v4;
	v14 =	vadd.f32 $1.000000000e+00, v30;
	v31 =	vmul.f32 $2.000000030e-01, v17  }
0x465: {  	v6 =	vmax.f32 v6, $0.0e+00;
	v24 =	vand.u32 $0x7FFFFFFF, v12;
	v10 =	vadd.f32 v10, v19;
	v32 =	vpop (erf)  }
0x466: {  	v25 =	vadd.f32 $3.333333430e-01, v31;
	(erf) = vrcp.f32 v14;
	v19 =	vadd.f32 $2.000000000e+00, v32  }
0x467: {  	v33 =	vld [tilespmem:s16+$0xFFFFFF20];
	v15 =	vadd.f32 v62, v15;
	(erf) = vpow2.f32 v4;
	v10 =	vsub.f32 $0.0e+00, v10  }
0x468: {  	v24 =	vsub.f32 $0.0e+00, v24;
	v14 =	vld [tilespmem:s13+$0xFFFFFF20];
	v17 =	vmul.f32 v25, v17;
	v4 =	vpop (erf);
	(erf) = vrcp.f32 v19  }
0x469: {  	v15 =	vsub.f32 $0.0e+00, v15;
	v18 =	vadd.f32 v22, v18;
	v10 =	vmul.f32 $1.442695020e+00, v10  }
0x46a: {  	[tilespmem:s21+$0xFFFFFF60] =	vst v23;
	v24 =	vmul.f32 $1.442695020e+00, v24;
	v16 =	vadd.f32 v16, v16;
	v17 =	vadd.f32 $1.000000000e+00, v17;
	v19 =	vpop (erf)  }
0x46b: {  	[tilespmem:s25+$0xFFFFFF60] =	vst v23;
	v23 =	vld [tilespmem:s0+$0xFFFFFF90];
	v15 =	vmul.f32 $1.442695020e+00, v15;
	v34 =	vand.u32 $0x7FFFFFFF, v18;
	v19 =	vmul.f32 v19, v63  }
0x46c: {  	v22 =	vld [tilespmem:s28+$0xFFFFFF90];
	(erf) = vpow2.f32 v24;
	v24 =	vsub.f32 $0.0e+00, v34;
	v16 =	vmul.f32 v17, v16  }
0x46d: {  	v14 =	vadd.f32 v33, v14;
	(erf) = vpow2.f32 v10;
	v10 =	vpop (erf);
	v35 =	vmul.f32 v19, v19  }
0x46e: {  	(erf) = vpow2.f32 v15;
	v10 =	vadd.f32 $1.000000000e+00, v10;
	v6 =	vadd.f32 v16, v6  }
0x46f: {  	v36 =	vld [tilespmem:s12+$0xFFFFFF70];
	v14 =	vsub.f32 $0.0e+00, v14;
	v16 =	vmul.f32 $1.442695020e+00, v24;
	v15 =	vpop (erf);
	v37 =	vmul.f32 $2.000000030e-01, v35  }
0x470: {  	v17 =	vld [tilespmem:s7+$0xFFFFFF70];
	v19 =	vadd.f32 v19, v19;
	v38 =	vpop (erf);
	(erf) = vrcp.f32 v10;
	v15 =	vmul.f32 v6, v15  }
0x471: {  	v6 =	vadd.f32 v23, v22;
	(erf) = vpow2.f32 v16;
	v28 =	vadd.f32 $3.333333430e-01, v37;
	v22 =	vpop (erf)  }
0x472: {  	v10 =	vadd.f32 $2.000000000e+00, v38;
	v16 =	vmul.f32 $1.442695020e+00, v14;
	v22 =	vmul.f32 v22, v32  }
0x473: {  	v14 =	vmax.f32 v18, $0.0e+00;
	v6 =	vsub.f32 $0.0e+00, v6;
	v18 =	vmul.f32 v28, v35  }
0x474: {  	(erf) = vrcp.f32 v10;
	v26 =	vmul.f32 v22, v22  }
0x475: {  	v23 =	vld [tilespmem:s7+$0xFFFFFF30];
	v10 =	vadd.f32 v36, v17;
	v17 =	vpop (erf);
	v6 =	vmul.f32 $1.442695020e+00, v6;
	v18 =	vadd.f32 $1.000000000e+00, v18  }
0x476: {  	(erf) = vpow2.f32 v16;
	v16 =	vld [tilespmem:s12+$0xFFFFFF30];
	v39 =	vadd.f32 $2.000000000e+00, v17;
	v41 =	vmul.f32 $2.000000030e-01, v26  }
0x477: {  	v27 =	vand.u32 $0x7FFFFFFF, v10;
	v18 =	vmul.f32 v18, v19;
	v19 =	vpop (erf);
	(erf) = vpow2.f32 v6  }
0x478: {  	v7 =	vmax.f32 v7, $0.0e+00;
	v6 =	vsub.f32 $0.0e+00, v27  }
0x479: {  	[tilespmem:s24+$0xFFFFFF70] =	vst v20;
	v40 =	vpop (erf);
	v19 =	vadd.f32 $1.000000000e+00, v19;
	(erf) = vrcp.f32 v39;
	v28 =	vadd.f32 $3.333333430e-01, v41  }
0x47a: {  	[tilespmem:s31+$0xFFFFFF70] =	vst v20;
	v7 =	vadd.f32 v18, v7;
	v27 =	vadd.f32 $1.000000000e+00, v40;
	v6 =	vmul.f32 $1.442695020e+00, v6  }
0x47b: {  	v20 =	vld [tilespmem:s14+$0xFFFFFF80];
	v16 =	vadd.f32 v16, v23;
	v42 =	vpop (erf);
	(erf) = vrcp.f32 v19;
	v26 =	vmul.f32 v28, v26  }
0x47c: {  	v18 =	vld [tilespmem:s15+$0xFFFFFF80];
	v44 =	vpop (erf);
	v7 =	vmul.f32 v7, v42;
	(erf) = vrcp.f32 v27  }
0x47d: {  	v45 =	vadd.f32 $2.000000000e+00, v44;
	v23 =	vpop (erf);
	(erf) = vpow2.f32 v6;
	v6 =	vsub.f32 $0.0e+00, v16  }
0x47e: {  	v23 =	vmul.f32 v23, v38;
	v16 =	vadd.f32 v22, v22;
	v22 =	vadd.f32 $1.000000000e+00, v26  }
0x47f: {  	v46 =	vpop (erf);
	[tilespmem:s21+$0xFFFFFFF0] =	vst v7;
	(erf) = vrcp.f32 v45  }
0x480: {  	[tilespmem:s25+$0xFFFFFFF0] =	vst v7;
	v7 =	vmul.f32 v21, v13;
	v13 =	vmul.f32 v23, v23;
	v50 =	vpop (erf)  }
0x481: {  	v48 =	vmul.f32 $1.442695020e+00, v6;
	v6 =	vadd.f32 v18, v20;
	v47 =	vld [tilespmem:s7+$0x0];
	v18 =	vadd.f32 $1.000000000e+00, v50  }
0x482: {  	v21 =	vadd.f32 $1.000000000e+00, v46;
	v16 =	vmul.f32 v22, v16;
	v49 =	vld [tilespmem:s12+$0x0];
	v20 =	vmul.f32 $2.000000030e-01, v13;
	v22 =	vpop (erf)  }
0x483: {  	v5 =	vmax.f32 v5, $0.0e+00;
	v17 =	vmul.f32 v22, v17  }
0x484: {  	v5 =	vadd.f32 v16, v5;
	(erf) = vrcp.f32 v21;
	v20 =	vadd.f32 $3.333333430e-01, v20  }
0x485: {  	(erf) = vrcp.f32 v18;
	v22 =	vmul.f32 v17, v17;
	v18 =	vpop (erf)  }
0x486: {  	v23 =	vadd.f32 v23, v23;
	v13 =	vmul.f32 v20, v13;
	v18 =	vmul.f32 v5, v18  }
0x487: {  	v43 =	vld [tilespmem:s14+$0xFFFFFF40];
	v16 =	vand.u32 $0x7FFFFFFF, v6;
	v21 =	vpop (erf);
	v5 =	vadd.f32 v49, v47;
	v53 =	vmul.f32 $2.000000030e-01, v22  }
0x488: {  	v19 =	vld [tilespmem:s15+$0xFFFFFF40];
	v56 =	vsub.f32 $0.0e+00, v16;
	(erf) = vpow2.f32 v48;
	v13 =	vadd.f32 $1.000000000e+00, v13;
	v20 =	vpop (erf);
	[tilespmem:s17+$0xFFFFFFE0] =	vst v18  }
0x489: {  	v51 =	vadd.f32 $2.000000000e+00, v20;
	v25 =	vand.u32 $0x7FFFFFFF, v5;
	v52 =	vpop (erf);
	v16 =	vadd.f32 $3.333333430e-01, v53;
	[tilespmem:s26+$0xFFFFFFE0] =	vst v18  }
0x48a: {  	v13 =	vmul.f32 v13, v23;
	v18 =	vsub.f32 $0.0e+00, v25;
	v54 =	vmul.f32 v52, v44;
	v55 =	vld [tilespmem:s13+$0xFFFFFFF0]  }
0x48b: {  	(erf) = vrcp.f32 v51;
	v23 =	vld [tilespmem:s16+$0xFFFFFFF0]  }
0x48c: {  	v11 =	vmax.f32 v11, $0.0e+00;
	v18 =	vmul.f32 $1.442695020e+00, v18;
	v57 =	vmul.f32 v54, v54  }
0x48d: {  	v24 =	vmul.f32 $1.442695020e+00, v56;
	v22 =	vmul.f32 v16, v22;
	v11 =	vadd.f32 v13, v11;
	v16 =	vpop (erf)  }
0x48e: {  	v19 =	vadd.f32 v19, v43;
	(erf) = vpow2.f32 v18;
	v13 =	vpop (erf);
	v18 =	vmul.f32 $2.000000030e-01, v57  }
0x48f: {  	v17 =	vadd.f32 v17, v17;
	v22 =	vadd.f32 $1.000000000e+00, v22;
	v13 =	vmul.f32 v11, v13  }
0x490: {  	s6 =	simm.s32 $0xD1B0;
	v58 =	vmul.f32 v7, v7;
	v18 =	vadd.f32 $3.333333430e-01, v18;
	v11 =	vadd.f32 v23, v55  }
0x491: {  	s14 =	simm.s32 $0x121F0;
	v19 =	vsub.f32 $0.0e+00, v19;
	v17 =	vmul.f32 v22, v17;
	v59 =	vpop (erf);
	(erf) = vpow2.f32 v24;
	[tilespmem:s6+$0xFFFFFFD0] =	vst v13  }
0x492: {  	v60 =	vld [tilespmem:s12+$0xFFFFFFC0];
	v22 =	vadd.f32 $1.000000000e+00, v59;
	[tilespmem:s14+$0xFFFFFFD0] =	vst v13;
	v13 =	vmul.f32 v18, v57;
	v18 =	vand.u32 $0x7FFFFFFF, v11  }
0x493: {  	[tilespmem:s3+$0x0] =	vst v8;
	v12 =	vmax.f32 v12, $0.0e+00;
	v61 =	vmul.f32 $2.000000030e-01, v58;
	v19 =	vmul.f32 $1.442695020e+00, v19;
	v23 =	vld [tilespmem:s7+$0xFFFFFFC0]  }
0x494: {  	[tilespmem:s20+$0x0] =	vst v8;
	v8 =	vadd.f32 v17, v12;
	v17 =	vsub.f32 $0.0e+00, v18;
	(erf) = vrcp.f32 v22  }
0x495: {  	v25 =	vadd.f32 v54, v54;
	v12 =	vld [tilespmem:s28+$0xFFFFFFE0];
	v13 =	vadd.f32 $1.000000000e+00, v13;
	v18 =	vpop (erf);
	(erf) = vpow2.f32 v19  }
0x496: {  	[tilespmem:s22+$0x0] =	vst v9;
	v2 =	vmax.f32 v2, $0.0e+00;
	v62 =	vld [tilespmem:s0+$0xFFFFFFE0];
	v17 =	vmul.f32 $1.442695020e+00, v17;
	v18 =	vmul.f32 v18, v20  }
0x497: {  	[tilespmem:s30+$0x0] =	vst v9;
	v8 =	vmul.f32 v8, v21;
	v21 =	vadd.f32 $3.333333430e-01, v61;
	v13 =	vmul.f32 v13, v25  }
0x498: {  	[tilespmem:s24+$0x0] =	vst v15;
	v9 =	vpop (erf);
	(erf) = vpow2.f32 v17;
	v17 =	vadd.f32 v60, v23;
	v20 =	vmul.f32 v18, v18  }
0x499: {  	v10 =	vmax.f32 v10, $0.0e+00;
	[tilespmem:s6+$0xFFFFFF50] =	vst v8;
	v19 =	vadd.f32 v18, v18;
	v63 =	vadd.f32 $2.000000000e+00, v9  }
0x49a: {  	[tilespmem:s14+$0xFFFFFF50] =	vst v8;
	v22 =	vadd.f32 v13, v14;
	v14 =	vmul.f32 v21, v58;
	v23 =	vmul.f32 $2.000000030e-01, v20  }
0x49b: {  	s18 =	simm.s32 $0x81F0;
	s2 =	simm.s32 $0xA;
	s8 =	simm.s32 $0x32F0;
	[tilespmem:s31+$0x0] =	vst v15;
	v18 =	vld [tilespmem:s28+$0xFFFFFF60];
	v12 =	vadd.f32 v62, v12;
	v13 =	vsub.f32 $0.0e+00, v17;
	v8 =	vpop (erf);
	(erf) = vrcp.f32 v63  }
.LBB2_7:
0x49c: {  	v15 =	vld [tilespmem:s8+$0xFFFFFFD0];
	v16 =	vmul.f32 v22, v16;
	v17 =	vadd.f32 $3.333333430e-01, v23;
	v21 =	vadd.f32 $2.000000000e+00, v8  }
0x49d: {  	v14 =	vadd.f32 $1.000000000e+00, v14;
	v22 =	vand.u32 $0x7FFFFFFF, v12;
	v23 =	vld [tilespmem:s13+$0xFFFFFFB0];
	v25 =	vmul.f32 $1.442695020e+00, v13  }
0x49e: {  	s0 =	sadd.s32 $0x100, s0;
	v22 =	vsub.f32 $0.0e+00, v22;
	[tilespmem:s17+$0xFFFFFF60] =	vst v16;
	v24 =	vld [tilespmem:s16+$0xFFFFFFB0];
	v17 =	vmul.f32 v17, v20;
	v20 =	vpop (erf);
	(erf) = vrcp.f32 v21  }
0x49f: {  	v6 =	vmax.f32 v6, $0.0e+00;
	v7 =	vadd.f32 v7, v7;
	v21 =	vld [tilespmem:s0+$0xFFFFFFD0];
	[tilespmem:s26+$0xFFFFFF60] =	vst v16;
	(erf) = vpow2.f32 v25;
	v13 =	vpop (erf)  }
0x4a0: {  	v16 =	vld [tilespmem:s8+$0xFFFFFF50];
	v22 =	vmul.f32 $1.442695020e+00, v22;
	v17 =	vadd.f32 $1.000000000e+00, v17;
	v13 =	vadd.f32 $1.000000000e+00, v13  }
0x4a1: {  	v3 =	vmul.f32 v3, v1;
	v1 =	vmov v4;
	v7 =	vmul.f32 v14, v7;
	v25 =	vld [tilespmem:s0+$0xFFFFFF50]  }
0x4a2: {  	v4 =	vld [tilespmem:s0+$0xFFFFFF10];
	(erf) = vpow2.f32 v22;
	v14 =	vpop (erf);
	v26 =	vmul.f32 v17, v19  }
0x4a3: {  	v19 =	vld [tilespmem:s8+$0xFFFFFF10];
	v22 =	vadd.f32 v24, v23;
	v23 =	vadd.f32 $2.000000000e+00, v14;
	(erf) = vrcp.f32 v13;
	[tilespmem:s3+$0xFFFFFF80] =	vst v3;
	s3 =	smov.u32 s22;
	s22 =	smov.u32 s24;
	s24 =	smov.u32 s21  }
0x4a4: {  	s21 =	smov.u32 s17;
	s17 =	smov.u32 s6;
	v13 =	vadd.f32 v21, v15;
	v15 =	vld [tilespmem:s18+$0xFFFFFF60];
	v10 =	vadd.f32 v26, v10;
	v17 =	vpop (erf);
	[tilespmem:s20+$0xFFFFFF80] =	vst v3;
	s20 =	smov.u32 s30  }
0x4a5: {  	s30 =	smov.u32 s31;
	s31 =	smov.u32 s25;
	s25 =	smov.u32 s26;
	v21 =	vld [tilespmem:s28+$0xFFFFFF20];
	v22 =	vsub.f32 $0.0e+00, v22;
	(erf) = vrcp.f32 v23;
	v17 =	vmul.f32 v17, v9  }
0x4a6: {  	v3 =	vadd.f32 v7, v2;
	v2 =	vmovc v6;
	s26 =	smov.u32 s14;
	v9 =	vadd.f32 v25, v16;
	v16 =	vld [tilespmem:s28+$0xFFFFFFA0];
	v10 =	vmul.f32 v10, v20  }
0x4a7: {  	v7 =	vand.u32 $0x7FFFFFFF, v13;
	v20 =	vld [tilespmem:s18+$0xFFFFFFA0];
	v22 =	vmul.f32 $1.442695020e+00, v22;
	v23 =	vmul.f32 v17, v17;
	v6 =	vpop (erf)  }
0x4a8: {  	s2 =	sadd.s32 $0x2, s2;
	v7 =	vsub.f32 $0.0e+00, v7;
	v4 =	vadd.f32 v4, v19;
	v19 =	vand.u32 $0x7FFFFFFF, v9;
	v24 =	vld [tilespmem:s18+$0xFFFFFF20];
	[tilespmem:s24+$0xFFFFFF70] =	vst v10;
	v25 =	vpop (erf)  }
0x4a9: {  	p2 =	slt.u32 s2, $0x4E;
	v26 =	vld [tilespmem:s13+$0xFFFFFF70];
	(erf) = vpow2.f32 v22;
	[tilespmem:s31+$0xFFFFFF70] =	vst v10;
	v10 =	vadd.f32 $1.000000000e+00, v25;
	v22 =	vmul.f32 $2.000000030e-01, v23  }
0x4aa: {  	v19 =	vsub.f32 $0.0e+00, v19;
	v29 =	vmul.f32 $1.442695020e+00, v7;
	v25 =	vsub.f32 $0.0e+00, v4;
	v7 =	vld [tilespmem:s16+$0xFFFFFF70]  }
0x4ab: {  	v9 =	vmax.f32 v9, $0.0e+00;
	v27 =	vpop (erf);
	v28 =	vld [tilespmem:s13+$0xFFFFFF30];
	v22 =	vadd.f32 $3.333333430e-01, v22;
	(erf) = vrcp.f32 v10  }
0x4ac: {  	(erf) = vpow2.f32 v29;
	v10 =	vadd.f32 v20, v16;
	v29 =	vadd.f32 $2.000000000e+00, v27;
	v20 =	vld [tilespmem:s16+$0xFFFFFF30];
	v4 =	vpop (erf)  }
0x4ad: {  	v15 =	vadd.f32 v15, v18;
	v19 =	vmul.f32 $1.442695020e+00, v19;
	v18 =	vld [tilespmem:s7+$0xFFFFFF80];
	v22 =	vmul.f32 v22, v23  }
0x4ae: {  	v23 =	vmul.f32 $1.442695020e+00, v25;
	v10 =	vsub.f32 $0.0e+00, v10;
	(erf) = vrcp.f32 v29;
	v16 =	vpop (erf);
	v25 =	vld [tilespmem:s12+$0xFFFFFF80]  }
0x4af: {  	v16 =	vmul.f32 v16, v14;
	v29 =	vld [tilespmem:s7+$0xFFFFFF40];
	v14 =	vadd.f32 v17, v17;
	v17 =	vadd.f32 $1.000000000e+00, v22;
	s7 =	smov.u32 s13;
	s13 =	smov.u32 s28;
	s28 =	smov.u32 s8  }
0x4b0: {  	v22 =	vld [tilespmem:s8+$0xFFFFFF90];
	(erf) = vpow2.f32 v19;
	v19 =	vand.u32 $0x7FFFFFFF, v15;
	v32 =	vmul.f32 $1.442695020e+00, v10  }
0x4b1: {  	v30 =	vld [tilespmem:s0+$0xFFFFFF90];
	v33 =	vsub.f32 $0.0e+00, v19;
	v31 =	vmul.f32 v16, v16;
	v14 =	vmul.f32 v17, v14  }
0x4b2: {  	v5 =	vmax.f32 v5, $0.0e+00;
	v17 =	vadd.f32 v24, v21;
	(erf) = vpow2.f32 v32;
	v10 =	vpop (erf);
	v21 =	vld [tilespmem:s12+$0xFFFFFF40];
	s12 =	smov.u32 s16;
	s16 =	smov.u32 s18;
	s18 =	smov.u32 s0  }
0x4b3: {  	v10 =	vadd.f32 $1.000000000e+00, v10;
	v24 =	vmul.f32 $2.000000030e-01, v31;
	v5 =	vadd.f32 v14, v5  }
0x4b4: {  	v14 =	vsub.f32 $0.0e+00, v17;
	v17 =	vmul.f32 $1.442695020e+00, v33;
	(erf) = vpow2.f32 v23;
	v19 =	vpop (erf)  }
0x4b5: {  	v23 =	vpop (erf);
	v24 =	vadd.f32 $3.333333430e-01, v24;
	(erf) = vrcp.f32 v10;
	v5 =	vmul.f32 v5, v19  }
0x4b6: {  	v10 =	vadd.f32 v30, v22;
	v19 =	vadd.f32 $2.000000000e+00, v23;
	(erf) = vpow2.f32 v17  }
0x4b7: {  	v17 =	vmul.f32 $1.442695020e+00, v14;
	v14 =	vmax.f32 v15, $0.0e+00;
	v15 =	vpop (erf);
	v22 =	vmul.f32 v24, v31;
	[tilespmem:s24+$0x0] =	vst v5  }
0x4b8: {  	v7 =	vadd.f32 v7, v26;
	v10 =	vsub.f32 $0.0e+00, v10;
	(erf) = vrcp.f32 v19;
	[tilespmem:s31+$0x0] =	vst v5  }
0x4b9: {  	v16 =	vadd.f32 v16, v16;
	v15 =	vmul.f32 v15, v27;
	v5 =	vpop (erf);
	v19 =	vadd.f32 $1.000000000e+00, v22  }
0x4ba: {  	v22 =	vadd.f32 $2.000000000e+00, v5;
	v10 =	vmul.f32 $1.442695020e+00, v10;
	(erf) = vpow2.f32 v17  }
0x4bb: {  	v26 =	vand.u32 $0x7FFFFFFF, v7;
	v17 =	vmul.f32 v15, v15;
	v24 =	vpop (erf);
	v16 =	vmul.f32 v19, v16  }
0x4bc: {  	v11 =	vmax.f32 v11, $0.0e+00;
	v27 =	vsub.f32 $0.0e+00, v26;
	(erf) = vpow2.f32 v10  }
0x4bd: {  	v24 =	vadd.f32 $1.000000000e+00, v24;
	v30 =	vmul.f32 $2.000000030e-01, v17;
	v19 =	vpop (erf);
	v11 =	vadd.f32 v16, v11  }
0x4be: {  	v16 =	vadd.f32 $1.000000000e+00, v19;
	(erf) = vrcp.f32 v22;
	v19 =	vmul.f32 $1.442695020e+00, v27;
	v10 =	vpop (erf)  }
0x4bf: {  	v22 =	vadd.f32 $3.333333430e-01, v30;
	v26 =	vpop (erf);
	(erf) = vrcp.f32 v24;
	v11 =	vmul.f32 v11, v10  }
0x4c0: {  	v20 =	vadd.f32 v20, v28;
	(erf) = vrcp.f32 v16;
	v16 =	vadd.f32 $2.000000000e+00, v26  }
0x4c1: {  	v10 =	vmax.f32 v7, $0.0e+00;
	v22 =	vmul.f32 v22, v17;
	v24 =	vpop (erf);
	[tilespmem:s21+$0xFFFFFFF0] =	vst v11;
	(erf) = vpow2.f32 v19  }
0x4c2: {  	v19 =	vmul.f32 v24, v23;
	(erf) = vrcp.f32 v16;
	v16 =	vsub.f32 $0.0e+00, v20;
	[tilespmem:s25+$0xFFFFFFF0] =	vst v11  }
0x4c3: {  	v7 =	vmul.f32 v6, v8;
	v11 =	vadd.f32 v15, v15;
	v15 =	vadd.f32 $1.000000000e+00, v22;
	v17 =	vpop (erf);
	v20 =	vld [tilespmem:s7+$0x0]  }
0x4c4: {  	v8 =	vmul.f32 v19, v19;
	v17 =	vadd.f32 $1.000000000e+00, v17;
	v16 =	vmul.f32 $1.442695020e+00, v16;
	v22 =	vld [tilespmem:s12+$0x0]  }
0x4c5: {  	v6 =	vadd.f32 v25, v18;
	v11 =	vmul.f32 v15, v11;
	v15 =	vadd.f32 v21, v29;
	v23 =	vpop (erf)  }
0x4c6: {  	v12 =	vmax.f32 v12, $0.0e+00;
	v24 =	vadd.f32 $1.000000000e+00, v23;
	v21 =	vmul.f32 $2.000000030e-01, v8  }
0x4c7: {  	v11 =	vadd.f32 v11, v12;
	v12 =	vand.u32 $0x7FFFFFFF, v6;
	v23 =	vpop (erf);
	(erf) = vrcp.f32 v17  }
0x4c8: {  	v17 =	vmul.f32 v23, v5;
	v23 =	vadd.f32 $3.333333430e-01, v21;
	(erf) = vrcp.f32 v24;
	v5 =	vpop (erf)  }
0x4c9: {  	v18 =	vpop (erf);
	v11 =	vmul.f32 v11, v5;
	v5 =	vadd.f32 v22, v20;
	(erf) = vpow2.f32 v16  }
0x4ca: {  	v16 =	vmul.f32 v17, v17;
	v17 =	vadd.f32 v17, v17;
	v8 =	vmul.f32 v23, v8;
	v20 =	vpop (erf)  }
0x4cb: {  	v19 =	vadd.f32 v19, v19;
	[tilespmem:s6+$0xFFFFFFE0] =	vst v11;
	v21 =	vpop (erf);
	v22 =	vadd.f32 $2.000000000e+00, v20;
	v23 =	vand.u32 $0x7FFFFFFF, v5  }
0x4cc: {  	v24 =	vmul.f32 $2.000000030e-01, v16;
	v8 =	vadd.f32 $1.000000000e+00, v8;
	[tilespmem:s14+$0xFFFFFFE0] =	vst v11;
	v11 =	vsub.f32 $0.0e+00, v23  }
0x4cd: {  	v12 =	vsub.f32 $0.0e+00, v12;
	v21 =	vmul.f32 v21, v26;
	v23 =	vld [tilespmem:s13+$0xFFFFFFF0];
	(erf) = vrcp.f32 v22  }
0x4ce: {  	v22 =	vadd.f32 $3.333333430e-01, v24;
	v8 =	vmul.f32 v8, v19;
	v19 =	vld [tilespmem:s16+$0xFFFFFFF0];
	v25 =	vmul.f32 $1.442695020e+00, v11  }
0x4cf: {  	v13 =	vmax.f32 v13, $0.0e+00;
	v24 =	vmul.f32 v21, v21;
	v21 =	vadd.f32 v21, v21  }
0x4d0: {  	v22 =	vmul.f32 v22, v16;
	v8 =	vadd.f32 v8, v13;
	v16 =	vpop (erf);
	(erf) = vpow2.f32 v25  }
0x4d1: {  	v15 =	vsub.f32 $0.0e+00, v15;
	v12 =	vmul.f32 $1.442695020e+00, v12;
	v13 =	vmul.f32 $2.000000030e-01, v24;
	v11 =	vpop (erf)  }
0x4d2: {  	v26 =	vmul.f32 v7, v7;
	v22 =	vadd.f32 $1.000000000e+00, v22;
	v8 =	vmul.f32 v8, v11;
	v25 =	vpop (erf)  }
0x4d3: {  	s6 =	sadd.s32 $0x100, s6;
	v13 =	vadd.f32 $3.333333430e-01, v13;
	v11 =	vadd.f32 v19, v23;
	(erf) = vpow2.f32 v12  }
0x4d4: {  	v15 =	vmul.f32 $1.442695020e+00, v15;
	s14 =	sadd.s32 $0x100, s14;
	v25 =	vadd.f32 $1.000000000e+00, v25;
	v12 =	vmul.f32 v22, v17;
	[tilespmem:s6+$0xFFFFFFD0] =	vst v8;
	v22 =	vld [tilespmem:s7+$0xFFFFFFC0]  }
0x4d5: {  	v19 =	vmul.f32 $2.000000030e-01, v26;
	[tilespmem:s14+$0xFFFFFFD0] =	vst v8;
	v8 =	vmul.f32 v13, v24;
	v13 =	vand.u32 $0x7FFFFFFF, v11;
	v23 =	vld [tilespmem:s12+$0xFFFFFFC0]  }
0x4d6: {  	v27 =	vadd.f32 v12, v9;
	v12 =	vld [tilespmem:s8+$0xFFFFFFE0];
	v13 =	vsub.f32 $0.0e+00, v13;
	(erf) = vrcp.f32 v25;
	v17 =	vpop (erf)  }
0x4d7: {  	v24 =	vld [tilespmem:s0+$0xFFFFFFE0];
	v8 =	vadd.f32 $1.000000000e+00, v8;
	v17 =	vmul.f32 v17, v20;
	(erf) = vpow2.f32 v15  }
.Ltmp2:
0x4d8: {  	v15 =	vmul.f32 v27, v18;
	v13 =	vmul.f32 $1.442695020e+00, v13;
	v18 =	vadd.f32 $3.333333430e-01, v19;
	(pc) =	sbr.rel @p2 .LBB2_7-.Ltmp2, $4  }
0x4d9: {  	v21 =	vmul.f32 v8, v21;
	v20 =	vmul.f32 v17, v17;
	v19 =	vadd.f32 v17, v17;
	v9 =	vpop (erf)  }
0x4da: {  	[tilespmem:s6+$0xFFFFFF50] =	vst v15;
	(erf) = vpow2.f32 v13;
	v13 =	vadd.f32 v23, v22;
	v17 =	vadd.f32 $2.000000000e+00, v9  }
0x4db: {  	[tilespmem:s14+$0xFFFFFF50] =	vst v15;
	v22 =	vadd.f32 v21, v14;
	v23 =	vmul.f32 $2.000000030e-01, v20;
	v14 =	vmul.f32 v18, v26  }
0x4dc: {  	s8 =	sadd.s32 $0x100, s8;
	v18 =	vld [tilespmem:s28+$0xFFFFFF60];
	v12 =	vadd.f32 v24, v12;
	v13 =	vsub.f32 $0.0e+00, v13;
	(erf) = vrcp.f32 v17;
	v8 =	vpop (erf)  }
0x4dd: {  	_ = 	snop  }
0x4de: {  	v15 =	vand.u32 $0x7FFFFFFF, v12  }
0x4df: {  	v17 =	vadd.f32 $2.000000000e+00, v8;
	v15 =	vsub.f32 $0.0e+00, v15  }
0x4e0: {  	v13 =	vmul.f32 $1.442695020e+00, v13  }
0x4e1: {  	v21 =	vld [tilespmem:s13+$0xFFFFFFB0];
	(erf) = vrcp.f32 v17;
	v15 =	vmul.f32 $1.442695020e+00, v15  }
0x4e2: {  	v60 =	vld [tilespmem:s16+$0xFFFFFFB0];
	(erf) = vpow2.f32 v13  }
0x4e3: {  	(erf) = vpow2.f32 v15;
	_ =	sdelay $0x2  }
0x4e4: {  	v24 =	vpop (erf)  }
0x4e5: {  	v63 =	vld [tilespmem:s28+$0xFFFFFFA0];
	v61 =	vpop (erf);
	v62 =	vadd.f32 v60, v21  }
0x4e6: {  	v27 =	vld [tilespmem:s18+$0xFFFFFFA0];
	v13 =	vadd.f32 $1.000000000e+00, v61;
	v25 =	vpop (erf)  }
0x4e7: {  	v26 =	vadd.f32 $2.000000000e+00, v25;
	v32 =	vsub.f32 $0.0e+00, v62;
	v17 =	vpop (erf)  }
0x4e8: {  	(erf) = vrcp.f32 v13;
	v15 =	vpop (erf)  }
0x4e9: {  	(erf) = vrcp.f32 v26;
	v13 =	vmul.f32 $1.442695020e+00, v32;
	v33 =	vpop (erf)  }
0x4ea: {  	v26 =	vadd.f32 $1.000000000e+00, v33;
	v28 =	vpop (erf)  }
0x4eb: {  	v34 =	vadd.f32 v27, v63;
	(erf) = vpow2.f32 v13;
	v35 =	vadd.f32 $2.000000000e+00, v28  }
0x4ec: {  	(erf) = vrcp.f32 v26  }
0x4ed: {  	v13 =	vsub.f32 $0.0e+00, v34;
	(erf) = vrcp.f32 v35  }
0x4ee: {  	v36 =	vld [tilespmem:s18+$0xFFFFFF60]  }
0x4ef: {  	v37 =	vmul.f32 $1.442695020e+00, v13  }
0x4f0: {  	v38 =	vld [tilespmem:s28+$0xFFFFFF20]  }
0x4f1: {  	v29 =	vld [tilespmem:s18+$0xFFFFFF20];
	v13 =	vpop (erf);
	(erf) = vpow2.f32 v37  }
0x4f2: {  	v30 =	vpop (erf)  }
0x4f3: {  	v21 =	vadd.f32 v36, v18;
	v39 =	vmul.f32 v30, v25  }
0x4f4: {  	v22 =	vmul.f32 v22, v16;
	v42 =	vpop (erf)  }
0x4f5: {  	v40 =	vadd.f32 $3.333333430e-01, v23;
	v41 =	vand.u32 $0x7FFFFFFF, v21;
	v25 =	vmul.f32 v39, v39;
	v16 =	vpop (erf)  }
0x4f6: {  	v43 =	vadd.f32 v29, v38;
	v23 =	vsub.f32 $0.0e+00, v41;
	v45 =	vpop (erf)  }
0x4f7: {  	[tilespmem:s17+$0xFFFFFF60] =	vst v22;
	v26 =	vadd.f32 $1.000000000e+00, v42;
	v44 =	vmul.f32 $2.000000030e-01, v25;
	v28 =	vmul.f32 v45, v28  }
0x4f8: {  	v20 =	vmul.f32 v40, v20;
	[tilespmem:s26+$0xFFFFFF60] =	vst v22;
	v22 =	vsub.f32 $0.0e+00, v43;
	v23 =	vmul.f32 $1.442695020e+00, v23  }
0x4f9: {  	v46 =	vld [tilespmem:s13+$0xFFFFFF70];
	(erf) = vrcp.f32 v26;
	v27 =	vadd.f32 $3.333333430e-01, v44;
	v48 =	vmul.f32 v28, v28  }
0x4fa: {  	v47 =	vld [tilespmem:s16+$0xFFFFFF70];
	v20 =	vadd.f32 $1.000000000e+00, v20;
	v22 =	vmul.f32 $1.442695020e+00, v22;
	(erf) = vpow2.f32 v23;
	v49 =	vpop (erf)  }
0x4fb: {  	v25 =	vmul.f32 v27, v25;
	v26 =	vadd.f32 $1.000000000e+00, v49;
	v50 =	vmul.f32 $2.000000030e-01, v48  }
0x4fc: {  	v19 =	vmul.f32 v20, v19;
	v18 =	vadd.f32 v39, v39;
	(erf) = vpow2.f32 v22  }
0x4fd: {  	v25 =	vadd.f32 $1.000000000e+00, v25;
	(erf) = vrcp.f32 v26;
	v51 =	vadd.f32 $3.333333430e-01, v50  }
0x4fe: {  	v52 =	vld [tilespmem:s13+$0xFFFFFF30];
	v10 =	vadd.f32 v19, v10  }
0x4ff: {  	v53 =	vld [tilespmem:s16+$0xFFFFFF30];
	v20 =	vadd.f32 v47, v46;
	v18 =	vmul.f32 v25, v18;
	v22 =	vmul.f32 v51, v48  }
0x500: {  	v11 =	vmax.f32 v11, $0.0e+00;
	v10 =	vmul.f32 v10, v24;
	v56 =	vadd.f32 v28, v28  }
0x501: {  	v54 =	vand.u32 $0x7FFFFFFF, v20;
	v11 =	vadd.f32 v18, v11;
	v22 =	vadd.f32 $1.000000000e+00, v22  }
0x502: {  	v55 =	vsub.f32 $0.0e+00, v54;
	[tilespmem:s21+$0xFFFFFF70] =	vst v10;
	v57 =	vpop (erf)  }
0x503: {  	[tilespmem:s25+$0xFFFFFF70] =	vst v10;
	v11 =	vmul.f32 v11, v57;
	v18 =	vmul.f32 v22, v56  }
0x504: {  	v60 =	vmax.f32 v12, $0.0e+00;
	v19 =	vadd.f32 v53, v52;
	v61 =	vld [tilespmem:s7+$0xFFFFFF80];
	v23 =	vmul.f32 $1.442695020e+00, v55;
	v58 =	vpop (erf)  }
0x505: {  	v33 =	vld [tilespmem:s7+$0xFFFFFF40];
	v59 =	vadd.f32 $2.000000000e+00, v58;
	v62 =	vpop (erf);
	[tilespmem:s17+$0xFFFFFFF0] =	vst v11;
	v12 =	vadd.f32 v18, v60  }
0x506: {  	v29 =	vsub.f32 $0.0e+00, v19;
	v34 =	vld [tilespmem:s12+$0xFFFFFF40];
	(erf) = vpow2.f32 v23;
	[tilespmem:s26+$0xFFFFFFF0] =	vst v11;
	v30 =	vpop (erf)  }
0x507: {  	v23 =	vadd.f32 $1.000000000e+00, v62;
	(erf) = vrcp.f32 v59;
	v31 =	vld [tilespmem:s13+$0x0];
	v11 =	vmul.f32 v12, v30  }
0x508: {  	v10 =	vmul.f32 $1.442695020e+00, v29;
	v32 =	vld [tilespmem:s16+$0x0]  }
0x509: {  	v63 =	vld [tilespmem:s12+$0xFFFFFF80];
	(erf) = vrcp.f32 v23;
	[tilespmem:s6+$0xFFFFFFE0] =	vst v11  }
0x50a: {  	(erf) = vpow2.f32 v10;
	[tilespmem:s14+$0xFFFFFFE0] =	vst v11  }
0x50b: {  	v37 =	vadd.f32 v34, v33;
	v35 =	vld [tilespmem:s28+$0xFFFFFFF0]  }
0x50c: {  	v36 =	vld [tilespmem:s18+$0xFFFFFFF0]  }
0x50d: {  	v18 =	vsub.f32 $0.0e+00, v37;
	v10 =	vadd.f32 v32, v31  }
0x50e: {  	v11 =	vadd.f32 v63, v61  }
0x50f: {  	v18 =	vmul.f32 $1.442695020e+00, v18;
	v12 =	vpop (erf);
	v40 =	vand.u32 $0x7FFFFFFF, v10  }
0x510: {  	v38 =	vpop (erf);
	v39 =	vadd.f32 $2.000000000e+00, v12;
	v23 =	vsub.f32 $0.0e+00, v40;
	v41 =	vand.u32 $0x7FFFFFFF, v11  }
0x511: {  	v19 =	vmul.f32 v38, v58;
	v42 =	vsub.f32 $0.0e+00, v41;
	v25 =	vadd.f32 v36, v35  }
0x512: {  	v44 =	vpop (erf);
	(erf) = vrcp.f32 v39;
	v23 =	vmul.f32 $1.442695020e+00, v23  }
0x513: {  	v45 =	vpop (erf);
	v43 =	vmul.f32 v19, v19;
	v22 =	vmul.f32 $1.442695020e+00, v42;
	v46 =	vand.u32 $0x7FFFFFFF, v25  }
0x514: {  	v47 =	vadd.f32 $1.000000000e+00, v45;
	(erf) = vpow2.f32 v23;
	v48 =	vsub.f32 $0.0e+00, v46  }
0x515: {  	v49 =	vld [tilespmem:s13+$0xFFFFFFC0];
	v51 =	vmul.f32 $2.000000030e-01, v43;
	(erf) = vpow2.f32 v22  }
0x516: {  	v52 =	vld [tilespmem:s16+$0xFFFFFFC0];
	(erf) = vrcp.f32 v47;
	v50 =	vmul.f32 $1.442695020e+00, v48  }
0x517: {  	(erf) = vpow2.f32 v18  }
0x518: {  	v53 =	vadd.f32 $3.333333430e-01, v51;
	(erf) = vpow2.f32 v50;
	_ =	sdelay $0x1  }
0x519: {  	v18 =	vmul.f32 v53, v43  }
0x51a: {  	v55 =	vld [tilespmem:s28+$0xFFFFFFB0];
	v22 =	vadd.f32 v52, v49  }
0x51b: {  	v58 =	vld [tilespmem:s18+$0xFFFFFFB0];
	v54 =	vpop (erf)  }
0x51c: {  	v56 =	vadd.f32 v19, v19;
	v22 =	vsub.f32 $0.0e+00, v22;
	v19 =	vpop (erf)  }
0x51d: {  	v57 =	vadd.f32 $1.000000000e+00, v18;
	v59 =	vadd.f32 $2.000000000e+00, v19;
	v18 =	vpop (erf)  }
0x51e: {  	v22 =	vmul.f32 $1.442695020e+00, v22;
	v60 =	vadd.f32 $2.000000000e+00, v18;
	v31 =	vpop (erf)  }
0x51f: {  	v21 =	vmax.f32 v21, $0.0e+00;
	v27 =	vmul.f32 v57, v56;
	(erf) = vrcp.f32 v59;
	v61 =	vpop (erf)  }
0x520: {  	v33 =	vadd.f32 v58, v55;
	(erf) = vrcp.f32 v60;
	v62 =	vadd.f32 $1.000000000e+00, v61;
	v63 =	vpop (erf)  }
0x521: {  	v21 =	vadd.f32 v27, v21;
	(erf) = vpow2.f32 v22;
	v34 =	vadd.f32 $2.000000000e+00, v63  }
0x522: {  	(erf) = vrcp.f32 v62  }
0x523: {  	v21 =	vmul.f32 v21, v44;
	v22 =	vsub.f32 $0.0e+00, v33;
	(erf) = vrcp.f32 v34;
	_ =	sdelay $0x1  }
0x524: {  	[tilespmem:s6+$0xFFFFFF60] =	vst v21;
	v22 =	vmul.f32 $1.442695020e+00, v22  }
0x525: {  	[tilespmem:s14+$0xFFFFFF60] =	vst v21  }
0x526: {  	v35 =	vld [tilespmem:s28+$0xFFFFFF70];
	(erf) = vpow2.f32 v22  }
0x527: {  	v36 =	vld [tilespmem:s18+$0xFFFFFF70];
	v24 =	vpop (erf)  }
0x528: {  	v21 =	vpop (erf)  }
0x529: {  	v37 =	vpop (erf)  }
0x52a: {  	v23 =	vmul.f32 v54, v12;
	v12 =	vpop (erf)  }
0x52b: {  	v38 =	vpop (erf)  }
0x52c: {  	v39 =	vmul.f32 v23, v23;
	v26 =	vadd.f32 v36, v35;
	v28 =	vmul.f32 v38, v63;
	_ =	sdelay $0x1  }
0x52d: {  	v40 =	vmul.f32 $2.000000030e-01, v39;
	v32 =	vand.u32 $0x7FFFFFFF, v26;
	v29 =	vmul.f32 v28, v28  }
0x52e: {  	v32 =	vsub.f32 $0.0e+00, v32;
	v27 =	vadd.f32 $1.000000000e+00, v37;
	v33 =	vpop (erf)  }
0x52f: {  	v22 =	vadd.f32 $3.333333430e-01, v40;
	v33 =	vadd.f32 $1.000000000e+00, v33;
	v34 =	vmul.f32 $2.000000030e-01, v29  }
0x530: {  	v41 =	vmul.f32 $1.442695020e+00, v32;
	(erf) = vrcp.f32 v27  }
0x531: {  	v42 =	vld [tilespmem:s28+$0xFFFFFF30];
	v22 =	vmul.f32 v22, v39;
	(erf) = vrcp.f32 v33;
	v43 =	vadd.f32 $3.333333430e-01, v34  }
0x532: {  	v44 =	vld [tilespmem:s18+$0xFFFFFF30];
	(erf) = vpow2.f32 v41  }
0x533: {  	v23 =	vadd.f32 v23, v23;
	v22 =	vadd.f32 $1.000000000e+00, v22;
	v45 =	vmul.f32 v43, v29;
	_ =	sdelay $0x1  }
0x534: {  	v22 =	vmul.f32 v22, v23;
	v46 =	vadd.f32 v28, v28;
	v27 =	vadd.f32 $1.000000000e+00, v45  }
0x535: {  	v20 =	vmax.f32 v20, $0.0e+00  }
0x536: {  	v47 =	vadd.f32 v44, v42;
	v20 =	vadd.f32 v22, v20;
	v23 =	vmul.f32 v27, v46  }
0x537: {  	v25 =	vmax.f32 v25, $0.0e+00  }
0x538: {  	v48 =	vsub.f32 $0.0e+00, v47;
	v20 =	vmul.f32 v20, v31;
	v22 =	vpop (erf);
	v23 =	vadd.f32 v23, v25  }
0x539: {  	v49 =	vpop (erf)  }
0x53a: {  	[tilespmem:s17+$0xFFFFFF70] =	vst v20;
	v50 =	vpop (erf);
	v25 =	vmul.f32 $1.442695020e+00, v48;
	v23 =	vmul.f32 v23, v49  }
0x53b: {  	[tilespmem:s26+$0xFFFFFF70] =	vst v20;
	v51 =	vadd.f32 $2.000000000e+00, v50  }
0x53c: {  	(erf) = vpow2.f32 v25;
	[tilespmem:s6+$0xFFFFFFF0] =	vst v23  }
0x53d: {  	v52 =	vld [tilespmem:s13+$0xFFFFFF80];
	(erf) = vrcp.f32 v51;
	[tilespmem:s14+$0xFFFFFFF0] =	vst v23  }
0x53e: {  	v53 =	vld [tilespmem:s28+$0x0]  }
0x53f: {  	v23 =	vld [tilespmem:s18+$0x0]  }
0x540: {  	v54 =	vld [tilespmem:s16+$0xFFFFFF80];
	_ =	sdelay $0x3  }
0x541: {  	v23 =	vadd.f32 v23, v53  }
0x542: {  	v20 =	vadd.f32 v54, v52;
	v55 =	vpop (erf)  }
0x543: {  	v57 =	vpop (erf);
	v56 =	vand.u32 $0x7FFFFFFF, v23  }
0x544: {  	v58 =	vand.u32 $0x7FFFFFFF, v20;
	v27 =	vmul.f32 v57, v50;
	v28 =	vsub.f32 $0.0e+00, v56  }
0x545: {  	v59 =	vsub.f32 $0.0e+00, v58  }
0x546: {  	v60 =	vmul.f32 v27, v27;
	v28 =	vmul.f32 $1.442695020e+00, v28  }
0x547: {  	v29 =	vmul.f32 $1.442695020e+00, v59  }
0x548: {  	v25 =	vadd.f32 $1.000000000e+00, v55;
	v61 =	vmul.f32 $2.000000030e-01, v60;
	(erf) = vpow2.f32 v28  }
0x549: {  	v62 =	vld [tilespmem:s13+$0xFFFFFF40];
	(erf) = vpow2.f32 v29  }
0x54a: {  	v63 =	vld [tilespmem:s16+$0xFFFFFF40];
	v33 =	vadd.f32 $3.333333430e-01, v61;
	(erf) = vrcp.f32 v25;
	_ =	sdelay $0x1  }
0x54b: {  	v34 =	vld [tilespmem:s28+$0xFFFFFFC0];
	v25 =	vmul.f32 v33, v60  }
0x54c: {  	v35 =	vld [tilespmem:s18+$0xFFFFFFC0]  }
0x54d: {  	v27 =	vadd.f32 v27, v27;
	v25 =	vadd.f32 $1.000000000e+00, v25  }
0x54e: {  	v29 =	vadd.f32 v63, v62  }
0x54f: {  	v25 =	vmul.f32 v25, v27  }
0x550: {  	v26 =	vmax.f32 v26, $0.0e+00;
	v36 =	vsub.f32 $0.0e+00, v29;
	v37 =	vpop (erf)  }
0x551: {  	v28 =	vadd.f32 v35, v34;
	v25 =	vadd.f32 v25, v26;
	v30 =	vpop (erf)  }
0x552: {  	v38 =	vmul.f32 $1.442695020e+00, v36;
	v39 =	vpop (erf)  }
0x553: {  	v28 =	vsub.f32 $0.0e+00, v28;
	v40 =	vadd.f32 $2.000000000e+00, v37;
	v25 =	vmul.f32 v25, v39  }
0x554: {  	(erf) = vpow2.f32 v38;
	v41 =	vadd.f32 $2.000000000e+00, v30  }
0x555: {  	v42 =	vmul.f32 $1.442695020e+00, v28;
	(erf) = vrcp.f32 v40;
	[tilespmem:s6+$0xFFFFFF70] =	vst v25  }
0x556: {  	(erf) = vrcp.f32 v41;
	[tilespmem:s14+$0xFFFFFF70] =	vst v25  }
0x557: {  	(erf) = vpow2.f32 v42;
	v25 =	vld [tilespmem:s28+$0xFFFFFF80]  }
0x558: {  	v43 =	vld [tilespmem:s18+$0xFFFFFF80];
	_ =	sdelay $0x4  }
0x559: {  	v44 =	vpop (erf);
	v25 =	vadd.f32 v43, v25  }
0x55a: {  	v45 =	vpop (erf)  }
0x55b: {  	v9 =	vmul.f32 v17, v9;
	v46 =	vpop (erf);
	v47 =	vand.u32 $0x7FFFFFFF, v25  }
0x55c: {  	v27 =	vadd.f32 $1.000000000e+00, v44;
	v48 =	vpop (erf);
	v31 =	vsub.f32 $0.0e+00, v47  }
0x55d: {  	v51 =	vmul.f32 v9, v9;
	v49 =	vadd.f32 $1.000000000e+00, v48  }
0x55e: {  	(erf) = vrcp.f32 v27;
	v50 =	vmul.f32 $1.442695020e+00, v31  }
0x55f: {  	v54 =	vmul.f32 $2.000000030e-01, v51;
	v52 =	vld [tilespmem:s28+$0xFFFFFF40];
	(erf) = vrcp.f32 v49  }
0x560: {  	v53 =	vld [tilespmem:s18+$0xFFFFFF40];
	(erf) = vpow2.f32 v50  }
0x561: {  	v27 =	vadd.f32 $3.333333430e-01, v54;
	_ =	sdelay $0x1  }
0x562: {  	v27 =	vmul.f32 v27, v51  }
0x563: {  	v19 =	vmul.f32 v24, v19  }
0x564: {  	v14 =	vadd.f32 $1.000000000e+00, v14;
	v17 =	vadd.f32 v53, v52  }
0x565: {  	v7 =	vadd.f32 v7, v7;
	v1 =	vmul.f32 v3, v1;
	v61 =	vmul.f32 v19, v19  }
0x566: {  	v3 =	vmul.f32 v21, v18;
	v56 =	vadd.f32 $1.000000000e+00, v27;
	v17 =	vsub.f32 $0.0e+00, v17;
	v27 =	vpop (erf)  }
0x567: {  	v7 =	vmul.f32 v14, v7;
	v32 =	vmul.f32 $2.000000030e-01, v61;
	v24 =	vpop (erf)  }
0x568: {  	v34 =	vmul.f32 v3, v3;
	v58 =	vmul.f32 $1.442695020e+00, v17;
	v59 =	vpop (erf)  }
0x569: {  	v55 =	vmul.f32 v15, v8;
	v14 =	vadd.f32 $3.333333430e-01, v32;
	v62 =	vadd.f32 $2.000000000e+00, v59  }
0x56a: {  	v2 =	vadd.f32 v7, v2;
	v36 =	vmul.f32 $2.000000030e-01, v34;
	(erf) = vpow2.f32 v58  }
0x56b: {  	v5 =	vmax.f32 v5, $0.0e+00;
	v14 =	vmul.f32 v14, v61;
	(erf) = vrcp.f32 v62  }
0x56c: {  	v2 =	vmul.f32 v2, v4;
	v57 =	vmul.f32 v55, v55;
	v38 =	vadd.f32 v19, v19  }
0x56d: {  	v10 =	vmax.f32 v10, $0.0e+00;
	v39 =	vadd.f32 $1.000000000e+00, v14;
	v40 =	vadd.f32 $3.333333430e-01, v36  }
0x56e: {  	v9 =	vadd.f32 v9, v9;
	v60 =	vmul.f32 $2.000000030e-01, v57;
	v35 =	vmul.f32 v45, v37  }
0x56f: {  	v3 =	vadd.f32 v3, v3;
	v4 =	vmul.f32 v39, v38;
	v7 =	vmul.f32 v40, v34  }
0x570: {  	v63 =	vadd.f32 $3.333333430e-01, v60;
	v37 =	vmul.f32 v35, v35;
	v9 =	vmul.f32 v56, v9  }
0x571: {  	v6 =	vmax.f32 v6, $0.0e+00;
	[tilespmem:s3+$0xFFFFFF80] =	vst v1;
	v4 =	vadd.f32 v4, v10;
	v7 =	vadd.f32 $1.000000000e+00, v7  }
0x572: {  	[tilespmem:s20+$0xFFFFFF80] =	vst v1;
	v41 =	vmul.f32 $2.000000030e-01, v37;
	v5 =	vadd.f32 v9, v5;
	v9 =	vmul.f32 v63, v57  }
0x573: {  	[tilespmem:s22+$0xFFFFFF80] =	vst v2;
	v8 =	vadd.f32 v55, v55;
	v1 =	vmul.f32 v4, v22;
	v42 =	vmul.f32 v46, v30;
	v43 =	vpop (erf)  }
0x574: {  	[tilespmem:s30+$0xFFFFFF80] =	vst v2;
	v2 =	vmul.f32 v7, v3;
	v44 =	vadd.f32 $3.333333430e-01, v41;
	v9 =	vadd.f32 $1.000000000e+00, v9;
	v45 =	vpop (erf)  }
0x575: {  	v11 =	vmax.f32 v11, $0.0e+00;
	[tilespmem:s17+$0x0] =	vst v1;
	v46 =	vmul.f32 v42, v42;
	v14 =	vmul.f32 v45, v59  }
0x576: {  	[tilespmem:s26+$0x0] =	vst v1;
	v1 =	vadd.f32 v2, v11;
	v47 =	vmul.f32 v44, v37;
	v8 =	vmul.f32 v9, v8  }
0x577: {  	v48 =	vmul.f32 $2.000000030e-01, v46;
	v50 =	vadd.f32 v35, v35;
	v49 =	vmul.f32 v14, v14  }
0x578: {  	v6 =	vadd.f32 v8, v6;
	v8 =	vadd.f32 $1.000000000e+00, v47  }
0x579: {  	v9 =	vadd.f32 $3.333333430e-01, v48;
	v51 =	vadd.f32 $1.000000000e+00, v43;
	v52 =	vmul.f32 $2.000000030e-01, v49  }
0x57a: {  	v53 =	vmax.f32 v23, $0.0e+00;
	v1 =	vmul.f32 v1, v12;
	v4 =	vmul.f32 v8, v50  }
0x57b: {  	v54 =	vmul.f32 v9, v46;
	(erf) = vrcp.f32 v51;
	v55 =	vadd.f32 $3.333333430e-01, v52  }
0x57c: {  	v57 =	vadd.f32 v42, v42;
	v4 =	vadd.f32 v4, v53  }
0x57d: {  	[tilespmem:s21+$0xFFFFFF80] =	vst v1;
	v3 =	vmul.f32 v6, v13;
	v56 =	vadd.f32 $1.000000000e+00, v54;
	v58 =	vmul.f32 v55, v49  }
0x57e: {  	[tilespmem:s25+$0xFFFFFF80] =	vst v1;
	v2 =	vmul.f32 v4, v24  }
0x57f: {  	[tilespmem:s24+$0xFFFFFF80] =	vst v3;
	v59 =	vmul.f32 v56, v57;
	v61 =	vadd.f32 v14, v14;
	v60 =	vadd.f32 $1.000000000e+00, v58  }
0x580: {  	[tilespmem:s31+$0xFFFFFF80] =	vst v3;
	v62 =	vmax.f32 v20, $0.0e+00  }
0x581: {  	v5 =	vmul.f32 v5, v16;
	[tilespmem:s6+$0x0] =	vst v2;
	v3 =	vadd.f32 v59, v62;
	v63 =	vmul.f32 v60, v61  }
0x582: {  	[tilespmem:s14+$0x0] =	vst v2;
	v2 =	vmax.f32 v25, $0.0e+00  }
0x583: {  	[tilespmem:s21+$0x0] =	vst v5;
	v3 =	vmul.f32 v3, v27;
	v2 =	vadd.f32 v63, v2  }
0x584: {  	[tilespmem:s25+$0x0] =	vst v5;
	v1 =	vpop (erf)  }
0x585: {  	s19 =	sadd.s32 $0x1, s19;
	[tilespmem:s17+$0xFFFFFF80] =	vst v3;
	v1 =	vmul.f32 v2, v1  }
0x586: {  	p2 =	sne.s32 s19, $0x7D;
	[tilespmem:s26+$0xFFFFFF80] =	vst v3  }
.Ltmp3:
0x587: {  	[tilespmem:s6+$0xFFFFFF80] =	vst v1;
	(pc) =	sbr.rel @p2 .LBB2_4-.Ltmp3, $4  }
0x588: {  	s0 =	simm.s32 $0x280;
	s2 =	simm.s32 $0xCC00;
	[tilespmem:s14+$0xFFFFFF80] =	vst v1  }
0x589: {  	[spmem:s1] =	stream.indirect.scatter.add.f32 [tilespmem:s2], [sflag:$0x6], $0x80, s0, s23, $0xb8;
	[tilespmem:$0x1E080] =	vst v63  }
0x58a: {  	s30 =	simm.s32 $0x380;
	s31 =	simm.s32 $0x11C00  }
0x58b: {  	[spmem:s1] =	stream.indirect.scatter.add.f32 [tilespmem:s31], [sflag:$0x8], $0x80, s30, s23, $0xb8;
	[tilespmem:$0x1E080] =	vst v63  }
0x58c: {  	s0 =	simm.s32 $0x5  }
0x58d: {  	_ =	swait.ge [sflag:s0], $0x2800  }
0x58e: {  	[sflag:s0] =	ssyncset.done $0x0  }
0x58f: {  	s28 =	simm.s32 $0x7;
	[sflag:s0] =	ssyncadd.s32 $0xFFFFD800  }
0x590: {  	_ =	swait.ge [sflag:s28], $0x2800  }
0x591: {  	[sflag:s28] =	ssyncset.done $0x0  }
0x592: {  	s30 =	simm.s32 $0x6;
	[sflag:s28] =	ssyncadd.s32 $0xFFFFD800  }
0x593: {  	_ =	swait.ge [sflag:s30], $0x2800  }
0x594: {  	[sflag:s30] =	ssyncset.done $0x0  }
0x595: {  	s31 =	simm.s32 $0x8;
	[sflag:s30] =	ssyncadd.s32 $0xFFFFD800  }
0x596: {  	_ =	swait.ge [sflag:s31], $0x2800  }
0x597: {  	[sflag:s31] =	ssyncset.done $0x0  }
0x598: {  	[sflag:s31] =	ssyncadd.s32 $0xFFFFD800  }
0x599: {  	[bflag:$0x0] =	sbarrier.arrive $0xFFFF  }
0x59a: {  	s0 =	rddreg [dreg:$0xc]  }
0x59b: {  	s7 =	rddreg [dreg:$0xf]  }
0x59c: {  	s6 =	rddreg [dreg:$0x10]  }
0x59d: {  	[hbm:s0], [sflag:s7] =	dma.local @!p0 [spmem:s6], $0x3E80  }
0x59e: {  	s0 =	simm.s32 @!p0 $0xB  }
0x59f: {  	_ =	swait.ge @!p0 [sflag:s0], $0x3E80  }
0x5a0: {  	s14 =	rddreg [dreg:$0x3]  }
0x5a1: {  	s2 =	rddreg [dreg:$0xd];
	s14 =	sadd.s32 $0x1, s14  }
0x5a2: {  	p2 =	sne.s32 s14, s2  }
.Ltmp4:
0x5a3: {  	_ = 	snop;
	(pc) =	sbr.rel @p2 .LBB2_1-.Ltmp4, $3  }
0x5a4: {  	_ =	sdelay $0x1  }
0x5a5: {  	[sflag:s0] =	ssyncset.done @!p0 $0x0  }
0x5a6: {  	[sflag:s0] =	ssyncadd.s32 @!p0 $0xFFFFC180  }
0x5a7: {  	_ =	sfence.sel $0x180000  }
0x5a8: {  	[bflag:$0x0] =	sbarrier.arrive $0xFFFF  }
0x5a9: {  	_ =	strace $0x90000047  }
0x5aa: {  	s0 =	stileid.u32;
	[bflag:$0x2] =	sbarrier.arrive $0xFFFF  }
0x5ab: {  	p0 =	sne.s32 s0, $0x0;
	s0 =	rddreg [dreg:$0x2]  }
0x5ac: {  	s0 =	sadd.s32 @!p0 $0x100000, s0  }
0x5ad: {  	[sflag:s0] =	ssyncadd.tile.s32 @!p0 $0x1;
	_ =	shalt  }
.Lfunc_end2:
_tile_overlayer_lowered:
.L_overlay_start_2:
0x5ae: {  	(tag) =	ssettag $0x2  }
0x5af: {  	s0 =	rddreg [dreg:$0x0];
	s2 =	stileid.u32  }
0x5b0: {  	s1 =	rddreg [dreg:$0x1];
	p0 =	sne.s32 s2, $0x0  }
0x5b1: {  	s3 =	rddreg [dreg:$0x2];
	[bflag:$0x3] =	sbarrier.arrive $0xFFFF;
	s2 =	simm.s32 @!p0 $0x1C0B  }
0x5b2: {  	[timem:s3], [sflag:s2] =	dma.local @!p0 [hbm:s0], s1  }
0x5b3: {  	s0 =	simm.s32 @!p0 $0xB  }
0x5b4: {  	_ =	swait.ge @!p0 [sflag:s0], s1  }
0x5b5: {  	s1 =	ssub.s32 @!p0 $0x0, s1;
	[sflag:s0] =	ssyncset.done @!p0 $0x0  }
0x5b6: {  	[sflag:s0] =	ssyncadd.s32 @!p0 s1  }
0x5b7: {  	[bflag:$0x3] =	sbarrier.arrive $0xFFFF  }
0x5b8: {  	_ =	shalt  }

</sc_bundles>
